<compile_context>
chip_gen: v7x
topology: tpu7x:2x2x1
jax: 0.10.2.dev20260603
libtpu: 0.0.44.dev20260713+nightly
codegen_flags: <defaults>
</compile_context>

<pallas_src>
import functools

import jax
import jax.numpy as jnp
from jax import lax
from jax.experimental import pallas as pl
from jax.experimental.pallas import tpu as pltpu
from jax.experimental.pallas import tpu_sc as plsc

VOCAB = 1000000
EMBED = 64
MAXLEN = 512
BATCH = 4096
SEQ = 200

NC = 2
NS = 16
NW = NC * NS

BB = BATCH // 128
SB = SEQ // 8
LANES = 16
VPR = EMBED // LANES


def _body(x4_hbm, tok_hbm, pos_hbm, out_hbm, idx_v, g0, g1, t0, t1, pos_v,
          sg0, sg1, sw0, sw1):
    g = (g0, g1)
    t = (t0, t1)
    sg = (sg0, sg1)
    sw = (sw0, sw1)
    w = lax.axis_index("s") * NC + lax.axis_index("c")

    pltpu.sync_copy(x4_hbm.at[:, pl.ds(w, 1)], idx_v)
    pltpu.sync_copy(pos_hbm.at[pl.ds(0, SEQ)], pos_v)

    def dbl(sb, carry):
        for sl in range(8):
            for k in range(8):
                cs = pl.ds(k * LANES, LANES)
                idx_v[sb, 0, sl, cs] = idx_v[sb, 0, sl, cs] * 2
        return carry

    lax.fori_loop(0, SB, dbl, 0)

    iota = lax.iota(jnp.int32, LANES)
    idx_hi = [(iota + (k * LANES)) >> 3 for k in range(VPR)]
    idx_lo = [(iota + (k * LANES)) & 7 for k in range(VPR)]
    zero_v = jnp.zeros((LANES,), jnp.int32)

    def fire_gather(s, b):
        for q in range(4):
            pltpu.async_copy(
                tok_hbm.at[idx_v.at[s // 8, 0, lax.rem(s, 8), pl.ds(q * 32, 32)]],
                g[b].at[pl.ds(q * 32, 32)],
                sg[b],
            )

    def drain_gather_q(s, b, q):
        pltpu.make_async_copy(
            tok_hbm.at[idx_v.at[s // 8, 0, lax.rem(s, 8), pl.ds(q * 32, 32)]],
            g[b].at[pl.ds(q * 32, 32)],
            sg[b],
        ).wait()

    def transpose_add(s, b):
        pos_k = [pos_v[s, pl.ds(k * LANES, LANES)] for k in range(VPR)]

        def row4(i, carry):
            r0 = 4 * i
            for u in range(4):
                r = r0 + u
                rb = jnp.broadcast_to(r, (LANES,)).astype(jnp.int32)
                for k in range(VPR):
                    v = g[b][r, pl.ds(k * LANES, LANES)] + pos_k[k]
                    plsc.store_scatter(
                        t[b], [idx_hi[k], zero_v, idx_lo[k], rb], v
                    )
            return carry

        for q in range(4):
            drain_gather_q(s, b, q)
            lax.fori_loop(q * 8, (q + 1) * 8, row4, 0)

    def fire_write(s, b):
        pltpu.async_copy(
            t[b].at[:, :, :, pl.ds(0, 128)],
            out_hbm.at[s, :, pl.ds(w, 1)],
            sw[b],
        )

    def drain_write(s, b):
        pltpu.make_async_copy(
            t[b].at[:, :, :, pl.ds(0, 128)],
            out_hbm.at[s, :, pl.ds(w, 1)],
            sw[b],
        ).wait()

    fire_gather(0, 0)

    def pair(i, carry):
        s0 = 2 * i
        for b in range(2):
            s = s0 + b
            nb = 1 - b

            @pl.when(s + 1 < SEQ)
            def _():
                fire_gather(s + 1, nb)

            @pl.when(s >= 2)
            def _():
                drain_write(s - 2, b)

            transpose_add(s, b)
            fire_write(s, b)
        return carry

    lax.fori_loop(0, SEQ // 2, pair, 0)
    drain_write(SEQ - 2, 0)
    drain_write(SEQ - 1, 1)


def kernel(x, token_table, pos_table):
    x4 = x.T.reshape(SB, 8, BB, 128).transpose(0, 2, 1, 3)
    tokv = jnp.pad(token_table, ((0, 0), (0, 128 - EMBED))).reshape(
        2 * VOCAB, EMBED
    )

    mesh = plsc.VectorSubcoreMesh(core_axis_name="c", subcore_axis_name="s")
    run = functools.partial(
        pl.kernel,
        mesh=mesh,
        out_type=jax.ShapeDtypeStruct((SEQ, 8, BB, 8, 128), jnp.float32),
        scratch_types=[
            pltpu.VMEM((SB, 1, 8, 128), jnp.int32),
            pltpu.VMEM((128, EMBED), jnp.float32),
            pltpu.VMEM((128, EMBED), jnp.float32),
            pltpu.VMEM((8, 1, 8, 133), jnp.float32),
            pltpu.VMEM((8, 1, 8, 133), jnp.float32),
            pltpu.VMEM((SEQ, EMBED), jnp.float32),
            pltpu.SemaphoreType.DMA,
            pltpu.SemaphoreType.DMA,
            pltpu.SemaphoreType.DMA,
            pltpu.SemaphoreType.DMA,
        ],
        compiler_params=pltpu.CompilerParams(
            use_tc_tiling_on_sc=False, needs_layout_passes=False
        ),
    )(_body)
    out5 = run(x4, tokv, pos_table)
    return out5.transpose(2, 4, 0, 1, 3).reshape(BATCH, SEQ, EMBED)

# --- scband reference (transcript-rebuilt; emitter-appended) ---
"""Pipeline reference for scband-token-and-position-embedding-25718264168890 (READ-ONLY COPY).

The authoritative reference and input builder live on the scoring server;
editing this copy changes nothing except your own understanding.
"""

import jax, jax.numpy as jnp
import numpy as np

VOCAB = 1000000
EMBED = 64
MAXLEN = 512
BATCH = 4096
SEQ = 200

def setup_inputs(seed: int = 0) -> dict:
    key = jax.random.key(seed)
    k1, k2, k3 = jax.random.split(key, 3)
    x = jax.random.randint(k1, (BATCH, SEQ), 0, VOCAB, dtype=jnp.int64 if jax.config.read('jax_enable_x64') else jnp.int32)
    token_table = jax.random.normal(k2, (VOCAB, EMBED), dtype=jnp.float32) * 0.02
    pos_table = jax.random.normal(k3, (MAXLEN, EMBED), dtype=jnp.float32) * 0.02
    return {"x": x, "token_table": token_table, "pos_table": pos_table}

def reference(x, token_table, pos_table):
    seq_len = x.shape[-1]
    positions = jnp.arange(0, seq_len, 1)
    pos_emb = jnp.take(pos_table, positions, axis=0)  # [SEQ, EMBED]
    tok_emb = jnp.take(token_table, x, axis=0)        # [BATCH, SEQ, EMBED]
    return tok_emb + pos_emb

if __name__ == "__main__":
    import jax
    _d = setup_inputs()
    print(jax.jit(kernel)(*tuple(_d.values())))

</pallas_src>

<mosaic_0001>
#map = affine_map<(d0, d1) -> (0, 0, 0, 0)>
#map1 = affine_map<(d0, d1) -> (0, 0)>
#map2 = affine_map<(d0, d1) -> (0, 0, 0, 0, 0)>
module attributes {stable_mosaic.version = 14 : i64} {
  func.func @_body(%arg0: i32, %arg1: i32, %arg2: memref<25x32x8x128xi32, #tpu.memory_space<hbm>>, %arg3: memref<2000000x64xf32, #tpu.memory_space<hbm>>, %arg4: memref<512x64xf32, #tpu.memory_space<hbm>>, %arg5: memref<200x8x32x8x128xf32, #tpu.memory_space<hbm>>, %arg6: memref<25x1x8x128xi32, #tpu.memory_space<vmem>>, %arg7: memref<128x64xf32, #tpu.memory_space<vmem>>, %arg8: memref<128x64xf32, #tpu.memory_space<vmem>>, %arg9: memref<8x1x8x133xf32, #tpu.memory_space<vmem>>, %arg10: memref<8x1x8x133xf32, #tpu.memory_space<vmem>>, %arg11: memref<200x64xf32, #tpu.memory_space<vmem>>, %arg12: memref<!tpu.dma_semaphore, #tpu.memory_space<semaphore_mem>>, %arg13: memref<!tpu.dma_semaphore, #tpu.memory_space<semaphore_mem>>, %arg14: memref<!tpu.dma_semaphore, #tpu.memory_space<semaphore_mem>>, %arg15: memref<!tpu.dma_semaphore, #tpu.memory_space<semaphore_mem>>) attributes {dimension_semantics = [#tpu.dimension_semantics<core_parallel>, #tpu.dimension_semantics<subcore_parallel>], iteration_bounds = array<i64: 2, 16>, scalar_prefetch = 0 : i64, scratch_operands = 10 : i64, tpu.core_type = #tpu.core_type<sc_vector_subcore>, window_params = [{transform_indices = #map}, {transform_indices = #map1}, {transform_indices = #map1}, {transform_indices = #map2}]} {
    %mul3A = arith.constant 2 : i32
    %mul3A_0 = arith.muli %arg1, %mul3A : i32
    %add3A = arith.addi %mul3A_0, %arg0 : i32
    "tpu.region"() ({
      %run_scoped3A = tpu.sem_alloc : memref<!tpu.dma_semaphore, #tpu.memory_space<semaphore_mem>>
      %dma_start3A_154 = arith.constant 0 : i32
      %dma_start3A_155 = arith.constant 0 : i32
      %dma_start3A_156 = arith.constant 0 : i32
      %dma_start3A_157 = tpu.memref_slice %arg2[%dma_start3A_154, %add3A, %dma_start3A_155, %dma_start3A_156] : memref<25x32x8x128xi32, #tpu.memory_space<hbm>> -> memref<25x1x8x128xi32, #tpu.memory_space<hbm>>
      %dma_start3A_158 = arith.constant 0 : i32
      %dma_start3A_159 = arith.constant 0 : i32
      %dma_start3A_160 = arith.constant 0 : i32
      %dma_start3A_161 = tpu.memref_slice %arg2[%dma_start3A_158, %add3A, %dma_start3A_159, %dma_start3A_160] : memref<25x32x8x128xi32, #tpu.memory_space<hbm>> -> memref<25x1x8x128xi32, #tpu.memory_space<hbm>>
      tpu.enqueue_dma source(%dma_start3A_161 : memref<25x1x8x128xi32, #tpu.memory_space<hbm>>) target(%arg6 : memref<25x1x8x128xi32, #tpu.memory_space<vmem>>) target_semaphore(%run_scoped3A : memref<!tpu.dma_semaphore, #tpu.memory_space<semaphore_mem>>)
      %dma_wait3A_162 = arith.constant 0 : i32
      %dma_wait3A_163 = arith.constant 0 : i32
      %dma_wait3A_164 = arith.constant 0 : i32
      %dma_wait3A_165 = tpu.memref_slice %arg2[%dma_wait3A_162, %add3A, %dma_wait3A_163, %dma_wait3A_164] : memref<25x32x8x128xi32, #tpu.memory_space<hbm>> -> memref<25x1x8x128xi32, #tpu.memory_space<hbm>>
      %dma_wait3A_166 = arith.constant 0 : i32
      %dma_wait3A_167 = arith.constant 0 : i32
      %dma_wait3A_168 = arith.constant 0 : i32
      %dma_wait3A_169 = tpu.memref_slice %arg2[%dma_wait3A_166, %add3A, %dma_wait3A_167, %dma_wait3A_168] : memref<25x32x8x128xi32, #tpu.memory_space<hbm>> -> memref<25x1x8x128xi32, #tpu.memory_space<hbm>>
      tpu.wait_dma2 semaphore(%run_scoped3A : memref<!tpu.dma_semaphore, #tpu.memory_space<semaphore_mem>>) src(%dma_wait3A_169 : memref<25x1x8x128xi32, #tpu.memory_space<hbm>>) dst(%arg6 : memref<25x1x8x128xi32, #tpu.memory_space<vmem>>)
      tpu.yield
    }) : () -> ()
    "tpu.region"() ({
      %run_scoped3A = tpu.sem_alloc : memref<!tpu.dma_semaphore, #tpu.memory_space<semaphore_mem>>
      %dma_start3A_154 = arith.constant 0 : i32
      %dma_start3A_155 = arith.constant 0 : i32
      %dma_start3A_156 = tpu.memref_slice %arg4[%dma_start3A_154, %dma_start3A_155] : memref<512x64xf32, #tpu.memory_space<hbm>> -> memref<200x64xf32, #tpu.memory_space<hbm>>
      %dma_start3A_157 = arith.constant 0 : i32
      %dma_start3A_158 = arith.constant 0 : i32
      %dma_start3A_159 = tpu.memref_slice %arg4[%dma_start3A_157, %dma_start3A_158] : memref<512x64xf32, #tpu.memory_space<hbm>> -> memref<200x64xf32, #tpu.memory_space<hbm>>
      tpu.enqueue_dma source(%dma_start3A_159 : memref<200x64xf32, #tpu.memory_space<hbm>>) target(%arg11 : memref<200x64xf32, #tpu.memory_space<vmem>>) target_semaphore(%run_scoped3A : memref<!tpu.dma_semaphore, #tpu.memory_space<semaphore_mem>>)
      %dma_wait3A_160 = arith.constant 0 : i32
      %dma_wait3A_161 = arith.constant 0 : i32
      %dma_wait3A_162 = tpu.memref_slice %arg4[%dma_wait3A_160, %dma_wait3A_161] : memref<512x64xf32, #tpu.memory_space<hbm>> -> memref<200x64xf32, #tpu.memory_space<hbm>>
      %dma_wait3A_163 = arith.constant 0 : i32
      %dma_wait3A_164 = arith.constant 0 : i32
      %dma_wait3A_165 = tpu.memref_slice %arg4[%dma_wait3A_163, %dma_wait3A_164] : memref<512x64xf32, #tpu.memory_space<hbm>> -> memref<200x64xf32, #tpu.memory_space<hbm>>
      tpu.wait_dma2 semaphore(%run_scoped3A : memref<!tpu.dma_semaphore, #tpu.memory_space<semaphore_mem>>) src(%dma_wait3A_165 : memref<200x64xf32, #tpu.memory_space<hbm>>) dst(%arg11 : memref<200x64xf32, #tpu.memory_space<vmem>>)
      tpu.yield
    }) : () -> ()
    %scan3A = arith.constant 0 : i32
    %scan3A_1 = arith.constant 0 : i32
    %scan3A_2 = arith.constant 25 : i32
    %scan3A_3 = arith.addi %scan3A_1, %scan3A_2 : i32
    %scan3A_4 = arith.constant 1 : i32
    scf.for %scan3A_154 = %scan3A_1 to %scan3A_3 step %scan3A_4  : i32 {
      %get3A = arith.constant 0 : i32
      %get3A_155 = arith.constant 0 : i32
      %get3A_156 = arith.index_cast %scan3A_154 : i32 to index
      %get3A_157 = arith.index_cast %get3A : i32 to index
      %get3A_158 = arith.index_cast %get3A_155 : i32 to index
      %get3A_159 = arith.constant 0 : index
      %get3A_160 = tpu.vector_load %arg6[%get3A_156, %get3A_157, %get3A_158, %get3A_159] {strides = array<i32>} : memref<25x1x8x128xi32, #tpu.memory_space<vmem>>, vector<16xi32>,
      %mul3A_161 = arith.constant 2 : i32
      %mul3A_162 = vector.broadcast %mul3A_161 : i32 to vector<16xi32>
      %mul3A_163 = arith.muli %get3A_160, %mul3A_162 : vector<16xi32>
      %swap3A = arith.constant 0 : i32
      %swap3A_164 = arith.constant 0 : i32
      %swap3A_165 = arith.index_cast %scan3A_154 : i32 to index
      %swap3A_166 = arith.index_cast %swap3A : i32 to index
      %swap3A_167 = arith.index_cast %swap3A_164 : i32 to index
      %swap3A_168 = arith.constant 0 : index
      %swap3A_169 = tpu.vector_load %arg6[%swap3A_165, %swap3A_166, %swap3A_167, %swap3A_168] {strides = array<i32>} : memref<25x1x8x128xi32, #tpu.memory_space<vmem>>, vector<16xi32>,
      tpu.vector_store %arg6[%swap3A_165, %swap3A_166, %swap3A_167, %swap3A_168], %mul3A_163 {strides = array<i32>} : memref<25x1x8x128xi32, #tpu.memory_space<vmem>>, vector<16xi32>,
      %get3A_170 = arith.constant 0 : i32
      %get3A_171 = arith.constant 0 : i32
      %get3A_172 = arith.index_cast %scan3A_154 : i32 to index
      %get3A_173 = arith.index_cast %get3A_170 : i32 to index
      %get3A_174 = arith.index_cast %get3A_171 : i32 to index
      %get3A_175 = arith.constant 16 : index
      %get3A_176 = tpu.vector_load %arg6[%get3A_172, %get3A_173, %get3A_174, %get3A_175] {strides = array<i32>} : memref<25x1x8x128xi32, #tpu.memory_space<vmem>>, vector<16xi32>,
      %mul3A_177 = arith.constant 2 : i32
      %mul3A_178 = vector.broadcast %mul3A_177 : i32 to vector<16xi32>
      %mul3A_179 = arith.muli %get3A_176, %mul3A_178 : vector<16xi32>
      %swap3A_180 = arith.constant 0 : i32
      %swap3A_181 = arith.constant 0 : i32
      %swap3A_182 = arith.index_cast %scan3A_154 : i32 to index
      %swap3A_183 = arith.index_cast %swap3A_180 : i32 to index
      %swap3A_184 = arith.index_cast %swap3A_181 : i32 to index
      %swap3A_185 = arith.constant 16 : index
      %swap3A_186 = tpu.vector_load %arg6[%swap3A_182, %swap3A_183, %swap3A_184, %swap3A_185] {strides = array<i32>} : memref<25x1x8x128xi32, #tpu.memory_space<vmem>>, vector<16xi32>,
      tpu.vector_store %arg6[%swap3A_182, %swap3A_183, %swap3A_184, %swap3A_185], %mul3A_179 {strides = array<i32>} : memref<25x1x8x128xi32, #tpu.memory_space<vmem>>, vector<16xi32>,
      %get3A_187 = arith.constant 0 : i32
      %get3A_188 = arith.constant 0 : i32
      %get3A_189 = arith.index_cast %scan3A_154 : i32 to index
      %get3A_190 = arith.index_cast %get3A_187 : i32 to index
      %get3A_191 = arith.index_cast %get3A_188 : i32 to index
      %get3A_192 = arith.constant 32 : index
      %get3A_193 = tpu.vector_load %arg6[%get3A_189, %get3A_190, %get3A_191, %get3A_192] {strides = array<i32>} : memref<25x1x8x128xi32, #tpu.memory_space<vmem>>, vector<16xi32>,
      %mul3A_194 = arith.constant 2 : i32
      %mul3A_195 = vector.broadcast %mul3A_194 : i32 to vector<16xi32>
      %mul3A_196 = arith.muli %get3A_193, %mul3A_195 : vector<16xi32>
      %swap3A_197 = arith.constant 0 : i32
      %swap3A_198 = arith.constant 0 : i32
      %swap3A_199 = arith.index_cast %scan3A_154 : i32 to index
      %swap3A_200 = arith.index_cast %swap3A_197 : i32 to index
      %swap3A_201 = arith.index_cast %swap3A_198 : i32 to index
      %swap3A_202 = arith.constant 32 : index
      %swap3A_203 = tpu.vector_load %arg6[%swap3A_199, %swap3A_200, %swap3A_201, %swap3A_202] {strides = array<i32>} : memref<25x1x8x128xi32, #tpu.memory_space<vmem>>, vector<16xi32>,
      tpu.vector_store %arg6[%swap3A_199, %swap3A_200, %swap3A_201, %swap3A_202], %mul3A_196 {strides = array<i32>} : memref<25x1x8x128xi32, #tpu.memory_space<vmem>>, vector<16xi32>,
      %get3A_204 = arith.constant 0 : i32
      %get3A_205 = arith.constant 0 : i32
      %get3A_206 = arith.index_cast %scan3A_154 : i32 to index
      %get3A_207 = arith.index_cast %get3A_204 : i32 to index
      %get3A_208 = arith.index_cast %get3A_205 : i32 to index
      %get3A_209 = arith.constant 48 : index
      %get3A_210 = tpu.vector_load %arg6[%get3A_206, %get3A_207, %get3A_208, %get3A_209] {strides = array<i32>} : memref<25x1x8x128xi32, #tpu.memory_space<vmem>>, vector<16xi32>,
      %mul3A_211 = arith.constant 2 : i32
      %mul3A_212 = vector.broadcast %mul3A_211 : i32 to vector<16xi32>
      %mul3A_213 = arith.muli %get3A_210, %mul3A_212 : vector<16xi32>
      %swap3A_214 = arith.constant 0 : i32
      %swap3A_215 = arith.constant 0 : i32
      %swap3A_216 = arith.index_cast %scan3A_154 : i32 to index
      %swap3A_217 = arith.index_cast %swap3A_214 : i32 to index
      %swap3A_218 = arith.index_cast %swap3A_215 : i32 to index
      %swap3A_219 = arith.constant 48 : index
      %swap3A_220 = tpu.vector_load %arg6[%swap3A_216, %swap3A_217, %swap3A_218, %swap3A_219] {strides = array<i32>} : memref<25x1x8x128xi32, #tpu.memory_space<vmem>>, vector<16xi32>,
      tpu.vector_store %arg6[%swap3A_216, %swap3A_217, %swap3A_218, %swap3A_219], %mul3A_213 {strides = array<i32>} : memref<25x1x8x128xi32, #tpu.memory_space<vmem>>, vector<16xi32>,
      %get3A_221 = arith.constant 0 : i32
      %get3A_222 = arith.constant 0 : i32
      %get3A_223 = arith.index_cast %scan3A_154 : i32 to index
      %get3A_224 = arith.index_cast %get3A_221 : i32 to index
      %get3A_225 = arith.index_cast %get3A_222 : i32 to index
      %get3A_226 = arith.constant 64 : index
      %get3A_227 = tpu.vector_load %arg6[%get3A_223, %get3A_224, %get3A_225, %get3A_226] {strides = array<i32>} : memref<25x1x8x128xi32, #tpu.memory_space<vmem>>, vector<16xi32>,
      %mul3A_228 = arith.constant 2 : i32
      %mul3A_229 = vector.broadcast %mul3A_228 : i32 to vector<16xi32>
      %mul3A_230 = arith.muli %get3A_227, %mul3A_229 : vector<16xi32>
      %swap3A_231 = arith.constant 0 : i32
      %swap3A_232 = arith.constant 0 : i32
      %swap3A_233 = arith.index_cast %scan3A_154 : i32 to index
      %swap3A_234 = arith.index_cast %swap3A_231 : i32 to index
      %swap3A_235 = arith.index_cast %swap3A_232 : i32 to index
      %swap3A_236 = arith.constant 64 : index
      %swap3A_237 = tpu.vector_load %arg6[%swap3A_233, %swap3A_234, %swap3A_235, %swap3A_236] {strides = array<i32>} : memref<25x1x8x128xi32, #tpu.memory_space<vmem>>, vector<16xi32>,
      tpu.vector_store %arg6[%swap3A_233, %swap3A_234, %swap3A_235, %swap3A_236], %mul3A_230 {strides = array<i32>} : memref<25x1x8x128xi32, #tpu.memory_space<vmem>>, vector<16xi32>,
      %get3A_238 = arith.constant 0 : i32
      %get3A_239 = arith.constant 0 : i32
      %get3A_240 = arith.index_cast %scan3A_154 : i32 to index
      %get3A_241 = arith.index_cast %get3A_238 : i32 to index
      %get3A_242 = arith.index_cast %get3A_239 : i32 to index
      %get3A_243 = arith.constant 80 : index
      %get3A_244 = tpu.vector_load %arg6[%get3A_240, %get3A_241, %get3A_242, %get3A_243] {strides = array<i32>} : memref<25x1x8x128xi32, #tpu.memory_space<vmem>>, vector<16xi32>,
      %mul3A_245 = arith.constant 2 : i32
      %mul3A_246 = vector.broadcast %mul3A_245 : i32 to vector<16xi32>
      %mul3A_247 = arith.muli %get3A_244, %mul3A_246 : vector<16xi32>
      %swap3A_248 = arith.constant 0 : i32
      %swap3A_249 = arith.constant 0 : i32
      %swap3A_250 = arith.index_cast %scan3A_154 : i32 to index
      %swap3A_251 = arith.index_cast %swap3A_248 : i32 to index
      %swap3A_252 = arith.index_cast %swap3A_249 : i32 to index
      %swap3A_253 = arith.constant 80 : index
      %swap3A_254 = tpu.vector_load %arg6[%swap3A_250, %swap3A_251, %swap3A_252, %swap3A_253] {strides = array<i32>} : memref<25x1x8x128xi32, #tpu.memory_space<vmem>>, vector<16xi32>,
      tpu.vector_store %arg6[%swap3A_250, %swap3A_251, %swap3A_252, %swap3A_253], %mul3A_247 {strides = array<i32>} : memref<25x1x8x128xi32, #tpu.memory_space<vmem>>, vector<16xi32>,
      %get3A_255 = arith.constant 0 : i32
      %get3A_256 = arith.constant 0 : i32
      %get3A_257 = arith.index_cast %scan3A_154 : i32 to index
      %get3A_258 = arith.index_cast %get3A_255 : i32 to index
      %get3A_259 = arith.index_cast %get3A_256 : i32 to index
      %get3A_260 = arith.constant 96 : index
      %get3A_261 = tpu.vector_load %arg6[%get3A_257, %get3A_258, %get3A_259, %get3A_260] {strides = array<i32>} : memref<25x1x8x128xi32, #tpu.memory_space<vmem>>, vector<16xi32>,
      %mul3A_262 = arith.constant 2 : i32
      %mul3A_263 = vector.broadcast %mul3A_262 : i32 to vector<16xi32>
      %mul3A_264 = arith.muli %get3A_261, %mul3A_263 : vector<16xi32>
      %swap3A_265 = arith.constant 0 : i32
      %swap3A_266 = arith.constant 0 : i32
      %swap3A_267 = arith.index_cast %scan3A_154 : i32 to index
      %swap3A_268 = arith.index_cast %swap3A_265 : i32 to index
      %swap3A_269 = arith.index_cast %swap3A_266 : i32 to index
      %swap3A_270 = arith.constant 96 : index
      %swap3A_271 = tpu.vector_load %arg6[%swap3A_267, %swap3A_268, %swap3A_269, %swap3A_270] {strides = array<i32>} : memref<25x1x8x128xi32, #tpu.memory_space<vmem>>, vector<16xi32>,
      tpu.vector_store %arg6[%swap3A_267, %swap3A_268, %swap3A_269, %swap3A_270], %mul3A_264 {strides = array<i32>} : memref<25x1x8x128xi32, #tpu.memory_space<vmem>>, vector<16xi32>,
      %get3A_272 = arith.constant 0 : i32
      %get3A_273 = arith.constant 0 : i32
      %get3A_274 = arith.index_cast %scan3A_154 : i32 to index
      %get3A_275 = arith.index_cast %get3A_272 : i32 to index
      %get3A_276 = arith.index_cast %get3A_273 : i32 to index
      %get3A_277 = arith.constant 112 : index
      %get3A_278 = tpu.vector_load %arg6[%get3A_274, %get3A_275, %get3A_276, %get3A_277] {strides = array<i32>} : memref<25x1x8x128xi32, #tpu.memory_space<vmem>>, vector<16xi32>,
      %mul3A_279 = arith.constant 2 : i32
      %mul3A_280 = vector.broadcast %mul3A_279 : i32 to vector<16xi32>
      %mul3A_281 = arith.muli %get3A_278, %mul3A_280 : vector<16xi32>
      %swap3A_282 = arith.constant 0 : i32
      %swap3A_283 = arith.constant 0 : i32
      %swap3A_284 = arith.index_cast %scan3A_154 : i32 to index
      %swap3A_285 = arith.index_cast %swap3A_282 : i32 to index
      %swap3A_286 = arith.index_cast %swap3A_283 : i32 to index
      %swap3A_287 = arith.constant 112 : index
      %swap3A_288 = tpu.vector_load %arg6[%swap3A_284, %swap3A_285, %swap3A_286, %swap3A_287] {strides = array<i32>} : memref<25x1x8x128xi32, #tpu.memory_space<vmem>>, vector<16xi32>,
      tpu.vector_store %arg6[%swap3A_284, %swap3A_285, %swap3A_286, %swap3A_287], %mul3A_281 {strides = array<i32>} : memref<25x1x8x128xi32, #tpu.memory_space<vmem>>, vector<16xi32>,
      %get3A_289 = arith.constant 0 : i32
      %get3A_290 = arith.constant 1 : i32
      %get3A_291 = arith.index_cast %scan3A_154 : i32 to index
      %get3A_292 = arith.index_cast %get3A_289 : i32 to index
      %get3A_293 = arith.index_cast %get3A_290 : i32 to index
      %get3A_294 = arith.constant 0 : index
      %get3A_295 = tpu.vector_load %arg6[%get3A_291, %get3A_292, %get3A_293, %get3A_294] {strides = array<i32>} : memref<25x1x8x128xi32, #tpu.memory_space<vmem>>, vector<16xi32>,
      %mul3A_296 = arith.constant 2 : i32
      %mul3A_297 = vector.broadcast %mul3A_296 : i32 to vector<16xi32>
      %mul3A_298 = arith.muli %get3A_295, %mul3A_297 : vector<16xi32>
      %swap3A_299 = arith.constant 0 : i32
      %swap3A_300 = arith.constant 1 : i32
      %swap3A_301 = arith.index_cast %scan3A_154 : i32 to index
      %swap3A_302 = arith.index_cast %swap3A_299 : i32 to index
      %swap3A_303 = arith.index_cast %swap3A_300 : i32 to index
      %swap3A_304 = arith.constant 0 : index
      %swap3A_305 = tpu.vector_load %arg6[%swap3A_301, %swap3A_302, %swap3A_303, %swap3A_304] {strides = array<i32>} : memref<25x1x8x128xi32, #tpu.memory_space<vmem>>, vector<16xi32>,
      tpu.vector_store %arg6[%swap3A_301, %swap3A_302, %swap3A_303, %swap3A_304], %mul3A_298 {strides = array<i32>} : memref<25x1x8x128xi32, #tpu.memory_space<vmem>>, vector<16xi32>,
      %get3A_306 = arith.constant 0 : i32
      %get3A_307 = arith.constant 1 : i32
      %get3A_308 = arith.index_cast %scan3A_154 : i32 to index
      %get3A_309 = arith.index_cast %get3A_306 : i32 to index
      %get3A_310 = arith.index_cast %get3A_307 : i32 to index
      %get3A_311 = arith.constant 16 : index
      %get3A_312 = tpu.vector_load %arg6[%get3A_308, %get3A_309, %get3A_310, %get3A_311] {strides = array<i32>} : memref<25x1x8x128xi32, #tpu.memory_space<vmem>>, vector<16xi32>,
      %mul3A_313 = arith.constant 2 : i32
      %mul3A_314 = vector.broadcast %mul3A_313 : i32 to vector<16xi32>
      %mul3A_315 = arith.muli %get3A_312, %mul3A_314 : vector<16xi32>
      %swap3A_316 = arith.constant 0 : i32
      %swap3A_317 = arith.constant 1 : i32
      %swap3A_318 = arith.index_cast %scan3A_154 : i32 to index
      %swap3A_319 = arith.index_cast %swap3A_316 : i32 to index
      %swap3A_320 = arith.index_cast %swap3A_317 : i32 to index
      %swap3A_321 = arith.constant 16 : index
      %swap3A_322 = tpu.vector_load %arg6[%swap3A_318, %swap3A_319, %swap3A_320, %swap3A_321] {strides = array<i32>} : memref<25x1x8x128xi32, #tpu.memory_space<vmem>>, vector<16xi32>,
      tpu.vector_store %arg6[%swap3A_318, %swap3A_319, %swap3A_320, %swap3A_321], %mul3A_315 {strides = array<i32>} : memref<25x1x8x128xi32, #tpu.memory_space<vmem>>, vector<16xi32>,
      %get3A_323 = arith.constant 0 : i32
      %get3A_324 = arith.constant 1 : i32
      %get3A_325 = arith.index_cast %scan3A_154 : i32 to index
      %get3A_326 = arith.index_cast %get3A_323 : i32 to index
      %get3A_327 = arith.index_cast %get3A_324 : i32 to index
      %get3A_328 = arith.constant 32 : index
      %get3A_329 = tpu.vector_load %arg6[%get3A_325, %get3A_326, %get3A_327, %get3A_328] {strides = array<i32>} : memref<25x1x8x128xi32, #tpu.memory_space<vmem>>, vector<16xi32>,
      %mul3A_330 = arith.constant 2 : i32
      %mul3A_331 = vector.broadcast %mul3A_330 : i32 to vector<16xi32>
      %mul3A_332 = arith.muli %get3A_329, %mul3A_331 : vector<16xi32>
      %swap3A_333 = arith.constant 0 : i32
      %swap3A_334 = arith.constant 1 : i32
      %swap3A_335 = arith.index_cast %scan3A_154 : i32 to index
      %swap3A_336 = arith.index_cast %swap3A_333 : i32 to index
      %swap3A_337 = arith.index_cast %swap3A_334 : i32 to index
      %swap3A_338 = arith.constant 32 : index
      %swap3A_339 = tpu.vector_load %arg6[%swap3A_335, %swap3A_336, %swap3A_337, %swap3A_338] {strides = array<i32>} : memref<25x1x8x128xi32, #tpu.memory_space<vmem>>, vector<16xi32>,
      tpu.vector_store %arg6[%swap3A_335, %swap3A_336, %swap3A_337, %swap3A_338], %mul3A_332 {strides = array<i32>} : memref<25x1x8x128xi32, #tpu.memory_space<vmem>>, vector<16xi32>,
      %get3A_340 = arith.constant 0 : i32
      %get3A_341 = arith.constant 1 : i32
      %get3A_342 = arith.index_cast %scan3A_154 : i32 to index
      %get3A_343 = arith.index_cast %get3A_340 : i32 to index
      %get3A_344 = arith.index_cast %get3A_341 : i32 to index
      %get3A_345 = arith.constant 48 : index
      %get3A_346 = tpu.vector_load %arg6[%get3A_342, %get3A_343, %get3A_344, %get3A_345] {strides = array<i32>} : memref<25x1x8x128xi32, #tpu.memory_space<vmem>>, vector<16xi32>,
      %mul3A_347 = arith.constant 2 : i32
      %mul3A_348 = vector.broadcast %mul3A_347 : i32 to vector<16xi32>
      %mul3A_349 = arith.muli %get3A_346, %mul3A_348 : vector<16xi32>
      %swap3A_350 = arith.constant 0 : i32
      %swap3A_351 = arith.constant 1 : i32
      %swap3A_352 = arith.index_cast %scan3A_154 : i32 to index
      %swap3A_353 = arith.index_cast %swap3A_350 : i32 to index
      %swap3A_354 = arith.index_cast %swap3A_351 : i32 to index
      %swap3A_355 = arith.constant 48 : index
      %swap3A_356 = tpu.vector_load %arg6[%swap3A_352, %swap3A_353, %swap3A_354, %swap3A_355] {strides = array<i32>} : memref<25x1x8x128xi32, #tpu.memory_space<vmem>>, vector<16xi32>,
      tpu.vector_store %arg6[%swap3A_352, %swap3A_353, %swap3A_354, %swap3A_355], %mul3A_349 {strides = array<i32>} : memref<25x1x8x128xi32, #tpu.memory_space<vmem>>, vector<16xi32>,
      %get3A_357 = arith.constant 0 : i32
      %get3A_358 = arith.constant 1 : i32
      %get3A_359 = arith.index_cast %scan3A_154 : i32 to index
      %get3A_360 = arith.index_cast %get3A_357 : i32 to index
      %get3A_361 = arith.index_cast %get3A_358 : i32 to index
      %get3A_362 = arith.constant 64 : index
      %get3A_363 = tpu.vector_load %arg6[%get3A_359, %get3A_360, %get3A_361, %get3A_362] {strides = array<i32>} : memref<25x1x8x128xi32, #tpu.memory_space<vmem>>, vector<16xi32>,
      %mul3A_364 = arith.constant 2 : i32
      %mul3A_365 = vector.broadcast %mul3A_364 : i32 to vector<16xi32>
      %mul3A_366 = arith.muli %get3A_363, %mul3A_365 : vector<16xi32>
      %swap3A_367 = arith.constant 0 : i32
      %swap3A_368 = arith.constant 1 : i32
      %swap3A_369 = arith.index_cast %scan3A_154 : i32 to index
      %swap3A_370 = arith.index_cast %swap3A_367 : i32 to index
      %swap3A_371 = arith.index_cast %swap3A_368 : i32 to index
      %swap3A_372 = arith.constant 64 : index
      %swap3A_373 = tpu.vector_load %arg6[%swap3A_369, %swap3A_370, %swap3A_371, %swap3A_372] {strides = array<i32>} : memref<25x1x8x128xi32, #tpu.memory_space<vmem>>, vector<16xi32>,
      tpu.vector_store %arg6[%swap3A_369, %swap3A_370, %swap3A_371, %swap3A_372], %mul3A_366 {strides = array<i32>} : memref<25x1x8x128xi32, #tpu.memory_space<vmem>>, vector<16xi32>,
      %get3A_374 = arith.constant 0 : i32
      %get3A_375 = arith.constant 1 : i32
      %get3A_376 = arith.index_cast %scan3A_154 : i32 to index
      %get3A_377 = arith.index_cast %get3A_374 : i32 to index
      %get3A_378 = arith.index_cast %get3A_375 : i32 to index
      %get3A_379 = arith.constant 80 : index
      %get3A_380 = tpu.vector_load %arg6[%get3A_376, %get3A_377, %get3A_378, %get3A_379] {strides = array<i32>} : memref<25x1x8x128xi32, #tpu.memory_space<vmem>>, vector<16xi32>,
      %mul3A_381 = arith.constant 2 : i32
      %mul3A_382 = vector.broadcast %mul3A_381 : i32 to vector<16xi32>
      %mul3A_383 = arith.muli %get3A_380, %mul3A_382 : vector<16xi32>
      %swap3A_384 = arith.constant 0 : i32
      %swap3A_385 = arith.constant 1 : i32
      %swap3A_386 = arith.index_cast %scan3A_154 : i32 to index
      %swap3A_387 = arith.index_cast %swap3A_384 : i32 to index
      %swap3A_388 = arith.index_cast %swap3A_385 : i32 to index
      %swap3A_389 = arith.constant 80 : index
      %swap3A_390 = tpu.vector_load %arg6[%swap3A_386, %swap3A_387, %swap3A_388, %swap3A_389] {strides = array<i32>} : memref<25x1x8x128xi32, #tpu.memory_space<vmem>>, vector<16xi32>,
      tpu.vector_store %arg6[%swap3A_386, %swap3A_387, %swap3A_388, %swap3A_389], %mul3A_383 {strides = array<i32>} : memref<25x1x8x128xi32, #tpu.memory_space<vmem>>, vector<16xi32>,
      %get3A_391 = arith.constant 0 : i32
      %get3A_392 = arith.constant 1 : i32
      %get3A_393 = arith.index_cast %scan3A_154 : i32 to index
      %get3A_394 = arith.index_cast %get3A_391 : i32 to index
      %get3A_395 = arith.index_cast %get3A_392 : i32 to index
      %get3A_396 = arith.constant 96 : index
      %get3A_397 = tpu.vector_load %arg6[%get3A_393, %get3A_394, %get3A_395, %get3A_396] {strides = array<i32>} : memref<25x1x8x128xi32, #tpu.memory_space<vmem>>, vector<16xi32>,
      %mul3A_398 = arith.constant 2 : i32
      %mul3A_399 = vector.broadcast %mul3A_398 : i32 to vector<16xi32>
      %mul3A_400 = arith.muli %get3A_397, %mul3A_399 : vector<16xi32>
      %swap3A_401 = arith.constant 0 : i32
      %swap3A_402 = arith.constant 1 : i32
      %swap3A_403 = arith.index_cast %scan3A_154 : i32 to index
      %swap3A_404 = arith.index_cast %swap3A_401 : i32 to index
      %swap3A_405 = arith.index_cast %swap3A_402 : i32 to index
      %swap3A_406 = arith.constant 96 : index
      %swap3A_407 = tpu.vector_load %arg6[%swap3A_403, %swap3A_404, %swap3A_405, %swap3A_406] {strides = array<i32>} : memref<25x1x8x128xi32, #tpu.memory_space<vmem>>, vector<16xi32>,
      tpu.vector_store %arg6[%swap3A_403, %swap3A_404, %swap3A_405, %swap3A_406], %mul3A_400 {strides = array<i32>} : memref<25x1x8x128xi32, #tpu.memory_space<vmem>>, vector<16xi32>,
      %get3A_408 = arith.constant 0 : i32
      %get3A_409 = arith.constant 1 : i32
      %get3A_410 = arith.index_cast %scan3A_154 : i32 to index
      %get3A_411 = arith.index_cast %get3A_408 : i32 to index
      %get3A_412 = arith.index_cast %get3A_409 : i32 to index
      %get3A_413 = arith.constant 112 : index
      %get3A_414 = tpu.vector_load %arg6[%get3A_410, %get3A_411, %get3A_412, %get3A_413] {strides = array<i32>} : memref<25x1x8x128xi32, #tpu.memory_space<vmem>>, vector<16xi32>,
      %mul3A_415 = arith.constant 2 : i32
      %mul3A_416 = vector.broadcast %mul3A_415 : i32 to vector<16xi32>
      %mul3A_417 = arith.muli %get3A_414, %mul3A_416 : vector<16xi32>
      %swap3A_418 = arith.constant 0 : i32
      %swap3A_419 = arith.constant 1 : i32
      %swap3A_420 = arith.index_cast %scan3A_154 : i32 to index
      %swap3A_421 = arith.index_cast %swap3A_418 : i32 to index
      %swap3A_422 = arith.index_cast %swap3A_419 : i32 to index
      %swap3A_423 = arith.constant 112 : index
      %swap3A_424 = tpu.vector_load %arg6[%swap3A_420, %swap3A_421, %swap3A_422, %swap3A_423] {strides = array<i32>} : memref<25x1x8x128xi32, #tpu.memory_space<vmem>>, vector<16xi32>,
      tpu.vector_store %arg6[%swap3A_420, %swap3A_421, %swap3A_422, %swap3A_423], %mul3A_417 {strides = array<i32>} : memref<25x1x8x128xi32, #tpu.memory_space<vmem>>, vector<16xi32>,
      %get3A_425 = arith.constant 0 : i32
      %get3A_426 = arith.constant 2 : i32
      %get3A_427 = arith.index_cast %scan3A_154 : i32 to index
      %get3A_428 = arith.index_cast %get3A_425 : i32 to index
      %get3A_429 = arith.index_cast %get3A_426 : i32 to index
      %get3A_430 = arith.constant 0 : index
      %get3A_431 = tpu.vector_load %arg6[%get3A_427, %get3A_428, %get3A_429, %get3A_430] {strides = array<i32>} : memref<25x1x8x128xi32, #tpu.memory_space<vmem>>, vector<16xi32>,
      %mul3A_432 = arith.constant 2 : i32
      %mul3A_433 = vector.broadcast %mul3A_432 : i32 to vector<16xi32>
      %mul3A_434 = arith.muli %get3A_431, %mul3A_433 : vector<16xi32>
      %swap3A_435 = arith.constant 0 : i32
      %swap3A_436 = arith.constant 2 : i32
      %swap3A_437 = arith.index_cast %scan3A_154 : i32 to index
      %swap3A_438 = arith.index_cast %swap3A_435 : i32 to index
      %swap3A_439 = arith.index_cast %swap3A_436 : i32 to index
      %swap3A_440 = arith.constant 0 : index
      %swap3A_441 = tpu.vector_load %arg6[%swap3A_437, %swap3A_438, %swap3A_439, %swap3A_440] {strides = array<i32>} : memref<25x1x8x128xi32, #tpu.memory_space<vmem>>, vector<16xi32>,
      tpu.vector_store %arg6[%swap3A_437, %swap3A_438, %swap3A_439, %swap3A_440], %mul3A_434 {strides = array<i32>} : memref<25x1x8x128xi32, #tpu.memory_space<vmem>>, vector<16xi32>,
      %get3A_442 = arith.constant 0 : i32
      %get3A_443 = arith.constant 2 : i32
      %get3A_444 = arith.index_cast %scan3A_154 : i32 to index
      %get3A_445 = arith.index_cast %get3A_442 : i32 to index
      %get3A_446 = arith.index_cast %get3A_443 : i32 to index
      %get3A_447 = arith.constant 16 : index
      %get3A_448 = tpu.vector_load %arg6[%get3A_444, %get3A_445, %get3A_446, %get3A_447] {strides = array<i32>} : memref<25x1x8x128xi32, #tpu.memory_space<vmem>>, vector<16xi32>,
      %mul3A_449 = arith.constant 2 : i32
      %mul3A_450 = vector.broadcast %mul3A_449 : i32 to vector<16xi32>
      %mul3A_451 = arith.muli %get3A_448, %mul3A_450 : vector<16xi32>
      %swap3A_452 = arith.constant 0 : i32
      %swap3A_453 = arith.constant 2 : i32
      %swap3A_454 = arith.index_cast %scan3A_154 : i32 to index
      %swap3A_455 = arith.index_cast %swap3A_452 : i32 to index
      %swap3A_456 = arith.index_cast %swap3A_453 : i32 to index
      %swap3A_457 = arith.constant 16 : index
      %swap3A_458 = tpu.vector_load %arg6[%swap3A_454, %swap3A_455, %swap3A_456, %swap3A_457] {strides = array<i32>} : memref<25x1x8x128xi32, #tpu.memory_space<vmem>>, vector<16xi32>,
      tpu.vector_store %arg6[%swap3A_454, %swap3A_455, %swap3A_456, %swap3A_457], %mul3A_451 {strides = array<i32>} : memref<25x1x8x128xi32, #tpu.memory_space<vmem>>, vector<16xi32>,
      %get3A_459 = arith.constant 0 : i32
      %get3A_460 = arith.constant 2 : i32
      %get3A_461 = arith.index_cast %scan3A_154 : i32 to index
      %get3A_462 = arith.index_cast %get3A_459 : i32 to index
      %get3A_463 = arith.index_cast %get3A_460 : i32 to index
      %get3A_464 = arith.constant 32 : index
      %get3A_465 = tpu.vector_load %arg6[%get3A_461, %get3A_462, %get3A_463, %get3A_464] {strides = array<i32>} : memref<25x1x8x128xi32, #tpu.memory_space<vmem>>, vector<16xi32>,
      %mul3A_466 = arith.constant 2 : i32
      %mul3A_467 = vector.broadcast %mul3A_466 : i32 to vector<16xi32>
      %mul3A_468 = arith.muli %get3A_465, %mul3A_467 : vector<16xi32>
      %swap3A_469 = arith.constant 0 : i32
      %swap3A_470 = arith.constant 2 : i32
      %swap3A_471 = arith.index_cast %scan3A_154 : i32 to index
      %swap3A_472 = arith.index_cast %swap3A_469 : i32 to index
      %swap3A_473 = arith.index_cast %swap3A_470 : i32 to index
      %swap3A_474 = arith.constant 32 : index
      %swap3A_475 = tpu.vector_load %arg6[%swap3A_471, %swap3A_472, %swap3A_473, %swap3A_474] {strides = array<i32>} : memref<25x1x8x128xi32, #tpu.memory_space<vmem>>, vector<16xi32>,
      tpu.vector_store %arg6[%swap3A_471, %swap3A_472, %swap3A_473, %swap3A_474], %mul3A_468 {strides = array<i32>} : memref<25x1x8x128xi32, #tpu.memory_space<vmem>>, vector<16xi32>,
      %get3A_476 = arith.constant 0 : i32
      %get3A_477 = arith.constant 2 : i32
      %get3A_478 = arith.index_cast %scan3A_154 : i32 to index
      %get3A_479 = arith.index_cast %get3A_476 : i32 to index
      %get3A_480 = arith.index_cast %get3A_477 : i32 to index
      %get3A_481 = arith.constant 48 : index
      %get3A_482 = tpu.vector_load %arg6[%get3A_478, %get3A_479, %get3A_480, %get3A_481] {strides = array<i32>} : memref<25x1x8x128xi32, #tpu.memory_space<vmem>>, vector<16xi32>,
      %mul3A_483 = arith.constant 2 : i32
      %mul3A_484 = vector.broadcast %mul3A_483 : i32 to vector<16xi32>
      %mul3A_485 = arith.muli %get3A_482, %mul3A_484 : vector<16xi32>
      %swap3A_486 = arith.constant 0 : i32
      %swap3A_487 = arith.constant 2 : i32
      %swap3A_488 = arith.index_cast %scan3A_154 : i32 to index
      %swap3A_489 = arith.index_cast %swap3A_486 : i32 to index
      %swap3A_490 = arith.index_cast %swap3A_487 : i32 to index
      %swap3A_491 = arith.constant 48 : index
      %swap3A_492 = tpu.vector_load %arg6[%swap3A_488, %swap3A_489, %swap3A_490, %swap3A_491] {strides = array<i32>} : memref<25x1x8x128xi32, #tpu.memory_space<vmem>>, vector<16xi32>,
      tpu.vector_store %arg6[%swap3A_488, %swap3A_489, %swap3A_490, %swap3A_491], %mul3A_485 {strides = array<i32>} : memref<25x1x8x128xi32, #tpu.memory_space<vmem>>, vector<16xi32>,
      %get3A_493 = arith.constant 0 : i32
      %get3A_494 = arith.constant 2 : i32
      %get3A_495 = arith.index_cast %scan3A_154 : i32 to index
      %get3A_496 = arith.index_cast %get3A_493 : i32 to index
      %get3A_497 = arith.index_cast %get3A_494 : i32 to index
      %get3A_498 = arith.constant 64 : index
      %get3A_499 = tpu.vector_load %arg6[%get3A_495, %get3A_496, %get3A_497, %get3A_498] {strides = array<i32>} : memref<25x1x8x128xi32, #tpu.memory_space<vmem>>, vector<16xi32>,
      %mul3A_500 = arith.constant 2 : i32
      %mul3A_501 = vector.broadcast %mul3A_500 : i32 to vector<16xi32>
      %mul3A_502 = arith.muli %get3A_499, %mul3A_501 : vector<16xi32>
      %swap3A_503 = arith.constant 0 : i32
      %swap3A_504 = arith.constant 2 : i32
      %swap3A_505 = arith.index_cast %scan3A_154 : i32 to index
      %swap3A_506 = arith.index_cast %swap3A_503 : i32 to index
      %swap3A_507 = arith.index_cast %swap3A_504 : i32 to index
      %swap3A_508 = arith.constant 64 : index
      %swap3A_509 = tpu.vector_load %arg6[%swap3A_505, %swap3A_506, %swap3A_507, %swap3A_508] {strides = array<i32>} : memref<25x1x8x128xi32, #tpu.memory_space<vmem>>, vector<16xi32>,
      tpu.vector_store %arg6[%swap3A_505, %swap3A_506, %swap3A_507, %swap3A_508], %mul3A_502 {strides = array<i32>} : memref<25x1x8x128xi32, #tpu.memory_space<vmem>>, vector<16xi32>,
      %get3A_510 = arith.constant 0 : i32
      %get3A_511 = arith.constant 2 : i32
      %get3A_512 = arith.index_cast %scan3A_154 : i32 to index
      %get3A_513 = arith.index_cast %get3A_510 : i32 to index
      %get3A_514 = arith.index_cast %get3A_511 : i32 to index
      %get3A_515 = arith.constant 80 : index
      %get3A_516 = tpu.vector_load %arg6[%get3A_512, %get3A_513, %get3A_514, %get3A_515] {strides = array<i32>} : memref<25x1x8x128xi32, #tpu.memory_space<vmem>>, vector<16xi32>,
      %mul3A_517 = arith.constant 2 : i32
      %mul3A_518 = vector.broadcast %mul3A_517 : i32 to vector<16xi32>
      %mul3A_519 = arith.muli %get3A_516, %mul3A_518 : vector<16xi32>
      %swap3A_520 = arith.constant 0 : i32
      %swap3A_521 = arith.constant 2 : i32
      %swap3A_522 = arith.index_cast %scan3A_154 : i32 to index
      %swap3A_523 = arith.index_cast %swap3A_520 : i32 to index
      %swap3A_524 = arith.index_cast %swap3A_521 : i32 to index
      %swap3A_525 = arith.constant 80 : index
      %swap3A_526 = tpu.vector_load %arg6[%swap3A_522, %swap3A_523, %swap3A_524, %swap3A_525] {strides = array<i32>} : memref<25x1x8x128xi32, #tpu.memory_space<vmem>>, vector<16xi32>,
      tpu.vector_store %arg6[%swap3A_522, %swap3A_523, %swap3A_524, %swap3A_525], %mul3A_519 {strides = array<i32>} : memref<25x1x8x128xi32, #tpu.memory_space<vmem>>, vector<16xi32>,
      %get3A_527 = arith.constant 0 : i32
      %get3A_528 = arith.constant 2 : i32
      %get3A_529 = arith.index_cast %scan3A_154 : i32 to index
      %get3A_530 = arith.index_cast %get3A_527 : i32 to index
      %get3A_531 = arith.index_cast %get3A_528 : i32 to index
      %get3A_532 = arith.constant 96 : index
      %get3A_533 = tpu.vector_load %arg6[%get3A_529, %get3A_530, %get3A_531, %get3A_532] {strides = array<i32>} : memref<25x1x8x128xi32, #tpu.memory_space<vmem>>, vector<16xi32>,
      %mul3A_534 = arith.constant 2 : i32
      %mul3A_535 = vector.broadcast %mul3A_534 : i32 to vector<16xi32>
      %mul3A_536 = arith.muli %get3A_533, %mul3A_535 : vector<16xi32>
      %swap3A_537 = arith.constant 0 : i32
      %swap3A_538 = arith.constant 2 : i32
      %swap3A_539 = arith.index_cast %scan3A_154 : i32 to index
      %swap3A_540 = arith.index_cast %swap3A_537 : i32 to index
      %swap3A_541 = arith.index_cast %swap3A_538 : i32 to index
      %swap3A_542 = arith.constant 96 : index
      %swap3A_543 = tpu.vector_load %arg6[%swap3A_539, %swap3A_540, %swap3A_541, %swap3A_542] {strides = array<i32>} : memref<25x1x8x128xi32, #tpu.memory_space<vmem>>, vector<16xi32>,
      tpu.vector_store %arg6[%swap3A_539, %swap3A_540, %swap3A_541, %swap3A_542], %mul3A_536 {strides = array<i32>} : memref<25x1x8x128xi32, #tpu.memory_space<vmem>>, vector<16xi32>,
      %get3A_544 = arith.constant 0 : i32
      %get3A_545 = arith.constant 2 : i32
      %get3A_546 = arith.index_cast %scan3A_154 : i32 to index
      %get3A_547 = arith.index_cast %get3A_544 : i32 to index
      %get3A_548 = arith.index_cast %get3A_545 : i32 to index
      %get3A_549 = arith.constant 112 : index
      %get3A_550 = tpu.vector_load %arg6[%get3A_546, %get3A_547, %get3A_548, %get3A_549] {strides = array<i32>} : memref<25x1x8x128xi32, #tpu.memory_space<vmem>>, vector<16xi32>,
      %mul3A_551 = arith.constant 2 : i32
      %mul3A_552 = vector.broadcast %mul3A_551 : i32 to vector<16xi32>
      %mul3A_553 = arith.muli %get3A_550, %mul3A_552 : vector<16xi32>
      %swap3A_554 = arith.constant 0 : i32
      %swap3A_555 = arith.constant 2 : i32
      %swap3A_556 = arith.index_cast %scan3A_154 : i32 to index
      %swap3A_557 = arith.index_cast %swap3A_554 : i32 to index
      %swap3A_558 = arith.index_cast %swap3A_555 : i32 to index
      %swap3A_559 = arith.constant 112 : index
      %swap3A_560 = tpu.vector_load %arg6[%swap3A_556, %swap3A_557, %swap3A_558, %swap3A_559] {strides = array<i32>} : memref<25x1x8x128xi32, #tpu.memory_space<vmem>>, vector<16xi32>,
      tpu.vector_store %arg6[%swap3A_556, %swap3A_557, %swap3A_558, %swap3A_559], %mul3A_553 {strides = array<i32>} : memref<25x1x8x128xi32, #tpu.memory_space<vmem>>, vector<16xi32>,
      %get3A_561 = arith.constant 0 : i32
      %get3A_562 = arith.constant 3 : i32
      %get3A_563 = arith.index_cast %scan3A_154 : i32 to index
      %get3A_564 = arith.index_cast %get3A_561 : i32 to index
      %get3A_565 = arith.index_cast %get3A_562 : i32 to index
      %get3A_566 = arith.constant 0 : index
      %get3A_567 = tpu.vector_load %arg6[%get3A_563, %get3A_564, %get3A_565, %get3A_566] {strides = array<i32>} : memref<25x1x8x128xi32, #tpu.memory_space<vmem>>, vector<16xi32>,
      %mul3A_568 = arith.constant 2 : i32
      %mul3A_569 = vector.broadcast %mul3A_568 : i32 to vector<16xi32>
      %mul3A_570 = arith.muli %get3A_567, %mul3A_569 : vector<16xi32>
      %swap3A_571 = arith.constant 0 : i32
      %swap3A_572 = arith.constant 3 : i32
      %swap3A_573 = arith.index_cast %scan3A_154 : i32 to index
      %swap3A_574 = arith.index_cast %swap3A_571 : i32 to index
      %swap3A_575 = arith.index_cast %swap3A_572 : i32 to index
      %swap3A_576 = arith.constant 0 : index
      %swap3A_577 = tpu.vector_load %arg6[%swap3A_573, %swap3A_574, %swap3A_575, %swap3A_576] {strides = array<i32>} : memref<25x1x8x128xi32, #tpu.memory_space<vmem>>, vector<16xi32>,
      tpu.vector_store %arg6[%swap3A_573, %swap3A_574, %swap3A_575, %swap3A_576], %mul3A_570 {strides = array<i32>} : memref<25x1x8x128xi32, #tpu.memory_space<vmem>>, vector<16xi32>,
      %get3A_578 = arith.constant 0 : i32
      %get3A_579 = arith.constant 3 : i32
      %get3A_580 = arith.index_cast %scan3A_154 : i32 to index
      %get3A_581 = arith.index_cast %get3A_578 : i32 to index
      %get3A_582 = arith.index_cast %get3A_579 : i32 to index
      %get3A_583 = arith.constant 16 : index
      %get3A_584 = tpu.vector_load %arg6[%get3A_580, %get3A_581, %get3A_582, %get3A_583] {strides = array<i32>} : memref<25x1x8x128xi32, #tpu.memory_space<vmem>>, vector<16xi32>,
      %mul3A_585 = arith.constant 2 : i32
      %mul3A_586 = vector.broadcast %mul3A_585 : i32 to vector<16xi32>
      %mul3A_587 = arith.muli %get3A_584, %mul3A_586 : vector<16xi32>
      %swap3A_588 = arith.constant 0 : i32
      %swap3A_589 = arith.constant 3 : i32
      %swap3A_590 = arith.index_cast %scan3A_154 : i32 to index
      %swap3A_591 = arith.index_cast %swap3A_588 : i32 to index
      %swap3A_592 = arith.index_cast %swap3A_589 : i32 to index
      %swap3A_593 = arith.constant 16 : index
      %swap3A_594 = tpu.vector_load %arg6[%swap3A_590, %swap3A_591, %swap3A_592, %swap3A_593] {strides = array<i32>} : memref<25x1x8x128xi32, #tpu.memory_space<vmem>>, vector<16xi32>,
      tpu.vector_store %arg6[%swap3A_590, %swap3A_591, %swap3A_592, %swap3A_593], %mul3A_587 {strides = array<i32>} : memref<25x1x8x128xi32, #tpu.memory_space<vmem>>, vector<16xi32>,
      %get3A_595 = arith.constant 0 : i32
      %get3A_596 = arith.constant 3 : i32
      %get3A_597 = arith.index_cast %scan3A_154 : i32 to index
      %get3A_598 = arith.index_cast %get3A_595 : i32 to index
      %get3A_599 = arith.index_cast %get3A_596 : i32 to index
      %get3A_600 = arith.constant 32 : index
      %get3A_601 = tpu.vector_load %arg6[%get3A_597, %get3A_598, %get3A_599, %get3A_600] {strides = array<i32>} : memref<25x1x8x128xi32, #tpu.memory_space<vmem>>, vector<16xi32>,
      %mul3A_602 = arith.constant 2 : i32
      %mul3A_603 = vector.broadcast %mul3A_602 : i32 to vector<16xi32>
      %mul3A_604 = arith.muli %get3A_601, %mul3A_603 : vector<16xi32>
      %swap3A_605 = arith.constant 0 : i32
      %swap3A_606 = arith.constant 3 : i32
      %swap3A_607 = arith.index_cast %scan3A_154 : i32 to index
      %swap3A_608 = arith.index_cast %swap3A_605 : i32 to index
      %swap3A_609 = arith.index_cast %swap3A_606 : i32 to index
      %swap3A_610 = arith.constant 32 : index
      %swap3A_611 = tpu.vector_load %arg6[%swap3A_607, %swap3A_608, %swap3A_609, %swap3A_610] {strides = array<i32>} : memref<25x1x8x128xi32, #tpu.memory_space<vmem>>, vector<16xi32>,
      tpu.vector_store %arg6[%swap3A_607, %swap3A_608, %swap3A_609, %swap3A_610], %mul3A_604 {strides = array<i32>} : memref<25x1x8x128xi32, #tpu.memory_space<vmem>>, vector<16xi32>,
      %get3A_612 = arith.constant 0 : i32
      %get3A_613 = arith.constant 3 : i32
      %get3A_614 = arith.index_cast %scan3A_154 : i32 to index
      %get3A_615 = arith.index_cast %get3A_612 : i32 to index
      %get3A_616 = arith.index_cast %get3A_613 : i32 to index
      %get3A_617 = arith.constant 48 : index
      %get3A_618 = tpu.vector_load %arg6[%get3A_614, %get3A_615, %get3A_616, %get3A_617] {strides = array<i32>} : memref<25x1x8x128xi32, #tpu.memory_space<vmem>>, vector<16xi32>,
      %mul3A_619 = arith.constant 2 : i32
      %mul3A_620 = vector.broadcast %mul3A_619 : i32 to vector<16xi32>
      %mul3A_621 = arith.muli %get3A_618, %mul3A_620 : vector<16xi32>
      %swap3A_622 = arith.constant 0 : i32
      %swap3A_623 = arith.constant 3 : i32
      %swap3A_624 = arith.index_cast %scan3A_154 : i32 to index
      %swap3A_625 = arith.index_cast %swap3A_622 : i32 to index
      %swap3A_626 = arith.index_cast %swap3A_623 : i32 to index
      %swap3A_627 = arith.constant 48 : index
      %swap3A_628 = tpu.vector_load %arg6[%swap3A_624, %swap3A_625, %swap3A_626, %swap3A_627] {strides = array<i32>} : memref<25x1x8x128xi32, #tpu.memory_space<vmem>>, vector<16xi32>,
      tpu.vector_store %arg6[%swap3A_624, %swap3A_625, %swap3A_626, %swap3A_627], %mul3A_621 {strides = array<i32>} : memref<25x1x8x128xi32, #tpu.memory_space<vmem>>, vector<16xi32>,
      %get3A_629 = arith.constant 0 : i32
      %get3A_630 = arith.constant 3 : i32
      %get3A_631 = arith.index_cast %scan3A_154 : i32 to index
      %get3A_632 = arith.index_cast %get3A_629 : i32 to index
      %get3A_633 = arith.index_cast %get3A_630 : i32 to index
      %get3A_634 = arith.constant 64 : index
      %get3A_635 = tpu.vector_load %arg6[%get3A_631, %get3A_632, %get3A_633, %get3A_634] {strides = array<i32>} : memref<25x1x8x128xi32, #tpu.memory_space<vmem>>, vector<16xi32>,
      %mul3A_636 = arith.constant 2 : i32
      %mul3A_637 = vector.broadcast %mul3A_636 : i32 to vector<16xi32>
      %mul3A_638 = arith.muli %get3A_635, %mul3A_637 : vector<16xi32>
      %swap3A_639 = arith.constant 0 : i32
      %swap3A_640 = arith.constant 3 : i32
      %swap3A_641 = arith.index_cast %scan3A_154 : i32 to index
      %swap3A_642 = arith.index_cast %swap3A_639 : i32 to index
      %swap3A_643 = arith.index_cast %swap3A_640 : i32 to index
      %swap3A_644 = arith.constant 64 : index
      %swap3A_645 = tpu.vector_load %arg6[%swap3A_641, %swap3A_642, %swap3A_643, %swap3A_644] {strides = array<i32>} : memref<25x1x8x128xi32, #tpu.memory_space<vmem>>, vector<16xi32>,
      tpu.vector_store %arg6[%swap3A_641, %swap3A_642, %swap3A_643, %swap3A_644], %mul3A_638 {strides = array<i32>} : memref<25x1x8x128xi32, #tpu.memory_space<vmem>>, vector<16xi32>,
      %get3A_646 = arith.constant 0 : i32
      %get3A_647 = arith.constant 3 : i32
      %get3A_648 = arith.index_cast %scan3A_154 : i32 to index
      %get3A_649 = arith.index_cast %get3A_646 : i32 to index
      %get3A_650 = arith.index_cast %get3A_647 : i32 to index
      %get3A_651 = arith.constant 80 : index
      %get3A_652 = tpu.vector_load %arg6[%get3A_648, %get3A_649, %get3A_650, %get3A_651] {strides = array<i32>} : memref<25x1x8x128xi32, #tpu.memory_space<vmem>>, vector<16xi32>,
      %mul3A_653 = arith.constant 2 : i32
      %mul3A_654 = vector.broadcast %mul3A_653 : i32 to vector<16xi32>
      %mul3A_655 = arith.muli %get3A_652, %mul3A_654 : vector<16xi32>
      %swap3A_656 = arith.constant 0 : i32
      %swap3A_657 = arith.constant 3 : i32
      %swap3A_658 = arith.index_cast %scan3A_154 : i32 to index
      %swap3A_659 = arith.index_cast %swap3A_656 : i32 to index
      %swap3A_660 = arith.index_cast %swap3A_657 : i32 to index
      %swap3A_661 = arith.constant 80 : index
      %swap3A_662 = tpu.vector_load %arg6[%swap3A_658, %swap3A_659, %swap3A_660, %swap3A_661] {strides = array<i32>} : memref<25x1x8x128xi32, #tpu.memory_space<vmem>>, vector<16xi32>,
      tpu.vector_store %arg6[%swap3A_658, %swap3A_659, %swap3A_660, %swap3A_661], %mul3A_655 {strides = array<i32>} : memref<25x1x8x128xi32, #tpu.memory_space<vmem>>, vector<16xi32>,
      %get3A_663 = arith.constant 0 : i32
      %get3A_664 = arith.constant 3 : i32
      %get3A_665 = arith.index_cast %scan3A_154 : i32 to index
      %get3A_666 = arith.index_cast %get3A_663 : i32 to index
      %get3A_667 = arith.index_cast %get3A_664 : i32 to index
      %get3A_668 = arith.constant 96 : index
      %get3A_669 = tpu.vector_load %arg6[%get3A_665, %get3A_666, %get3A_667, %get3A_668] {strides = array<i32>} : memref<25x1x8x128xi32, #tpu.memory_space<vmem>>, vector<16xi32>,
      %mul3A_670 = arith.constant 2 : i32
      %mul3A_671 = vector.broadcast %mul3A_670 : i32 to vector<16xi32>
      %mul3A_672 = arith.muli %get3A_669, %mul3A_671 : vector<16xi32>
      %swap3A_673 = arith.constant 0 : i32
      %swap3A_674 = arith.constant 3 : i32
      %swap3A_675 = arith.index_cast %scan3A_154 : i32 to index
      %swap3A_676 = arith.index_cast %swap3A_673 : i32 to index
      %swap3A_677 = arith.index_cast %swap3A_674 : i32 to index
      %swap3A_678 = arith.constant 96 : index
      %swap3A_679 = tpu.vector_load %arg6[%swap3A_675, %swap3A_676, %swap3A_677, %swap3A_678] {strides = array<i32>} : memref<25x1x8x128xi32, #tpu.memory_space<vmem>>, vector<16xi32>,
      tpu.vector_store %arg6[%swap3A_675, %swap3A_676, %swap3A_677, %swap3A_678], %mul3A_672 {strides = array<i32>} : memref<25x1x8x128xi32, #tpu.memory_space<vmem>>, vector<16xi32>,
      %get3A_680 = arith.constant 0 : i32
      %get3A_681 = arith.constant 3 : i32
      %get3A_682 = arith.index_cast %scan3A_154 : i32 to index
      %get3A_683 = arith.index_cast %get3A_680 : i32 to index
      %get3A_684 = arith.index_cast %get3A_681 : i32 to index
      %get3A_685 = arith.constant 112 : index
      %get3A_686 = tpu.vector_load %arg6[%get3A_682, %get3A_683, %get3A_684, %get3A_685] {strides = array<i32>} : memref<25x1x8x128xi32, #tpu.memory_space<vmem>>, vector<16xi32>,
      %mul3A_687 = arith.constant 2 : i32
      %mul3A_688 = vector.broadcast %mul3A_687 : i32 to vector<16xi32>
      %mul3A_689 = arith.muli %get3A_686, %mul3A_688 : vector<16xi32>
      %swap3A_690 = arith.constant 0 : i32
      %swap3A_691 = arith.constant 3 : i32
      %swap3A_692 = arith.index_cast %scan3A_154 : i32 to index
      %swap3A_693 = arith.index_cast %swap3A_690 : i32 to index
      %swap3A_694 = arith.index_cast %swap3A_691 : i32 to index
      %swap3A_695 = arith.constant 112 : index
      %swap3A_696 = tpu.vector_load %arg6[%swap3A_692, %swap3A_693, %swap3A_694, %swap3A_695] {strides = array<i32>} : memref<25x1x8x128xi32, #tpu.memory_space<vmem>>, vector<16xi32>,
      tpu.vector_store %arg6[%swap3A_692, %swap3A_693, %swap3A_694, %swap3A_695], %mul3A_689 {strides = array<i32>} : memref<25x1x8x128xi32, #tpu.memory_space<vmem>>, vector<16xi32>,
      %get3A_697 = arith.constant 0 : i32
      %get3A_698 = arith.constant 4 : i32
      %get3A_699 = arith.index_cast %scan3A_154 : i32 to index
      %get3A_700 = arith.index_cast %get3A_697 : i32 to index
      %get3A_701 = arith.index_cast %get3A_698 : i32 to index
      %get3A_702 = arith.constant 0 : index
      %get3A_703 = tpu.vector_load %arg6[%get3A_699, %get3A_700, %get3A_701, %get3A_702] {strides = array<i32>} : memref<25x1x8x128xi32, #tpu.memory_space<vmem>>, vector<16xi32>,
      %mul3A_704 = arith.constant 2 : i32
      %mul3A_705 = vector.broadcast %mul3A_704 : i32 to vector<16xi32>
      %mul3A_706 = arith.muli %get3A_703, %mul3A_705 : vector<16xi32>
      %swap3A_707 = arith.constant 0 : i32
      %swap3A_708 = arith.constant 4 : i32
      %swap3A_709 = arith.index_cast %scan3A_154 : i32 to index
      %swap3A_710 = arith.index_cast %swap3A_707 : i32 to index
      %swap3A_711 = arith.index_cast %swap3A_708 : i32 to index
      %swap3A_712 = arith.constant 0 : index
      %swap3A_713 = tpu.vector_load %arg6[%swap3A_709, %swap3A_710, %swap3A_711, %swap3A_712] {strides = array<i32>} : memref<25x1x8x128xi32, #tpu.memory_space<vmem>>, vector<16xi32>,
      tpu.vector_store %arg6[%swap3A_709, %swap3A_710, %swap3A_711, %swap3A_712], %mul3A_706 {strides = array<i32>} : memref<25x1x8x128xi32, #tpu.memory_space<vmem>>, vector<16xi32>,
      %get3A_714 = arith.constant 0 : i32
      %get3A_715 = arith.constant 4 : i32
      %get3A_716 = arith.index_cast %scan3A_154 : i32 to index
      %get3A_717 = arith.index_cast %get3A_714 : i32 to index
      %get3A_718 = arith.index_cast %get3A_715 : i32 to index
      %get3A_719 = arith.constant 16 : index
      %get3A_720 = tpu.vector_load %arg6[%get3A_716, %get3A_717, %get3A_718, %get3A_719] {strides = array<i32>} : memref<25x1x8x128xi32, #tpu.memory_space<vmem>>, vector<16xi32>,
      %mul3A_721 = arith.constant 2 : i32
      %mul3A_722 = vector.broadcast %mul3A_721 : i32 to vector<16xi32>
      %mul3A_723 = arith.muli %get3A_720, %mul3A_722 : vector<16xi32>
      %swap3A_724 = arith.constant 0 : i32
      %swap3A_725 = arith.constant 4 : i32
      %swap3A_726 = arith.index_cast %scan3A_154 : i32 to index
      %swap3A_727 = arith.index_cast %swap3A_724 : i32 to index
      %swap3A_728 = arith.index_cast %swap3A_725 : i32 to index
      %swap3A_729 = arith.constant 16 : index
      %swap3A_730 = tpu.vector_load %arg6[%swap3A_726, %swap3A_727, %swap3A_728, %swap3A_729] {strides = array<i32>} : memref<25x1x8x128xi32, #tpu.memory_space<vmem>>, vector<16xi32>,
      tpu.vector_store %arg6[%swap3A_726, %swap3A_727, %swap3A_728, %swap3A_729], %mul3A_723 {strides = array<i32>} : memref<25x1x8x128xi32, #tpu.memory_space<vmem>>, vector<16xi32>,
      %get3A_731 = arith.constant 0 : i32
      %get3A_732 = arith.constant 4 : i32
      %get3A_733 = arith.index_cast %scan3A_154 : i32 to index
      %get3A_734 = arith.index_cast %get3A_731 : i32 to index
      %get3A_735 = arith.index_cast %get3A_732 : i32 to index
      %get3A_736 = arith.constant 32 : index
      %get3A_737 = tpu.vector_load %arg6[%get3A_733, %get3A_734, %get3A_735, %get3A_736] {strides = array<i32>} : memref<25x1x8x128xi32, #tpu.memory_space<vmem>>, vector<16xi32>,
      %mul3A_738 = arith.constant 2 : i32
      %mul3A_739 = vector.broadcast %mul3A_738 : i32 to vector<16xi32>
      %mul3A_740 = arith.muli %get3A_737, %mul3A_739 : vector<16xi32>
      %swap3A_741 = arith.constant 0 : i32
      %swap3A_742 = arith.constant 4 : i32
      %swap3A_743 = arith.index_cast %scan3A_154 : i32 to index
      %swap3A_744 = arith.index_cast %swap3A_741 : i32 to index
      %swap3A_745 = arith.index_cast %swap3A_742 : i32 to index
      %swap3A_746 = arith.constant 32 : index
      %swap3A_747 = tpu.vector_load %arg6[%swap3A_743, %swap3A_744, %swap3A_745, %swap3A_746] {strides = array<i32>} : memref<25x1x8x128xi32, #tpu.memory_space<vmem>>, vector<16xi32>,
      tpu.vector_store %arg6[%swap3A_743, %swap3A_744, %swap3A_745, %swap3A_746], %mul3A_740 {strides = array<i32>} : memref<25x1x8x128xi32, #tpu.memory_space<vmem>>, vector<16xi32>,
      %get3A_748 = arith.constant 0 : i32
      %get3A_749 = arith.constant 4 : i32
      %get3A_750 = arith.index_cast %scan3A_154 : i32 to index
      %get3A_751 = arith.index_cast %get3A_748 : i32 to index
      %get3A_752 = arith.index_cast %get3A_749 : i32 to index
      %get3A_753 = arith.constant 48 : index
      %get3A_754 = tpu.vector_load %arg6[%get3A_750, %get3A_751, %get3A_752, %get3A_753] {strides = array<i32>} : memref<25x1x8x128xi32, #tpu.memory_space<vmem>>, vector<16xi32>,
      %mul3A_755 = arith.constant 2 : i32
      %mul3A_756 = vector.broadcast %mul3A_755 : i32 to vector<16xi32>
      %mul3A_757 = arith.muli %get3A_754, %mul3A_756 : vector<16xi32>
      %swap3A_758 = arith.constant 0 : i32
      %swap3A_759 = arith.constant 4 : i32
      %swap3A_760 = arith.index_cast %scan3A_154 : i32 to index
      %swap3A_761 = arith.index_cast %swap3A_758 : i32 to index
      %swap3A_762 = arith.index_cast %swap3A_759 : i32 to index
      %swap3A_763 = arith.constant 48 : index
      %swap3A_764 = tpu.vector_load %arg6[%swap3A_760, %swap3A_761, %swap3A_762, %swap3A_763] {strides = array<i32>} : memref<25x1x8x128xi32, #tpu.memory_space<vmem>>, vector<16xi32>,
      tpu.vector_store %arg6[%swap3A_760, %swap3A_761, %swap3A_762, %swap3A_763], %mul3A_757 {strides = array<i32>} : memref<25x1x8x128xi32, #tpu.memory_space<vmem>>, vector<16xi32>,
      %get3A_765 = arith.constant 0 : i32
      %get3A_766 = arith.constant 4 : i32
      %get3A_767 = arith.index_cast %scan3A_154 : i32 to index
      %get3A_768 = arith.index_cast %get3A_765 : i32 to index
      %get3A_769 = arith.index_cast %get3A_766 : i32 to index
      %get3A_770 = arith.constant 64 : index
      %get3A_771 = tpu.vector_load %arg6[%get3A_767, %get3A_768, %get3A_769, %get3A_770] {strides = array<i32>} : memref<25x1x8x128xi32, #tpu.memory_space<vmem>>, vector<16xi32>,
      %mul3A_772 = arith.constant 2 : i32
      %mul3A_773 = vector.broadcast %mul3A_772 : i32 to vector<16xi32>
      %mul3A_774 = arith.muli %get3A_771, %mul3A_773 : vector<16xi32>
      %swap3A_775 = arith.constant 0 : i32
      %swap3A_776 = arith.constant 4 : i32
      %swap3A_777 = arith.index_cast %scan3A_154 : i32 to index
      %swap3A_778 = arith.index_cast %swap3A_775 : i32 to index
      %swap3A_779 = arith.index_cast %swap3A_776 : i32 to index
      %swap3A_780 = arith.constant 64 : index
      %swap3A_781 = tpu.vector_load %arg6[%swap3A_777, %swap3A_778, %swap3A_779, %swap3A_780] {strides = array<i32>} : memref<25x1x8x128xi32, #tpu.memory_space<vmem>>, vector<16xi32>,
      tpu.vector_store %arg6[%swap3A_777, %swap3A_778, %swap3A_779, %swap3A_780], %mul3A_774 {strides = array<i32>} : memref<25x1x8x128xi32, #tpu.memory_space<vmem>>, vector<16xi32>,
      %get3A_782 = arith.constant 0 : i32
      %get3A_783 = arith.constant 4 : i32
      %get3A_784 = arith.index_cast %scan3A_154 : i32 to index
      %get3A_785 = arith.index_cast %get3A_782 : i32 to index
      %get3A_786 = arith.index_cast %get3A_783 : i32 to index
      %get3A_787 = arith.constant 80 : index
      %get3A_788 = tpu.vector_load %arg6[%get3A_784, %get3A_785, %get3A_786, %get3A_787] {strides = array<i32>} : memref<25x1x8x128xi32, #tpu.memory_space<vmem>>, vector<16xi32>,
      %mul3A_789 = arith.constant 2 : i32
      %mul3A_790 = vector.broadcast %mul3A_789 : i32 to vector<16xi32>
      %mul3A_791 = arith.muli %get3A_788, %mul3A_790 : vector<16xi32>
      %swap3A_792 = arith.constant 0 : i32
      %swap3A_793 = arith.constant 4 : i32
      %swap3A_794 = arith.index_cast %scan3A_154 : i32 to index
      %swap3A_795 = arith.index_cast %swap3A_792 : i32 to index
      %swap3A_796 = arith.index_cast %swap3A_793 : i32 to index
      %swap3A_797 = arith.constant 80 : index
      %swap3A_798 = tpu.vector_load %arg6[%swap3A_794, %swap3A_795, %swap3A_796, %swap3A_797] {strides = array<i32>} : memref<25x1x8x128xi32, #tpu.memory_space<vmem>>, vector<16xi32>,
      tpu.vector_store %arg6[%swap3A_794, %swap3A_795, %swap3A_796, %swap3A_797], %mul3A_791 {strides = array<i32>} : memref<25x1x8x128xi32, #tpu.memory_space<vmem>>, vector<16xi32>,
      %get3A_799 = arith.constant 0 : i32
      %get3A_800 = arith.constant 4 : i32
      %get3A_801 = arith.index_cast %scan3A_154 : i32 to index
      %get3A_802 = arith.index_cast %get3A_799 : i32 to index
      %get3A_803 = arith.index_cast %get3A_800 : i32 to index
      %get3A_804 = arith.constant 96 : index
      %get3A_805 = tpu.vector_load %arg6[%get3A_801, %get3A_802, %get3A_803, %get3A_804] {strides = array<i32>} : memref<25x1x8x128xi32, #tpu.memory_space<vmem>>, vector<16xi32>,
      %mul3A_806 = arith.constant 2 : i32
      %mul3A_807 = vector.broadcast %mul3A_806 : i32 to vector<16xi32>
      %mul3A_808 = arith.muli %get3A_805, %mul3A_807 : vector<16xi32>
      %swap3A_809 = arith.constant 0 : i32
      %swap3A_810 = arith.constant 4 : i32
      %swap3A_811 = arith.index_cast %scan3A_154 : i32 to index
      %swap3A_812 = arith.index_cast %swap3A_809 : i32 to index
      %swap3A_813 = arith.index_cast %swap3A_810 : i32 to index
      %swap3A_814 = arith.constant 96 : index
      %swap3A_815 = tpu.vector_load %arg6[%swap3A_811, %swap3A_812, %swap3A_813, %swap3A_814] {strides = array<i32>} : memref<25x1x8x128xi32, #tpu.memory_space<vmem>>, vector<16xi32>,
      tpu.vector_store %arg6[%swap3A_811, %swap3A_812, %swap3A_813, %swap3A_814], %mul3A_808 {strides = array<i32>} : memref<25x1x8x128xi32, #tpu.memory_space<vmem>>, vector<16xi32>,
      %get3A_816 = arith.constant 0 : i32
      %get3A_817 = arith.constant 4 : i32
      %get3A_818 = arith.index_cast %scan3A_154 : i32 to index
      %get3A_819 = arith.index_cast %get3A_816 : i32 to index
      %get3A_820 = arith.index_cast %get3A_817 : i32 to index
      %get3A_821 = arith.constant 112 : index
      %get3A_822 = tpu.vector_load %arg6[%get3A_818, %get3A_819, %get3A_820, %get3A_821] {strides = array<i32>} : memref<25x1x8x128xi32, #tpu.memory_space<vmem>>, vector<16xi32>,
      %mul3A_823 = arith.constant 2 : i32
      %mul3A_824 = vector.broadcast %mul3A_823 : i32 to vector<16xi32>
      %mul3A_825 = arith.muli %get3A_822, %mul3A_824 : vector<16xi32>
      %swap3A_826 = arith.constant 0 : i32
      %swap3A_827 = arith.constant 4 : i32
      %swap3A_828 = arith.index_cast %scan3A_154 : i32 to index
      %swap3A_829 = arith.index_cast %swap3A_826 : i32 to index
      %swap3A_830 = arith.index_cast %swap3A_827 : i32 to index
      %swap3A_831 = arith.constant 112 : index
      %swap3A_832 = tpu.vector_load %arg6[%swap3A_828, %swap3A_829, %swap3A_830, %swap3A_831] {strides = array<i32>} : memref<25x1x8x128xi32, #tpu.memory_space<vmem>>, vector<16xi32>,
      tpu.vector_store %arg6[%swap3A_828, %swap3A_829, %swap3A_830, %swap3A_831], %mul3A_825 {strides = array<i32>} : memref<25x1x8x128xi32, #tpu.memory_space<vmem>>, vector<16xi32>,
      %get3A_833 = arith.constant 0 : i32
      %get3A_834 = arith.constant 5 : i32
      %get3A_835 = arith.index_cast %scan3A_154 : i32 to index
      %get3A_836 = arith.index_cast %get3A_833 : i32 to index
      %get3A_837 = arith.index_cast %get3A_834 : i32 to index
      %get3A_838 = arith.constant 0 : index
      %get3A_839 = tpu.vector_load %arg6[%get3A_835, %get3A_836, %get3A_837, %get3A_838] {strides = array<i32>} : memref<25x1x8x128xi32, #tpu.memory_space<vmem>>, vector<16xi32>,
      %mul3A_840 = arith.constant 2 : i32
      %mul3A_841 = vector.broadcast %mul3A_840 : i32 to vector<16xi32>
      %mul3A_842 = arith.muli %get3A_839, %mul3A_841 : vector<16xi32>
      %swap3A_843 = arith.constant 0 : i32
      %swap3A_844 = arith.constant 5 : i32
      %swap3A_845 = arith.index_cast %scan3A_154 : i32 to index
      %swap3A_846 = arith.index_cast %swap3A_843 : i32 to index
      %swap3A_847 = arith.index_cast %swap3A_844 : i32 to index
      %swap3A_848 = arith.constant 0 : index
      %swap3A_849 = tpu.vector_load %arg6[%swap3A_845, %swap3A_846, %swap3A_847, %swap3A_848] {strides = array<i32>} : memref<25x1x8x128xi32, #tpu.memory_space<vmem>>, vector<16xi32>,
      tpu.vector_store %arg6[%swap3A_845, %swap3A_846, %swap3A_847, %swap3A_848], %mul3A_842 {strides = array<i32>} : memref<25x1x8x128xi32, #tpu.memory_space<vmem>>, vector<16xi32>,
      %get3A_850 = arith.constant 0 : i32
      %get3A_851 = arith.constant 5 : i32
      %get3A_852 = arith.index_cast %scan3A_154 : i32 to index
      %get3A_853 = arith.index_cast %get3A_850 : i32 to index
      %get3A_854 = arith.index_cast %get3A_851 : i32 to index
      %get3A_855 = arith.constant 16 : index
      %get3A_856 = tpu.vector_load %arg6[%get3A_852, %get3A_853, %get3A_854, %get3A_855] {strides = array<i32>} : memref<25x1x8x128xi32, #tpu.memory_space<vmem>>, vector<16xi32>,
      %mul3A_857 = arith.constant 2 : i32
      %mul3A_858 = vector.broadcast %mul3A_857 : i32 to vector<16xi32>
      %mul3A_859 = arith.muli %get3A_856, %mul3A_858 : vector<16xi32>
      %swap3A_860 = arith.constant 0 : i32
      %swap3A_861 = arith.constant 5 : i32
      %swap3A_862 = arith.index_cast %scan3A_154 : i32 to index
      %swap3A_863 = arith.index_cast %swap3A_860 : i32 to index
      %swap3A_864 = arith.index_cast %swap3A_861 : i32 to index
      %swap3A_865 = arith.constant 16 : index
      %swap3A_866 = tpu.vector_load %arg6[%swap3A_862, %swap3A_863, %swap3A_864, %swap3A_865] {strides = array<i32>} : memref<25x1x8x128xi32, #tpu.memory_space<vmem>>, vector<16xi32>,
      tpu.vector_store %arg6[%swap3A_862, %swap3A_863, %swap3A_864, %swap3A_865], %mul3A_859 {strides = array<i32>} : memref<25x1x8x128xi32, #tpu.memory_space<vmem>>, vector<16xi32>,
      %get3A_867 = arith.constant 0 : i32
      %get3A_868 = arith.constant 5 : i32
      %get3A_869 = arith.index_cast %scan3A_154 : i32 to index
      %get3A_870 = arith.index_cast %get3A_867 : i32 to index
      %get3A_871 = arith.index_cast %get3A_868 : i32 to index
      %get3A_872 = arith.constant 32 : index
      %get3A_873 = tpu.vector_load %arg6[%get3A_869, %get3A_870, %get3A_871, %get3A_872] {strides = array<i32>} : memref<25x1x8x128xi32, #tpu.memory_space<vmem>>, vector<16xi32>,
      %mul3A_874 = arith.constant 2 : i32
      %mul3A_875 = vector.broadcast %mul3A_874 : i32 to vector<16xi32>
      %mul3A_876 = arith.muli %get3A_873, %mul3A_875 : vector<16xi32>
      %swap3A_877 = arith.constant 0 : i32
      %swap3A_878 = arith.constant 5 : i32
      %swap3A_879 = arith.index_cast %scan3A_154 : i32 to index
      %swap3A_880 = arith.index_cast %swap3A_877 : i32 to index
      %swap3A_881 = arith.index_cast %swap3A_878 : i32 to index
      %swap3A_882 = arith.constant 32 : index
      %swap3A_883 = tpu.vector_load %arg6[%swap3A_879, %swap3A_880, %swap3A_881, %swap3A_882] {strides = array<i32>} : memref<25x1x8x128xi32, #tpu.memory_space<vmem>>, vector<16xi32>,
      tpu.vector_store %arg6[%swap3A_879, %swap3A_880, %swap3A_881, %swap3A_882], %mul3A_876 {strides = array<i32>} : memref<25x1x8x128xi32, #tpu.memory_space<vmem>>, vector<16xi32>,
      %get3A_884 = arith.constant 0 : i32
      %get3A_885 = arith.constant 5 : i32
      %get3A_886 = arith.index_cast %scan3A_154 : i32 to index
      %get3A_887 = arith.index_cast %get3A_884 : i32 to index
      %get3A_888 = arith.index_cast %get3A_885 : i32 to index
      %get3A_889 = arith.constant 48 : index
      %get3A_890 = tpu.vector_load %arg6[%get3A_886, %get3A_887, %get3A_888, %get3A_889] {strides = array<i32>} : memref<25x1x8x128xi32, #tpu.memory_space<vmem>>, vector<16xi32>,
      %mul3A_891 = arith.constant 2 : i32
      %mul3A_892 = vector.broadcast %mul3A_891 : i32 to vector<16xi32>
      %mul3A_893 = arith.muli %get3A_890, %mul3A_892 : vector<16xi32>
      %swap3A_894 = arith.constant 0 : i32
      %swap3A_895 = arith.constant 5 : i32
      %swap3A_896 = arith.index_cast %scan3A_154 : i32 to index
      %swap3A_897 = arith.index_cast %swap3A_894 : i32 to index
      %swap3A_898 = arith.index_cast %swap3A_895 : i32 to index
      %swap3A_899 = arith.constant 48 : index
      %swap3A_900 = tpu.vector_load %arg6[%swap3A_896, %swap3A_897, %swap3A_898, %swap3A_899] {strides = array<i32>} : memref<25x1x8x128xi32, #tpu.memory_space<vmem>>, vector<16xi32>,
      tpu.vector_store %arg6[%swap3A_896, %swap3A_897, %swap3A_898, %swap3A_899], %mul3A_893 {strides = array<i32>} : memref<25x1x8x128xi32, #tpu.memory_space<vmem>>, vector<16xi32>,
      %get3A_901 = arith.constant 0 : i32
      %get3A_902 = arith.constant 5 : i32
      %get3A_903 = arith.index_cast %scan3A_154 : i32 to index
      %get3A_904 = arith.index_cast %get3A_901 : i32 to index
      %get3A_905 = arith.index_cast %get3A_902 : i32 to index
      %get3A_906 = arith.constant 64 : index
      %get3A_907 = tpu.vector_load %arg6[%get3A_903, %get3A_904, %get3A_905, %get3A_906] {strides = array<i32>} : memref<25x1x8x128xi32, #tpu.memory_space<vmem>>, vector<16xi32>,
      %mul3A_908 = arith.constant 2 : i32
      %mul3A_909 = vector.broadcast %mul3A_908 : i32 to vector<16xi32>
      %mul3A_910 = arith.muli %get3A_907, %mul3A_909 : vector<16xi32>
      %swap3A_911 = arith.constant 0 : i32
      %swap3A_912 = arith.constant 5 : i32
      %swap3A_913 = arith.index_cast %scan3A_154 : i32 to index
      %swap3A_914 = arith.index_cast %swap3A_911 : i32 to index
      %swap3A_915 = arith.index_cast %swap3A_912 : i32 to index
      %swap3A_916 = arith.constant 64 : index
      %swap3A_917 = tpu.vector_load %arg6[%swap3A_913, %swap3A_914, %swap3A_915, %swap3A_916] {strides = array<i32>} : memref<25x1x8x128xi32, #tpu.memory_space<vmem>>, vector<16xi32>,
      tpu.vector_store %arg6[%swap3A_913, %swap3A_914, %swap3A_915, %swap3A_916], %mul3A_910 {strides = array<i32>} : memref<25x1x8x128xi32, #tpu.memory_space<vmem>>, vector<16xi32>,
      %get3A_918 = arith.constant 0 : i32
      %get3A_919 = arith.constant 5 : i32
      %get3A_920 = arith.index_cast %scan3A_154 : i32 to index
      %get3A_921 = arith.index_cast %get3A_918 : i32 to index
      %get3A_922 = arith.index_cast %get3A_919 : i32 to index
      %get3A_923 = arith.constant 80 : index
      %get3A_924 = tpu.vector_load %arg6[%get3A_920, %get3A_921, %get3A_922, %get3A_923] {strides = array<i32>} : memref<25x1x8x128xi32, #tpu.memory_space<vmem>>, vector<16xi32>,
      %mul3A_925 = arith.constant 2 : i32
      %mul3A_926 = vector.broadcast %mul3A_925 : i32 to vector<16xi32>
      %mul3A_927 = arith.muli %get3A_924, %mul3A_926 : vector<16xi32>
      %swap3A_928 = arith.constant 0 : i32
      %swap3A_929 = arith.constant 5 : i32
      %swap3A_930 = arith.index_cast %scan3A_154 : i32 to index
      %swap3A_931 = arith.index_cast %swap3A_928 : i32 to index
      %swap3A_932 = arith.index_cast %swap3A_929 : i32 to index
      %swap3A_933 = arith.constant 80 : index
      %swap3A_934 = tpu.vector_load %arg6[%swap3A_930, %swap3A_931, %swap3A_932, %swap3A_933] {strides = array<i32>} : memref<25x1x8x128xi32, #tpu.memory_space<vmem>>, vector<16xi32>,
      tpu.vector_store %arg6[%swap3A_930, %swap3A_931, %swap3A_932, %swap3A_933], %mul3A_927 {strides = array<i32>} : memref<25x1x8x128xi32, #tpu.memory_space<vmem>>, vector<16xi32>,
      %get3A_935 = arith.constant 0 : i32
      %get3A_936 = arith.constant 5 : i32
      %get3A_937 = arith.index_cast %scan3A_154 : i32 to index
      %get3A_938 = arith.index_cast %get3A_935 : i32 to index
      %get3A_939 = arith.index_cast %get3A_936 : i32 to index
      %get3A_940 = arith.constant 96 : index
      %get3A_941 = tpu.vector_load %arg6[%get3A_937, %get3A_938, %get3A_939, %get3A_940] {strides = array<i32>} : memref<25x1x8x128xi32, #tpu.memory_space<vmem>>, vector<16xi32>,
      %mul3A_942 = arith.constant 2 : i32
      %mul3A_943 = vector.broadcast %mul3A_942 : i32 to vector<16xi32>
      %mul3A_944 = arith.muli %get3A_941, %mul3A_943 : vector<16xi32>
      %swap3A_945 = arith.constant 0 : i32
      %swap3A_946 = arith.constant 5 : i32
      %swap3A_947 = arith.index_cast %scan3A_154 : i32 to index
      %swap3A_948 = arith.index_cast %swap3A_945 : i32 to index
      %swap3A_949 = arith.index_cast %swap3A_946 : i32 to index
      %swap3A_950 = arith.constant 96 : index
      %swap3A_951 = tpu.vector_load %arg6[%swap3A_947, %swap3A_948, %swap3A_949, %swap3A_950] {strides = array<i32>} : memref<25x1x8x128xi32, #tpu.memory_space<vmem>>, vector<16xi32>,
      tpu.vector_store %arg6[%swap3A_947, %swap3A_948, %swap3A_949, %swap3A_950], %mul3A_944 {strides = array<i32>} : memref<25x1x8x128xi32, #tpu.memory_space<vmem>>, vector<16xi32>,
      %get3A_952 = arith.constant 0 : i32
      %get3A_953 = arith.constant 5 : i32
      %get3A_954 = arith.index_cast %scan3A_154 : i32 to index
      %get3A_955 = arith.index_cast %get3A_952 : i32 to index
      %get3A_956 = arith.index_cast %get3A_953 : i32 to index
      %get3A_957 = arith.constant 112 : index
      %get3A_958 = tpu.vector_load %arg6[%get3A_954, %get3A_955, %get3A_956, %get3A_957] {strides = array<i32>} : memref<25x1x8x128xi32, #tpu.memory_space<vmem>>, vector<16xi32>,
      %mul3A_959 = arith.constant 2 : i32
      %mul3A_960 = vector.broadcast %mul3A_959 : i32 to vector<16xi32>
      %mul3A_961 = arith.muli %get3A_958, %mul3A_960 : vector<16xi32>
      %swap3A_962 = arith.constant 0 : i32
      %swap3A_963 = arith.constant 5 : i32
      %swap3A_964 = arith.index_cast %scan3A_154 : i32 to index
      %swap3A_965 = arith.index_cast %swap3A_962 : i32 to index
      %swap3A_966 = arith.index_cast %swap3A_963 : i32 to index
      %swap3A_967 = arith.constant 112 : index
      %swap3A_968 = tpu.vector_load %arg6[%swap3A_964, %swap3A_965, %swap3A_966, %swap3A_967] {strides = array<i32>} : memref<25x1x8x128xi32, #tpu.memory_space<vmem>>, vector<16xi32>,
      tpu.vector_store %arg6[%swap3A_964, %swap3A_965, %swap3A_966, %swap3A_967], %mul3A_961 {strides = array<i32>} : memref<25x1x8x128xi32, #tpu.memory_space<vmem>>, vector<16xi32>,
      %get3A_969 = arith.constant 0 : i32
      %get3A_970 = arith.constant 6 : i32
      %get3A_971 = arith.index_cast %scan3A_154 : i32 to index
      %get3A_972 = arith.index_cast %get3A_969 : i32 to index
      %get3A_973 = arith.index_cast %get3A_970 : i32 to index
      %get3A_974 = arith.constant 0 : index
      %get3A_975 = tpu.vector_load %arg6[%get3A_971, %get3A_972, %get3A_973, %get3A_974] {strides = array<i32>} : memref<25x1x8x128xi32, #tpu.memory_space<vmem>>, vector<16xi32>,
      %mul3A_976 = arith.constant 2 : i32
      %mul3A_977 = vector.broadcast %mul3A_976 : i32 to vector<16xi32>
      %mul3A_978 = arith.muli %get3A_975, %mul3A_977 : vector<16xi32>
      %swap3A_979 = arith.constant 0 : i32
      %swap3A_980 = arith.constant 6 : i32
      %swap3A_981 = arith.index_cast %scan3A_154 : i32 to index
      %swap3A_982 = arith.index_cast %swap3A_979 : i32 to index
      %swap3A_983 = arith.index_cast %swap3A_980 : i32 to index
      %swap3A_984 = arith.constant 0 : index
      %swap3A_985 = tpu.vector_load %arg6[%swap3A_981, %swap3A_982, %swap3A_983, %swap3A_984] {strides = array<i32>} : memref<25x1x8x128xi32, #tpu.memory_space<vmem>>, vector<16xi32>,
      tpu.vector_store %arg6[%swap3A_981, %swap3A_982, %swap3A_983, %swap3A_984], %mul3A_978 {strides = array<i32>} : memref<25x1x8x128xi32, #tpu.memory_space<vmem>>, vector<16xi32>,
      %get3A_986 = arith.constant 0 : i32
      %get3A_987 = arith.constant 6 : i32
      %get3A_988 = arith.index_cast %scan3A_154 : i32 to index
      %get3A_989 = arith.index_cast %get3A_986 : i32 to index
      %get3A_990 = arith.index_cast %get3A_987 : i32 to index
      %get3A_991 = arith.constant 16 : index
      %get3A_992 = tpu.vector_load %arg6[%get3A_988, %get3A_989, %get3A_990, %get3A_991] {strides = array<i32>} : memref<25x1x8x128xi32, #tpu.memory_space<vmem>>, vector<16xi32>,
      %mul3A_993 = arith.constant 2 : i32
      %mul3A_994 = vector.broadcast %mul3A_993 : i32 to vector<16xi32>
      %mul3A_995 = arith.muli %get3A_992, %mul3A_994 : vector<16xi32>
      %swap3A_996 = arith.constant 0 : i32
      %swap3A_997 = arith.constant 6 : i32
      %swap3A_998 = arith.index_cast %scan3A_154 : i32 to index
      %swap3A_999 = arith.index_cast %swap3A_996 : i32 to index
      %swap3A_1000 = arith.index_cast %swap3A_997 : i32 to index
      %swap3A_1001 = arith.constant 16 : index
      %swap3A_1002 = tpu.vector_load %arg6[%swap3A_998, %swap3A_999, %swap3A_1000, %swap3A_1001] {strides = array<i32>} : memref<25x1x8x128xi32, #tpu.memory_space<vmem>>, vector<16xi32>,
      tpu.vector_store %arg6[%swap3A_998, %swap3A_999, %swap3A_1000, %swap3A_1001], %mul3A_995 {strides = array<i32>} : memref<25x1x8x128xi32, #tpu.memory_space<vmem>>, vector<16xi32>,
      %get3A_1003 = arith.constant 0 : i32
      %get3A_1004 = arith.constant 6 : i32
      %get3A_1005 = arith.index_cast %scan3A_154 : i32 to index
      %get3A_1006 = arith.index_cast %get3A_1003 : i32 to index
      %get3A_1007 = arith.index_cast %get3A_1004 : i32 to index
      %get3A_1008 = arith.constant 32 : index
      %get3A_1009 = tpu.vector_load %arg6[%get3A_1005, %get3A_1006, %get3A_1007, %get3A_1008] {strides = array<i32>} : memref<25x1x8x128xi32, #tpu.memory_space<vmem>>, vector<16xi32>,
      %mul3A_1010 = arith.constant 2 : i32
      %mul3A_1011 = vector.broadcast %mul3A_1010 : i32 to vector<16xi32>
      %mul3A_1012 = arith.muli %get3A_1009, %mul3A_1011 : vector<16xi32>
      %swap3A_1013 = arith.constant 0 : i32
      %swap3A_1014 = arith.constant 6 : i32
      %swap3A_1015 = arith.index_cast %scan3A_154 : i32 to index
      %swap3A_1016 = arith.index_cast %swap3A_1013 : i32 to index
      %swap3A_1017 = arith.index_cast %swap3A_1014 : i32 to index
      %swap3A_1018 = arith.constant 32 : index
      %swap3A_1019 = tpu.vector_load %arg6[%swap3A_1015, %swap3A_1016, %swap3A_1017, %swap3A_1018] {strides = array<i32>} : memref<25x1x8x128xi32, #tpu.memory_space<vmem>>, vector<16xi32>,
      tpu.vector_store %arg6[%swap3A_1015, %swap3A_1016, %swap3A_1017, %swap3A_1018], %mul3A_1012 {strides = array<i32>} : memref<25x1x8x128xi32, #tpu.memory_space<vmem>>, vector<16xi32>,
      %get3A_1020 = arith.constant 0 : i32
      %get3A_1021 = arith.constant 6 : i32
      %get3A_1022 = arith.index_cast %scan3A_154 : i32 to index
      %get3A_1023 = arith.index_cast %get3A_1020 : i32 to index
      %get3A_1024 = arith.index_cast %get3A_1021 : i32 to index
      %get3A_1025 = arith.constant 48 : index
      %get3A_1026 = tpu.vector_load %arg6[%get3A_1022, %get3A_1023, %get3A_1024, %get3A_1025] {strides = array<i32>} : memref<25x1x8x128xi32, #tpu.memory_space<vmem>>, vector<16xi32>,
      %mul3A_1027 = arith.constant 2 : i32
      %mul3A_1028 = vector.broadcast %mul3A_1027 : i32 to vector<16xi32>
      %mul3A_1029 = arith.muli %get3A_1026, %mul3A_1028 : vector<16xi32>
      %swap3A_1030 = arith.constant 0 : i32
      %swap3A_1031 = arith.constant 6 : i32
      %swap3A_1032 = arith.index_cast %scan3A_154 : i32 to index
      %swap3A_1033 = arith.index_cast %swap3A_1030 : i32 to index
      %swap3A_1034 = arith.index_cast %swap3A_1031 : i32 to index
      %swap3A_1035 = arith.constant 48 : index
      %swap3A_1036 = tpu.vector_load %arg6[%swap3A_1032, %swap3A_1033, %swap3A_1034, %swap3A_1035] {strides = array<i32>} : memref<25x1x8x128xi32, #tpu.memory_space<vmem>>, vector<16xi32>,
      tpu.vector_store %arg6[%swap3A_1032, %swap3A_1033, %swap3A_1034, %swap3A_1035], %mul3A_1029 {strides = array<i32>} : memref<25x1x8x128xi32, #tpu.memory_space<vmem>>, vector<16xi32>,
      %get3A_1037 = arith.constant 0 : i32
      %get3A_1038 = arith.constant 6 : i32
      %get3A_1039 = arith.index_cast %scan3A_154 : i32 to index
      %get3A_1040 = arith.index_cast %get3A_1037 : i32 to index
      %get3A_1041 = arith.index_cast %get3A_1038 : i32 to index
      %get3A_1042 = arith.constant 64 : index
      %get3A_1043 = tpu.vector_load %arg6[%get3A_1039, %get3A_1040, %get3A_1041, %get3A_1042] {strides = array<i32>} : memref<25x1x8x128xi32, #tpu.memory_space<vmem>>, vector<16xi32>,
      %mul3A_1044 = arith.constant 2 : i32
      %mul3A_1045 = vector.broadcast %mul3A_1044 : i32 to vector<16xi32>
      %mul3A_1046 = arith.muli %get3A_1043, %mul3A_1045 : vector<16xi32>
      %swap3A_1047 = arith.constant 0 : i32
      %swap3A_1048 = arith.constant 6 : i32
      %swap3A_1049 = arith.index_cast %scan3A_154 : i32 to index
      %swap3A_1050 = arith.index_cast %swap3A_1047 : i32 to index
      %swap3A_1051 = arith.index_cast %swap3A_1048 : i32 to index
      %swap3A_1052 = arith.constant 64 : index
      %swap3A_1053 = tpu.vector_load %arg6[%swap3A_1049, %swap3A_1050, %swap3A_1051, %swap3A_1052] {strides = array<i32>} : memref<25x1x8x128xi32, #tpu.memory_space<vmem>>, vector<16xi32>,
      tpu.vector_store %arg6[%swap3A_1049, %swap3A_1050, %swap3A_1051, %swap3A_1052], %mul3A_1046 {strides = array<i32>} : memref<25x1x8x128xi32, #tpu.memory_space<vmem>>, vector<16xi32>,
      %get3A_1054 = arith.constant 0 : i32
      %get3A_1055 = arith.constant 6 : i32
      %get3A_1056 = arith.index_cast %scan3A_154 : i32 to index
      %get3A_1057 = arith.index_cast %get3A_1054 : i32 to index
      %get3A_1058 = arith.index_cast %get3A_1055 : i32 to index
      %get3A_1059 = arith.constant 80 : index
      %get3A_1060 = tpu.vector_load %arg6[%get3A_1056, %get3A_1057, %get3A_1058, %get3A_1059] {strides = array<i32>} : memref<25x1x8x128xi32, #tpu.memory_space<vmem>>, vector<16xi32>,
      %mul3A_1061 = arith.constant 2 : i32
      %mul3A_1062 = vector.broadcast %mul3A_1061 : i32 to vector<16xi32>
      %mul3A_1063 = arith.muli %get3A_1060, %mul3A_1062 : vector<16xi32>
      %swap3A_1064 = arith.constant 0 : i32
      %swap3A_1065 = arith.constant 6 : i32
      %swap3A_1066 = arith.index_cast %scan3A_154 : i32 to index
      %swap3A_1067 = arith.index_cast %swap3A_1064 : i32 to index
      %swap3A_1068 = arith.index_cast %swap3A_1065 : i32 to index
      %swap3A_1069 = arith.constant 80 : index
      %swap3A_1070 = tpu.vector_load %arg6[%swap3A_1066, %swap3A_1067, %swap3A_1068, %swap3A_1069] {strides = array<i32>} : memref<25x1x8x128xi32, #tpu.memory_space<vmem>>, vector<16xi32>,
      tpu.vector_store %arg6[%swap3A_1066, %swap3A_1067, %swap3A_1068, %swap3A_1069], %mul3A_1063 {strides = array<i32>} : memref<25x1x8x128xi32, #tpu.memory_space<vmem>>, vector<16xi32>,
      %get3A_1071 = arith.constant 0 : i32
      %get3A_1072 = arith.constant 6 : i32
      %get3A_1073 = arith.index_cast %scan3A_154 : i32 to index
      %get3A_1074 = arith.index_cast %get3A_1071 : i32 to index
      %get3A_1075 = arith.index_cast %get3A_1072 : i32 to index
      %get3A_1076 = arith.constant 96 : index
      %get3A_1077 = tpu.vector_load %arg6[%get3A_1073, %get3A_1074, %get3A_1075, %get3A_1076] {strides = array<i32>} : memref<25x1x8x128xi32, #tpu.memory_space<vmem>>, vector<16xi32>,
      %mul3A_1078 = arith.constant 2 : i32
      %mul3A_1079 = vector.broadcast %mul3A_1078 : i32 to vector<16xi32>
      %mul3A_1080 = arith.muli %get3A_1077, %mul3A_1079 : vector<16xi32>
      %swap3A_1081 = arith.constant 0 : i32
      %swap3A_1082 = arith.constant 6 : i32
      %swap3A_1083 = arith.index_cast %scan3A_154 : i32 to index
      %swap3A_1084 = arith.index_cast %swap3A_1081 : i32 to index
      %swap3A_1085 = arith.index_cast %swap3A_1082 : i32 to index
      %swap3A_1086 = arith.constant 96 : index
      %swap3A_1087 = tpu.vector_load %arg6[%swap3A_1083, %swap3A_1084, %swap3A_1085, %swap3A_1086] {strides = array<i32>} : memref<25x1x8x128xi32, #tpu.memory_space<vmem>>, vector<16xi32>,
      tpu.vector_store %arg6[%swap3A_1083, %swap3A_1084, %swap3A_1085, %swap3A_1086], %mul3A_1080 {strides = array<i32>} : memref<25x1x8x128xi32, #tpu.memory_space<vmem>>, vector<16xi32>,
      %get3A_1088 = arith.constant 0 : i32
      %get3A_1089 = arith.constant 6 : i32
      %get3A_1090 = arith.index_cast %scan3A_154 : i32 to index
      %get3A_1091 = arith.index_cast %get3A_1088 : i32 to index
      %get3A_1092 = arith.index_cast %get3A_1089 : i32 to index
      %get3A_1093 = arith.constant 112 : index
      %get3A_1094 = tpu.vector_load %arg6[%get3A_1090, %get3A_1091, %get3A_1092, %get3A_1093] {strides = array<i32>} : memref<25x1x8x128xi32, #tpu.memory_space<vmem>>, vector<16xi32>,
      %mul3A_1095 = arith.constant 2 : i32
      %mul3A_1096 = vector.broadcast %mul3A_1095 : i32 to vector<16xi32>
      %mul3A_1097 = arith.muli %get3A_1094, %mul3A_1096 : vector<16xi32>
      %swap3A_1098 = arith.constant 0 : i32
      %swap3A_1099 = arith.constant 6 : i32
      %swap3A_1100 = arith.index_cast %scan3A_154 : i32 to index
      %swap3A_1101 = arith.index_cast %swap3A_1098 : i32 to index
      %swap3A_1102 = arith.index_cast %swap3A_1099 : i32 to index
      %swap3A_1103 = arith.constant 112 : index
      %swap3A_1104 = tpu.vector_load %arg6[%swap3A_1100, %swap3A_1101, %swap3A_1102, %swap3A_1103] {strides = array<i32>} : memref<25x1x8x128xi32, #tpu.memory_space<vmem>>, vector<16xi32>,
      tpu.vector_store %arg6[%swap3A_1100, %swap3A_1101, %swap3A_1102, %swap3A_1103], %mul3A_1097 {strides = array<i32>} : memref<25x1x8x128xi32, #tpu.memory_space<vmem>>, vector<16xi32>,
      %get3A_1105 = arith.constant 0 : i32
      %get3A_1106 = arith.constant 7 : i32
      %get3A_1107 = arith.index_cast %scan3A_154 : i32 to index
      %get3A_1108 = arith.index_cast %get3A_1105 : i32 to index
      %get3A_1109 = arith.index_cast %get3A_1106 : i32 to index
      %get3A_1110 = arith.constant 0 : index
      %get3A_1111 = tpu.vector_load %arg6[%get3A_1107, %get3A_1108, %get3A_1109, %get3A_1110] {strides = array<i32>} : memref<25x1x8x128xi32, #tpu.memory_space<vmem>>, vector<16xi32>,
      %mul3A_1112 = arith.constant 2 : i32
      %mul3A_1113 = vector.broadcast %mul3A_1112 : i32 to vector<16xi32>
      %mul3A_1114 = arith.muli %get3A_1111, %mul3A_1113 : vector<16xi32>
      %swap3A_1115 = arith.constant 0 : i32
      %swap3A_1116 = arith.constant 7 : i32
      %swap3A_1117 = arith.index_cast %scan3A_154 : i32 to index
      %swap3A_1118 = arith.index_cast %swap3A_1115 : i32 to index
      %swap3A_1119 = arith.index_cast %swap3A_1116 : i32 to index
      %swap3A_1120 = arith.constant 0 : index
      %swap3A_1121 = tpu.vector_load %arg6[%swap3A_1117, %swap3A_1118, %swap3A_1119, %swap3A_1120] {strides = array<i32>} : memref<25x1x8x128xi32, #tpu.memory_space<vmem>>, vector<16xi32>,
      tpu.vector_store %arg6[%swap3A_1117, %swap3A_1118, %swap3A_1119, %swap3A_1120], %mul3A_1114 {strides = array<i32>} : memref<25x1x8x128xi32, #tpu.memory_space<vmem>>, vector<16xi32>,
      %get3A_1122 = arith.constant 0 : i32
      %get3A_1123 = arith.constant 7 : i32
      %get3A_1124 = arith.index_cast %scan3A_154 : i32 to index
      %get3A_1125 = arith.index_cast %get3A_1122 : i32 to index
      %get3A_1126 = arith.index_cast %get3A_1123 : i32 to index
      %get3A_1127 = arith.constant 16 : index
      %get3A_1128 = tpu.vector_load %arg6[%get3A_1124, %get3A_1125, %get3A_1126, %get3A_1127] {strides = array<i32>} : memref<25x1x8x128xi32, #tpu.memory_space<vmem>>, vector<16xi32>,
      %mul3A_1129 = arith.constant 2 : i32
      %mul3A_1130 = vector.broadcast %mul3A_1129 : i32 to vector<16xi32>
      %mul3A_1131 = arith.muli %get3A_1128, %mul3A_1130 : vector<16xi32>
      %swap3A_1132 = arith.constant 0 : i32
      %swap3A_1133 = arith.constant 7 : i32
      %swap3A_1134 = arith.index_cast %scan3A_154 : i32 to index
      %swap3A_1135 = arith.index_cast %swap3A_1132 : i32 to index
      %swap3A_1136 = arith.index_cast %swap3A_1133 : i32 to index
      %swap3A_1137 = arith.constant 16 : index
      %swap3A_1138 = tpu.vector_load %arg6[%swap3A_1134, %swap3A_1135, %swap3A_1136, %swap3A_1137] {strides = array<i32>} : memref<25x1x8x128xi32, #tpu.memory_space<vmem>>, vector<16xi32>,
      tpu.vector_store %arg6[%swap3A_1134, %swap3A_1135, %swap3A_1136, %swap3A_1137], %mul3A_1131 {strides = array<i32>} : memref<25x1x8x128xi32, #tpu.memory_space<vmem>>, vector<16xi32>,
      %get3A_1139 = arith.constant 0 : i32
      %get3A_1140 = arith.constant 7 : i32
      %get3A_1141 = arith.index_cast %scan3A_154 : i32 to index
      %get3A_1142 = arith.index_cast %get3A_1139 : i32 to index
      %get3A_1143 = arith.index_cast %get3A_1140 : i32 to index
      %get3A_1144 = arith.constant 32 : index
      %get3A_1145 = tpu.vector_load %arg6[%get3A_1141, %get3A_1142, %get3A_1143, %get3A_1144] {strides = array<i32>} : memref<25x1x8x128xi32, #tpu.memory_space<vmem>>, vector<16xi32>,
      %mul3A_1146 = arith.constant 2 : i32
      %mul3A_1147 = vector.broadcast %mul3A_1146 : i32 to vector<16xi32>
      %mul3A_1148 = arith.muli %get3A_1145, %mul3A_1147 : vector<16xi32>
      %swap3A_1149 = arith.constant 0 : i32
      %swap3A_1150 = arith.constant 7 : i32
      %swap3A_1151 = arith.index_cast %scan3A_154 : i32 to index
      %swap3A_1152 = arith.index_cast %swap3A_1149 : i32 to index
      %swap3A_1153 = arith.index_cast %swap3A_1150 : i32 to index
      %swap3A_1154 = arith.constant 32 : index
      %swap3A_1155 = tpu.vector_load %arg6[%swap3A_1151, %swap3A_1152, %swap3A_1153, %swap3A_1154] {strides = array<i32>} : memref<25x1x8x128xi32, #tpu.memory_space<vmem>>, vector<16xi32>,
      tpu.vector_store %arg6[%swap3A_1151, %swap3A_1152, %swap3A_1153, %swap3A_1154], %mul3A_1148 {strides = array<i32>} : memref<25x1x8x128xi32, #tpu.memory_space<vmem>>, vector<16xi32>,
      %get3A_1156 = arith.constant 0 : i32
      %get3A_1157 = arith.constant 7 : i32
      %get3A_1158 = arith.index_cast %scan3A_154 : i32 to index
      %get3A_1159 = arith.index_cast %get3A_1156 : i32 to index
      %get3A_1160 = arith.index_cast %get3A_1157 : i32 to index
      %get3A_1161 = arith.constant 48 : index
      %get3A_1162 = tpu.vector_load %arg6[%get3A_1158, %get3A_1159, %get3A_1160, %get3A_1161] {strides = array<i32>} : memref<25x1x8x128xi32, #tpu.memory_space<vmem>>, vector<16xi32>,
      %mul3A_1163 = arith.constant 2 : i32
      %mul3A_1164 = vector.broadcast %mul3A_1163 : i32 to vector<16xi32>
      %mul3A_1165 = arith.muli %get3A_1162, %mul3A_1164 : vector<16xi32>
      %swap3A_1166 = arith.constant 0 : i32
      %swap3A_1167 = arith.constant 7 : i32
      %swap3A_1168 = arith.index_cast %scan3A_154 : i32 to index
      %swap3A_1169 = arith.index_cast %swap3A_1166 : i32 to index
      %swap3A_1170 = arith.index_cast %swap3A_1167 : i32 to index
      %swap3A_1171 = arith.constant 48 : index
      %swap3A_1172 = tpu.vector_load %arg6[%swap3A_1168, %swap3A_1169, %swap3A_1170, %swap3A_1171] {strides = array<i32>} : memref<25x1x8x128xi32, #tpu.memory_space<vmem>>, vector<16xi32>,
      tpu.vector_store %arg6[%swap3A_1168, %swap3A_1169, %swap3A_1170, %swap3A_1171], %mul3A_1165 {strides = array<i32>} : memref<25x1x8x128xi32, #tpu.memory_space<vmem>>, vector<16xi32>,
      %get3A_1173 = arith.constant 0 : i32
      %get3A_1174 = arith.constant 7 : i32
      %get3A_1175 = arith.index_cast %scan3A_154 : i32 to index
      %get3A_1176 = arith.index_cast %get3A_1173 : i32 to index
      %get3A_1177 = arith.index_cast %get3A_1174 : i32 to index
      %get3A_1178 = arith.constant 64 : index
      %get3A_1179 = tpu.vector_load %arg6[%get3A_1175, %get3A_1176, %get3A_1177, %get3A_1178] {strides = array<i32>} : memref<25x1x8x128xi32, #tpu.memory_space<vmem>>, vector<16xi32>,
      %mul3A_1180 = arith.constant 2 : i32
      %mul3A_1181 = vector.broadcast %mul3A_1180 : i32 to vector<16xi32>
      %mul3A_1182 = arith.muli %get3A_1179, %mul3A_1181 : vector<16xi32>
      %swap3A_1183 = arith.constant 0 : i32
      %swap3A_1184 = arith.constant 7 : i32
      %swap3A_1185 = arith.index_cast %scan3A_154 : i32 to index
      %swap3A_1186 = arith.index_cast %swap3A_1183 : i32 to index
      %swap3A_1187 = arith.index_cast %swap3A_1184 : i32 to index
      %swap3A_1188 = arith.constant 64 : index
      %swap3A_1189 = tpu.vector_load %arg6[%swap3A_1185, %swap3A_1186, %swap3A_1187, %swap3A_1188] {strides = array<i32>} : memref<25x1x8x128xi32, #tpu.memory_space<vmem>>, vector<16xi32>,
      tpu.vector_store %arg6[%swap3A_1185, %swap3A_1186, %swap3A_1187, %swap3A_1188], %mul3A_1182 {strides = array<i32>} : memref<25x1x8x128xi32, #tpu.memory_space<vmem>>, vector<16xi32>,
      %get3A_1190 = arith.constant 0 : i32
      %get3A_1191 = arith.constant 7 : i32
      %get3A_1192 = arith.index_cast %scan3A_154 : i32 to index
      %get3A_1193 = arith.index_cast %get3A_1190 : i32 to index
      %get3A_1194 = arith.index_cast %get3A_1191 : i32 to index
      %get3A_1195 = arith.constant 80 : index
      %get3A_1196 = tpu.vector_load %arg6[%get3A_1192, %get3A_1193, %get3A_1194, %get3A_1195] {strides = array<i32>} : memref<25x1x8x128xi32, #tpu.memory_space<vmem>>, vector<16xi32>,
      %mul3A_1197 = arith.constant 2 : i32
      %mul3A_1198 = vector.broadcast %mul3A_1197 : i32 to vector<16xi32>
      %mul3A_1199 = arith.muli %get3A_1196, %mul3A_1198 : vector<16xi32>
      %swap3A_1200 = arith.constant 0 : i32
      %swap3A_1201 = arith.constant 7 : i32
      %swap3A_1202 = arith.index_cast %scan3A_154 : i32 to index
      %swap3A_1203 = arith.index_cast %swap3A_1200 : i32 to index
      %swap3A_1204 = arith.index_cast %swap3A_1201 : i32 to index
      %swap3A_1205 = arith.constant 80 : index
      %swap3A_1206 = tpu.vector_load %arg6[%swap3A_1202, %swap3A_1203, %swap3A_1204, %swap3A_1205] {strides = array<i32>} : memref<25x1x8x128xi32, #tpu.memory_space<vmem>>, vector<16xi32>,
      tpu.vector_store %arg6[%swap3A_1202, %swap3A_1203, %swap3A_1204, %swap3A_1205], %mul3A_1199 {strides = array<i32>} : memref<25x1x8x128xi32, #tpu.memory_space<vmem>>, vector<16xi32>,
      %get3A_1207 = arith.constant 0 : i32
      %get3A_1208 = arith.constant 7 : i32
      %get3A_1209 = arith.index_cast %scan3A_154 : i32 to index
      %get3A_1210 = arith.index_cast %get3A_1207 : i32 to index
      %get3A_1211 = arith.index_cast %get3A_1208 : i32 to index
      %get3A_1212 = arith.constant 96 : index
      %get3A_1213 = tpu.vector_load %arg6[%get3A_1209, %get3A_1210, %get3A_1211, %get3A_1212] {strides = array<i32>} : memref<25x1x8x128xi32, #tpu.memory_space<vmem>>, vector<16xi32>,
      %mul3A_1214 = arith.constant 2 : i32
      %mul3A_1215 = vector.broadcast %mul3A_1214 : i32 to vector<16xi32>
      %mul3A_1216 = arith.muli %get3A_1213, %mul3A_1215 : vector<16xi32>
      %swap3A_1217 = arith.constant 0 : i32
      %swap3A_1218 = arith.constant 7 : i32
      %swap3A_1219 = arith.index_cast %scan3A_154 : i32 to index
      %swap3A_1220 = arith.index_cast %swap3A_1217 : i32 to index
      %swap3A_1221 = arith.index_cast %swap3A_1218 : i32 to index
      %swap3A_1222 = arith.constant 96 : index
      %swap3A_1223 = tpu.vector_load %arg6[%swap3A_1219, %swap3A_1220, %swap3A_1221, %swap3A_1222] {strides = array<i32>} : memref<25x1x8x128xi32, #tpu.memory_space<vmem>>, vector<16xi32>,
      tpu.vector_store %arg6[%swap3A_1219, %swap3A_1220, %swap3A_1221, %swap3A_1222], %mul3A_1216 {strides = array<i32>} : memref<25x1x8x128xi32, #tpu.memory_space<vmem>>, vector<16xi32>,
      %get3A_1224 = arith.constant 0 : i32
      %get3A_1225 = arith.constant 7 : i32
      %get3A_1226 = arith.index_cast %scan3A_154 : i32 to index
      %get3A_1227 = arith.index_cast %get3A_1224 : i32 to index
      %get3A_1228 = arith.index_cast %get3A_1225 : i32 to index
      %get3A_1229 = arith.constant 112 : index
      %get3A_1230 = tpu.vector_load %arg6[%get3A_1226, %get3A_1227, %get3A_1228, %get3A_1229] {strides = array<i32>} : memref<25x1x8x128xi32, #tpu.memory_space<vmem>>, vector<16xi32>,
      %mul3A_1231 = arith.constant 2 : i32
      %mul3A_1232 = vector.broadcast %mul3A_1231 : i32 to vector<16xi32>
      %mul3A_1233 = arith.muli %get3A_1230, %mul3A_1232 : vector<16xi32>
      %swap3A_1234 = arith.constant 0 : i32
      %swap3A_1235 = arith.constant 7 : i32
      %swap3A_1236 = arith.index_cast %scan3A_154 : i32 to index
      %swap3A_1237 = arith.index_cast %swap3A_1234 : i32 to index
      %swap3A_1238 = arith.index_cast %swap3A_1235 : i32 to index
      %swap3A_1239 = arith.constant 112 : index
      %swap3A_1240 = tpu.vector_load %arg6[%swap3A_1236, %swap3A_1237, %swap3A_1238, %swap3A_1239] {strides = array<i32>} : memref<25x1x8x128xi32, #tpu.memory_space<vmem>>, vector<16xi32>,
      tpu.vector_store %arg6[%swap3A_1236, %swap3A_1237, %swap3A_1238, %swap3A_1239], %mul3A_1233 {strides = array<i32>} : memref<25x1x8x128xi32, #tpu.memory_space<vmem>>, vector<16xi32>,
    }
    %scan3A_5 = arith.constant 25 : i32
    %iota3A = tpu.iota {dimensions = array<i32: 0>} : vector<16xi32>
    %add3A_6 = arith.constant 0 : i32
    %add3A_7 = vector.broadcast %add3A_6 : i32 to vector<16xi32>
    %add3A_8 = arith.addi %iota3A, %add3A_7 : vector<16xi32>
    %shift_right_arithmetic3A = arith.constant 3 : i32
    %shift_right_arithmetic3A_9 = vector.broadcast %shift_right_arithmetic3A : i32 to vector<16xi32>
    %shift_right_arithmetic3A_10 = arith.shrsi %add3A_8, %shift_right_arithmetic3A_9 : vector<16xi32>
    %add3A_11 = arith.constant 16 : i32
    %add3A_12 = vector.broadcast %add3A_11 : i32 to vector<16xi32>
    %add3A_13 = arith.addi %iota3A, %add3A_12 : vector<16xi32>
    %shift_right_arithmetic3A_14 = arith.constant 3 : i32
    %shift_right_arithmetic3A_15 = vector.broadcast %shift_right_arithmetic3A_14 : i32 to vector<16xi32>
    %shift_right_arithmetic3A_16 = arith.shrsi %add3A_13, %shift_right_arithmetic3A_15 : vector<16xi32>
    %add3A_17 = arith.constant 32 : i32
    %add3A_18 = vector.broadcast %add3A_17 : i32 to vector<16xi32>
    %add3A_19 = arith.addi %iota3A, %add3A_18 : vector<16xi32>
    %shift_right_arithmetic3A_20 = arith.constant 3 : i32
    %shift_right_arithmetic3A_21 = vector.broadcast %shift_right_arithmetic3A_20 : i32 to vector<16xi32>
    %shift_right_arithmetic3A_22 = arith.shrsi %add3A_19, %shift_right_arithmetic3A_21 : vector<16xi32>
    %add3A_23 = arith.constant 48 : i32
    %add3A_24 = vector.broadcast %add3A_23 : i32 to vector<16xi32>
    %add3A_25 = arith.addi %iota3A, %add3A_24 : vector<16xi32>
    %shift_right_arithmetic3A_26 = arith.constant 3 : i32
    %shift_right_arithmetic3A_27 = vector.broadcast %shift_right_arithmetic3A_26 : i32 to vector<16xi32>
    %shift_right_arithmetic3A_28 = arith.shrsi %add3A_25, %shift_right_arithmetic3A_27 : vector<16xi32>
    %add3A_29 = arith.constant 0 : i32
    %add3A_30 = vector.broadcast %add3A_29 : i32 to vector<16xi32>
    %add3A_31 = arith.addi %iota3A, %add3A_30 : vector<16xi32>
    %and3A = arith.constant 7 : i32
    %and3A_32 = vector.broadcast %and3A : i32 to vector<16xi32>
    %and3A_33 = arith.andi %add3A_31, %and3A_32 : vector<16xi32>
    %add3A_34 = arith.constant 16 : i32
    %add3A_35 = vector.broadcast %add3A_34 : i32 to vector<16xi32>
    %add3A_36 = arith.addi %iota3A, %add3A_35 : vector<16xi32>
    %and3A_37 = arith.constant 7 : i32
    %and3A_38 = vector.broadcast %and3A_37 : i32 to vector<16xi32>
    %and3A_39 = arith.andi %add3A_36, %and3A_38 : vector<16xi32>
    %add3A_40 = arith.constant 32 : i32
    %add3A_41 = vector.broadcast %add3A_40 : i32 to vector<16xi32>
    %add3A_42 = arith.addi %iota3A, %add3A_41 : vector<16xi32>
    %and3A_43 = arith.constant 7 : i32
    %and3A_44 = vector.broadcast %and3A_43 : i32 to vector<16xi32>
    %and3A_45 = arith.andi %add3A_42, %and3A_44 : vector<16xi32>
    %add3A_46 = arith.constant 48 : i32
    %add3A_47 = vector.broadcast %add3A_46 : i32 to vector<16xi32>
    %add3A_48 = arith.addi %iota3A, %add3A_47 : vector<16xi32>
    %and3A_49 = arith.constant 7 : i32
    %and3A_50 = vector.broadcast %and3A_49 : i32 to vector<16xi32>
    %and3A_51 = arith.andi %add3A_48, %and3A_50 : vector<16xi32>
    %broadcast_in_dim3A = arith.constant 0 : i32
    %broadcast_in_dim3A_52 = vector.broadcast %broadcast_in_dim3A : i32 to vector<16xi32>
    %rem3A = arith.constant 0 : i32
    %rem3A_53 = arith.constant 8 : i32
    %rem3A_54 = arith.remsi %rem3A, %rem3A_53 : i32
    %dma_start3A = arith.constant 0 : i32
    %dma_start3A_55 = arith.constant 0 : i32
    %dma_start3A_56 = arith.constant 0 : i32
    %dma_start3A_57 = arith.constant 0 : i32
    %dma_start3A_58 = tpu.memref_slice %arg7[%dma_start3A_56, %dma_start3A_57] : memref<128x64xf32, #tpu.memory_space<vmem>> -> memref<32x64xf32, #tpu.memory_space<vmem>>
    %dma_start3A_59 = arith.constant 0 : i32
    %dma_start3A_60 = tpu.memref_slice %arg6[%dma_start3A, %dma_start3A_55, %rem3A_54, %dma_start3A_59] : memref<25x1x8x128xi32, #tpu.memory_space<vmem>> -> memref<1x1x1x32xi32, #tpu.memory_space<vmem>>
    %dma_start3A_61 = tpu.memref_squeeze %dma_start3A_60 : memref<1x1x1x32xi32, #tpu.memory_space<vmem>> -> memref<32xi32, #tpu.memory_space<vmem>>
    %dma_start3A_62 = arith.constant 0 : i32
    %dma_start3A_63 = arith.constant 0 : i32
    %dma_start3A_64 = tpu.memref_slice %arg3[%dma_start3A_62, %dma_start3A_63] : memref<2000000x64xf32, #tpu.memory_space<hbm>> -> memref<2000000x64xf32, #tpu.memory_space<hbm>>
    tpu.enqueue_indirect_dma source(%dma_start3A_64 : memref<2000000x64xf32, #tpu.memory_space<hbm>>) target(%dma_start3A_58 : memref<32x64xf32, #tpu.memory_space<vmem>>) offsets(%dma_start3A_61 : memref<32xi32, #tpu.memory_space<vmem>>) semaphore(%arg12 : memref<!tpu.dma_semaphore, #tpu.memory_space<semaphore_mem>>)
    %rem3A_65 = arith.constant 0 : i32
    %rem3A_66 = arith.constant 8 : i32
    %rem3A_67 = arith.remsi %rem3A_65, %rem3A_66 : i32
    %dma_start3A_68 = arith.constant 0 : i32
    %dma_start3A_69 = arith.constant 0 : i32
    %dma_start3A_70 = arith.constant 32 : i32
    %dma_start3A_71 = arith.constant 0 : i32
    %dma_start3A_72 = tpu.memref_slice %arg7[%dma_start3A_70, %dma_start3A_71] : memref<128x64xf32, #tpu.memory_space<vmem>> -> memref<32x64xf32, #tpu.memory_space<vmem>>
    %dma_start3A_73 = arith.constant 32 : i32
    %dma_start3A_74 = tpu.memref_slice %arg6[%dma_start3A_68, %dma_start3A_69, %rem3A_67, %dma_start3A_73] : memref<25x1x8x128xi32, #tpu.memory_space<vmem>> -> memref<1x1x1x32xi32, #tpu.memory_space<vmem>>
    %dma_start3A_75 = tpu.memref_squeeze %dma_start3A_74 : memref<1x1x1x32xi32, #tpu.memory_space<vmem>> -> memref<32xi32, #tpu.memory_space<vmem>>
    %dma_start3A_76 = arith.constant 0 : i32
    %dma_start3A_77 = arith.constant 0 : i32
    %dma_start3A_78 = tpu.memref_slice %arg3[%dma_start3A_76, %dma_start3A_77] : memref<2000000x64xf32, #tpu.memory_space<hbm>> -> memref<2000000x64xf32, #tpu.memory_space<hbm>>
    tpu.enqueue_indirect_dma source(%dma_start3A_78 : memref<2000000x64xf32, #tpu.memory_space<hbm>>) target(%dma_start3A_72 : memref<32x64xf32, #tpu.memory_space<vmem>>) offsets(%dma_start3A_75 : memref<32xi32, #tpu.memory_space<vmem>>) semaphore(%arg12 : memref<!tpu.dma_semaphore, #tpu.memory_space<semaphore_mem>>)
    %rem3A_79 = arith.constant 0 : i32
    %rem3A_80 = arith.constant 8 : i32
    %rem3A_81 = arith.remsi %rem3A_79, %rem3A_80 : i32
    %dma_start3A_82 = arith.constant 0 : i32
    %dma_start3A_83 = arith.constant 0 : i32
    %dma_start3A_84 = arith.constant 64 : i32
    %dma_start3A_85 = arith.constant 0 : i32
    %dma_start3A_86 = tpu.memref_slice %arg7[%dma_start3A_84, %dma_start3A_85] : memref<128x64xf32, #tpu.memory_space<vmem>> -> memref<32x64xf32, #tpu.memory_space<vmem>>
    %dma_start3A_87 = arith.constant 64 : i32
    %dma_start3A_88 = tpu.memref_slice %arg6[%dma_start3A_82, %dma_start3A_83, %rem3A_81, %dma_start3A_87] : memref<25x1x8x128xi32, #tpu.memory_space<vmem>> -> memref<1x1x1x32xi32, #tpu.memory_space<vmem>>
    %dma_start3A_89 = tpu.memref_squeeze %dma_start3A_88 : memref<1x1x1x32xi32, #tpu.memory_space<vmem>> -> memref<32xi32, #tpu.memory_space<vmem>>
    %dma_start3A_90 = arith.constant 0 : i32
    %dma_start3A_91 = arith.constant 0 : i32
    %dma_start3A_92 = tpu.memref_slice %arg3[%dma_start3A_90, %dma_start3A_91] : memref<2000000x64xf32, #tpu.memory_space<hbm>> -> memref<2000000x64xf32, #tpu.memory_space<hbm>>
    tpu.enqueue_indirect_dma source(%dma_start3A_92 : memref<2000000x64xf32, #tpu.memory_space<hbm>>) target(%dma_start3A_86 : memref<32x64xf32, #tpu.memory_space<vmem>>) offsets(%dma_start3A_89 : memref<32xi32, #tpu.memory_space<vmem>>) semaphore(%arg12 : memref<!tpu.dma_semaphore, #tpu.memory_space<semaphore_mem>>)
    %rem3A_93 = arith.constant 0 : i32
    %rem3A_94 = arith.constant 8 : i32
    %rem3A_95 = arith.remsi %rem3A_93, %rem3A_94 : i32
    %dma_start3A_96 = arith.constant 0 : i32
    %dma_start3A_97 = arith.constant 0 : i32
    %dma_start3A_98 = arith.constant 96 : i32
    %dma_start3A_99 = arith.constant 0 : i32
    %dma_start3A_100 = tpu.memref_slice %arg7[%dma_start3A_98, %dma_start3A_99] : memref<128x64xf32, #tpu.memory_space<vmem>> -> memref<32x64xf32, #tpu.memory_space<vmem>>
    %dma_start3A_101 = arith.constant 96 : i32
    %dma_start3A_102 = tpu.memref_slice %arg6[%dma_start3A_96, %dma_start3A_97, %rem3A_95, %dma_start3A_101] : memref<25x1x8x128xi32, #tpu.memory_space<vmem>> -> memref<1x1x1x32xi32, #tpu.memory_space<vmem>>
    %dma_start3A_103 = tpu.memref_squeeze %dma_start3A_102 : memref<1x1x1x32xi32, #tpu.memory_space<vmem>> -> memref<32xi32, #tpu.memory_space<vmem>>
    %dma_start3A_104 = arith.constant 0 : i32
    %dma_start3A_105 = arith.constant 0 : i32
    %dma_start3A_106 = tpu.memref_slice %arg3[%dma_start3A_104, %dma_start3A_105] : memref<2000000x64xf32, #tpu.memory_space<hbm>> -> memref<2000000x64xf32, #tpu.memory_space<hbm>>
    tpu.enqueue_indirect_dma source(%dma_start3A_106 : memref<2000000x64xf32, #tpu.memory_space<hbm>>) target(%dma_start3A_100 : memref<32x64xf32, #tpu.memory_space<vmem>>) offsets(%dma_start3A_103 : memref<32xi32, #tpu.memory_space<vmem>>) semaphore(%arg12 : memref<!tpu.dma_semaphore, #tpu.memory_space<semaphore_mem>>)
    %scan3A_107 = arith.constant 0 : i32
    %scan3A_108 = arith.constant 0 : i32
    %scan3A_109 = arith.constant 100 : i32
    %scan3A_110 = arith.addi %scan3A_108, %scan3A_109 : i32
    %scan3A_111 = arith.constant 1 : i32
    scf.for %scan3A_154 = %scan3A_108 to %scan3A_110 step %scan3A_111  : i32 {
      %mul3A_155 = arith.constant 2 : i32
      %mul3A_156 = arith.muli %mul3A_155, %scan3A_154 : i32
      %add3A_157 = arith.constant 0 : i32
      %add3A_158 = arith.addi %mul3A_156, %add3A_157 : i32
      %add3A_159 = arith.constant 1 : i32
      %add3A_160 = arith.addi %add3A_158, %add3A_159 : i32
      %lt3A = arith.constant 200 : i32
      %lt3A_161 = arith.cmpi slt, %add3A_160, %lt3A : i32
      %convert_element_type3A = arith.extui %lt3A_161 : i1 to i32
      %cond3A = arith.constant 0 : i32
      %cond3A_162 = arith.cmpi ne, %convert_element_type3A, %cond3A : i32
      scf.if %cond3A_162 {
        %add3A_574 = arith.constant 1 : i32
        %add3A_575 = arith.addi %add3A_158, %add3A_574 : i32
        %jit3A_576 = arith.constant 8 : i32
        %div3A_577 = arith.divsi %add3A_575, %jit3A_576 : i32
        %sign3A_578 = arith.constant 0 : i32
        %sign3A_579 = arith.cmpi sgt, %add3A_575, %sign3A_578 : i32
        %sign3A_580 = arith.extui %sign3A_579 : i1 to i32
        %sign3A_581 = arith.constant 0 : i32
        %sign3A_582 = arith.cmpi slt, %add3A_575, %sign3A_581 : i32
        %sign3A_583 = arith.extui %sign3A_582 : i1 to i32
        %sign3A_584 = arith.subi %sign3A_580, %sign3A_583 : i32
        %sign3A_585 = arith.constant 0 : i32
        %sign3A_586 = arith.cmpi sgt, %jit3A_576, %sign3A_585 : i32
        %sign3A_587 = arith.extui %sign3A_586 : i1 to i32
        %sign3A_588 = arith.constant 0 : i32
        %sign3A_589 = arith.cmpi slt, %jit3A_576, %sign3A_588 : i32
        %sign3A_590 = arith.extui %sign3A_589 : i1 to i32
        %sign3A_591 = arith.subi %sign3A_587, %sign3A_590 : i32
        %ne3A_592 = arith.cmpi ne, %sign3A_584, %sign3A_591 : i32
        %rem3A_593 = arith.remsi %add3A_575, %jit3A_576 : i32
        %ne3A_594 = arith.constant 0 : i32
        %ne3A_595 = arith.cmpi ne, %rem3A_593, %ne3A_594 : i32
        %and3A_596 = arith.andi %ne3A_592, %ne3A_595 : i1
        %sub3A_597 = arith.constant 1 : i32
        %sub3A_598 = arith.subi %div3A_577, %sub3A_597 : i32
        %select_n3A_599 = arith.select %and3A_596, %sub3A_598, %div3A_577 : i32
        %rem3A_600 = arith.constant 8 : i32
        %rem3A_601 = arith.remsi %add3A_575, %rem3A_600 : i32
        %dma_start3A_602 = arith.constant 0 : i32
        %dma_start3A_603 = arith.constant 0 : i32
        %dma_start3A_604 = arith.constant 0 : i32
        %dma_start3A_605 = tpu.memref_slice %arg8[%dma_start3A_603, %dma_start3A_604] : memref<128x64xf32, #tpu.memory_space<vmem>> -> memref<32x64xf32, #tpu.memory_space<vmem>>
        %dma_start3A_606 = arith.constant 0 : i32
        %dma_start3A_607 = tpu.memref_slice %arg6[%select_n3A_599, %dma_start3A_602, %rem3A_601, %dma_start3A_606] : memref<25x1x8x128xi32, #tpu.memory_space<vmem>> -> memref<1x1x1x32xi32, #tpu.memory_space<vmem>>
        %dma_start3A_608 = tpu.memref_squeeze %dma_start3A_607 : memref<1x1x1x32xi32, #tpu.memory_space<vmem>> -> memref<32xi32, #tpu.memory_space<vmem>>
        %dma_start3A_609 = arith.constant 0 : i32
        %dma_start3A_610 = arith.constant 0 : i32
        %dma_start3A_611 = tpu.memref_slice %arg3[%dma_start3A_609, %dma_start3A_610] : memref<2000000x64xf32, #tpu.memory_space<hbm>> -> memref<2000000x64xf32, #tpu.memory_space<hbm>>
        tpu.enqueue_indirect_dma source(%dma_start3A_611 : memref<2000000x64xf32, #tpu.memory_space<hbm>>) target(%dma_start3A_605 : memref<32x64xf32, #tpu.memory_space<vmem>>) offsets(%dma_start3A_608 : memref<32xi32, #tpu.memory_space<vmem>>) semaphore(%arg13 : memref<!tpu.dma_semaphore, #tpu.memory_space<semaphore_mem>>)
        %jit3A_612 = arith.constant 8 : i32
        %div3A_613 = arith.divsi %add3A_575, %jit3A_612 : i32
        %sign3A_614 = arith.constant 0 : i32
        %sign3A_615 = arith.cmpi sgt, %add3A_575, %sign3A_614 : i32
        %sign3A_616 = arith.extui %sign3A_615 : i1 to i32
        %sign3A_617 = arith.constant 0 : i32
        %sign3A_618 = arith.cmpi slt, %add3A_575, %sign3A_617 : i32
        %sign3A_619 = arith.extui %sign3A_618 : i1 to i32
        %sign3A_620 = arith.subi %sign3A_616, %sign3A_619 : i32
        %sign3A_621 = arith.constant 0 : i32
        %sign3A_622 = arith.cmpi sgt, %jit3A_612, %sign3A_621 : i32
        %sign3A_623 = arith.extui %sign3A_622 : i1 to i32
        %sign3A_624 = arith.constant 0 : i32
        %sign3A_625 = arith.cmpi slt, %jit3A_612, %sign3A_624 : i32
        %sign3A_626 = arith.extui %sign3A_625 : i1 to i32
        %sign3A_627 = arith.subi %sign3A_623, %sign3A_626 : i32
        %ne3A_628 = arith.cmpi ne, %sign3A_620, %sign3A_627 : i32
        %rem3A_629 = arith.remsi %add3A_575, %jit3A_612 : i32
        %ne3A_630 = arith.constant 0 : i32
        %ne3A_631 = arith.cmpi ne, %rem3A_629, %ne3A_630 : i32
        %and3A_632 = arith.andi %ne3A_628, %ne3A_631 : i1
        %sub3A_633 = arith.constant 1 : i32
        %sub3A_634 = arith.subi %div3A_613, %sub3A_633 : i32
        %select_n3A_635 = arith.select %and3A_632, %sub3A_634, %div3A_613 : i32
        %rem3A_636 = arith.constant 8 : i32
        %rem3A_637 = arith.remsi %add3A_575, %rem3A_636 : i32
        %dma_start3A_638 = arith.constant 0 : i32
        %dma_start3A_639 = arith.constant 32 : i32
        %dma_start3A_640 = arith.constant 0 : i32
        %dma_start3A_641 = tpu.memref_slice %arg8[%dma_start3A_639, %dma_start3A_640] : memref<128x64xf32, #tpu.memory_space<vmem>> -> memref<32x64xf32, #tpu.memory_space<vmem>>
        %dma_start3A_642 = arith.constant 32 : i32
        %dma_start3A_643 = tpu.memref_slice %arg6[%select_n3A_635, %dma_start3A_638, %rem3A_637, %dma_start3A_642] : memref<25x1x8x128xi32, #tpu.memory_space<vmem>> -> memref<1x1x1x32xi32, #tpu.memory_space<vmem>>
        %dma_start3A_644 = tpu.memref_squeeze %dma_start3A_643 : memref<1x1x1x32xi32, #tpu.memory_space<vmem>> -> memref<32xi32, #tpu.memory_space<vmem>>
        %dma_start3A_645 = arith.constant 0 : i32
        %dma_start3A_646 = arith.constant 0 : i32
        %dma_start3A_647 = tpu.memref_slice %arg3[%dma_start3A_645, %dma_start3A_646] : memref<2000000x64xf32, #tpu.memory_space<hbm>> -> memref<2000000x64xf32, #tpu.memory_space<hbm>>
        tpu.enqueue_indirect_dma source(%dma_start3A_647 : memref<2000000x64xf32, #tpu.memory_space<hbm>>) target(%dma_start3A_641 : memref<32x64xf32, #tpu.memory_space<vmem>>) offsets(%dma_start3A_644 : memref<32xi32, #tpu.memory_space<vmem>>) semaphore(%arg13 : memref<!tpu.dma_semaphore, #tpu.memory_space<semaphore_mem>>)
        %jit3A_648 = arith.constant 8 : i32
        %div3A_649 = arith.divsi %add3A_575, %jit3A_648 : i32
        %sign3A_650 = arith.constant 0 : i32
        %sign3A_651 = arith.cmpi sgt, %add3A_575, %sign3A_650 : i32
        %sign3A_652 = arith.extui %sign3A_651 : i1 to i32
        %sign3A_653 = arith.constant 0 : i32
        %sign3A_654 = arith.cmpi slt, %add3A_575, %sign3A_653 : i32
        %sign3A_655 = arith.extui %sign3A_654 : i1 to i32
        %sign3A_656 = arith.subi %sign3A_652, %sign3A_655 : i32
        %sign3A_657 = arith.constant 0 : i32
        %sign3A_658 = arith.cmpi sgt, %jit3A_648, %sign3A_657 : i32
        %sign3A_659 = arith.extui %sign3A_658 : i1 to i32
        %sign3A_660 = arith.constant 0 : i32
        %sign3A_661 = arith.cmpi slt, %jit3A_648, %sign3A_660 : i32
        %sign3A_662 = arith.extui %sign3A_661 : i1 to i32
        %sign3A_663 = arith.subi %sign3A_659, %sign3A_662 : i32
        %ne3A_664 = arith.cmpi ne, %sign3A_656, %sign3A_663 : i32
        %rem3A_665 = arith.remsi %add3A_575, %jit3A_648 : i32
        %ne3A_666 = arith.constant 0 : i32
        %ne3A_667 = arith.cmpi ne, %rem3A_665, %ne3A_666 : i32
        %and3A_668 = arith.andi %ne3A_664, %ne3A_667 : i1
        %sub3A_669 = arith.constant 1 : i32
        %sub3A_670 = arith.subi %div3A_649, %sub3A_669 : i32
        %select_n3A_671 = arith.select %and3A_668, %sub3A_670, %div3A_649 : i32
        %rem3A_672 = arith.constant 8 : i32
        %rem3A_673 = arith.remsi %add3A_575, %rem3A_672 : i32
        %dma_start3A_674 = arith.constant 0 : i32
        %dma_start3A_675 = arith.constant 64 : i32
        %dma_start3A_676 = arith.constant 0 : i32
        %dma_start3A_677 = tpu.memref_slice %arg8[%dma_start3A_675, %dma_start3A_676] : memref<128x64xf32, #tpu.memory_space<vmem>> -> memref<32x64xf32, #tpu.memory_space<vmem>>
        %dma_start3A_678 = arith.constant 64 : i32
        %dma_start3A_679 = tpu.memref_slice %arg6[%select_n3A_671, %dma_start3A_674, %rem3A_673, %dma_start3A_678] : memref<25x1x8x128xi32, #tpu.memory_space<vmem>> -> memref<1x1x1x32xi32, #tpu.memory_space<vmem>>
        %dma_start3A_680 = tpu.memref_squeeze %dma_start3A_679 : memref<1x1x1x32xi32, #tpu.memory_space<vmem>> -> memref<32xi32, #tpu.memory_space<vmem>>
        %dma_start3A_681 = arith.constant 0 : i32
        %dma_start3A_682 = arith.constant 0 : i32
        %dma_start3A_683 = tpu.memref_slice %arg3[%dma_start3A_681, %dma_start3A_682] : memref<2000000x64xf32, #tpu.memory_space<hbm>> -> memref<2000000x64xf32, #tpu.memory_space<hbm>>
        tpu.enqueue_indirect_dma source(%dma_start3A_683 : memref<2000000x64xf32, #tpu.memory_space<hbm>>) target(%dma_start3A_677 : memref<32x64xf32, #tpu.memory_space<vmem>>) offsets(%dma_start3A_680 : memref<32xi32, #tpu.memory_space<vmem>>) semaphore(%arg13 : memref<!tpu.dma_semaphore, #tpu.memory_space<semaphore_mem>>)
        %jit3A_684 = arith.constant 8 : i32
        %div3A_685 = arith.divsi %add3A_575, %jit3A_684 : i32
        %sign3A_686 = arith.constant 0 : i32
        %sign3A_687 = arith.cmpi sgt, %add3A_575, %sign3A_686 : i32
        %sign3A_688 = arith.extui %sign3A_687 : i1 to i32
        %sign3A_689 = arith.constant 0 : i32
        %sign3A_690 = arith.cmpi slt, %add3A_575, %sign3A_689 : i32
        %sign3A_691 = arith.extui %sign3A_690 : i1 to i32
        %sign3A_692 = arith.subi %sign3A_688, %sign3A_691 : i32
        %sign3A_693 = arith.constant 0 : i32
        %sign3A_694 = arith.cmpi sgt, %jit3A_684, %sign3A_693 : i32
        %sign3A_695 = arith.extui %sign3A_694 : i1 to i32
        %sign3A_696 = arith.constant 0 : i32
        %sign3A_697 = arith.cmpi slt, %jit3A_684, %sign3A_696 : i32
        %sign3A_698 = arith.extui %sign3A_697 : i1 to i32
        %sign3A_699 = arith.subi %sign3A_695, %sign3A_698 : i32
        %ne3A_700 = arith.cmpi ne, %sign3A_692, %sign3A_699 : i32
        %rem3A_701 = arith.remsi %add3A_575, %jit3A_684 : i32
        %ne3A_702 = arith.constant 0 : i32
        %ne3A_703 = arith.cmpi ne, %rem3A_701, %ne3A_702 : i32
        %and3A_704 = arith.andi %ne3A_700, %ne3A_703 : i1
        %sub3A_705 = arith.constant 1 : i32
        %sub3A_706 = arith.subi %div3A_685, %sub3A_705 : i32
        %select_n3A_707 = arith.select %and3A_704, %sub3A_706, %div3A_685 : i32
        %rem3A_708 = arith.constant 8 : i32
        %rem3A_709 = arith.remsi %add3A_575, %rem3A_708 : i32
        %dma_start3A_710 = arith.constant 0 : i32
        %dma_start3A_711 = arith.constant 96 : i32
        %dma_start3A_712 = arith.constant 0 : i32
        %dma_start3A_713 = tpu.memref_slice %arg8[%dma_start3A_711, %dma_start3A_712] : memref<128x64xf32, #tpu.memory_space<vmem>> -> memref<32x64xf32, #tpu.memory_space<vmem>>
        %dma_start3A_714 = arith.constant 96 : i32
        %dma_start3A_715 = tpu.memref_slice %arg6[%select_n3A_707, %dma_start3A_710, %rem3A_709, %dma_start3A_714] : memref<25x1x8x128xi32, #tpu.memory_space<vmem>> -> memref<1x1x1x32xi32, #tpu.memory_space<vmem>>
        %dma_start3A_716 = tpu.memref_squeeze %dma_start3A_715 : memref<1x1x1x32xi32, #tpu.memory_space<vmem>> -> memref<32xi32, #tpu.memory_space<vmem>>
        %dma_start3A_717 = arith.constant 0 : i32
        %dma_start3A_718 = arith.constant 0 : i32
        %dma_start3A_719 = tpu.memref_slice %arg3[%dma_start3A_717, %dma_start3A_718] : memref<2000000x64xf32, #tpu.memory_space<hbm>> -> memref<2000000x64xf32, #tpu.memory_space<hbm>>
        tpu.enqueue_indirect_dma source(%dma_start3A_719 : memref<2000000x64xf32, #tpu.memory_space<hbm>>) target(%dma_start3A_713 : memref<32x64xf32, #tpu.memory_space<vmem>>) offsets(%dma_start3A_716 : memref<32xi32, #tpu.memory_space<vmem>>) semaphore(%arg13 : memref<!tpu.dma_semaphore, #tpu.memory_space<semaphore_mem>>)
      } else {
      }
      %ge3A = arith.constant 2 : i32
      %ge3A_163 = arith.cmpi sge, %add3A_158, %ge3A : i32
      %convert_element_type3A_164 = arith.extui %ge3A_163 : i1 to i32
      %cond3A_165 = arith.constant 0 : i32
      %cond3A_166 = arith.cmpi ne, %convert_element_type3A_164, %cond3A_165 : i32
      scf.if %cond3A_166 {
        %sub3A_574 = arith.constant 2 : i32
        %sub3A_575 = arith.subi %add3A_158, %sub3A_574 : i32
        %dma_wait3A_576 = arith.constant 0 : i32
        %dma_wait3A_577 = arith.constant 0 : i32
        %dma_wait3A_578 = arith.constant 0 : i32
        %dma_wait3A_579 = arith.constant 0 : i32
        %dma_wait3A_580 = tpu.memref_slice %arg9[%dma_wait3A_576, %dma_wait3A_577, %dma_wait3A_578, %dma_wait3A_579] : memref<8x1x8x133xf32, #tpu.memory_space<vmem>> -> memref<8x1x8x128xf32, #tpu.memory_space<vmem>>
        %dma_wait3A_581 = arith.constant 0 : i32
        %dma_wait3A_582 = arith.constant 0 : i32
        %dma_wait3A_583 = arith.constant 0 : i32
        %dma_wait3A_584 = tpu.memref_slice %arg5[%sub3A_575, %dma_wait3A_581, %add3A, %dma_wait3A_582, %dma_wait3A_583] : memref<200x8x32x8x128xf32, #tpu.memory_space<hbm>> -> memref<1x8x1x8x128xf32, #tpu.memory_space<hbm>>
        %dma_wait3A_585 = tpu.memref_squeeze %dma_wait3A_584 : memref<1x8x1x8x128xf32, #tpu.memory_space<hbm>> -> memref<8x1x8x128xf32, #tpu.memory_space<hbm>>
        %dma_wait3A_586 = arith.constant 0 : i32
        %dma_wait3A_587 = arith.constant 0 : i32
        %dma_wait3A_588 = arith.constant 0 : i32
        %dma_wait3A_589 = tpu.memref_slice %arg5[%sub3A_575, %dma_wait3A_586, %add3A, %dma_wait3A_587, %dma_wait3A_588] : memref<200x8x32x8x128xf32, #tpu.memory_space<hbm>> -> memref<1x8x1x8x128xf32, #tpu.memory_space<hbm>>
        %dma_wait3A_590 = tpu.memref_squeeze %dma_wait3A_589 : memref<1x8x1x8x128xf32, #tpu.memory_space<hbm>> -> memref<8x1x8x128xf32, #tpu.memory_space<hbm>>
        %dma_wait3A_591 = arith.constant 0 : i32
        %dma_wait3A_592 = arith.constant 0 : i32
        %dma_wait3A_593 = arith.constant 0 : i32
        %dma_wait3A_594 = arith.constant 0 : i32
        %dma_wait3A_595 = tpu.memref_slice %arg9[%dma_wait3A_591, %dma_wait3A_592, %dma_wait3A_593, %dma_wait3A_594] : memref<8x1x8x133xf32, #tpu.memory_space<vmem>> -> memref<8x1x8x128xf32, #tpu.memory_space<vmem>>
        tpu.wait_dma2 semaphore(%arg14 : memref<!tpu.dma_semaphore, #tpu.memory_space<semaphore_mem>>) src(%dma_wait3A_595 : memref<8x1x8x128xf32, #tpu.memory_space<vmem>>) dst(%dma_wait3A_590 : memref<8x1x8x128xf32, #tpu.memory_space<hbm>>)
      } else {
      }
      %get3A = arith.index_cast %add3A_158 : i32 to index
      %get3A_167 = arith.constant 0 : index
      %get3A_168 = tpu.vector_load %arg11[%get3A, %get3A_167] {strides = array<i32>} : memref<200x64xf32, #tpu.memory_space<vmem>>, vector<16xf32>,
      %get3A_169 = arith.index_cast %add3A_158 : i32 to index
      %get3A_170 = arith.constant 16 : index
      %get3A_171 = tpu.vector_load %arg11[%get3A_169, %get3A_170] {strides = array<i32>} : memref<200x64xf32, #tpu.memory_space<vmem>>, vector<16xf32>,
      %get3A_172 = arith.index_cast %add3A_158 : i32 to index
      %get3A_173 = arith.constant 32 : index
      %get3A_174 = tpu.vector_load %arg11[%get3A_172, %get3A_173] {strides = array<i32>} : memref<200x64xf32, #tpu.memory_space<vmem>>, vector<16xf32>,
      %get3A_175 = arith.index_cast %add3A_158 : i32 to index
      %get3A_176 = arith.constant 48 : index
      %get3A_177 = tpu.vector_load %arg11[%get3A_175, %get3A_176] {strides = array<i32>} : memref<200x64xf32, #tpu.memory_space<vmem>>, vector<16xf32>,
      %jit3A = arith.constant 8 : i32
      %div3A = arith.divsi %add3A_158, %jit3A : i32
      %sign3A = arith.constant 0 : i32
      %sign3A_178 = arith.cmpi sgt, %add3A_158, %sign3A : i32
      %sign3A_179 = arith.extui %sign3A_178 : i1 to i32
      %sign3A_180 = arith.constant 0 : i32
      %sign3A_181 = arith.cmpi slt, %add3A_158, %sign3A_180 : i32
      %sign3A_182 = arith.extui %sign3A_181 : i1 to i32
      %sign3A_183 = arith.subi %sign3A_179, %sign3A_182 : i32
      %sign3A_184 = arith.constant 0 : i32
      %sign3A_185 = arith.cmpi sgt, %jit3A, %sign3A_184 : i32
      %sign3A_186 = arith.extui %sign3A_185 : i1 to i32
      %sign3A_187 = arith.constant 0 : i32
      %sign3A_188 = arith.cmpi slt, %jit3A, %sign3A_187 : i32
      %sign3A_189 = arith.extui %sign3A_188 : i1 to i32
      %sign3A_190 = arith.subi %sign3A_186, %sign3A_189 : i32
      %ne3A = arith.cmpi ne, %sign3A_183, %sign3A_190 : i32
      %rem3A_191 = arith.remsi %add3A_158, %jit3A : i32
      %ne3A_192 = arith.constant 0 : i32
      %ne3A_193 = arith.cmpi ne, %rem3A_191, %ne3A_192 : i32
      %and3A_194 = arith.andi %ne3A, %ne3A_193 : i1
      %sub3A = arith.constant 1 : i32
      %sub3A_195 = arith.subi %div3A, %sub3A : i32
      %select_n3A = arith.select %and3A_194, %sub3A_195, %div3A : i32
      %rem3A_196 = arith.constant 8 : i32
      %rem3A_197 = arith.remsi %add3A_158, %rem3A_196 : i32
      %dma_wait3A_198 = arith.constant 0 : i32
      %dma_wait3A_199 = arith.constant 0 : i32
      %dma_wait3A_200 = arith.constant 0 : i32
      %dma_wait3A_201 = tpu.memref_slice %arg7[%dma_wait3A_199, %dma_wait3A_200] : memref<128x64xf32, #tpu.memory_space<vmem>> -> memref<32x64xf32, #tpu.memory_space<vmem>>
      %dma_wait3A_202 = arith.constant 0 : i32
      %dma_wait3A_203 = tpu.memref_slice %arg6[%select_n3A, %dma_wait3A_198, %rem3A_197, %dma_wait3A_202] : memref<25x1x8x128xi32, #tpu.memory_space<vmem>> -> memref<1x1x1x32xi32, #tpu.memory_space<vmem>>
      %dma_wait3A_204 = tpu.memref_squeeze %dma_wait3A_203 : memref<1x1x1x32xi32, #tpu.memory_space<vmem>> -> memref<32xi32, #tpu.memory_space<vmem>>
      %dma_wait3A_205 = arith.constant 0 : i32
      %dma_wait3A_206 = arith.constant 0 : i32
      %dma_wait3A_207 = tpu.memref_slice %arg3[%dma_wait3A_205, %dma_wait3A_206] : memref<2000000x64xf32, #tpu.memory_space<hbm>> -> memref<2000000x64xf32, #tpu.memory_space<hbm>>
      tpu.wait_indirect_dma semaphore(%arg12 : memref<!tpu.dma_semaphore, #tpu.memory_space<semaphore_mem>>) src(%dma_wait3A_207 : memref<2000000x64xf32, #tpu.memory_space<hbm>>) dst(%dma_wait3A_201 : memref<32x64xf32, #tpu.memory_space<vmem>>)
      %scan3A_208 = arith.constant 0 : i32
      %scan3A_209 = arith.constant 0 : i32
      %scan3A_210 = arith.constant 8 : i32
      %scan3A_211 = arith.addi %scan3A_209, %scan3A_210 : i32
      %scan3A_212 = arith.constant 1 : i32
      scf.for %scan3A_574 = %scan3A_209 to %scan3A_211 step %scan3A_212  : i32 {
        %mul3A_575 = arith.constant 4 : i32
        %mul3A_576 = arith.muli %mul3A_575, %scan3A_574 : i32
        %add3A_577 = arith.constant 0 : i32
        %add3A_578 = arith.addi %mul3A_576, %add3A_577 : i32
        %broadcast_in_dim3A_579 = vector.broadcast %add3A_578 : i32 to vector<16xi32>
        %get3A_580 = arith.index_cast %add3A_578 : i32 to index
        %get3A_581 = arith.constant 0 : index
        %get3A_582 = tpu.vector_load %arg7[%get3A_580, %get3A_581] {strides = array<i32>} : memref<128x64xf32, #tpu.memory_space<vmem>>, vector<16xf32>,
        %add3A_583 = arith.addf %get3A_582, %get3A_168 : vector<16xf32>
        tpu.vector_store_idx %arg9[%shift_right_arithmetic3A_10, %broadcast_in_dim3A_52, %and3A_33, %broadcast_in_dim3A_579], %add3A_583 : memref<8x1x8x133xf32, #tpu.memory_space<vmem>>[vector<16xi32>, vector<16xi32>, vector<16xi32>, vector<16xi32>], vector<16xf32>,
        %get3A_584 = arith.index_cast %add3A_578 : i32 to index
        %get3A_585 = arith.constant 16 : index
        %get3A_586 = tpu.vector_load %arg7[%get3A_584, %get3A_585] {strides = array<i32>} : memref<128x64xf32, #tpu.memory_space<vmem>>, vector<16xf32>,
        %add3A_587 = arith.addf %get3A_586, %get3A_171 : vector<16xf32>
        tpu.vector_store_idx %arg9[%shift_right_arithmetic3A_16, %broadcast_in_dim3A_52, %and3A_39, %broadcast_in_dim3A_579], %add3A_587 : memref<8x1x8x133xf32, #tpu.memory_space<vmem>>[vector<16xi32>, vector<16xi32>, vector<16xi32>, vector<16xi32>], vector<16xf32>,
        %get3A_588 = arith.index_cast %add3A_578 : i32 to index
        %get3A_589 = arith.constant 32 : index
        %get3A_590 = tpu.vector_load %arg7[%get3A_588, %get3A_589] {strides = array<i32>} : memref<128x64xf32, #tpu.memory_space<vmem>>, vector<16xf32>,
        %add3A_591 = arith.addf %get3A_590, %get3A_174 : vector<16xf32>
        tpu.vector_store_idx %arg9[%shift_right_arithmetic3A_22, %broadcast_in_dim3A_52, %and3A_45, %broadcast_in_dim3A_579], %add3A_591 : memref<8x1x8x133xf32, #tpu.memory_space<vmem>>[vector<16xi32>, vector<16xi32>, vector<16xi32>, vector<16xi32>], vector<16xf32>,
        %get3A_592 = arith.index_cast %add3A_578 : i32 to index
        %get3A_593 = arith.constant 48 : index
        %get3A_594 = tpu.vector_load %arg7[%get3A_592, %get3A_593] {strides = array<i32>} : memref<128x64xf32, #tpu.memory_space<vmem>>, vector<16xf32>,
        %add3A_595 = arith.addf %get3A_594, %get3A_177 : vector<16xf32>
        tpu.vector_store_idx %arg9[%shift_right_arithmetic3A_28, %broadcast_in_dim3A_52, %and3A_51, %broadcast_in_dim3A_579], %add3A_595 : memref<8x1x8x133xf32, #tpu.memory_space<vmem>>[vector<16xi32>, vector<16xi32>, vector<16xi32>, vector<16xi32>], vector<16xf32>,
        %add3A_596 = arith.constant 1 : i32
        %add3A_597 = arith.addi %mul3A_576, %add3A_596 : i32
        %broadcast_in_dim3A_598 = vector.broadcast %add3A_597 : i32 to vector<16xi32>
        %get3A_599 = arith.index_cast %add3A_597 : i32 to index
        %get3A_600 = arith.constant 0 : index
        %get3A_601 = tpu.vector_load %arg7[%get3A_599, %get3A_600] {strides = array<i32>} : memref<128x64xf32, #tpu.memory_space<vmem>>, vector<16xf32>,
        %add3A_602 = arith.addf %get3A_601, %get3A_168 : vector<16xf32>
        tpu.vector_store_idx %arg9[%shift_right_arithmetic3A_10, %broadcast_in_dim3A_52, %and3A_33, %broadcast_in_dim3A_598], %add3A_602 : memref<8x1x8x133xf32, #tpu.memory_space<vmem>>[vector<16xi32>, vector<16xi32>, vector<16xi32>, vector<16xi32>], vector<16xf32>,
        %get3A_603 = arith.index_cast %add3A_597 : i32 to index
        %get3A_604 = arith.constant 16 : index
        %get3A_605 = tpu.vector_load %arg7[%get3A_603, %get3A_604] {strides = array<i32>} : memref<128x64xf32, #tpu.memory_space<vmem>>, vector<16xf32>,
        %add3A_606 = arith.addf %get3A_605, %get3A_171 : vector<16xf32>
        tpu.vector_store_idx %arg9[%shift_right_arithmetic3A_16, %broadcast_in_dim3A_52, %and3A_39, %broadcast_in_dim3A_598], %add3A_606 : memref<8x1x8x133xf32, #tpu.memory_space<vmem>>[vector<16xi32>, vector<16xi32>, vector<16xi32>, vector<16xi32>], vector<16xf32>,
        %get3A_607 = arith.index_cast %add3A_597 : i32 to index
        %get3A_608 = arith.constant 32 : index
        %get3A_609 = tpu.vector_load %arg7[%get3A_607, %get3A_608] {strides = array<i32>} : memref<128x64xf32, #tpu.memory_space<vmem>>, vector<16xf32>,
        %add3A_610 = arith.addf %get3A_609, %get3A_174 : vector<16xf32>
        tpu.vector_store_idx %arg9[%shift_right_arithmetic3A_22, %broadcast_in_dim3A_52, %and3A_45, %broadcast_in_dim3A_598], %add3A_610 : memref<8x1x8x133xf32, #tpu.memory_space<vmem>>[vector<16xi32>, vector<16xi32>, vector<16xi32>, vector<16xi32>], vector<16xf32>,
        %get3A_611 = arith.index_cast %add3A_597 : i32 to index
        %get3A_612 = arith.constant 48 : index
        %get3A_613 = tpu.vector_load %arg7[%get3A_611, %get3A_612] {strides = array<i32>} : memref<128x64xf32, #tpu.memory_space<vmem>>, vector<16xf32>,
        %add3A_614 = arith.addf %get3A_613, %get3A_177 : vector<16xf32>
        tpu.vector_store_idx %arg9[%shift_right_arithmetic3A_28, %broadcast_in_dim3A_52, %and3A_51, %broadcast_in_dim3A_598], %add3A_614 : memref<8x1x8x133xf32, #tpu.memory_space<vmem>>[vector<16xi32>, vector<16xi32>, vector<16xi32>, vector<16xi32>], vector<16xf32>,
        %add3A_615 = arith.constant 2 : i32
        %add3A_616 = arith.addi %mul3A_576, %add3A_615 : i32
        %broadcast_in_dim3A_617 = vector.broadcast %add3A_616 : i32 to vector<16xi32>
        %get3A_618 = arith.index_cast %add3A_616 : i32 to index
        %get3A_619 = arith.constant 0 : index
        %get3A_620 = tpu.vector_load %arg7[%get3A_618, %get3A_619] {strides = array<i32>} : memref<128x64xf32, #tpu.memory_space<vmem>>, vector<16xf32>,
        %add3A_621 = arith.addf %get3A_620, %get3A_168 : vector<16xf32>
        tpu.vector_store_idx %arg9[%shift_right_arithmetic3A_10, %broadcast_in_dim3A_52, %and3A_33, %broadcast_in_dim3A_617], %add3A_621 : memref<8x1x8x133xf32, #tpu.memory_space<vmem>>[vector<16xi32>, vector<16xi32>, vector<16xi32>, vector<16xi32>], vector<16xf32>,
        %get3A_622 = arith.index_cast %add3A_616 : i32 to index
        %get3A_623 = arith.constant 16 : index
        %get3A_624 = tpu.vector_load %arg7[%get3A_622, %get3A_623] {strides = array<i32>} : memref<128x64xf32, #tpu.memory_space<vmem>>, vector<16xf32>,
        %add3A_625 = arith.addf %get3A_624, %get3A_171 : vector<16xf32>
        tpu.vector_store_idx %arg9[%shift_right_arithmetic3A_16, %broadcast_in_dim3A_52, %and3A_39, %broadcast_in_dim3A_617], %add3A_625 : memref<8x1x8x133xf32, #tpu.memory_space<vmem>>[vector<16xi32>, vector<16xi32>, vector<16xi32>, vector<16xi32>], vector<16xf32>,
        %get3A_626 = arith.index_cast %add3A_616 : i32 to index
        %get3A_627 = arith.constant 32 : index
        %get3A_628 = tpu.vector_load %arg7[%get3A_626, %get3A_627] {strides = array<i32>} : memref<128x64xf32, #tpu.memory_space<vmem>>, vector<16xf32>,
        %add3A_629 = arith.addf %get3A_628, %get3A_174 : vector<16xf32>
        tpu.vector_store_idx %arg9[%shift_right_arithmetic3A_22, %broadcast_in_dim3A_52, %and3A_45, %broadcast_in_dim3A_617], %add3A_629 : memref<8x1x8x133xf32, #tpu.memory_space<vmem>>[vector<16xi32>, vector<16xi32>, vector<16xi32>, vector<16xi32>], vector<16xf32>,
        %get3A_630 = arith.index_cast %add3A_616 : i32 to index
        %get3A_631 = arith.constant 48 : index
        %get3A_632 = tpu.vector_load %arg7[%get3A_630, %get3A_631] {strides = array<i32>} : memref<128x64xf32, #tpu.memory_space<vmem>>, vector<16xf32>,
        %add3A_633 = arith.addf %get3A_632, %get3A_177 : vector<16xf32>
        tpu.vector_store_idx %arg9[%shift_right_arithmetic3A_28, %broadcast_in_dim3A_52, %and3A_51, %broadcast_in_dim3A_617], %add3A_633 : memref<8x1x8x133xf32, #tpu.memory_space<vmem>>[vector<16xi32>, vector<16xi32>, vector<16xi32>, vector<16xi32>], vector<16xf32>,
        %add3A_634 = arith.constant 3 : i32
        %add3A_635 = arith.addi %mul3A_576, %add3A_634 : i32
        %broadcast_in_dim3A_636 = vector.broadcast %add3A_635 : i32 to vector<16xi32>
        %get3A_637 = arith.index_cast %add3A_635 : i32 to index
        %get3A_638 = arith.constant 0 : index
        %get3A_639 = tpu.vector_load %arg7[%get3A_637, %get3A_638] {strides = array<i32>} : memref<128x64xf32, #tpu.memory_space<vmem>>, vector<16xf32>,
        %add3A_640 = arith.addf %get3A_639, %get3A_168 : vector<16xf32>
        tpu.vector_store_idx %arg9[%shift_right_arithmetic3A_10, %broadcast_in_dim3A_52, %and3A_33, %broadcast_in_dim3A_636], %add3A_640 : memref<8x1x8x133xf32, #tpu.memory_space<vmem>>[vector<16xi32>, vector<16xi32>, vector<16xi32>, vector<16xi32>], vector<16xf32>,
        %get3A_641 = arith.index_cast %add3A_635 : i32 to index
        %get3A_642 = arith.constant 16 : index
        %get3A_643 = tpu.vector_load %arg7[%get3A_641, %get3A_642] {strides = array<i32>} : memref<128x64xf32, #tpu.memory_space<vmem>>, vector<16xf32>,
        %add3A_644 = arith.addf %get3A_643, %get3A_171 : vector<16xf32>
        tpu.vector_store_idx %arg9[%shift_right_arithmetic3A_16, %broadcast_in_dim3A_52, %and3A_39, %broadcast_in_dim3A_636], %add3A_644 : memref<8x1x8x133xf32, #tpu.memory_space<vmem>>[vector<16xi32>, vector<16xi32>, vector<16xi32>, vector<16xi32>], vector<16xf32>,
        %get3A_645 = arith.index_cast %add3A_635 : i32 to index
        %get3A_646 = arith.constant 32 : index
        %get3A_647 = tpu.vector_load %arg7[%get3A_645, %get3A_646] {strides = array<i32>} : memref<128x64xf32, #tpu.memory_space<vmem>>, vector<16xf32>,
        %add3A_648 = arith.addf %get3A_647, %get3A_174 : vector<16xf32>
        tpu.vector_store_idx %arg9[%shift_right_arithmetic3A_22, %broadcast_in_dim3A_52, %and3A_45, %broadcast_in_dim3A_636], %add3A_648 : memref<8x1x8x133xf32, #tpu.memory_space<vmem>>[vector<16xi32>, vector<16xi32>, vector<16xi32>, vector<16xi32>], vector<16xf32>,
        %get3A_649 = arith.index_cast %add3A_635 : i32 to index
        %get3A_650 = arith.constant 48 : index
        %get3A_651 = tpu.vector_load %arg7[%get3A_649, %get3A_650] {strides = array<i32>} : memref<128x64xf32, #tpu.memory_space<vmem>>, vector<16xf32>,
        %add3A_652 = arith.addf %get3A_651, %get3A_177 : vector<16xf32>
        tpu.vector_store_idx %arg9[%shift_right_arithmetic3A_28, %broadcast_in_dim3A_52, %and3A_51, %broadcast_in_dim3A_636], %add3A_652 : memref<8x1x8x133xf32, #tpu.memory_space<vmem>>[vector<16xi32>, vector<16xi32>, vector<16xi32>, vector<16xi32>], vector<16xf32>,
      }
      %scan3A_213 = arith.constant 8 : i32
      %jit3A_214 = arith.constant 8 : i32
      %div3A_215 = arith.divsi %add3A_158, %jit3A_214 : i32
      %sign3A_216 = arith.constant 0 : i32
      %sign3A_217 = arith.cmpi sgt, %add3A_158, %sign3A_216 : i32
      %sign3A_218 = arith.extui %sign3A_217 : i1 to i32
      %sign3A_219 = arith.constant 0 : i32
      %sign3A_220 = arith.cmpi slt, %add3A_158, %sign3A_219 : i32
      %sign3A_221 = arith.extui %sign3A_220 : i1 to i32
      %sign3A_222 = arith.subi %sign3A_218, %sign3A_221 : i32
      %sign3A_223 = arith.constant 0 : i32
      %sign3A_224 = arith.cmpi sgt, %jit3A_214, %sign3A_223 : i32
      %sign3A_225 = arith.extui %sign3A_224 : i1 to i32
      %sign3A_226 = arith.constant 0 : i32
      %sign3A_227 = arith.cmpi slt, %jit3A_214, %sign3A_226 : i32
      %sign3A_228 = arith.extui %sign3A_227 : i1 to i32
      %sign3A_229 = arith.subi %sign3A_225, %sign3A_228 : i32
      %ne3A_230 = arith.cmpi ne, %sign3A_222, %sign3A_229 : i32
      %rem3A_231 = arith.remsi %add3A_158, %jit3A_214 : i32
      %ne3A_232 = arith.constant 0 : i32
      %ne3A_233 = arith.cmpi ne, %rem3A_231, %ne3A_232 : i32
      %and3A_234 = arith.andi %ne3A_230, %ne3A_233 : i1
      %sub3A_235 = arith.constant 1 : i32
      %sub3A_236 = arith.subi %div3A_215, %sub3A_235 : i32
      %select_n3A_237 = arith.select %and3A_234, %sub3A_236, %div3A_215 : i32
      %rem3A_238 = arith.constant 8 : i32
      %rem3A_239 = arith.remsi %add3A_158, %rem3A_238 : i32
      %dma_wait3A_240 = arith.constant 0 : i32
      %dma_wait3A_241 = arith.constant 32 : i32
      %dma_wait3A_242 = arith.constant 0 : i32
      %dma_wait3A_243 = tpu.memref_slice %arg7[%dma_wait3A_241, %dma_wait3A_242] : memref<128x64xf32, #tpu.memory_space<vmem>> -> memref<32x64xf32, #tpu.memory_space<vmem>>
      %dma_wait3A_244 = arith.constant 32 : i32
      %dma_wait3A_245 = tpu.memref_slice %arg6[%select_n3A_237, %dma_wait3A_240, %rem3A_239, %dma_wait3A_244] : memref<25x1x8x128xi32, #tpu.memory_space<vmem>> -> memref<1x1x1x32xi32, #tpu.memory_space<vmem>>
      %dma_wait3A_246 = tpu.memref_squeeze %dma_wait3A_245 : memref<1x1x1x32xi32, #tpu.memory_space<vmem>> -> memref<32xi32, #tpu.memory_space<vmem>>
      %dma_wait3A_247 = arith.constant 0 : i32
      %dma_wait3A_248 = arith.constant 0 : i32
      %dma_wait3A_249 = tpu.memref_slice %arg3[%dma_wait3A_247, %dma_wait3A_248] : memref<2000000x64xf32, #tpu.memory_space<hbm>> -> memref<2000000x64xf32, #tpu.memory_space<hbm>>
      tpu.wait_indirect_dma semaphore(%arg12 : memref<!tpu.dma_semaphore, #tpu.memory_space<semaphore_mem>>) src(%dma_wait3A_249 : memref<2000000x64xf32, #tpu.memory_space<hbm>>) dst(%dma_wait3A_243 : memref<32x64xf32, #tpu.memory_space<vmem>>)
      %scan3A_250 = arith.constant 0 : i32
      %scan3A_251 = arith.constant 8 : i32
      %scan3A_252 = arith.constant 8 : i32
      %scan3A_253 = arith.addi %scan3A_251, %scan3A_252 : i32
      %scan3A_254 = arith.constant 1 : i32
      scf.for %scan3A_574 = %scan3A_251 to %scan3A_253 step %scan3A_254  : i32 {
        %mul3A_575 = arith.constant 4 : i32
        %mul3A_576 = arith.muli %mul3A_575, %scan3A_574 : i32
        %add3A_577 = arith.constant 0 : i32
        %add3A_578 = arith.addi %mul3A_576, %add3A_577 : i32
        %broadcast_in_dim3A_579 = vector.broadcast %add3A_578 : i32 to vector<16xi32>
        %get3A_580 = arith.index_cast %add3A_578 : i32 to index
        %get3A_581 = arith.constant 0 : index
        %get3A_582 = tpu.vector_load %arg7[%get3A_580, %get3A_581] {strides = array<i32>} : memref<128x64xf32, #tpu.memory_space<vmem>>, vector<16xf32>,
        %add3A_583 = arith.addf %get3A_582, %get3A_168 : vector<16xf32>
        tpu.vector_store_idx %arg9[%shift_right_arithmetic3A_10, %broadcast_in_dim3A_52, %and3A_33, %broadcast_in_dim3A_579], %add3A_583 : memref<8x1x8x133xf32, #tpu.memory_space<vmem>>[vector<16xi32>, vector<16xi32>, vector<16xi32>, vector<16xi32>], vector<16xf32>,
        %get3A_584 = arith.index_cast %add3A_578 : i32 to index
        %get3A_585 = arith.constant 16 : index
        %get3A_586 = tpu.vector_load %arg7[%get3A_584, %get3A_585] {strides = array<i32>} : memref<128x64xf32, #tpu.memory_space<vmem>>, vector<16xf32>,
        %add3A_587 = arith.addf %get3A_586, %get3A_171 : vector<16xf32>
        tpu.vector_store_idx %arg9[%shift_right_arithmetic3A_16, %broadcast_in_dim3A_52, %and3A_39, %broadcast_in_dim3A_579], %add3A_587 : memref<8x1x8x133xf32, #tpu.memory_space<vmem>>[vector<16xi32>, vector<16xi32>, vector<16xi32>, vector<16xi32>], vector<16xf32>,
        %get3A_588 = arith.index_cast %add3A_578 : i32 to index
        %get3A_589 = arith.constant 32 : index
        %get3A_590 = tpu.vector_load %arg7[%get3A_588, %get3A_589] {strides = array<i32>} : memref<128x64xf32, #tpu.memory_space<vmem>>, vector<16xf32>,
        %add3A_591 = arith.addf %get3A_590, %get3A_174 : vector<16xf32>
        tpu.vector_store_idx %arg9[%shift_right_arithmetic3A_22, %broadcast_in_dim3A_52, %and3A_45, %broadcast_in_dim3A_579], %add3A_591 : memref<8x1x8x133xf32, #tpu.memory_space<vmem>>[vector<16xi32>, vector<16xi32>, vector<16xi32>, vector<16xi32>], vector<16xf32>,
        %get3A_592 = arith.index_cast %add3A_578 : i32 to index
        %get3A_593 = arith.constant 48 : index
        %get3A_594 = tpu.vector_load %arg7[%get3A_592, %get3A_593] {strides = array<i32>} : memref<128x64xf32, #tpu.memory_space<vmem>>, vector<16xf32>,
        %add3A_595 = arith.addf %get3A_594, %get3A_177 : vector<16xf32>
        tpu.vector_store_idx %arg9[%shift_right_arithmetic3A_28, %broadcast_in_dim3A_52, %and3A_51, %broadcast_in_dim3A_579], %add3A_595 : memref<8x1x8x133xf32, #tpu.memory_space<vmem>>[vector<16xi32>, vector<16xi32>, vector<16xi32>, vector<16xi32>], vector<16xf32>,
        %add3A_596 = arith.constant 1 : i32
        %add3A_597 = arith.addi %mul3A_576, %add3A_596 : i32
        %broadcast_in_dim3A_598 = vector.broadcast %add3A_597 : i32 to vector<16xi32>
        %get3A_599 = arith.index_cast %add3A_597 : i32 to index
        %get3A_600 = arith.constant 0 : index
        %get3A_601 = tpu.vector_load %arg7[%get3A_599, %get3A_600] {strides = array<i32>} : memref<128x64xf32, #tpu.memory_space<vmem>>, vector<16xf32>,
        %add3A_602 = arith.addf %get3A_601, %get3A_168 : vector<16xf32>
        tpu.vector_store_idx %arg9[%shift_right_arithmetic3A_10, %broadcast_in_dim3A_52, %and3A_33, %broadcast_in_dim3A_598], %add3A_602 : memref<8x1x8x133xf32, #tpu.memory_space<vmem>>[vector<16xi32>, vector<16xi32>, vector<16xi32>, vector<16xi32>], vector<16xf32>,
        %get3A_603 = arith.index_cast %add3A_597 : i32 to index
        %get3A_604 = arith.constant 16 : index
        %get3A_605 = tpu.vector_load %arg7[%get3A_603, %get3A_604] {strides = array<i32>} : memref<128x64xf32, #tpu.memory_space<vmem>>, vector<16xf32>,
        %add3A_606 = arith.addf %get3A_605, %get3A_171 : vector<16xf32>
        tpu.vector_store_idx %arg9[%shift_right_arithmetic3A_16, %broadcast_in_dim3A_52, %and3A_39, %broadcast_in_dim3A_598], %add3A_606 : memref<8x1x8x133xf32, #tpu.memory_space<vmem>>[vector<16xi32>, vector<16xi32>, vector<16xi32>, vector<16xi32>], vector<16xf32>,
        %get3A_607 = arith.index_cast %add3A_597 : i32 to index
        %get3A_608 = arith.constant 32 : index
        %get3A_609 = tpu.vector_load %arg7[%get3A_607, %get3A_608] {strides = array<i32>} : memref<128x64xf32, #tpu.memory_space<vmem>>, vector<16xf32>,
        %add3A_610 = arith.addf %get3A_609, %get3A_174 : vector<16xf32>
        tpu.vector_store_idx %arg9[%shift_right_arithmetic3A_22, %broadcast_in_dim3A_52, %and3A_45, %broadcast_in_dim3A_598], %add3A_610 : memref<8x1x8x133xf32, #tpu.memory_space<vmem>>[vector<16xi32>, vector<16xi32>, vector<16xi32>, vector<16xi32>], vector<16xf32>,
        %get3A_611 = arith.index_cast %add3A_597 : i32 to index
        %get3A_612 = arith.constant 48 : index
        %get3A_613 = tpu.vector_load %arg7[%get3A_611, %get3A_612] {strides = array<i32>} : memref<128x64xf32, #tpu.memory_space<vmem>>, vector<16xf32>,
        %add3A_614 = arith.addf %get3A_613, %get3A_177 : vector<16xf32>
        tpu.vector_store_idx %arg9[%shift_right_arithmetic3A_28, %broadcast_in_dim3A_52, %and3A_51, %broadcast_in_dim3A_598], %add3A_614 : memref<8x1x8x133xf32, #tpu.memory_space<vmem>>[vector<16xi32>, vector<16xi32>, vector<16xi32>, vector<16xi32>], vector<16xf32>,
        %add3A_615 = arith.constant 2 : i32
        %add3A_616 = arith.addi %mul3A_576, %add3A_615 : i32
        %broadcast_in_dim3A_617 = vector.broadcast %add3A_616 : i32 to vector<16xi32>
        %get3A_618 = arith.index_cast %add3A_616 : i32 to index
        %get3A_619 = arith.constant 0 : index
        %get3A_620 = tpu.vector_load %arg7[%get3A_618, %get3A_619] {strides = array<i32>} : memref<128x64xf32, #tpu.memory_space<vmem>>, vector<16xf32>,
        %add3A_621 = arith.addf %get3A_620, %get3A_168 : vector<16xf32>
        tpu.vector_store_idx %arg9[%shift_right_arithmetic3A_10, %broadcast_in_dim3A_52, %and3A_33, %broadcast_in_dim3A_617], %add3A_621 : memref<8x1x8x133xf32, #tpu.memory_space<vmem>>[vector<16xi32>, vector<16xi32>, vector<16xi32>, vector<16xi32>], vector<16xf32>,
        %get3A_622 = arith.index_cast %add3A_616 : i32 to index
        %get3A_623 = arith.constant 16 : index
        %get3A_624 = tpu.vector_load %arg7[%get3A_622, %get3A_623] {strides = array<i32>} : memref<128x64xf32, #tpu.memory_space<vmem>>, vector<16xf32>,
        %add3A_625 = arith.addf %get3A_624, %get3A_171 : vector<16xf32>
        tpu.vector_store_idx %arg9[%shift_right_arithmetic3A_16, %broadcast_in_dim3A_52, %and3A_39, %broadcast_in_dim3A_617], %add3A_625 : memref<8x1x8x133xf32, #tpu.memory_space<vmem>>[vector<16xi32>, vector<16xi32>, vector<16xi32>, vector<16xi32>], vector<16xf32>,
        %get3A_626 = arith.index_cast %add3A_616 : i32 to index
        %get3A_627 = arith.constant 32 : index
        %get3A_628 = tpu.vector_load %arg7[%get3A_626, %get3A_627] {strides = array<i32>} : memref<128x64xf32, #tpu.memory_space<vmem>>, vector<16xf32>,
        %add3A_629 = arith.addf %get3A_628, %get3A_174 : vector<16xf32>
        tpu.vector_store_idx %arg9[%shift_right_arithmetic3A_22, %broadcast_in_dim3A_52, %and3A_45, %broadcast_in_dim3A_617], %add3A_629 : memref<8x1x8x133xf32, #tpu.memory_space<vmem>>[vector<16xi32>, vector<16xi32>, vector<16xi32>, vector<16xi32>], vector<16xf32>,
        %get3A_630 = arith.index_cast %add3A_616 : i32 to index
        %get3A_631 = arith.constant 48 : index
        %get3A_632 = tpu.vector_load %arg7[%get3A_630, %get3A_631] {strides = array<i32>} : memref<128x64xf32, #tpu.memory_space<vmem>>, vector<16xf32>,
        %add3A_633 = arith.addf %get3A_632, %get3A_177 : vector<16xf32>
        tpu.vector_store_idx %arg9[%shift_right_arithmetic3A_28, %broadcast_in_dim3A_52, %and3A_51, %broadcast_in_dim3A_617], %add3A_633 : memref<8x1x8x133xf32, #tpu.memory_space<vmem>>[vector<16xi32>, vector<16xi32>, vector<16xi32>, vector<16xi32>], vector<16xf32>,
        %add3A_634 = arith.constant 3 : i32
        %add3A_635 = arith.addi %mul3A_576, %add3A_634 : i32
        %broadcast_in_dim3A_636 = vector.broadcast %add3A_635 : i32 to vector<16xi32>
        %get3A_637 = arith.index_cast %add3A_635 : i32 to index
        %get3A_638 = arith.constant 0 : index
        %get3A_639 = tpu.vector_load %arg7[%get3A_637, %get3A_638] {strides = array<i32>} : memref<128x64xf32, #tpu.memory_space<vmem>>, vector<16xf32>,
        %add3A_640 = arith.addf %get3A_639, %get3A_168 : vector<16xf32>
        tpu.vector_store_idx %arg9[%shift_right_arithmetic3A_10, %broadcast_in_dim3A_52, %and3A_33, %broadcast_in_dim3A_636], %add3A_640 : memref<8x1x8x133xf32, #tpu.memory_space<vmem>>[vector<16xi32>, vector<16xi32>, vector<16xi32>, vector<16xi32>], vector<16xf32>,
        %get3A_641 = arith.index_cast %add3A_635 : i32 to index
        %get3A_642 = arith.constant 16 : index
        %get3A_643 = tpu.vector_load %arg7[%get3A_641, %get3A_642] {strides = array<i32>} : memref<128x64xf32, #tpu.memory_space<vmem>>, vector<16xf32>,
        %add3A_644 = arith.addf %get3A_643, %get3A_171 : vector<16xf32>
        tpu.vector_store_idx %arg9[%shift_right_arithmetic3A_16, %broadcast_in_dim3A_52, %and3A_39, %broadcast_in_dim3A_636], %add3A_644 : memref<8x1x8x133xf32, #tpu.memory_space<vmem>>[vector<16xi32>, vector<16xi32>, vector<16xi32>, vector<16xi32>], vector<16xf32>,
        %get3A_645 = arith.index_cast %add3A_635 : i32 to index
        %get3A_646 = arith.constant 32 : index
        %get3A_647 = tpu.vector_load %arg7[%get3A_645, %get3A_646] {strides = array<i32>} : memref<128x64xf32, #tpu.memory_space<vmem>>, vector<16xf32>,
        %add3A_648 = arith.addf %get3A_647, %get3A_174 : vector<16xf32>
        tpu.vector_store_idx %arg9[%shift_right_arithmetic3A_22, %broadcast_in_dim3A_52, %and3A_45, %broadcast_in_dim3A_636], %add3A_648 : memref<8x1x8x133xf32, #tpu.memory_space<vmem>>[vector<16xi32>, vector<16xi32>, vector<16xi32>, vector<16xi32>], vector<16xf32>,
        %get3A_649 = arith.index_cast %add3A_635 : i32 to index
        %get3A_650 = arith.constant 48 : index
        %get3A_651 = tpu.vector_load %arg7[%get3A_649, %get3A_650] {strides = array<i32>} : memref<128x64xf32, #tpu.memory_space<vmem>>, vector<16xf32>,
        %add3A_652 = arith.addf %get3A_651, %get3A_177 : vector<16xf32>
        tpu.vector_store_idx %arg9[%shift_right_arithmetic3A_28, %broadcast_in_dim3A_52, %and3A_51, %broadcast_in_dim3A_636], %add3A_652 : memref<8x1x8x133xf32, #tpu.memory_space<vmem>>[vector<16xi32>, vector<16xi32>, vector<16xi32>, vector<16xi32>], vector<16xf32>,
      }
      %scan3A_255 = arith.constant 8 : i32
      %jit3A_256 = arith.constant 8 : i32
      %div3A_257 = arith.divsi %add3A_158, %jit3A_256 : i32
      %sign3A_258 = arith.constant 0 : i32
      %sign3A_259 = arith.cmpi sgt, %add3A_158, %sign3A_258 : i32
      %sign3A_260 = arith.extui %sign3A_259 : i1 to i32
      %sign3A_261 = arith.constant 0 : i32
      %sign3A_262 = arith.cmpi slt, %add3A_158, %sign3A_261 : i32
      %sign3A_263 = arith.extui %sign3A_262 : i1 to i32
      %sign3A_264 = arith.subi %sign3A_260, %sign3A_263 : i32
      %sign3A_265 = arith.constant 0 : i32
      %sign3A_266 = arith.cmpi sgt, %jit3A_256, %sign3A_265 : i32
      %sign3A_267 = arith.extui %sign3A_266 : i1 to i32
      %sign3A_268 = arith.constant 0 : i32
      %sign3A_269 = arith.cmpi slt, %jit3A_256, %sign3A_268 : i32
      %sign3A_270 = arith.extui %sign3A_269 : i1 to i32
      %sign3A_271 = arith.subi %sign3A_267, %sign3A_270 : i32
      %ne3A_272 = arith.cmpi ne, %sign3A_264, %sign3A_271 : i32
      %rem3A_273 = arith.remsi %add3A_158, %jit3A_256 : i32
      %ne3A_274 = arith.constant 0 : i32
      %ne3A_275 = arith.cmpi ne, %rem3A_273, %ne3A_274 : i32
      %and3A_276 = arith.andi %ne3A_272, %ne3A_275 : i1
      %sub3A_277 = arith.constant 1 : i32
      %sub3A_278 = arith.subi %div3A_257, %sub3A_277 : i32
      %select_n3A_279 = arith.select %and3A_276, %sub3A_278, %div3A_257 : i32
      %rem3A_280 = arith.constant 8 : i32
      %rem3A_281 = arith.remsi %add3A_158, %rem3A_280 : i32
      %dma_wait3A_282 = arith.constant 0 : i32
      %dma_wait3A_283 = arith.constant 64 : i32
      %dma_wait3A_284 = arith.constant 0 : i32
      %dma_wait3A_285 = tpu.memref_slice %arg7[%dma_wait3A_283, %dma_wait3A_284] : memref<128x64xf32, #tpu.memory_space<vmem>> -> memref<32x64xf32, #tpu.memory_space<vmem>>
      %dma_wait3A_286 = arith.constant 64 : i32
      %dma_wait3A_287 = tpu.memref_slice %arg6[%select_n3A_279, %dma_wait3A_282, %rem3A_281, %dma_wait3A_286] : memref<25x1x8x128xi32, #tpu.memory_space<vmem>> -> memref<1x1x1x32xi32, #tpu.memory_space<vmem>>
      %dma_wait3A_288 = tpu.memref_squeeze %dma_wait3A_287 : memref<1x1x1x32xi32, #tpu.memory_space<vmem>> -> memref<32xi32, #tpu.memory_space<vmem>>
      %dma_wait3A_289 = arith.constant 0 : i32
      %dma_wait3A_290 = arith.constant 0 : i32
      %dma_wait3A_291 = tpu.memref_slice %arg3[%dma_wait3A_289, %dma_wait3A_290] : memref<2000000x64xf32, #tpu.memory_space<hbm>> -> memref<2000000x64xf32, #tpu.memory_space<hbm>>
      tpu.wait_indirect_dma semaphore(%arg12 : memref<!tpu.dma_semaphore, #tpu.memory_space<semaphore_mem>>) src(%dma_wait3A_291 : memref<2000000x64xf32, #tpu.memory_space<hbm>>) dst(%dma_wait3A_285 : memref<32x64xf32, #tpu.memory_space<vmem>>)
      %scan3A_292 = arith.constant 0 : i32
      %scan3A_293 = arith.constant 16 : i32
      %scan3A_294 = arith.constant 8 : i32
      %scan3A_295 = arith.addi %scan3A_293, %scan3A_294 : i32
      %scan3A_296 = arith.constant 1 : i32
      scf.for %scan3A_574 = %scan3A_293 to %scan3A_295 step %scan3A_296  : i32 {
        %mul3A_575 = arith.constant 4 : i32
        %mul3A_576 = arith.muli %mul3A_575, %scan3A_574 : i32
        %add3A_577 = arith.constant 0 : i32
        %add3A_578 = arith.addi %mul3A_576, %add3A_577 : i32
        %broadcast_in_dim3A_579 = vector.broadcast %add3A_578 : i32 to vector<16xi32>
        %get3A_580 = arith.index_cast %add3A_578 : i32 to index
        %get3A_581 = arith.constant 0 : index
        %get3A_582 = tpu.vector_load %arg7[%get3A_580, %get3A_581] {strides = array<i32>} : memref<128x64xf32, #tpu.memory_space<vmem>>, vector<16xf32>,
        %add3A_583 = arith.addf %get3A_582, %get3A_168 : vector<16xf32>
        tpu.vector_store_idx %arg9[%shift_right_arithmetic3A_10, %broadcast_in_dim3A_52, %and3A_33, %broadcast_in_dim3A_579], %add3A_583 : memref<8x1x8x133xf32, #tpu.memory_space<vmem>>[vector<16xi32>, vector<16xi32>, vector<16xi32>, vector<16xi32>], vector<16xf32>,
        %get3A_584 = arith.index_cast %add3A_578 : i32 to index
        %get3A_585 = arith.constant 16 : index
        %get3A_586 = tpu.vector_load %arg7[%get3A_584, %get3A_585] {strides = array<i32>} : memref<128x64xf32, #tpu.memory_space<vmem>>, vector<16xf32>,
        %add3A_587 = arith.addf %get3A_586, %get3A_171 : vector<16xf32>
        tpu.vector_store_idx %arg9[%shift_right_arithmetic3A_16, %broadcast_in_dim3A_52, %and3A_39, %broadcast_in_dim3A_579], %add3A_587 : memref<8x1x8x133xf32, #tpu.memory_space<vmem>>[vector<16xi32>, vector<16xi32>, vector<16xi32>, vector<16xi32>], vector<16xf32>,
        %get3A_588 = arith.index_cast %add3A_578 : i32 to index
        %get3A_589 = arith.constant 32 : index
        %get3A_590 = tpu.vector_load %arg7[%get3A_588, %get3A_589] {strides = array<i32>} : memref<128x64xf32, #tpu.memory_space<vmem>>, vector<16xf32>,
        %add3A_591 = arith.addf %get3A_590, %get3A_174 : vector<16xf32>
        tpu.vector_store_idx %arg9[%shift_right_arithmetic3A_22, %broadcast_in_dim3A_52, %and3A_45, %broadcast_in_dim3A_579], %add3A_591 : memref<8x1x8x133xf32, #tpu.memory_space<vmem>>[vector<16xi32>, vector<16xi32>, vector<16xi32>, vector<16xi32>], vector<16xf32>,
        %get3A_592 = arith.index_cast %add3A_578 : i32 to index
        %get3A_593 = arith.constant 48 : index
        %get3A_594 = tpu.vector_load %arg7[%get3A_592, %get3A_593] {strides = array<i32>} : memref<128x64xf32, #tpu.memory_space<vmem>>, vector<16xf32>,
        %add3A_595 = arith.addf %get3A_594, %get3A_177 : vector<16xf32>
        tpu.vector_store_idx %arg9[%shift_right_arithmetic3A_28, %broadcast_in_dim3A_52, %and3A_51, %broadcast_in_dim3A_579], %add3A_595 : memref<8x1x8x133xf32, #tpu.memory_space<vmem>>[vector<16xi32>, vector<16xi32>, vector<16xi32>, vector<16xi32>], vector<16xf32>,
        %add3A_596 = arith.constant 1 : i32
        %add3A_597 = arith.addi %mul3A_576, %add3A_596 : i32
        %broadcast_in_dim3A_598 = vector.broadcast %add3A_597 : i32 to vector<16xi32>
        %get3A_599 = arith.index_cast %add3A_597 : i32 to index
        %get3A_600 = arith.constant 0 : index
        %get3A_601 = tpu.vector_load %arg7[%get3A_599, %get3A_600] {strides = array<i32>} : memref<128x64xf32, #tpu.memory_space<vmem>>, vector<16xf32>,
        %add3A_602 = arith.addf %get3A_601, %get3A_168 : vector<16xf32>
        tpu.vector_store_idx %arg9[%shift_right_arithmetic3A_10, %broadcast_in_dim3A_52, %and3A_33, %broadcast_in_dim3A_598], %add3A_602 : memref<8x1x8x133xf32, #tpu.memory_space<vmem>>[vector<16xi32>, vector<16xi32>, vector<16xi32>, vector<16xi32>], vector<16xf32>,
        %get3A_603 = arith.index_cast %add3A_597 : i32 to index
        %get3A_604 = arith.constant 16 : index
        %get3A_605 = tpu.vector_load %arg7[%get3A_603, %get3A_604] {strides = array<i32>} : memref<128x64xf32, #tpu.memory_space<vmem>>, vector<16xf32>,
        %add3A_606 = arith.addf %get3A_605, %get3A_171 : vector<16xf32>
        tpu.vector_store_idx %arg9[%shift_right_arithmetic3A_16, %broadcast_in_dim3A_52, %and3A_39, %broadcast_in_dim3A_598], %add3A_606 : memref<8x1x8x133xf32, #tpu.memory_space<vmem>>[vector<16xi32>, vector<16xi32>, vector<16xi32>, vector<16xi32>], vector<16xf32>,
        %get3A_607 = arith.index_cast %add3A_597 : i32 to index
        %get3A_608 = arith.constant 32 : index
        %get3A_609 = tpu.vector_load %arg7[%get3A_607, %get3A_608] {strides = array<i32>} : memref<128x64xf32, #tpu.memory_space<vmem>>, vector<16xf32>,
        %add3A_610 = arith.addf %get3A_609, %get3A_174 : vector<16xf32>
        tpu.vector_store_idx %arg9[%shift_right_arithmetic3A_22, %broadcast_in_dim3A_52, %and3A_45, %broadcast_in_dim3A_598], %add3A_610 : memref<8x1x8x133xf32, #tpu.memory_space<vmem>>[vector<16xi32>, vector<16xi32>, vector<16xi32>, vector<16xi32>], vector<16xf32>,
        %get3A_611 = arith.index_cast %add3A_597 : i32 to index
        %get3A_612 = arith.constant 48 : index
        %get3A_613 = tpu.vector_load %arg7[%get3A_611, %get3A_612] {strides = array<i32>} : memref<128x64xf32, #tpu.memory_space<vmem>>, vector<16xf32>,
        %add3A_614 = arith.addf %get3A_613, %get3A_177 : vector<16xf32>
        tpu.vector_store_idx %arg9[%shift_right_arithmetic3A_28, %broadcast_in_dim3A_52, %and3A_51, %broadcast_in_dim3A_598], %add3A_614 : memref<8x1x8x133xf32, #tpu.memory_space<vmem>>[vector<16xi32>, vector<16xi32>, vector<16xi32>, vector<16xi32>], vector<16xf32>,
        %add3A_615 = arith.constant 2 : i32
        %add3A_616 = arith.addi %mul3A_576, %add3A_615 : i32
        %broadcast_in_dim3A_617 = vector.broadcast %add3A_616 : i32 to vector<16xi32>
        %get3A_618 = arith.index_cast %add3A_616 : i32 to index
        %get3A_619 = arith.constant 0 : index
        %get3A_620 = tpu.vector_load %arg7[%get3A_618, %get3A_619] {strides = array<i32>} : memref<128x64xf32, #tpu.memory_space<vmem>>, vector<16xf32>,
        %add3A_621 = arith.addf %get3A_620, %get3A_168 : vector<16xf32>
        tpu.vector_store_idx %arg9[%shift_right_arithmetic3A_10, %broadcast_in_dim3A_52, %and3A_33, %broadcast_in_dim3A_617], %add3A_621 : memref<8x1x8x133xf32, #tpu.memory_space<vmem>>[vector<16xi32>, vector<16xi32>, vector<16xi32>, vector<16xi32>], vector<16xf32>,
        %get3A_622 = arith.index_cast %add3A_616 : i32 to index
        %get3A_623 = arith.constant 16 : index
        %get3A_624 = tpu.vector_load %arg7[%get3A_622, %get3A_623] {strides = array<i32>} : memref<128x64xf32, #tpu.memory_space<vmem>>, vector<16xf32>,
        %add3A_625 = arith.addf %get3A_624, %get3A_171 : vector<16xf32>
        tpu.vector_store_idx %arg9[%shift_right_arithmetic3A_16, %broadcast_in_dim3A_52, %and3A_39, %broadcast_in_dim3A_617], %add3A_625 : memref<8x1x8x133xf32, #tpu.memory_space<vmem>>[vector<16xi32>, vector<16xi32>, vector<16xi32>, vector<16xi32>], vector<16xf32>,
        %get3A_626 = arith.index_cast %add3A_616 : i32 to index
        %get3A_627 = arith.constant 32 : index
        %get3A_628 = tpu.vector_load %arg7[%get3A_626, %get3A_627] {strides = array<i32>} : memref<128x64xf32, #tpu.memory_space<vmem>>, vector<16xf32>,
        %add3A_629 = arith.addf %get3A_628, %get3A_174 : vector<16xf32>
        tpu.vector_store_idx %arg9[%shift_right_arithmetic3A_22, %broadcast_in_dim3A_52, %and3A_45, %broadcast_in_dim3A_617], %add3A_629 : memref<8x1x8x133xf32, #tpu.memory_space<vmem>>[vector<16xi32>, vector<16xi32>, vector<16xi32>, vector<16xi32>], vector<16xf32>,
        %get3A_630 = arith.index_cast %add3A_616 : i32 to index
        %get3A_631 = arith.constant 48 : index
        %get3A_632 = tpu.vector_load %arg7[%get3A_630, %get3A_631] {strides = array<i32>} : memref<128x64xf32, #tpu.memory_space<vmem>>, vector<16xf32>,
        %add3A_633 = arith.addf %get3A_632, %get3A_177 : vector<16xf32>
        tpu.vector_store_idx %arg9[%shift_right_arithmetic3A_28, %broadcast_in_dim3A_52, %and3A_51, %broadcast_in_dim3A_617], %add3A_633 : memref<8x1x8x133xf32, #tpu.memory_space<vmem>>[vector<16xi32>, vector<16xi32>, vector<16xi32>, vector<16xi32>], vector<16xf32>,
        %add3A_634 = arith.constant 3 : i32
        %add3A_635 = arith.addi %mul3A_576, %add3A_634 : i32
        %broadcast_in_dim3A_636 = vector.broadcast %add3A_635 : i32 to vector<16xi32>
        %get3A_637 = arith.index_cast %add3A_635 : i32 to index
        %get3A_638 = arith.constant 0 : index
        %get3A_639 = tpu.vector_load %arg7[%get3A_637, %get3A_638] {strides = array<i32>} : memref<128x64xf32, #tpu.memory_space<vmem>>, vector<16xf32>,
        %add3A_640 = arith.addf %get3A_639, %get3A_168 : vector<16xf32>
        tpu.vector_store_idx %arg9[%shift_right_arithmetic3A_10, %broadcast_in_dim3A_52, %and3A_33, %broadcast_in_dim3A_636], %add3A_640 : memref<8x1x8x133xf32, #tpu.memory_space<vmem>>[vector<16xi32>, vector<16xi32>, vector<16xi32>, vector<16xi32>], vector<16xf32>,
        %get3A_641 = arith.index_cast %add3A_635 : i32 to index
        %get3A_642 = arith.constant 16 : index
        %get3A_643 = tpu.vector_load %arg7[%get3A_641, %get3A_642] {strides = array<i32>} : memref<128x64xf32, #tpu.memory_space<vmem>>, vector<16xf32>,
        %add3A_644 = arith.addf %get3A_643, %get3A_171 : vector<16xf32>
        tpu.vector_store_idx %arg9[%shift_right_arithmetic3A_16, %broadcast_in_dim3A_52, %and3A_39, %broadcast_in_dim3A_636], %add3A_644 : memref<8x1x8x133xf32, #tpu.memory_space<vmem>>[vector<16xi32>, vector<16xi32>, vector<16xi32>, vector<16xi32>], vector<16xf32>,
        %get3A_645 = arith.index_cast %add3A_635 : i32 to index
        %get3A_646 = arith.constant 32 : index
        %get3A_647 = tpu.vector_load %arg7[%get3A_645, %get3A_646] {strides = array<i32>} : memref<128x64xf32, #tpu.memory_space<vmem>>, vector<16xf32>,
        %add3A_648 = arith.addf %get3A_647, %get3A_174 : vector<16xf32>
        tpu.vector_store_idx %arg9[%shift_right_arithmetic3A_22, %broadcast_in_dim3A_52, %and3A_45, %broadcast_in_dim3A_636], %add3A_648 : memref<8x1x8x133xf32, #tpu.memory_space<vmem>>[vector<16xi32>, vector<16xi32>, vector<16xi32>, vector<16xi32>], vector<16xf32>,
        %get3A_649 = arith.index_cast %add3A_635 : i32 to index
        %get3A_650 = arith.constant 48 : index
        %get3A_651 = tpu.vector_load %arg7[%get3A_649, %get3A_650] {strides = array<i32>} : memref<128x64xf32, #tpu.memory_space<vmem>>, vector<16xf32>,
        %add3A_652 = arith.addf %get3A_651, %get3A_177 : vector<16xf32>
        tpu.vector_store_idx %arg9[%shift_right_arithmetic3A_28, %broadcast_in_dim3A_52, %and3A_51, %broadcast_in_dim3A_636], %add3A_652 : memref<8x1x8x133xf32, #tpu.memory_space<vmem>>[vector<16xi32>, vector<16xi32>, vector<16xi32>, vector<16xi32>], vector<16xf32>,
      }
      %scan3A_297 = arith.constant 8 : i32
      %jit3A_298 = arith.constant 8 : i32
      %div3A_299 = arith.divsi %add3A_158, %jit3A_298 : i32
      %sign3A_300 = arith.constant 0 : i32
      %sign3A_301 = arith.cmpi sgt, %add3A_158, %sign3A_300 : i32
      %sign3A_302 = arith.extui %sign3A_301 : i1 to i32
      %sign3A_303 = arith.constant 0 : i32
      %sign3A_304 = arith.cmpi slt, %add3A_158, %sign3A_303 : i32
      %sign3A_305 = arith.extui %sign3A_304 : i1 to i32
      %sign3A_306 = arith.subi %sign3A_302, %sign3A_305 : i32
      %sign3A_307 = arith.constant 0 : i32
      %sign3A_308 = arith.cmpi sgt, %jit3A_298, %sign3A_307 : i32
      %sign3A_309 = arith.extui %sign3A_308 : i1 to i32
      %sign3A_310 = arith.constant 0 : i32
      %sign3A_311 = arith.cmpi slt, %jit3A_298, %sign3A_310 : i32
      %sign3A_312 = arith.extui %sign3A_311 : i1 to i32
      %sign3A_313 = arith.subi %sign3A_309, %sign3A_312 : i32
      %ne3A_314 = arith.cmpi ne, %sign3A_306, %sign3A_313 : i32
      %rem3A_315 = arith.remsi %add3A_158, %jit3A_298 : i32
      %ne3A_316 = arith.constant 0 : i32
      %ne3A_317 = arith.cmpi ne, %rem3A_315, %ne3A_316 : i32
      %and3A_318 = arith.andi %ne3A_314, %ne3A_317 : i1
      %sub3A_319 = arith.constant 1 : i32
      %sub3A_320 = arith.subi %div3A_299, %sub3A_319 : i32
      %select_n3A_321 = arith.select %and3A_318, %sub3A_320, %div3A_299 : i32
      %rem3A_322 = arith.constant 8 : i32
      %rem3A_323 = arith.remsi %add3A_158, %rem3A_322 : i32
      %dma_wait3A_324 = arith.constant 0 : i32
      %dma_wait3A_325 = arith.constant 96 : i32
      %dma_wait3A_326 = arith.constant 0 : i32
      %dma_wait3A_327 = tpu.memref_slice %arg7[%dma_wait3A_325, %dma_wait3A_326] : memref<128x64xf32, #tpu.memory_space<vmem>> -> memref<32x64xf32, #tpu.memory_space<vmem>>
      %dma_wait3A_328 = arith.constant 96 : i32
      %dma_wait3A_329 = tpu.memref_slice %arg6[%select_n3A_321, %dma_wait3A_324, %rem3A_323, %dma_wait3A_328] : memref<25x1x8x128xi32, #tpu.memory_space<vmem>> -> memref<1x1x1x32xi32, #tpu.memory_space<vmem>>
      %dma_wait3A_330 = tpu.memref_squeeze %dma_wait3A_329 : memref<1x1x1x32xi32, #tpu.memory_space<vmem>> -> memref<32xi32, #tpu.memory_space<vmem>>
      %dma_wait3A_331 = arith.constant 0 : i32
      %dma_wait3A_332 = arith.constant 0 : i32
      %dma_wait3A_333 = tpu.memref_slice %arg3[%dma_wait3A_331, %dma_wait3A_332] : memref<2000000x64xf32, #tpu.memory_space<hbm>> -> memref<2000000x64xf32, #tpu.memory_space<hbm>>
      tpu.wait_indirect_dma semaphore(%arg12 : memref<!tpu.dma_semaphore, #tpu.memory_space<semaphore_mem>>) src(%dma_wait3A_333 : memref<2000000x64xf32, #tpu.memory_space<hbm>>) dst(%dma_wait3A_327 : memref<32x64xf32, #tpu.memory_space<vmem>>)
      %scan3A_334 = arith.constant 0 : i32
      %scan3A_335 = arith.constant 24 : i32
      %scan3A_336 = arith.constant 8 : i32
      %scan3A_337 = arith.addi %scan3A_335, %scan3A_336 : i32
      %scan3A_338 = arith.constant 1 : i32
      scf.for %scan3A_574 = %scan3A_335 to %scan3A_337 step %scan3A_338  : i32 {
        %mul3A_575 = arith.constant 4 : i32
        %mul3A_576 = arith.muli %mul3A_575, %scan3A_574 : i32
        %add3A_577 = arith.constant 0 : i32
        %add3A_578 = arith.addi %mul3A_576, %add3A_577 : i32
        %broadcast_in_dim3A_579 = vector.broadcast %add3A_578 : i32 to vector<16xi32>
        %get3A_580 = arith.index_cast %add3A_578 : i32 to index
        %get3A_581 = arith.constant 0 : index
        %get3A_582 = tpu.vector_load %arg7[%get3A_580, %get3A_581] {strides = array<i32>} : memref<128x64xf32, #tpu.memory_space<vmem>>, vector<16xf32>,
        %add3A_583 = arith.addf %get3A_582, %get3A_168 : vector<16xf32>
        tpu.vector_store_idx %arg9[%shift_right_arithmetic3A_10, %broadcast_in_dim3A_52, %and3A_33, %broadcast_in_dim3A_579], %add3A_583 : memref<8x1x8x133xf32, #tpu.memory_space<vmem>>[vector<16xi32>, vector<16xi32>, vector<16xi32>, vector<16xi32>], vector<16xf32>,
        %get3A_584 = arith.index_cast %add3A_578 : i32 to index
        %get3A_585 = arith.constant 16 : index
        %get3A_586 = tpu.vector_load %arg7[%get3A_584, %get3A_585] {strides = array<i32>} : memref<128x64xf32, #tpu.memory_space<vmem>>, vector<16xf32>,
        %add3A_587 = arith.addf %get3A_586, %get3A_171 : vector<16xf32>
        tpu.vector_store_idx %arg9[%shift_right_arithmetic3A_16, %broadcast_in_dim3A_52, %and3A_39, %broadcast_in_dim3A_579], %add3A_587 : memref<8x1x8x133xf32, #tpu.memory_space<vmem>>[vector<16xi32>, vector<16xi32>, vector<16xi32>, vector<16xi32>], vector<16xf32>,
        %get3A_588 = arith.index_cast %add3A_578 : i32 to index
        %get3A_589 = arith.constant 32 : index
        %get3A_590 = tpu.vector_load %arg7[%get3A_588, %get3A_589] {strides = array<i32>} : memref<128x64xf32, #tpu.memory_space<vmem>>, vector<16xf32>,
        %add3A_591 = arith.addf %get3A_590, %get3A_174 : vector<16xf32>
        tpu.vector_store_idx %arg9[%shift_right_arithmetic3A_22, %broadcast_in_dim3A_52, %and3A_45, %broadcast_in_dim3A_579], %add3A_591 : memref<8x1x8x133xf32, #tpu.memory_space<vmem>>[vector<16xi32>, vector<16xi32>, vector<16xi32>, vector<16xi32>], vector<16xf32>,
        %get3A_592 = arith.index_cast %add3A_578 : i32 to index
        %get3A_593 = arith.constant 48 : index
        %get3A_594 = tpu.vector_load %arg7[%get3A_592, %get3A_593] {strides = array<i32>} : memref<128x64xf32, #tpu.memory_space<vmem>>, vector<16xf32>,
        %add3A_595 = arith.addf %get3A_594, %get3A_177 : vector<16xf32>
        tpu.vector_store_idx %arg9[%shift_right_arithmetic3A_28, %broadcast_in_dim3A_52, %and3A_51, %broadcast_in_dim3A_579], %add3A_595 : memref<8x1x8x133xf32, #tpu.memory_space<vmem>>[vector<16xi32>, vector<16xi32>, vector<16xi32>, vector<16xi32>], vector<16xf32>,
        %add3A_596 = arith.constant 1 : i32
        %add3A_597 = arith.addi %mul3A_576, %add3A_596 : i32
        %broadcast_in_dim3A_598 = vector.broadcast %add3A_597 : i32 to vector<16xi32>
        %get3A_599 = arith.index_cast %add3A_597 : i32 to index
        %get3A_600 = arith.constant 0 : index
        %get3A_601 = tpu.vector_load %arg7[%get3A_599, %get3A_600] {strides = array<i32>} : memref<128x64xf32, #tpu.memory_space<vmem>>, vector<16xf32>,
        %add3A_602 = arith.addf %get3A_601, %get3A_168 : vector<16xf32>
        tpu.vector_store_idx %arg9[%shift_right_arithmetic3A_10, %broadcast_in_dim3A_52, %and3A_33, %broadcast_in_dim3A_598], %add3A_602 : memref<8x1x8x133xf32, #tpu.memory_space<vmem>>[vector<16xi32>, vector<16xi32>, vector<16xi32>, vector<16xi32>], vector<16xf32>,
        %get3A_603 = arith.index_cast %add3A_597 : i32 to index
        %get3A_604 = arith.constant 16 : index
        %get3A_605 = tpu.vector_load %arg7[%get3A_603, %get3A_604] {strides = array<i32>} : memref<128x64xf32, #tpu.memory_space<vmem>>, vector<16xf32>,
        %add3A_606 = arith.addf %get3A_605, %get3A_171 : vector<16xf32>
        tpu.vector_store_idx %arg9[%shift_right_arithmetic3A_16, %broadcast_in_dim3A_52, %and3A_39, %broadcast_in_dim3A_598], %add3A_606 : memref<8x1x8x133xf32, #tpu.memory_space<vmem>>[vector<16xi32>, vector<16xi32>, vector<16xi32>, vector<16xi32>], vector<16xf32>,
        %get3A_607 = arith.index_cast %add3A_597 : i32 to index
        %get3A_608 = arith.constant 32 : index
        %get3A_609 = tpu.vector_load %arg7[%get3A_607, %get3A_608] {strides = array<i32>} : memref<128x64xf32, #tpu.memory_space<vmem>>, vector<16xf32>,
        %add3A_610 = arith.addf %get3A_609, %get3A_174 : vector<16xf32>
        tpu.vector_store_idx %arg9[%shift_right_arithmetic3A_22, %broadcast_in_dim3A_52, %and3A_45, %broadcast_in_dim3A_598], %add3A_610 : memref<8x1x8x133xf32, #tpu.memory_space<vmem>>[vector<16xi32>, vector<16xi32>, vector<16xi32>, vector<16xi32>], vector<16xf32>,
        %get3A_611 = arith.index_cast %add3A_597 : i32 to index
        %get3A_612 = arith.constant 48 : index
        %get3A_613 = tpu.vector_load %arg7[%get3A_611, %get3A_612] {strides = array<i32>} : memref<128x64xf32, #tpu.memory_space<vmem>>, vector<16xf32>,
        %add3A_614 = arith.addf %get3A_613, %get3A_177 : vector<16xf32>
        tpu.vector_store_idx %arg9[%shift_right_arithmetic3A_28, %broadcast_in_dim3A_52, %and3A_51, %broadcast_in_dim3A_598], %add3A_614 : memref<8x1x8x133xf32, #tpu.memory_space<vmem>>[vector<16xi32>, vector<16xi32>, vector<16xi32>, vector<16xi32>], vector<16xf32>,
        %add3A_615 = arith.constant 2 : i32
        %add3A_616 = arith.addi %mul3A_576, %add3A_615 : i32
        %broadcast_in_dim3A_617 = vector.broadcast %add3A_616 : i32 to vector<16xi32>
        %get3A_618 = arith.index_cast %add3A_616 : i32 to index
        %get3A_619 = arith.constant 0 : index
        %get3A_620 = tpu.vector_load %arg7[%get3A_618, %get3A_619] {strides = array<i32>} : memref<128x64xf32, #tpu.memory_space<vmem>>, vector<16xf32>,
        %add3A_621 = arith.addf %get3A_620, %get3A_168 : vector<16xf32>
        tpu.vector_store_idx %arg9[%shift_right_arithmetic3A_10, %broadcast_in_dim3A_52, %and3A_33, %broadcast_in_dim3A_617], %add3A_621 : memref<8x1x8x133xf32, #tpu.memory_space<vmem>>[vector<16xi32>, vector<16xi32>, vector<16xi32>, vector<16xi32>], vector<16xf32>,
        %get3A_622 = arith.index_cast %add3A_616 : i32 to index
        %get3A_623 = arith.constant 16 : index
        %get3A_624 = tpu.vector_load %arg7[%get3A_622, %get3A_623] {strides = array<i32>} : memref<128x64xf32, #tpu.memory_space<vmem>>, vector<16xf32>,
        %add3A_625 = arith.addf %get3A_624, %get3A_171 : vector<16xf32>
        tpu.vector_store_idx %arg9[%shift_right_arithmetic3A_16, %broadcast_in_dim3A_52, %and3A_39, %broadcast_in_dim3A_617], %add3A_625 : memref<8x1x8x133xf32, #tpu.memory_space<vmem>>[vector<16xi32>, vector<16xi32>, vector<16xi32>, vector<16xi32>], vector<16xf32>,
        %get3A_626 = arith.index_cast %add3A_616 : i32 to index
        %get3A_627 = arith.constant 32 : index
        %get3A_628 = tpu.vector_load %arg7[%get3A_626, %get3A_627] {strides = array<i32>} : memref<128x64xf32, #tpu.memory_space<vmem>>, vector<16xf32>,
        %add3A_629 = arith.addf %get3A_628, %get3A_174 : vector<16xf32>
        tpu.vector_store_idx %arg9[%shift_right_arithmetic3A_22, %broadcast_in_dim3A_52, %and3A_45, %broadcast_in_dim3A_617], %add3A_629 : memref<8x1x8x133xf32, #tpu.memory_space<vmem>>[vector<16xi32>, vector<16xi32>, vector<16xi32>, vector<16xi32>], vector<16xf32>,
        %get3A_630 = arith.index_cast %add3A_616 : i32 to index
        %get3A_631 = arith.constant 48 : index
        %get3A_632 = tpu.vector_load %arg7[%get3A_630, %get3A_631] {strides = array<i32>} : memref<128x64xf32, #tpu.memory_space<vmem>>, vector<16xf32>,
        %add3A_633 = arith.addf %get3A_632, %get3A_177 : vector<16xf32>
        tpu.vector_store_idx %arg9[%shift_right_arithmetic3A_28, %broadcast_in_dim3A_52, %and3A_51, %broadcast_in_dim3A_617], %add3A_633 : memref<8x1x8x133xf32, #tpu.memory_space<vmem>>[vector<16xi32>, vector<16xi32>, vector<16xi32>, vector<16xi32>], vector<16xf32>,
        %add3A_634 = arith.constant 3 : i32
        %add3A_635 = arith.addi %mul3A_576, %add3A_634 : i32
        %broadcast_in_dim3A_636 = vector.broadcast %add3A_635 : i32 to vector<16xi32>
        %get3A_637 = arith.index_cast %add3A_635 : i32 to index
        %get3A_638 = arith.constant 0 : index
        %get3A_639 = tpu.vector_load %arg7[%get3A_637, %get3A_638] {strides = array<i32>} : memref<128x64xf32, #tpu.memory_space<vmem>>, vector<16xf32>,
        %add3A_640 = arith.addf %get3A_639, %get3A_168 : vector<16xf32>
        tpu.vector_store_idx %arg9[%shift_right_arithmetic3A_10, %broadcast_in_dim3A_52, %and3A_33, %broadcast_in_dim3A_636], %add3A_640 : memref<8x1x8x133xf32, #tpu.memory_space<vmem>>[vector<16xi32>, vector<16xi32>, vector<16xi32>, vector<16xi32>], vector<16xf32>,
        %get3A_641 = arith.index_cast %add3A_635 : i32 to index
        %get3A_642 = arith.constant 16 : index
        %get3A_643 = tpu.vector_load %arg7[%get3A_641, %get3A_642] {strides = array<i32>} : memref<128x64xf32, #tpu.memory_space<vmem>>, vector<16xf32>,
        %add3A_644 = arith.addf %get3A_643, %get3A_171 : vector<16xf32>
        tpu.vector_store_idx %arg9[%shift_right_arithmetic3A_16, %broadcast_in_dim3A_52, %and3A_39, %broadcast_in_dim3A_636], %add3A_644 : memref<8x1x8x133xf32, #tpu.memory_space<vmem>>[vector<16xi32>, vector<16xi32>, vector<16xi32>, vector<16xi32>], vector<16xf32>,
        %get3A_645 = arith.index_cast %add3A_635 : i32 to index
        %get3A_646 = arith.constant 32 : index
        %get3A_647 = tpu.vector_load %arg7[%get3A_645, %get3A_646] {strides = array<i32>} : memref<128x64xf32, #tpu.memory_space<vmem>>, vector<16xf32>,
        %add3A_648 = arith.addf %get3A_647, %get3A_174 : vector<16xf32>
        tpu.vector_store_idx %arg9[%shift_right_arithmetic3A_22, %broadcast_in_dim3A_52, %and3A_45, %broadcast_in_dim3A_636], %add3A_648 : memref<8x1x8x133xf32, #tpu.memory_space<vmem>>[vector<16xi32>, vector<16xi32>, vector<16xi32>, vector<16xi32>], vector<16xf32>,
        %get3A_649 = arith.index_cast %add3A_635 : i32 to index
        %get3A_650 = arith.constant 48 : index
        %get3A_651 = tpu.vector_load %arg7[%get3A_649, %get3A_650] {strides = array<i32>} : memref<128x64xf32, #tpu.memory_space<vmem>>, vector<16xf32>,
        %add3A_652 = arith.addf %get3A_651, %get3A_177 : vector<16xf32>
        tpu.vector_store_idx %arg9[%shift_right_arithmetic3A_28, %broadcast_in_dim3A_52, %and3A_51, %broadcast_in_dim3A_636], %add3A_652 : memref<8x1x8x133xf32, #tpu.memory_space<vmem>>[vector<16xi32>, vector<16xi32>, vector<16xi32>, vector<16xi32>], vector<16xf32>,
      }
      %scan3A_339 = arith.constant 8 : i32
      %dma_start3A_340 = arith.constant 0 : i32
      %dma_start3A_341 = arith.constant 0 : i32
      %dma_start3A_342 = arith.constant 0 : i32
      %dma_start3A_343 = arith.constant 0 : i32
      %dma_start3A_344 = tpu.memref_slice %arg9[%dma_start3A_340, %dma_start3A_341, %dma_start3A_342, %dma_start3A_343] : memref<8x1x8x133xf32, #tpu.memory_space<vmem>> -> memref<8x1x8x128xf32, #tpu.memory_space<vmem>>
      %dma_start3A_345 = arith.constant 0 : i32
      %dma_start3A_346 = arith.constant 0 : i32
      %dma_start3A_347 = arith.constant 0 : i32
      %dma_start3A_348 = tpu.memref_slice %arg5[%add3A_158, %dma_start3A_345, %add3A, %dma_start3A_346, %dma_start3A_347] : memref<200x8x32x8x128xf32, #tpu.memory_space<hbm>> -> memref<1x8x1x8x128xf32, #tpu.memory_space<hbm>>
      %dma_start3A_349 = tpu.memref_squeeze %dma_start3A_348 : memref<1x8x1x8x128xf32, #tpu.memory_space<hbm>> -> memref<8x1x8x128xf32, #tpu.memory_space<hbm>>
      %dma_start3A_350 = arith.constant 0 : i32
      %dma_start3A_351 = arith.constant 0 : i32
      %dma_start3A_352 = arith.constant 0 : i32
      %dma_start3A_353 = tpu.memref_slice %arg5[%add3A_158, %dma_start3A_350, %add3A, %dma_start3A_351, %dma_start3A_352] : memref<200x8x32x8x128xf32, #tpu.memory_space<hbm>> -> memref<1x8x1x8x128xf32, #tpu.memory_space<hbm>>
      %dma_start3A_354 = tpu.memref_squeeze %dma_start3A_353 : memref<1x8x1x8x128xf32, #tpu.memory_space<hbm>> -> memref<8x1x8x128xf32, #tpu.memory_space<hbm>>
      %dma_start3A_355 = arith.constant 0 : i32
      %dma_start3A_356 = arith.constant 0 : i32
      %dma_start3A_357 = arith.constant 0 : i32
      %dma_start3A_358 = arith.constant 0 : i32
      %dma_start3A_359 = tpu.memref_slice %arg9[%dma_start3A_355, %dma_start3A_356, %dma_start3A_357, %dma_start3A_358] : memref<8x1x8x133xf32, #tpu.memory_space<vmem>> -> memref<8x1x8x128xf32, #tpu.memory_space<vmem>>
      tpu.enqueue_dma source(%dma_start3A_359 : memref<8x1x8x128xf32, #tpu.memory_space<vmem>>) target(%dma_start3A_354 : memref<8x1x8x128xf32, #tpu.memory_space<hbm>>) target_semaphore(%arg14 : memref<!tpu.dma_semaphore, #tpu.memory_space<semaphore_mem>>)
      %add3A_360 = arith.constant 1 : i32
      %add3A_361 = arith.addi %mul3A_156, %add3A_360 : i32
      %add3A_362 = arith.constant 1 : i32
      %add3A_363 = arith.addi %add3A_361, %add3A_362 : i32
      %lt3A_364 = arith.constant 200 : i32
      %lt3A_365 = arith.cmpi slt, %add3A_363, %lt3A_364 : i32
      %convert_element_type3A_366 = arith.extui %lt3A_365 : i1 to i32
      %cond3A_367 = arith.constant 0 : i32
      %cond3A_368 = arith.cmpi ne, %convert_element_type3A_366, %cond3A_367 : i32
      scf.if %cond3A_368 {
        %add3A_574 = arith.constant 1 : i32
        %add3A_575 = arith.addi %add3A_361, %add3A_574 : i32
        %jit3A_576 = arith.constant 8 : i32
        %div3A_577 = arith.divsi %add3A_575, %jit3A_576 : i32
        %sign3A_578 = arith.constant 0 : i32
        %sign3A_579 = arith.cmpi sgt, %add3A_575, %sign3A_578 : i32
        %sign3A_580 = arith.extui %sign3A_579 : i1 to i32
        %sign3A_581 = arith.constant 0 : i32
        %sign3A_582 = arith.cmpi slt, %add3A_575, %sign3A_581 : i32
        %sign3A_583 = arith.extui %sign3A_582 : i1 to i32
        %sign3A_584 = arith.subi %sign3A_580, %sign3A_583 : i32
        %sign3A_585 = arith.constant 0 : i32
        %sign3A_586 = arith.cmpi sgt, %jit3A_576, %sign3A_585 : i32
        %sign3A_587 = arith.extui %sign3A_586 : i1 to i32
        %sign3A_588 = arith.constant 0 : i32
        %sign3A_589 = arith.cmpi slt, %jit3A_576, %sign3A_588 : i32
        %sign3A_590 = arith.extui %sign3A_589 : i1 to i32
        %sign3A_591 = arith.subi %sign3A_587, %sign3A_590 : i32
        %ne3A_592 = arith.cmpi ne, %sign3A_584, %sign3A_591 : i32
        %rem3A_593 = arith.remsi %add3A_575, %jit3A_576 : i32
        %ne3A_594 = arith.constant 0 : i32
        %ne3A_595 = arith.cmpi ne, %rem3A_593, %ne3A_594 : i32
        %and3A_596 = arith.andi %ne3A_592, %ne3A_595 : i1
        %sub3A_597 = arith.constant 1 : i32
        %sub3A_598 = arith.subi %div3A_577, %sub3A_597 : i32
        %select_n3A_599 = arith.select %and3A_596, %sub3A_598, %div3A_577 : i32
        %rem3A_600 = arith.constant 8 : i32
        %rem3A_601 = arith.remsi %add3A_575, %rem3A_600 : i32
        %dma_start3A_602 = arith.constant 0 : i32
        %dma_start3A_603 = arith.constant 0 : i32
        %dma_start3A_604 = arith.constant 0 : i32
        %dma_start3A_605 = tpu.memref_slice %arg7[%dma_start3A_603, %dma_start3A_604] : memref<128x64xf32, #tpu.memory_space<vmem>> -> memref<32x64xf32, #tpu.memory_space<vmem>>
        %dma_start3A_606 = arith.constant 0 : i32
        %dma_start3A_607 = tpu.memref_slice %arg6[%select_n3A_599, %dma_start3A_602, %rem3A_601, %dma_start3A_606] : memref<25x1x8x128xi32, #tpu.memory_space<vmem>> -> memref<1x1x1x32xi32, #tpu.memory_space<vmem>>
        %dma_start3A_608 = tpu.memref_squeeze %dma_start3A_607 : memref<1x1x1x32xi32, #tpu.memory_space<vmem>> -> memref<32xi32, #tpu.memory_space<vmem>>
        %dma_start3A_609 = arith.constant 0 : i32
        %dma_start3A_610 = arith.constant 0 : i32
        %dma_start3A_611 = tpu.memref_slice %arg3[%dma_start3A_609, %dma_start3A_610] : memref<2000000x64xf32, #tpu.memory_space<hbm>> -> memref<2000000x64xf32, #tpu.memory_space<hbm>>
        tpu.enqueue_indirect_dma source(%dma_start3A_611 : memref<2000000x64xf32, #tpu.memory_space<hbm>>) target(%dma_start3A_605 : memref<32x64xf32, #tpu.memory_space<vmem>>) offsets(%dma_start3A_608 : memref<32xi32, #tpu.memory_space<vmem>>) semaphore(%arg12 : memref<!tpu.dma_semaphore, #tpu.memory_space<semaphore_mem>>)
        %jit3A_612 = arith.constant 8 : i32
        %div3A_613 = arith.divsi %add3A_575, %jit3A_612 : i32
        %sign3A_614 = arith.constant 0 : i32
        %sign3A_615 = arith.cmpi sgt, %add3A_575, %sign3A_614 : i32
        %sign3A_616 = arith.extui %sign3A_615 : i1 to i32
        %sign3A_617 = arith.constant 0 : i32
        %sign3A_618 = arith.cmpi slt, %add3A_575, %sign3A_617 : i32
        %sign3A_619 = arith.extui %sign3A_618 : i1 to i32
        %sign3A_620 = arith.subi %sign3A_616, %sign3A_619 : i32
        %sign3A_621 = arith.constant 0 : i32
        %sign3A_622 = arith.cmpi sgt, %jit3A_612, %sign3A_621 : i32
        %sign3A_623 = arith.extui %sign3A_622 : i1 to i32
        %sign3A_624 = arith.constant 0 : i32
        %sign3A_625 = arith.cmpi slt, %jit3A_612, %sign3A_624 : i32
        %sign3A_626 = arith.extui %sign3A_625 : i1 to i32
        %sign3A_627 = arith.subi %sign3A_623, %sign3A_626 : i32
        %ne3A_628 = arith.cmpi ne, %sign3A_620, %sign3A_627 : i32
        %rem3A_629 = arith.remsi %add3A_575, %jit3A_612 : i32
        %ne3A_630 = arith.constant 0 : i32
        %ne3A_631 = arith.cmpi ne, %rem3A_629, %ne3A_630 : i32
        %and3A_632 = arith.andi %ne3A_628, %ne3A_631 : i1
        %sub3A_633 = arith.constant 1 : i32
        %sub3A_634 = arith.subi %div3A_613, %sub3A_633 : i32
        %select_n3A_635 = arith.select %and3A_632, %sub3A_634, %div3A_613 : i32
        %rem3A_636 = arith.constant 8 : i32
        %rem3A_637 = arith.remsi %add3A_575, %rem3A_636 : i32
        %dma_start3A_638 = arith.constant 0 : i32
        %dma_start3A_639 = arith.constant 32 : i32
        %dma_start3A_640 = arith.constant 0 : i32
        %dma_start3A_641 = tpu.memref_slice %arg7[%dma_start3A_639, %dma_start3A_640] : memref<128x64xf32, #tpu.memory_space<vmem>> -> memref<32x64xf32, #tpu.memory_space<vmem>>
        %dma_start3A_642 = arith.constant 32 : i32
        %dma_start3A_643 = tpu.memref_slice %arg6[%select_n3A_635, %dma_start3A_638, %rem3A_637, %dma_start3A_642] : memref<25x1x8x128xi32, #tpu.memory_space<vmem>> -> memref<1x1x1x32xi32, #tpu.memory_space<vmem>>
        %dma_start3A_644 = tpu.memref_squeeze %dma_start3A_643 : memref<1x1x1x32xi32, #tpu.memory_space<vmem>> -> memref<32xi32, #tpu.memory_space<vmem>>
        %dma_start3A_645 = arith.constant 0 : i32
        %dma_start3A_646 = arith.constant 0 : i32
        %dma_start3A_647 = tpu.memref_slice %arg3[%dma_start3A_645, %dma_start3A_646] : memref<2000000x64xf32, #tpu.memory_space<hbm>> -> memref<2000000x64xf32, #tpu.memory_space<hbm>>
        tpu.enqueue_indirect_dma source(%dma_start3A_647 : memref<2000000x64xf32, #tpu.memory_space<hbm>>) target(%dma_start3A_641 : memref<32x64xf32, #tpu.memory_space<vmem>>) offsets(%dma_start3A_644 : memref<32xi32, #tpu.memory_space<vmem>>) semaphore(%arg12 : memref<!tpu.dma_semaphore, #tpu.memory_space<semaphore_mem>>)
        %jit3A_648 = arith.constant 8 : i32
        %div3A_649 = arith.divsi %add3A_575, %jit3A_648 : i32
        %sign3A_650 = arith.constant 0 : i32
        %sign3A_651 = arith.cmpi sgt, %add3A_575, %sign3A_650 : i32
        %sign3A_652 = arith.extui %sign3A_651 : i1 to i32
        %sign3A_653 = arith.constant 0 : i32
        %sign3A_654 = arith.cmpi slt, %add3A_575, %sign3A_653 : i32
        %sign3A_655 = arith.extui %sign3A_654 : i1 to i32
        %sign3A_656 = arith.subi %sign3A_652, %sign3A_655 : i32
        %sign3A_657 = arith.constant 0 : i32
        %sign3A_658 = arith.cmpi sgt, %jit3A_648, %sign3A_657 : i32
        %sign3A_659 = arith.extui %sign3A_658 : i1 to i32
        %sign3A_660 = arith.constant 0 : i32
        %sign3A_661 = arith.cmpi slt, %jit3A_648, %sign3A_660 : i32
        %sign3A_662 = arith.extui %sign3A_661 : i1 to i32
        %sign3A_663 = arith.subi %sign3A_659, %sign3A_662 : i32
        %ne3A_664 = arith.cmpi ne, %sign3A_656, %sign3A_663 : i32
        %rem3A_665 = arith.remsi %add3A_575, %jit3A_648 : i32
        %ne3A_666 = arith.constant 0 : i32
        %ne3A_667 = arith.cmpi ne, %rem3A_665, %ne3A_666 : i32
        %and3A_668 = arith.andi %ne3A_664, %ne3A_667 : i1
        %sub3A_669 = arith.constant 1 : i32
        %sub3A_670 = arith.subi %div3A_649, %sub3A_669 : i32
        %select_n3A_671 = arith.select %and3A_668, %sub3A_670, %div3A_649 : i32
        %rem3A_672 = arith.constant 8 : i32
        %rem3A_673 = arith.remsi %add3A_575, %rem3A_672 : i32
        %dma_start3A_674 = arith.constant 0 : i32
        %dma_start3A_675 = arith.constant 64 : i32
        %dma_start3A_676 = arith.constant 0 : i32
        %dma_start3A_677 = tpu.memref_slice %arg7[%dma_start3A_675, %dma_start3A_676] : memref<128x64xf32, #tpu.memory_space<vmem>> -> memref<32x64xf32, #tpu.memory_space<vmem>>
        %dma_start3A_678 = arith.constant 64 : i32
        %dma_start3A_679 = tpu.memref_slice %arg6[%select_n3A_671, %dma_start3A_674, %rem3A_673, %dma_start3A_678] : memref<25x1x8x128xi32, #tpu.memory_space<vmem>> -> memref<1x1x1x32xi32, #tpu.memory_space<vmem>>
        %dma_start3A_680 = tpu.memref_squeeze %dma_start3A_679 : memref<1x1x1x32xi32, #tpu.memory_space<vmem>> -> memref<32xi32, #tpu.memory_space<vmem>>
        %dma_start3A_681 = arith.constant 0 : i32
        %dma_start3A_682 = arith.constant 0 : i32
        %dma_start3A_683 = tpu.memref_slice %arg3[%dma_start3A_681, %dma_start3A_682] : memref<2000000x64xf32, #tpu.memory_space<hbm>> -> memref<2000000x64xf32, #tpu.memory_space<hbm>>
        tpu.enqueue_indirect_dma source(%dma_start3A_683 : memref<2000000x64xf32, #tpu.memory_space<hbm>>) target(%dma_start3A_677 : memref<32x64xf32, #tpu.memory_space<vmem>>) offsets(%dma_start3A_680 : memref<32xi32, #tpu.memory_space<vmem>>) semaphore(%arg12 : memref<!tpu.dma_semaphore, #tpu.memory_space<semaphore_mem>>)
        %jit3A_684 = arith.constant 8 : i32
        %div3A_685 = arith.divsi %add3A_575, %jit3A_684 : i32
        %sign3A_686 = arith.constant 0 : i32
        %sign3A_687 = arith.cmpi sgt, %add3A_575, %sign3A_686 : i32
        %sign3A_688 = arith.extui %sign3A_687 : i1 to i32
        %sign3A_689 = arith.constant 0 : i32
        %sign3A_690 = arith.cmpi slt, %add3A_575, %sign3A_689 : i32
        %sign3A_691 = arith.extui %sign3A_690 : i1 to i32
        %sign3A_692 = arith.subi %sign3A_688, %sign3A_691 : i32
        %sign3A_693 = arith.constant 0 : i32
        %sign3A_694 = arith.cmpi sgt, %jit3A_684, %sign3A_693 : i32
        %sign3A_695 = arith.extui %sign3A_694 : i1 to i32
        %sign3A_696 = arith.constant 0 : i32
        %sign3A_697 = arith.cmpi slt, %jit3A_684, %sign3A_696 : i32
        %sign3A_698 = arith.extui %sign3A_697 : i1 to i32
        %sign3A_699 = arith.subi %sign3A_695, %sign3A_698 : i32
        %ne3A_700 = arith.cmpi ne, %sign3A_692, %sign3A_699 : i32
        %rem3A_701 = arith.remsi %add3A_575, %jit3A_684 : i32
        %ne3A_702 = arith.constant 0 : i32
        %ne3A_703 = arith.cmpi ne, %rem3A_701, %ne3A_702 : i32
        %and3A_704 = arith.andi %ne3A_700, %ne3A_703 : i1
        %sub3A_705 = arith.constant 1 : i32
        %sub3A_706 = arith.subi %div3A_685, %sub3A_705 : i32
        %select_n3A_707 = arith.select %and3A_704, %sub3A_706, %div3A_685 : i32
        %rem3A_708 = arith.constant 8 : i32
        %rem3A_709 = arith.remsi %add3A_575, %rem3A_708 : i32
        %dma_start3A_710 = arith.constant 0 : i32
        %dma_start3A_711 = arith.constant 96 : i32
        %dma_start3A_712 = arith.constant 0 : i32
        %dma_start3A_713 = tpu.memref_slice %arg7[%dma_start3A_711, %dma_start3A_712] : memref<128x64xf32, #tpu.memory_space<vmem>> -> memref<32x64xf32, #tpu.memory_space<vmem>>
        %dma_start3A_714 = arith.constant 96 : i32
        %dma_start3A_715 = tpu.memref_slice %arg6[%select_n3A_707, %dma_start3A_710, %rem3A_709, %dma_start3A_714] : memref<25x1x8x128xi32, #tpu.memory_space<vmem>> -> memref<1x1x1x32xi32, #tpu.memory_space<vmem>>
        %dma_start3A_716 = tpu.memref_squeeze %dma_start3A_715 : memref<1x1x1x32xi32, #tpu.memory_space<vmem>> -> memref<32xi32, #tpu.memory_space<vmem>>
        %dma_start3A_717 = arith.constant 0 : i32
        %dma_start3A_718 = arith.constant 0 : i32
        %dma_start3A_719 = tpu.memref_slice %arg3[%dma_start3A_717, %dma_start3A_718] : memref<2000000x64xf32, #tpu.memory_space<hbm>> -> memref<2000000x64xf32, #tpu.memory_space<hbm>>
        tpu.enqueue_indirect_dma source(%dma_start3A_719 : memref<2000000x64xf32, #tpu.memory_space<hbm>>) target(%dma_start3A_713 : memref<32x64xf32, #tpu.memory_space<vmem>>) offsets(%dma_start3A_716 : memref<32xi32, #tpu.memory_space<vmem>>) semaphore(%arg12 : memref<!tpu.dma_semaphore, #tpu.memory_space<semaphore_mem>>)
      } else {
      }
      %ge3A_369 = arith.constant 2 : i32
      %ge3A_370 = arith.cmpi sge, %add3A_361, %ge3A_369 : i32
      %convert_element_type3A_371 = arith.extui %ge3A_370 : i1 to i32
      %cond3A_372 = arith.constant 0 : i32
      %cond3A_373 = arith.cmpi ne, %convert_element_type3A_371, %cond3A_372 : i32
      scf.if %cond3A_373 {
        %sub3A_574 = arith.constant 2 : i32
        %sub3A_575 = arith.subi %add3A_361, %sub3A_574 : i32
        %dma_wait3A_576 = arith.constant 0 : i32
        %dma_wait3A_577 = arith.constant 0 : i32
        %dma_wait3A_578 = arith.constant 0 : i32
        %dma_wait3A_579 = arith.constant 0 : i32
        %dma_wait3A_580 = tpu.memref_slice %arg10[%dma_wait3A_576, %dma_wait3A_577, %dma_wait3A_578, %dma_wait3A_579] : memref<8x1x8x133xf32, #tpu.memory_space<vmem>> -> memref<8x1x8x128xf32, #tpu.memory_space<vmem>>
        %dma_wait3A_581 = arith.constant 0 : i32
        %dma_wait3A_582 = arith.constant 0 : i32
        %dma_wait3A_583 = arith.constant 0 : i32
        %dma_wait3A_584 = tpu.memref_slice %arg5[%sub3A_575, %dma_wait3A_581, %add3A, %dma_wait3A_582, %dma_wait3A_583] : memref<200x8x32x8x128xf32, #tpu.memory_space<hbm>> -> memref<1x8x1x8x128xf32, #tpu.memory_space<hbm>>
        %dma_wait3A_585 = tpu.memref_squeeze %dma_wait3A_584 : memref<1x8x1x8x128xf32, #tpu.memory_space<hbm>> -> memref<8x1x8x128xf32, #tpu.memory_space<hbm>>
        %dma_wait3A_586 = arith.constant 0 : i32
        %dma_wait3A_587 = arith.constant 0 : i32
        %dma_wait3A_588 = arith.constant 0 : i32
        %dma_wait3A_589 = tpu.memref_slice %arg5[%sub3A_575, %dma_wait3A_586, %add3A, %dma_wait3A_587, %dma_wait3A_588] : memref<200x8x32x8x128xf32, #tpu.memory_space<hbm>> -> memref<1x8x1x8x128xf32, #tpu.memory_space<hbm>>
        %dma_wait3A_590 = tpu.memref_squeeze %dma_wait3A_589 : memref<1x8x1x8x128xf32, #tpu.memory_space<hbm>> -> memref<8x1x8x128xf32, #tpu.memory_space<hbm>>
        %dma_wait3A_591 = arith.constant 0 : i32
        %dma_wait3A_592 = arith.constant 0 : i32
        %dma_wait3A_593 = arith.constant 0 : i32
        %dma_wait3A_594 = arith.constant 0 : i32
        %dma_wait3A_595 = tpu.memref_slice %arg10[%dma_wait3A_591, %dma_wait3A_592, %dma_wait3A_593, %dma_wait3A_594] : memref<8x1x8x133xf32, #tpu.memory_space<vmem>> -> memref<8x1x8x128xf32, #tpu.memory_space<vmem>>
        tpu.wait_dma2 semaphore(%arg15 : memref<!tpu.dma_semaphore, #tpu.memory_space<semaphore_mem>>) src(%dma_wait3A_595 : memref<8x1x8x128xf32, #tpu.memory_space<vmem>>) dst(%dma_wait3A_590 : memref<8x1x8x128xf32, #tpu.memory_space<hbm>>)
      } else {
      }
      %get3A_374 = arith.index_cast %add3A_361 : i32 to index
      %get3A_375 = arith.constant 0 : index
      %get3A_376 = tpu.vector_load %arg11[%get3A_374, %get3A_375] {strides = array<i32>} : memref<200x64xf32, #tpu.memory_space<vmem>>, vector<16xf32>,
      %get3A_377 = arith.index_cast %add3A_361 : i32 to index
      %get3A_378 = arith.constant 16 : index
      %get3A_379 = tpu.vector_load %arg11[%get3A_377, %get3A_378] {strides = array<i32>} : memref<200x64xf32, #tpu.memory_space<vmem>>, vector<16xf32>,
      %get3A_380 = arith.index_cast %add3A_361 : i32 to index
      %get3A_381 = arith.constant 32 : index
      %get3A_382 = tpu.vector_load %arg11[%get3A_380, %get3A_381] {strides = array<i32>} : memref<200x64xf32, #tpu.memory_space<vmem>>, vector<16xf32>,
      %get3A_383 = arith.index_cast %add3A_361 : i32 to index
      %get3A_384 = arith.constant 48 : index
      %get3A_385 = tpu.vector_load %arg11[%get3A_383, %get3A_384] {strides = array<i32>} : memref<200x64xf32, #tpu.memory_space<vmem>>, vector<16xf32>,
      %jit3A_386 = arith.constant 8 : i32
      %div3A_387 = arith.divsi %add3A_361, %jit3A_386 : i32
      %sign3A_388 = arith.constant 0 : i32
      %sign3A_389 = arith.cmpi sgt, %add3A_361, %sign3A_388 : i32
      %sign3A_390 = arith.extui %sign3A_389 : i1 to i32
      %sign3A_391 = arith.constant 0 : i32
      %sign3A_392 = arith.cmpi slt, %add3A_361, %sign3A_391 : i32
      %sign3A_393 = arith.extui %sign3A_392 : i1 to i32
      %sign3A_394 = arith.subi %sign3A_390, %sign3A_393 : i32
      %sign3A_395 = arith.constant 0 : i32
      %sign3A_396 = arith.cmpi sgt, %jit3A_386, %sign3A_395 : i32
      %sign3A_397 = arith.extui %sign3A_396 : i1 to i32
      %sign3A_398 = arith.constant 0 : i32
      %sign3A_399 = arith.cmpi slt, %jit3A_386, %sign3A_398 : i32
      %sign3A_400 = arith.extui %sign3A_399 : i1 to i32
      %sign3A_401 = arith.subi %sign3A_397, %sign3A_400 : i32
      %ne3A_402 = arith.cmpi ne, %sign3A_394, %sign3A_401 : i32
      %rem3A_403 = arith.remsi %add3A_361, %jit3A_386 : i32
      %ne3A_404 = arith.constant 0 : i32
      %ne3A_405 = arith.cmpi ne, %rem3A_403, %ne3A_404 : i32
      %and3A_406 = arith.andi %ne3A_402, %ne3A_405 : i1
      %sub3A_407 = arith.constant 1 : i32
      %sub3A_408 = arith.subi %div3A_387, %sub3A_407 : i32
      %select_n3A_409 = arith.select %and3A_406, %sub3A_408, %div3A_387 : i32
      %rem3A_410 = arith.constant 8 : i32
      %rem3A_411 = arith.remsi %add3A_361, %rem3A_410 : i32
      %dma_wait3A_412 = arith.constant 0 : i32
      %dma_wait3A_413 = arith.constant 0 : i32
      %dma_wait3A_414 = arith.constant 0 : i32
      %dma_wait3A_415 = tpu.memref_slice %arg8[%dma_wait3A_413, %dma_wait3A_414] : memref<128x64xf32, #tpu.memory_space<vmem>> -> memref<32x64xf32, #tpu.memory_space<vmem>>
      %dma_wait3A_416 = arith.constant 0 : i32
      %dma_wait3A_417 = tpu.memref_slice %arg6[%select_n3A_409, %dma_wait3A_412, %rem3A_411, %dma_wait3A_416] : memref<25x1x8x128xi32, #tpu.memory_space<vmem>> -> memref<1x1x1x32xi32, #tpu.memory_space<vmem>>
      %dma_wait3A_418 = tpu.memref_squeeze %dma_wait3A_417 : memref<1x1x1x32xi32, #tpu.memory_space<vmem>> -> memref<32xi32, #tpu.memory_space<vmem>>
      %dma_wait3A_419 = arith.constant 0 : i32
      %dma_wait3A_420 = arith.constant 0 : i32
      %dma_wait3A_421 = tpu.memref_slice %arg3[%dma_wait3A_419, %dma_wait3A_420] : memref<2000000x64xf32, #tpu.memory_space<hbm>> -> memref<2000000x64xf32, #tpu.memory_space<hbm>>
      tpu.wait_indirect_dma semaphore(%arg13 : memref<!tpu.dma_semaphore, #tpu.memory_space<semaphore_mem>>) src(%dma_wait3A_421 : memref<2000000x64xf32, #tpu.memory_space<hbm>>) dst(%dma_wait3A_415 : memref<32x64xf32, #tpu.memory_space<vmem>>)
      %scan3A_422 = arith.constant 0 : i32
      %scan3A_423 = arith.constant 0 : i32
      %scan3A_424 = arith.constant 8 : i32
      %scan3A_425 = arith.addi %scan3A_423, %scan3A_424 : i32
      %scan3A_426 = arith.constant 1 : i32
      scf.for %scan3A_574 = %scan3A_423 to %scan3A_425 step %scan3A_426  : i32 {
        %mul3A_575 = arith.constant 4 : i32
        %mul3A_576 = arith.muli %mul3A_575, %scan3A_574 : i32
        %add3A_577 = arith.constant 0 : i32
        %add3A_578 = arith.addi %mul3A_576, %add3A_577 : i32
        %broadcast_in_dim3A_579 = vector.broadcast %add3A_578 : i32 to vector<16xi32>
        %get3A_580 = arith.index_cast %add3A_578 : i32 to index
        %get3A_581 = arith.constant 0 : index
        %get3A_582 = tpu.vector_load %arg8[%get3A_580, %get3A_581] {strides = array<i32>} : memref<128x64xf32, #tpu.memory_space<vmem>>, vector<16xf32>,
        %add3A_583 = arith.addf %get3A_582, %get3A_376 : vector<16xf32>
        tpu.vector_store_idx %arg10[%shift_right_arithmetic3A_10, %broadcast_in_dim3A_52, %and3A_33, %broadcast_in_dim3A_579], %add3A_583 : memref<8x1x8x133xf32, #tpu.memory_space<vmem>>[vector<16xi32>, vector<16xi32>, vector<16xi32>, vector<16xi32>], vector<16xf32>,
        %get3A_584 = arith.index_cast %add3A_578 : i32 to index
        %get3A_585 = arith.constant 16 : index
        %get3A_586 = tpu.vector_load %arg8[%get3A_584, %get3A_585] {strides = array<i32>} : memref<128x64xf32, #tpu.memory_space<vmem>>, vector<16xf32>,
        %add3A_587 = arith.addf %get3A_586, %get3A_379 : vector<16xf32>
        tpu.vector_store_idx %arg10[%shift_right_arithmetic3A_16, %broadcast_in_dim3A_52, %and3A_39, %broadcast_in_dim3A_579], %add3A_587 : memref<8x1x8x133xf32, #tpu.memory_space<vmem>>[vector<16xi32>, vector<16xi32>, vector<16xi32>, vector<16xi32>], vector<16xf32>,
        %get3A_588 = arith.index_cast %add3A_578 : i32 to index
        %get3A_589 = arith.constant 32 : index
        %get3A_590 = tpu.vector_load %arg8[%get3A_588, %get3A_589] {strides = array<i32>} : memref<128x64xf32, #tpu.memory_space<vmem>>, vector<16xf32>,
        %add3A_591 = arith.addf %get3A_590, %get3A_382 : vector<16xf32>
        tpu.vector_store_idx %arg10[%shift_right_arithmetic3A_22, %broadcast_in_dim3A_52, %and3A_45, %broadcast_in_dim3A_579], %add3A_591 : memref<8x1x8x133xf32, #tpu.memory_space<vmem>>[vector<16xi32>, vector<16xi32>, vector<16xi32>, vector<16xi32>], vector<16xf32>,
        %get3A_592 = arith.index_cast %add3A_578 : i32 to index
        %get3A_593 = arith.constant 48 : index
        %get3A_594 = tpu.vector_load %arg8[%get3A_592, %get3A_593] {strides = array<i32>} : memref<128x64xf32, #tpu.memory_space<vmem>>, vector<16xf32>,
        %add3A_595 = arith.addf %get3A_594, %get3A_385 : vector<16xf32>
        tpu.vector_store_idx %arg10[%shift_right_arithmetic3A_28, %broadcast_in_dim3A_52, %and3A_51, %broadcast_in_dim3A_579], %add3A_595 : memref<8x1x8x133xf32, #tpu.memory_space<vmem>>[vector<16xi32>, vector<16xi32>, vector<16xi32>, vector<16xi32>], vector<16xf32>,
        %add3A_596 = arith.constant 1 : i32
        %add3A_597 = arith.addi %mul3A_576, %add3A_596 : i32
        %broadcast_in_dim3A_598 = vector.broadcast %add3A_597 : i32 to vector<16xi32>
        %get3A_599 = arith.index_cast %add3A_597 : i32 to index
        %get3A_600 = arith.constant 0 : index
        %get3A_601 = tpu.vector_load %arg8[%get3A_599, %get3A_600] {strides = array<i32>} : memref<128x64xf32, #tpu.memory_space<vmem>>, vector<16xf32>,
        %add3A_602 = arith.addf %get3A_601, %get3A_376 : vector<16xf32>
        tpu.vector_store_idx %arg10[%shift_right_arithmetic3A_10, %broadcast_in_dim3A_52, %and3A_33, %broadcast_in_dim3A_598], %add3A_602 : memref<8x1x8x133xf32, #tpu.memory_space<vmem>>[vector<16xi32>, vector<16xi32>, vector<16xi32>, vector<16xi32>], vector<16xf32>,
        %get3A_603 = arith.index_cast %add3A_597 : i32 to index
        %get3A_604 = arith.constant 16 : index
        %get3A_605 = tpu.vector_load %arg8[%get3A_603, %get3A_604] {strides = array<i32>} : memref<128x64xf32, #tpu.memory_space<vmem>>, vector<16xf32>,
        %add3A_606 = arith.addf %get3A_605, %get3A_379 : vector<16xf32>
        tpu.vector_store_idx %arg10[%shift_right_arithmetic3A_16, %broadcast_in_dim3A_52, %and3A_39, %broadcast_in_dim3A_598], %add3A_606 : memref<8x1x8x133xf32, #tpu.memory_space<vmem>>[vector<16xi32>, vector<16xi32>, vector<16xi32>, vector<16xi32>], vector<16xf32>,
        %get3A_607 = arith.index_cast %add3A_597 : i32 to index
        %get3A_608 = arith.constant 32 : index
        %get3A_609 = tpu.vector_load %arg8[%get3A_607, %get3A_608] {strides = array<i32>} : memref<128x64xf32, #tpu.memory_space<vmem>>, vector<16xf32>,
        %add3A_610 = arith.addf %get3A_609, %get3A_382 : vector<16xf32>
        tpu.vector_store_idx %arg10[%shift_right_arithmetic3A_22, %broadcast_in_dim3A_52, %and3A_45, %broadcast_in_dim3A_598], %add3A_610 : memref<8x1x8x133xf32, #tpu.memory_space<vmem>>[vector<16xi32>, vector<16xi32>, vector<16xi32>, vector<16xi32>], vector<16xf32>,
        %get3A_611 = arith.index_cast %add3A_597 : i32 to index
        %get3A_612 = arith.constant 48 : index
        %get3A_613 = tpu.vector_load %arg8[%get3A_611, %get3A_612] {strides = array<i32>} : memref<128x64xf32, #tpu.memory_space<vmem>>, vector<16xf32>,
        %add3A_614 = arith.addf %get3A_613, %get3A_385 : vector<16xf32>
        tpu.vector_store_idx %arg10[%shift_right_arithmetic3A_28, %broadcast_in_dim3A_52, %and3A_51, %broadcast_in_dim3A_598], %add3A_614 : memref<8x1x8x133xf32, #tpu.memory_space<vmem>>[vector<16xi32>, vector<16xi32>, vector<16xi32>, vector<16xi32>], vector<16xf32>,
        %add3A_615 = arith.constant 2 : i32
        %add3A_616 = arith.addi %mul3A_576, %add3A_615 : i32
        %broadcast_in_dim3A_617 = vector.broadcast %add3A_616 : i32 to vector<16xi32>
        %get3A_618 = arith.index_cast %add3A_616 : i32 to index
        %get3A_619 = arith.constant 0 : index
        %get3A_620 = tpu.vector_load %arg8[%get3A_618, %get3A_619] {strides = array<i32>} : memref<128x64xf32, #tpu.memory_space<vmem>>, vector<16xf32>,
        %add3A_621 = arith.addf %get3A_620, %get3A_376 : vector<16xf32>
        tpu.vector_store_idx %arg10[%shift_right_arithmetic3A_10, %broadcast_in_dim3A_52, %and3A_33, %broadcast_in_dim3A_617], %add3A_621 : memref<8x1x8x133xf32, #tpu.memory_space<vmem>>[vector<16xi32>, vector<16xi32>, vector<16xi32>, vector<16xi32>], vector<16xf32>,
        %get3A_622 = arith.index_cast %add3A_616 : i32 to index
        %get3A_623 = arith.constant 16 : index
        %get3A_624 = tpu.vector_load %arg8[%get3A_622, %get3A_623] {strides = array<i32>} : memref<128x64xf32, #tpu.memory_space<vmem>>, vector<16xf32>,
        %add3A_625 = arith.addf %get3A_624, %get3A_379 : vector<16xf32>
        tpu.vector_store_idx %arg10[%shift_right_arithmetic3A_16, %broadcast_in_dim3A_52, %and3A_39, %broadcast_in_dim3A_617], %add3A_625 : memref<8x1x8x133xf32, #tpu.memory_space<vmem>>[vector<16xi32>, vector<16xi32>, vector<16xi32>, vector<16xi32>], vector<16xf32>,
        %get3A_626 = arith.index_cast %add3A_616 : i32 to index
        %get3A_627 = arith.constant 32 : index
        %get3A_628 = tpu.vector_load %arg8[%get3A_626, %get3A_627] {strides = array<i32>} : memref<128x64xf32, #tpu.memory_space<vmem>>, vector<16xf32>,
        %add3A_629 = arith.addf %get3A_628, %get3A_382 : vector<16xf32>
        tpu.vector_store_idx %arg10[%shift_right_arithmetic3A_22, %broadcast_in_dim3A_52, %and3A_45, %broadcast_in_dim3A_617], %add3A_629 : memref<8x1x8x133xf32, #tpu.memory_space<vmem>>[vector<16xi32>, vector<16xi32>, vector<16xi32>, vector<16xi32>], vector<16xf32>,
        %get3A_630 = arith.index_cast %add3A_616 : i32 to index
        %get3A_631 = arith.constant 48 : index
        %get3A_632 = tpu.vector_load %arg8[%get3A_630, %get3A_631] {strides = array<i32>} : memref<128x64xf32, #tpu.memory_space<vmem>>, vector<16xf32>,
        %add3A_633 = arith.addf %get3A_632, %get3A_385 : vector<16xf32>
        tpu.vector_store_idx %arg10[%shift_right_arithmetic3A_28, %broadcast_in_dim3A_52, %and3A_51, %broadcast_in_dim3A_617], %add3A_633 : memref<8x1x8x133xf32, #tpu.memory_space<vmem>>[vector<16xi32>, vector<16xi32>, vector<16xi32>, vector<16xi32>], vector<16xf32>,
        %add3A_634 = arith.constant 3 : i32
        %add3A_635 = arith.addi %mul3A_576, %add3A_634 : i32
        %broadcast_in_dim3A_636 = vector.broadcast %add3A_635 : i32 to vector<16xi32>
        %get3A_637 = arith.index_cast %add3A_635 : i32 to index
        %get3A_638 = arith.constant 0 : index
        %get3A_639 = tpu.vector_load %arg8[%get3A_637, %get3A_638] {strides = array<i32>} : memref<128x64xf32, #tpu.memory_space<vmem>>, vector<16xf32>,
        %add3A_640 = arith.addf %get3A_639, %get3A_376 : vector<16xf32>
        tpu.vector_store_idx %arg10[%shift_right_arithmetic3A_10, %broadcast_in_dim3A_52, %and3A_33, %broadcast_in_dim3A_636], %add3A_640 : memref<8x1x8x133xf32, #tpu.memory_space<vmem>>[vector<16xi32>, vector<16xi32>, vector<16xi32>, vector<16xi32>], vector<16xf32>,
        %get3A_641 = arith.index_cast %add3A_635 : i32 to index
        %get3A_642 = arith.constant 16 : index
        %get3A_643 = tpu.vector_load %arg8[%get3A_641, %get3A_642] {strides = array<i32>} : memref<128x64xf32, #tpu.memory_space<vmem>>, vector<16xf32>,
        %add3A_644 = arith.addf %get3A_643, %get3A_379 : vector<16xf32>
        tpu.vector_store_idx %arg10[%shift_right_arithmetic3A_16, %broadcast_in_dim3A_52, %and3A_39, %broadcast_in_dim3A_636], %add3A_644 : memref<8x1x8x133xf32, #tpu.memory_space<vmem>>[vector<16xi32>, vector<16xi32>, vector<16xi32>, vector<16xi32>], vector<16xf32>,
        %get3A_645 = arith.index_cast %add3A_635 : i32 to index
        %get3A_646 = arith.constant 32 : index
        %get3A_647 = tpu.vector_load %arg8[%get3A_645, %get3A_646] {strides = array<i32>} : memref<128x64xf32, #tpu.memory_space<vmem>>, vector<16xf32>,
        %add3A_648 = arith.addf %get3A_647, %get3A_382 : vector<16xf32>
        tpu.vector_store_idx %arg10[%shift_right_arithmetic3A_22, %broadcast_in_dim3A_52, %and3A_45, %broadcast_in_dim3A_636], %add3A_648 : memref<8x1x8x133xf32, #tpu.memory_space<vmem>>[vector<16xi32>, vector<16xi32>, vector<16xi32>, vector<16xi32>], vector<16xf32>,
        %get3A_649 = arith.index_cast %add3A_635 : i32 to index
        %get3A_650 = arith.constant 48 : index
        %get3A_651 = tpu.vector_load %arg8[%get3A_649, %get3A_650] {strides = array<i32>} : memref<128x64xf32, #tpu.memory_space<vmem>>, vector<16xf32>,
        %add3A_652 = arith.addf %get3A_651, %get3A_385 : vector<16xf32>
        tpu.vector_store_idx %arg10[%shift_right_arithmetic3A_28, %broadcast_in_dim3A_52, %and3A_51, %broadcast_in_dim3A_636], %add3A_652 : memref<8x1x8x133xf32, #tpu.memory_space<vmem>>[vector<16xi32>, vector<16xi32>, vector<16xi32>, vector<16xi32>], vector<16xf32>,
      }
      %scan3A_427 = arith.constant 8 : i32
      %jit3A_428 = arith.constant 8 : i32
      %div3A_429 = arith.divsi %add3A_361, %jit3A_428 : i32
      %sign3A_430 = arith.constant 0 : i32
      %sign3A_431 = arith.cmpi sgt, %add3A_361, %sign3A_430 : i32
      %sign3A_432 = arith.extui %sign3A_431 : i1 to i32
      %sign3A_433 = arith.constant 0 : i32
      %sign3A_434 = arith.cmpi slt, %add3A_361, %sign3A_433 : i32
      %sign3A_435 = arith.extui %sign3A_434 : i1 to i32
      %sign3A_436 = arith.subi %sign3A_432, %sign3A_435 : i32
      %sign3A_437 = arith.constant 0 : i32
      %sign3A_438 = arith.cmpi sgt, %jit3A_428, %sign3A_437 : i32
      %sign3A_439 = arith.extui %sign3A_438 : i1 to i32
      %sign3A_440 = arith.constant 0 : i32
      %sign3A_441 = arith.cmpi slt, %jit3A_428, %sign3A_440 : i32
      %sign3A_442 = arith.extui %sign3A_441 : i1 to i32
      %sign3A_443 = arith.subi %sign3A_439, %sign3A_442 : i32
      %ne3A_444 = arith.cmpi ne, %sign3A_436, %sign3A_443 : i32
      %rem3A_445 = arith.remsi %add3A_361, %jit3A_428 : i32
      %ne3A_446 = arith.constant 0 : i32
      %ne3A_447 = arith.cmpi ne, %rem3A_445, %ne3A_446 : i32
      %and3A_448 = arith.andi %ne3A_444, %ne3A_447 : i1
      %sub3A_449 = arith.constant 1 : i32
      %sub3A_450 = arith.subi %div3A_429, %sub3A_449 : i32
      %select_n3A_451 = arith.select %and3A_448, %sub3A_450, %div3A_429 : i32
      %rem3A_452 = arith.constant 8 : i32
      %rem3A_453 = arith.remsi %add3A_361, %rem3A_452 : i32
      %dma_wait3A_454 = arith.constant 0 : i32
      %dma_wait3A_455 = arith.constant 32 : i32
      %dma_wait3A_456 = arith.constant 0 : i32
      %dma_wait3A_457 = tpu.memref_slice %arg8[%dma_wait3A_455, %dma_wait3A_456] : memref<128x64xf32, #tpu.memory_space<vmem>> -> memref<32x64xf32, #tpu.memory_space<vmem>>
      %dma_wait3A_458 = arith.constant 32 : i32
      %dma_wait3A_459 = tpu.memref_slice %arg6[%select_n3A_451, %dma_wait3A_454, %rem3A_453, %dma_wait3A_458] : memref<25x1x8x128xi32, #tpu.memory_space<vmem>> -> memref<1x1x1x32xi32, #tpu.memory_space<vmem>>
      %dma_wait3A_460 = tpu.memref_squeeze %dma_wait3A_459 : memref<1x1x1x32xi32, #tpu.memory_space<vmem>> -> memref<32xi32, #tpu.memory_space<vmem>>
      %dma_wait3A_461 = arith.constant 0 : i32
      %dma_wait3A_462 = arith.constant 0 : i32
      %dma_wait3A_463 = tpu.memref_slice %arg3[%dma_wait3A_461, %dma_wait3A_462] : memref<2000000x64xf32, #tpu.memory_space<hbm>> -> memref<2000000x64xf32, #tpu.memory_space<hbm>>
      tpu.wait_indirect_dma semaphore(%arg13 : memref<!tpu.dma_semaphore, #tpu.memory_space<semaphore_mem>>) src(%dma_wait3A_463 : memref<2000000x64xf32, #tpu.memory_space<hbm>>) dst(%dma_wait3A_457 : memref<32x64xf32, #tpu.memory_space<vmem>>)
      %scan3A_464 = arith.constant 0 : i32
      %scan3A_465 = arith.constant 8 : i32
      %scan3A_466 = arith.constant 8 : i32
      %scan3A_467 = arith.addi %scan3A_465, %scan3A_466 : i32
      %scan3A_468 = arith.constant 1 : i32
      scf.for %scan3A_574 = %scan3A_465 to %scan3A_467 step %scan3A_468  : i32 {
        %mul3A_575 = arith.constant 4 : i32
        %mul3A_576 = arith.muli %mul3A_575, %scan3A_574 : i32
        %add3A_577 = arith.constant 0 : i32
        %add3A_578 = arith.addi %mul3A_576, %add3A_577 : i32
        %broadcast_in_dim3A_579 = vector.broadcast %add3A_578 : i32 to vector<16xi32>
        %get3A_580 = arith.index_cast %add3A_578 : i32 to index
        %get3A_581 = arith.constant 0 : index
        %get3A_582 = tpu.vector_load %arg8[%get3A_580, %get3A_581] {strides = array<i32>} : memref<128x64xf32, #tpu.memory_space<vmem>>, vector<16xf32>,
        %add3A_583 = arith.addf %get3A_582, %get3A_376 : vector<16xf32>
        tpu.vector_store_idx %arg10[%shift_right_arithmetic3A_10, %broadcast_in_dim3A_52, %and3A_33, %broadcast_in_dim3A_579], %add3A_583 : memref<8x1x8x133xf32, #tpu.memory_space<vmem>>[vector<16xi32>, vector<16xi32>, vector<16xi32>, vector<16xi32>], vector<16xf32>,
        %get3A_584 = arith.index_cast %add3A_578 : i32 to index
        %get3A_585 = arith.constant 16 : index
        %get3A_586 = tpu.vector_load %arg8[%get3A_584, %get3A_585] {strides = array<i32>} : memref<128x64xf32, #tpu.memory_space<vmem>>, vector<16xf32>,
        %add3A_587 = arith.addf %get3A_586, %get3A_379 : vector<16xf32>
        tpu.vector_store_idx %arg10[%shift_right_arithmetic3A_16, %broadcast_in_dim3A_52, %and3A_39, %broadcast_in_dim3A_579], %add3A_587 : memref<8x1x8x133xf32, #tpu.memory_space<vmem>>[vector<16xi32>, vector<16xi32>, vector<16xi32>, vector<16xi32>], vector<16xf32>,
        %get3A_588 = arith.index_cast %add3A_578 : i32 to index
        %get3A_589 = arith.constant 32 : index
        %get3A_590 = tpu.vector_load %arg8[%get3A_588, %get3A_589] {strides = array<i32>} : memref<128x64xf32, #tpu.memory_space<vmem>>, vector<16xf32>,
        %add3A_591 = arith.addf %get3A_590, %get3A_382 : vector<16xf32>
        tpu.vector_store_idx %arg10[%shift_right_arithmetic3A_22, %broadcast_in_dim3A_52, %and3A_45, %broadcast_in_dim3A_579], %add3A_591 : memref<8x1x8x133xf32, #tpu.memory_space<vmem>>[vector<16xi32>, vector<16xi32>, vector<16xi32>, vector<16xi32>], vector<16xf32>,
        %get3A_592 = arith.index_cast %add3A_578 : i32 to index
        %get3A_593 = arith.constant 48 : index
        %get3A_594 = tpu.vector_load %arg8[%get3A_592, %get3A_593] {strides = array<i32>} : memref<128x64xf32, #tpu.memory_space<vmem>>, vector<16xf32>,
        %add3A_595 = arith.addf %get3A_594, %get3A_385 : vector<16xf32>
        tpu.vector_store_idx %arg10[%shift_right_arithmetic3A_28, %broadcast_in_dim3A_52, %and3A_51, %broadcast_in_dim3A_579], %add3A_595 : memref<8x1x8x133xf32, #tpu.memory_space<vmem>>[vector<16xi32>, vector<16xi32>, vector<16xi32>, vector<16xi32>], vector<16xf32>,
        %add3A_596 = arith.constant 1 : i32
        %add3A_597 = arith.addi %mul3A_576, %add3A_596 : i32
        %broadcast_in_dim3A_598 = vector.broadcast %add3A_597 : i32 to vector<16xi32>
        %get3A_599 = arith.index_cast %add3A_597 : i32 to index
        %get3A_600 = arith.constant 0 : index
        %get3A_601 = tpu.vector_load %arg8[%get3A_599, %get3A_600] {strides = array<i32>} : memref<128x64xf32, #tpu.memory_space<vmem>>, vector<16xf32>,
        %add3A_602 = arith.addf %get3A_601, %get3A_376 : vector<16xf32>
        tpu.vector_store_idx %arg10[%shift_right_arithmetic3A_10, %broadcast_in_dim3A_52, %and3A_33, %broadcast_in_dim3A_598], %add3A_602 : memref<8x1x8x133xf32, #tpu.memory_space<vmem>>[vector<16xi32>, vector<16xi32>, vector<16xi32>, vector<16xi32>], vector<16xf32>,
        %get3A_603 = arith.index_cast %add3A_597 : i32 to index
        %get3A_604 = arith.constant 16 : index
        %get3A_605 = tpu.vector_load %arg8[%get3A_603, %get3A_604] {strides = array<i32>} : memref<128x64xf32, #tpu.memory_space<vmem>>, vector<16xf32>,
        %add3A_606 = arith.addf %get3A_605, %get3A_379 : vector<16xf32>
        tpu.vector_store_idx %arg10[%shift_right_arithmetic3A_16, %broadcast_in_dim3A_52, %and3A_39, %broadcast_in_dim3A_598], %add3A_606 : memref<8x1x8x133xf32, #tpu.memory_space<vmem>>[vector<16xi32>, vector<16xi32>, vector<16xi32>, vector<16xi32>], vector<16xf32>,
        %get3A_607 = arith.index_cast %add3A_597 : i32 to index
        %get3A_608 = arith.constant 32 : index
        %get3A_609 = tpu.vector_load %arg8[%get3A_607, %get3A_608] {strides = array<i32>} : memref<128x64xf32, #tpu.memory_space<vmem>>, vector<16xf32>,
        %add3A_610 = arith.addf %get3A_609, %get3A_382 : vector<16xf32>
        tpu.vector_store_idx %arg10[%shift_right_arithmetic3A_22, %broadcast_in_dim3A_52, %and3A_45, %broadcast_in_dim3A_598], %add3A_610 : memref<8x1x8x133xf32, #tpu.memory_space<vmem>>[vector<16xi32>, vector<16xi32>, vector<16xi32>, vector<16xi32>], vector<16xf32>,
        %get3A_611 = arith.index_cast %add3A_597 : i32 to index
        %get3A_612 = arith.constant 48 : index
        %get3A_613 = tpu.vector_load %arg8[%get3A_611, %get3A_612] {strides = array<i32>} : memref<128x64xf32, #tpu.memory_space<vmem>>, vector<16xf32>,
        %add3A_614 = arith.addf %get3A_613, %get3A_385 : vector<16xf32>
        tpu.vector_store_idx %arg10[%shift_right_arithmetic3A_28, %broadcast_in_dim3A_52, %and3A_51, %broadcast_in_dim3A_598], %add3A_614 : memref<8x1x8x133xf32, #tpu.memory_space<vmem>>[vector<16xi32>, vector<16xi32>, vector<16xi32>, vector<16xi32>], vector<16xf32>,
        %add3A_615 = arith.constant 2 : i32
        %add3A_616 = arith.addi %mul3A_576, %add3A_615 : i32
        %broadcast_in_dim3A_617 = vector.broadcast %add3A_616 : i32 to vector<16xi32>
        %get3A_618 = arith.index_cast %add3A_616 : i32 to index
        %get3A_619 = arith.constant 0 : index
        %get3A_620 = tpu.vector_load %arg8[%get3A_618, %get3A_619] {strides = array<i32>} : memref<128x64xf32, #tpu.memory_space<vmem>>, vector<16xf32>,
        %add3A_621 = arith.addf %get3A_620, %get3A_376 : vector<16xf32>
        tpu.vector_store_idx %arg10[%shift_right_arithmetic3A_10, %broadcast_in_dim3A_52, %and3A_33, %broadcast_in_dim3A_617], %add3A_621 : memref<8x1x8x133xf32, #tpu.memory_space<vmem>>[vector<16xi32>, vector<16xi32>, vector<16xi32>, vector<16xi32>], vector<16xf32>,
        %get3A_622 = arith.index_cast %add3A_616 : i32 to index
        %get3A_623 = arith.constant 16 : index
        %get3A_624 = tpu.vector_load %arg8[%get3A_622, %get3A_623] {strides = array<i32>} : memref<128x64xf32, #tpu.memory_space<vmem>>, vector<16xf32>,
        %add3A_625 = arith.addf %get3A_624, %get3A_379 : vector<16xf32>
        tpu.vector_store_idx %arg10[%shift_right_arithmetic3A_16, %broadcast_in_dim3A_52, %and3A_39, %broadcast_in_dim3A_617], %add3A_625 : memref<8x1x8x133xf32, #tpu.memory_space<vmem>>[vector<16xi32>, vector<16xi32>, vector<16xi32>, vector<16xi32>], vector<16xf32>,
        %get3A_626 = arith.index_cast %add3A_616 : i32 to index
        %get3A_627 = arith.constant 32 : index
        %get3A_628 = tpu.vector_load %arg8[%get3A_626, %get3A_627] {strides = array<i32>} : memref<128x64xf32, #tpu.memory_space<vmem>>, vector<16xf32>,
        %add3A_629 = arith.addf %get3A_628, %get3A_382 : vector<16xf32>
        tpu.vector_store_idx %arg10[%shift_right_arithmetic3A_22, %broadcast_in_dim3A_52, %and3A_45, %broadcast_in_dim3A_617], %add3A_629 : memref<8x1x8x133xf32, #tpu.memory_space<vmem>>[vector<16xi32>, vector<16xi32>, vector<16xi32>, vector<16xi32>], vector<16xf32>,
        %get3A_630 = arith.index_cast %add3A_616 : i32 to index
        %get3A_631 = arith.constant 48 : index
        %get3A_632 = tpu.vector_load %arg8[%get3A_630, %get3A_631] {strides = array<i32>} : memref<128x64xf32, #tpu.memory_space<vmem>>, vector<16xf32>,
        %add3A_633 = arith.addf %get3A_632, %get3A_385 : vector<16xf32>
        tpu.vector_store_idx %arg10[%shift_right_arithmetic3A_28, %broadcast_in_dim3A_52, %and3A_51, %broadcast_in_dim3A_617], %add3A_633 : memref<8x1x8x133xf32, #tpu.memory_space<vmem>>[vector<16xi32>, vector<16xi32>, vector<16xi32>, vector<16xi32>], vector<16xf32>,
        %add3A_634 = arith.constant 3 : i32
        %add3A_635 = arith.addi %mul3A_576, %add3A_634 : i32
        %broadcast_in_dim3A_636 = vector.broadcast %add3A_635 : i32 to vector<16xi32>
        %get3A_637 = arith.index_cast %add3A_635 : i32 to index
        %get3A_638 = arith.constant 0 : index
        %get3A_639 = tpu.vector_load %arg8[%get3A_637, %get3A_638] {strides = array<i32>} : memref<128x64xf32, #tpu.memory_space<vmem>>, vector<16xf32>,
        %add3A_640 = arith.addf %get3A_639, %get3A_376 : vector<16xf32>
        tpu.vector_store_idx %arg10[%shift_right_arithmetic3A_10, %broadcast_in_dim3A_52, %and3A_33, %broadcast_in_dim3A_636], %add3A_640 : memref<8x1x8x133xf32, #tpu.memory_space<vmem>>[vector<16xi32>, vector<16xi32>, vector<16xi32>, vector<16xi32>], vector<16xf32>,
        %get3A_641 = arith.index_cast %add3A_635 : i32 to index
        %get3A_642 = arith.constant 16 : index
        %get3A_643 = tpu.vector_load %arg8[%get3A_641, %get3A_642] {strides = array<i32>} : memref<128x64xf32, #tpu.memory_space<vmem>>, vector<16xf32>,
        %add3A_644 = arith.addf %get3A_643, %get3A_379 : vector<16xf32>
        tpu.vector_store_idx %arg10[%shift_right_arithmetic3A_16, %broadcast_in_dim3A_52, %and3A_39, %broadcast_in_dim3A_636], %add3A_644 : memref<8x1x8x133xf32, #tpu.memory_space<vmem>>[vector<16xi32>, vector<16xi32>, vector<16xi32>, vector<16xi32>], vector<16xf32>,
        %get3A_645 = arith.index_cast %add3A_635 : i32 to index
        %get3A_646 = arith.constant 32 : index
        %get3A_647 = tpu.vector_load %arg8[%get3A_645, %get3A_646] {strides = array<i32>} : memref<128x64xf32, #tpu.memory_space<vmem>>, vector<16xf32>,
        %add3A_648 = arith.addf %get3A_647, %get3A_382 : vector<16xf32>
        tpu.vector_store_idx %arg10[%shift_right_arithmetic3A_22, %broadcast_in_dim3A_52, %and3A_45, %broadcast_in_dim3A_636], %add3A_648 : memref<8x1x8x133xf32, #tpu.memory_space<vmem>>[vector<16xi32>, vector<16xi32>, vector<16xi32>, vector<16xi32>], vector<16xf32>,
        %get3A_649 = arith.index_cast %add3A_635 : i32 to index
        %get3A_650 = arith.constant 48 : index
        %get3A_651 = tpu.vector_load %arg8[%get3A_649, %get3A_650] {strides = array<i32>} : memref<128x64xf32, #tpu.memory_space<vmem>>, vector<16xf32>,
        %add3A_652 = arith.addf %get3A_651, %get3A_385 : vector<16xf32>
        tpu.vector_store_idx %arg10[%shift_right_arithmetic3A_28, %broadcast_in_dim3A_52, %and3A_51, %broadcast_in_dim3A_636], %add3A_652 : memref<8x1x8x133xf32, #tpu.memory_space<vmem>>[vector<16xi32>, vector<16xi32>, vector<16xi32>, vector<16xi32>], vector<16xf32>,
      }
      %scan3A_469 = arith.constant 8 : i32
      %jit3A_470 = arith.constant 8 : i32
      %div3A_471 = arith.divsi %add3A_361, %jit3A_470 : i32
      %sign3A_472 = arith.constant 0 : i32
      %sign3A_473 = arith.cmpi sgt, %add3A_361, %sign3A_472 : i32
      %sign3A_474 = arith.extui %sign3A_473 : i1 to i32
      %sign3A_475 = arith.constant 0 : i32
      %sign3A_476 = arith.cmpi slt, %add3A_361, %sign3A_475 : i32
      %sign3A_477 = arith.extui %sign3A_476 : i1 to i32
      %sign3A_478 = arith.subi %sign3A_474, %sign3A_477 : i32
      %sign3A_479 = arith.constant 0 : i32
      %sign3A_480 = arith.cmpi sgt, %jit3A_470, %sign3A_479 : i32
      %sign3A_481 = arith.extui %sign3A_480 : i1 to i32
      %sign3A_482 = arith.constant 0 : i32
      %sign3A_483 = arith.cmpi slt, %jit3A_470, %sign3A_482 : i32
      %sign3A_484 = arith.extui %sign3A_483 : i1 to i32
      %sign3A_485 = arith.subi %sign3A_481, %sign3A_484 : i32
      %ne3A_486 = arith.cmpi ne, %sign3A_478, %sign3A_485 : i32
      %rem3A_487 = arith.remsi %add3A_361, %jit3A_470 : i32
      %ne3A_488 = arith.constant 0 : i32
      %ne3A_489 = arith.cmpi ne, %rem3A_487, %ne3A_488 : i32
      %and3A_490 = arith.andi %ne3A_486, %ne3A_489 : i1
      %sub3A_491 = arith.constant 1 : i32
      %sub3A_492 = arith.subi %div3A_471, %sub3A_491 : i32
      %select_n3A_493 = arith.select %and3A_490, %sub3A_492, %div3A_471 : i32
      %rem3A_494 = arith.constant 8 : i32
      %rem3A_495 = arith.remsi %add3A_361, %rem3A_494 : i32
      %dma_wait3A_496 = arith.constant 0 : i32
      %dma_wait3A_497 = arith.constant 64 : i32
      %dma_wait3A_498 = arith.constant 0 : i32
      %dma_wait3A_499 = tpu.memref_slice %arg8[%dma_wait3A_497, %dma_wait3A_498] : memref<128x64xf32, #tpu.memory_space<vmem>> -> memref<32x64xf32, #tpu.memory_space<vmem>>
      %dma_wait3A_500 = arith.constant 64 : i32
      %dma_wait3A_501 = tpu.memref_slice %arg6[%select_n3A_493, %dma_wait3A_496, %rem3A_495, %dma_wait3A_500] : memref<25x1x8x128xi32, #tpu.memory_space<vmem>> -> memref<1x1x1x32xi32, #tpu.memory_space<vmem>>
      %dma_wait3A_502 = tpu.memref_squeeze %dma_wait3A_501 : memref<1x1x1x32xi32, #tpu.memory_space<vmem>> -> memref<32xi32, #tpu.memory_space<vmem>>
      %dma_wait3A_503 = arith.constant 0 : i32
      %dma_wait3A_504 = arith.constant 0 : i32
      %dma_wait3A_505 = tpu.memref_slice %arg3[%dma_wait3A_503, %dma_wait3A_504] : memref<2000000x64xf32, #tpu.memory_space<hbm>> -> memref<2000000x64xf32, #tpu.memory_space<hbm>>
      tpu.wait_indirect_dma semaphore(%arg13 : memref<!tpu.dma_semaphore, #tpu.memory_space<semaphore_mem>>) src(%dma_wait3A_505 : memref<2000000x64xf32, #tpu.memory_space<hbm>>) dst(%dma_wait3A_499 : memref<32x64xf32, #tpu.memory_space<vmem>>)
      %scan3A_506 = arith.constant 0 : i32
      %scan3A_507 = arith.constant 16 : i32
      %scan3A_508 = arith.constant 8 : i32
      %scan3A_509 = arith.addi %scan3A_507, %scan3A_508 : i32
      %scan3A_510 = arith.constant 1 : i32
      scf.for %scan3A_574 = %scan3A_507 to %scan3A_509 step %scan3A_510  : i32 {
        %mul3A_575 = arith.constant 4 : i32
        %mul3A_576 = arith.muli %mul3A_575, %scan3A_574 : i32
        %add3A_577 = arith.constant 0 : i32
        %add3A_578 = arith.addi %mul3A_576, %add3A_577 : i32
        %broadcast_in_dim3A_579 = vector.broadcast %add3A_578 : i32 to vector<16xi32>
        %get3A_580 = arith.index_cast %add3A_578 : i32 to index
        %get3A_581 = arith.constant 0 : index
        %get3A_582 = tpu.vector_load %arg8[%get3A_580, %get3A_581] {strides = array<i32>} : memref<128x64xf32, #tpu.memory_space<vmem>>, vector<16xf32>,
        %add3A_583 = arith.addf %get3A_582, %get3A_376 : vector<16xf32>
        tpu.vector_store_idx %arg10[%shift_right_arithmetic3A_10, %broadcast_in_dim3A_52, %and3A_33, %broadcast_in_dim3A_579], %add3A_583 : memref<8x1x8x133xf32, #tpu.memory_space<vmem>>[vector<16xi32>, vector<16xi32>, vector<16xi32>, vector<16xi32>], vector<16xf32>,
        %get3A_584 = arith.index_cast %add3A_578 : i32 to index
        %get3A_585 = arith.constant 16 : index
        %get3A_586 = tpu.vector_load %arg8[%get3A_584, %get3A_585] {strides = array<i32>} : memref<128x64xf32, #tpu.memory_space<vmem>>, vector<16xf32>,
        %add3A_587 = arith.addf %get3A_586, %get3A_379 : vector<16xf32>
        tpu.vector_store_idx %arg10[%shift_right_arithmetic3A_16, %broadcast_in_dim3A_52, %and3A_39, %broadcast_in_dim3A_579], %add3A_587 : memref<8x1x8x133xf32, #tpu.memory_space<vmem>>[vector<16xi32>, vector<16xi32>, vector<16xi32>, vector<16xi32>], vector<16xf32>,
        %get3A_588 = arith.index_cast %add3A_578 : i32 to index
        %get3A_589 = arith.constant 32 : index
        %get3A_590 = tpu.vector_load %arg8[%get3A_588, %get3A_589] {strides = array<i32>} : memref<128x64xf32, #tpu.memory_space<vmem>>, vector<16xf32>,
        %add3A_591 = arith.addf %get3A_590, %get3A_382 : vector<16xf32>
        tpu.vector_store_idx %arg10[%shift_right_arithmetic3A_22, %broadcast_in_dim3A_52, %and3A_45, %broadcast_in_dim3A_579], %add3A_591 : memref<8x1x8x133xf32, #tpu.memory_space<vmem>>[vector<16xi32>, vector<16xi32>, vector<16xi32>, vector<16xi32>], vector<16xf32>,
        %get3A_592 = arith.index_cast %add3A_578 : i32 to index
        %get3A_593 = arith.constant 48 : index
        %get3A_594 = tpu.vector_load %arg8[%get3A_592, %get3A_593] {strides = array<i32>} : memref<128x64xf32, #tpu.memory_space<vmem>>, vector<16xf32>,
        %add3A_595 = arith.addf %get3A_594, %get3A_385 : vector<16xf32>
        tpu.vector_store_idx %arg10[%shift_right_arithmetic3A_28, %broadcast_in_dim3A_52, %and3A_51, %broadcast_in_dim3A_579], %add3A_595 : memref<8x1x8x133xf32, #tpu.memory_space<vmem>>[vector<16xi32>, vector<16xi32>, vector<16xi32>, vector<16xi32>], vector<16xf32>,
        %add3A_596 = arith.constant 1 : i32
        %add3A_597 = arith.addi %mul3A_576, %add3A_596 : i32
        %broadcast_in_dim3A_598 = vector.broadcast %add3A_597 : i32 to vector<16xi32>
        %get3A_599 = arith.index_cast %add3A_597 : i32 to index
        %get3A_600 = arith.constant 0 : index
        %get3A_601 = tpu.vector_load %arg8[%get3A_599, %get3A_600] {strides = array<i32>} : memref<128x64xf32, #tpu.memory_space<vmem>>, vector<16xf32>,
        %add3A_602 = arith.addf %get3A_601, %get3A_376 : vector<16xf32>
        tpu.vector_store_idx %arg10[%shift_right_arithmetic3A_10, %broadcast_in_dim3A_52, %and3A_33, %broadcast_in_dim3A_598], %add3A_602 : memref<8x1x8x133xf32, #tpu.memory_space<vmem>>[vector<16xi32>, vector<16xi32>, vector<16xi32>, vector<16xi32>], vector<16xf32>,
        %get3A_603 = arith.index_cast %add3A_597 : i32 to index
        %get3A_604 = arith.constant 16 : index
        %get3A_605 = tpu.vector_load %arg8[%get3A_603, %get3A_604] {strides = array<i32>} : memref<128x64xf32, #tpu.memory_space<vmem>>, vector<16xf32>,
        %add3A_606 = arith.addf %get3A_605, %get3A_379 : vector<16xf32>
        tpu.vector_store_idx %arg10[%shift_right_arithmetic3A_16, %broadcast_in_dim3A_52, %and3A_39, %broadcast_in_dim3A_598], %add3A_606 : memref<8x1x8x133xf32, #tpu.memory_space<vmem>>[vector<16xi32>, vector<16xi32>, vector<16xi32>, vector<16xi32>], vector<16xf32>,
        %get3A_607 = arith.index_cast %add3A_597 : i32 to index
        %get3A_608 = arith.constant 32 : index
        %get3A_609 = tpu.vector_load %arg8[%get3A_607, %get3A_608] {strides = array<i32>} : memref<128x64xf32, #tpu.memory_space<vmem>>, vector<16xf32>,
        %add3A_610 = arith.addf %get3A_609, %get3A_382 : vector<16xf32>
        tpu.vector_store_idx %arg10[%shift_right_arithmetic3A_22, %broadcast_in_dim3A_52, %and3A_45, %broadcast_in_dim3A_598], %add3A_610 : memref<8x1x8x133xf32, #tpu.memory_space<vmem>>[vector<16xi32>, vector<16xi32>, vector<16xi32>, vector<16xi32>], vector<16xf32>,
        %get3A_611 = arith.index_cast %add3A_597 : i32 to index
        %get3A_612 = arith.constant 48 : index
        %get3A_613 = tpu.vector_load %arg8[%get3A_611, %get3A_612] {strides = array<i32>} : memref<128x64xf32, #tpu.memory_space<vmem>>, vector<16xf32>,
        %add3A_614 = arith.addf %get3A_613, %get3A_385 : vector<16xf32>
        tpu.vector_store_idx %arg10[%shift_right_arithmetic3A_28, %broadcast_in_dim3A_52, %and3A_51, %broadcast_in_dim3A_598], %add3A_614 : memref<8x1x8x133xf32, #tpu.memory_space<vmem>>[vector<16xi32>, vector<16xi32>, vector<16xi32>, vector<16xi32>], vector<16xf32>,
        %add3A_615 = arith.constant 2 : i32
        %add3A_616 = arith.addi %mul3A_576, %add3A_615 : i32
        %broadcast_in_dim3A_617 = vector.broadcast %add3A_616 : i32 to vector<16xi32>
        %get3A_618 = arith.index_cast %add3A_616 : i32 to index
        %get3A_619 = arith.constant 0 : index
        %get3A_620 = tpu.vector_load %arg8[%get3A_618, %get3A_619] {strides = array<i32>} : memref<128x64xf32, #tpu.memory_space<vmem>>, vector<16xf32>,
        %add3A_621 = arith.addf %get3A_620, %get3A_376 : vector<16xf32>
        tpu.vector_store_idx %arg10[%shift_right_arithmetic3A_10, %broadcast_in_dim3A_52, %and3A_33, %broadcast_in_dim3A_617], %add3A_621 : memref<8x1x8x133xf32, #tpu.memory_space<vmem>>[vector<16xi32>, vector<16xi32>, vector<16xi32>, vector<16xi32>], vector<16xf32>,
        %get3A_622 = arith.index_cast %add3A_616 : i32 to index
        %get3A_623 = arith.constant 16 : index
        %get3A_624 = tpu.vector_load %arg8[%get3A_622, %get3A_623] {strides = array<i32>} : memref<128x64xf32, #tpu.memory_space<vmem>>, vector<16xf32>,
        %add3A_625 = arith.addf %get3A_624, %get3A_379 : vector<16xf32>
        tpu.vector_store_idx %arg10[%shift_right_arithmetic3A_16, %broadcast_in_dim3A_52, %and3A_39, %broadcast_in_dim3A_617], %add3A_625 : memref<8x1x8x133xf32, #tpu.memory_space<vmem>>[vector<16xi32>, vector<16xi32>, vector<16xi32>, vector<16xi32>], vector<16xf32>,
        %get3A_626 = arith.index_cast %add3A_616 : i32 to index
        %get3A_627 = arith.constant 32 : index
        %get3A_628 = tpu.vector_load %arg8[%get3A_626, %get3A_627] {strides = array<i32>} : memref<128x64xf32, #tpu.memory_space<vmem>>, vector<16xf32>,
        %add3A_629 = arith.addf %get3A_628, %get3A_382 : vector<16xf32>
        tpu.vector_store_idx %arg10[%shift_right_arithmetic3A_22, %broadcast_in_dim3A_52, %and3A_45, %broadcast_in_dim3A_617], %add3A_629 : memref<8x1x8x133xf32, #tpu.memory_space<vmem>>[vector<16xi32>, vector<16xi32>, vector<16xi32>, vector<16xi32>], vector<16xf32>,
        %get3A_630 = arith.index_cast %add3A_616 : i32 to index
        %get3A_631 = arith.constant 48 : index
        %get3A_632 = tpu.vector_load %arg8[%get3A_630, %get3A_631] {strides = array<i32>} : memref<128x64xf32, #tpu.memory_space<vmem>>, vector<16xf32>,
        %add3A_633 = arith.addf %get3A_632, %get3A_385 : vector<16xf32>
        tpu.vector_store_idx %arg10[%shift_right_arithmetic3A_28, %broadcast_in_dim3A_52, %and3A_51, %broadcast_in_dim3A_617], %add3A_633 : memref<8x1x8x133xf32, #tpu.memory_space<vmem>>[vector<16xi32>, vector<16xi32>, vector<16xi32>, vector<16xi32>], vector<16xf32>,
        %add3A_634 = arith.constant 3 : i32
        %add3A_635 = arith.addi %mul3A_576, %add3A_634 : i32
        %broadcast_in_dim3A_636 = vector.broadcast %add3A_635 : i32 to vector<16xi32>
        %get3A_637 = arith.index_cast %add3A_635 : i32 to index
        %get3A_638 = arith.constant 0 : index
        %get3A_639 = tpu.vector_load %arg8[%get3A_637, %get3A_638] {strides = array<i32>} : memref<128x64xf32, #tpu.memory_space<vmem>>, vector<16xf32>,
        %add3A_640 = arith.addf %get3A_639, %get3A_376 : vector<16xf32>
        tpu.vector_store_idx %arg10[%shift_right_arithmetic3A_10, %broadcast_in_dim3A_52, %and3A_33, %broadcast_in_dim3A_636], %add3A_640 : memref<8x1x8x133xf32, #tpu.memory_space<vmem>>[vector<16xi32>, vector<16xi32>, vector<16xi32>, vector<16xi32>], vector<16xf32>,
        %get3A_641 = arith.index_cast %add3A_635 : i32 to index
        %get3A_642 = arith.constant 16 : index
        %get3A_643 = tpu.vector_load %arg8[%get3A_641, %get3A_642] {strides = array<i32>} : memref<128x64xf32, #tpu.memory_space<vmem>>, vector<16xf32>,
        %add3A_644 = arith.addf %get3A_643, %get3A_379 : vector<16xf32>
        tpu.vector_store_idx %arg10[%shift_right_arithmetic3A_16, %broadcast_in_dim3A_52, %and3A_39, %broadcast_in_dim3A_636], %add3A_644 : memref<8x1x8x133xf32, #tpu.memory_space<vmem>>[vector<16xi32>, vector<16xi32>, vector<16xi32>, vector<16xi32>], vector<16xf32>,
        %get3A_645 = arith.index_cast %add3A_635 : i32 to index
        %get3A_646 = arith.constant 32 : index
        %get3A_647 = tpu.vector_load %arg8[%get3A_645, %get3A_646] {strides = array<i32>} : memref<128x64xf32, #tpu.memory_space<vmem>>, vector<16xf32>,
        %add3A_648 = arith.addf %get3A_647, %get3A_382 : vector<16xf32>
        tpu.vector_store_idx %arg10[%shift_right_arithmetic3A_22, %broadcast_in_dim3A_52, %and3A_45, %broadcast_in_dim3A_636], %add3A_648 : memref<8x1x8x133xf32, #tpu.memory_space<vmem>>[vector<16xi32>, vector<16xi32>, vector<16xi32>, vector<16xi32>], vector<16xf32>,
        %get3A_649 = arith.index_cast %add3A_635 : i32 to index
        %get3A_650 = arith.constant 48 : index
        %get3A_651 = tpu.vector_load %arg8[%get3A_649, %get3A_650] {strides = array<i32>} : memref<128x64xf32, #tpu.memory_space<vmem>>, vector<16xf32>,
        %add3A_652 = arith.addf %get3A_651, %get3A_385 : vector<16xf32>
        tpu.vector_store_idx %arg10[%shift_right_arithmetic3A_28, %broadcast_in_dim3A_52, %and3A_51, %broadcast_in_dim3A_636], %add3A_652 : memref<8x1x8x133xf32, #tpu.memory_space<vmem>>[vector<16xi32>, vector<16xi32>, vector<16xi32>, vector<16xi32>], vector<16xf32>,
      }
      %scan3A_511 = arith.constant 8 : i32
      %jit3A_512 = arith.constant 8 : i32
      %div3A_513 = arith.divsi %add3A_361, %jit3A_512 : i32
      %sign3A_514 = arith.constant 0 : i32
      %sign3A_515 = arith.cmpi sgt, %add3A_361, %sign3A_514 : i32
      %sign3A_516 = arith.extui %sign3A_515 : i1 to i32
      %sign3A_517 = arith.constant 0 : i32
      %sign3A_518 = arith.cmpi slt, %add3A_361, %sign3A_517 : i32
      %sign3A_519 = arith.extui %sign3A_518 : i1 to i32
      %sign3A_520 = arith.subi %sign3A_516, %sign3A_519 : i32
      %sign3A_521 = arith.constant 0 : i32
      %sign3A_522 = arith.cmpi sgt, %jit3A_512, %sign3A_521 : i32
      %sign3A_523 = arith.extui %sign3A_522 : i1 to i32
      %sign3A_524 = arith.constant 0 : i32
      %sign3A_525 = arith.cmpi slt, %jit3A_512, %sign3A_524 : i32
      %sign3A_526 = arith.extui %sign3A_525 : i1 to i32
      %sign3A_527 = arith.subi %sign3A_523, %sign3A_526 : i32
      %ne3A_528 = arith.cmpi ne, %sign3A_520, %sign3A_527 : i32
      %rem3A_529 = arith.remsi %add3A_361, %jit3A_512 : i32
      %ne3A_530 = arith.constant 0 : i32
      %ne3A_531 = arith.cmpi ne, %rem3A_529, %ne3A_530 : i32
      %and3A_532 = arith.andi %ne3A_528, %ne3A_531 : i1
      %sub3A_533 = arith.constant 1 : i32
      %sub3A_534 = arith.subi %div3A_513, %sub3A_533 : i32
      %select_n3A_535 = arith.select %and3A_532, %sub3A_534, %div3A_513 : i32
      %rem3A_536 = arith.constant 8 : i32
      %rem3A_537 = arith.remsi %add3A_361, %rem3A_536 : i32
      %dma_wait3A_538 = arith.constant 0 : i32
      %dma_wait3A_539 = arith.constant 96 : i32
      %dma_wait3A_540 = arith.constant 0 : i32
      %dma_wait3A_541 = tpu.memref_slice %arg8[%dma_wait3A_539, %dma_wait3A_540] : memref<128x64xf32, #tpu.memory_space<vmem>> -> memref<32x64xf32, #tpu.memory_space<vmem>>
      %dma_wait3A_542 = arith.constant 96 : i32
      %dma_wait3A_543 = tpu.memref_slice %arg6[%select_n3A_535, %dma_wait3A_538, %rem3A_537, %dma_wait3A_542] : memref<25x1x8x128xi32, #tpu.memory_space<vmem>> -> memref<1x1x1x32xi32, #tpu.memory_space<vmem>>
      %dma_wait3A_544 = tpu.memref_squeeze %dma_wait3A_543 : memref<1x1x1x32xi32, #tpu.memory_space<vmem>> -> memref<32xi32, #tpu.memory_space<vmem>>
      %dma_wait3A_545 = arith.constant 0 : i32
      %dma_wait3A_546 = arith.constant 0 : i32
      %dma_wait3A_547 = tpu.memref_slice %arg3[%dma_wait3A_545, %dma_wait3A_546] : memref<2000000x64xf32, #tpu.memory_space<hbm>> -> memref<2000000x64xf32, #tpu.memory_space<hbm>>
      tpu.wait_indirect_dma semaphore(%arg13 : memref<!tpu.dma_semaphore, #tpu.memory_space<semaphore_mem>>) src(%dma_wait3A_547 : memref<2000000x64xf32, #tpu.memory_space<hbm>>) dst(%dma_wait3A_541 : memref<32x64xf32, #tpu.memory_space<vmem>>)
      %scan3A_548 = arith.constant 0 : i32
      %scan3A_549 = arith.constant 24 : i32
      %scan3A_550 = arith.constant 8 : i32
      %scan3A_551 = arith.addi %scan3A_549, %scan3A_550 : i32
      %scan3A_552 = arith.constant 1 : i32
      scf.for %scan3A_574 = %scan3A_549 to %scan3A_551 step %scan3A_552  : i32 {
        %mul3A_575 = arith.constant 4 : i32
        %mul3A_576 = arith.muli %mul3A_575, %scan3A_574 : i32
        %add3A_577 = arith.constant 0 : i32
        %add3A_578 = arith.addi %mul3A_576, %add3A_577 : i32
        %broadcast_in_dim3A_579 = vector.broadcast %add3A_578 : i32 to vector<16xi32>
        %get3A_580 = arith.index_cast %add3A_578 : i32 to index
        %get3A_581 = arith.constant 0 : index
        %get3A_582 = tpu.vector_load %arg8[%get3A_580, %get3A_581] {strides = array<i32>} : memref<128x64xf32, #tpu.memory_space<vmem>>, vector<16xf32>,
        %add3A_583 = arith.addf %get3A_582, %get3A_376 : vector<16xf32>
        tpu.vector_store_idx %arg10[%shift_right_arithmetic3A_10, %broadcast_in_dim3A_52, %and3A_33, %broadcast_in_dim3A_579], %add3A_583 : memref<8x1x8x133xf32, #tpu.memory_space<vmem>>[vector<16xi32>, vector<16xi32>, vector<16xi32>, vector<16xi32>], vector<16xf32>,
        %get3A_584 = arith.index_cast %add3A_578 : i32 to index
        %get3A_585 = arith.constant 16 : index
        %get3A_586 = tpu.vector_load %arg8[%get3A_584, %get3A_585] {strides = array<i32>} : memref<128x64xf32, #tpu.memory_space<vmem>>, vector<16xf32>,
        %add3A_587 = arith.addf %get3A_586, %get3A_379 : vector<16xf32>
        tpu.vector_store_idx %arg10[%shift_right_arithmetic3A_16, %broadcast_in_dim3A_52, %and3A_39, %broadcast_in_dim3A_579], %add3A_587 : memref<8x1x8x133xf32, #tpu.memory_space<vmem>>[vector<16xi32>, vector<16xi32>, vector<16xi32>, vector<16xi32>], vector<16xf32>,
        %get3A_588 = arith.index_cast %add3A_578 : i32 to index
        %get3A_589 = arith.constant 32 : index
        %get3A_590 = tpu.vector_load %arg8[%get3A_588, %get3A_589] {strides = array<i32>} : memref<128x64xf32, #tpu.memory_space<vmem>>, vector<16xf32>,
        %add3A_591 = arith.addf %get3A_590, %get3A_382 : vector<16xf32>
        tpu.vector_store_idx %arg10[%shift_right_arithmetic3A_22, %broadcast_in_dim3A_52, %and3A_45, %broadcast_in_dim3A_579], %add3A_591 : memref<8x1x8x133xf32, #tpu.memory_space<vmem>>[vector<16xi32>, vector<16xi32>, vector<16xi32>, vector<16xi32>], vector<16xf32>,
        %get3A_592 = arith.index_cast %add3A_578 : i32 to index
        %get3A_593 = arith.constant 48 : index
        %get3A_594 = tpu.vector_load %arg8[%get3A_592, %get3A_593] {strides = array<i32>} : memref<128x64xf32, #tpu.memory_space<vmem>>, vector<16xf32>,
        %add3A_595 = arith.addf %get3A_594, %get3A_385 : vector<16xf32>
        tpu.vector_store_idx %arg10[%shift_right_arithmetic3A_28, %broadcast_in_dim3A_52, %and3A_51, %broadcast_in_dim3A_579], %add3A_595 : memref<8x1x8x133xf32, #tpu.memory_space<vmem>>[vector<16xi32>, vector<16xi32>, vector<16xi32>, vector<16xi32>], vector<16xf32>,
        %add3A_596 = arith.constant 1 : i32
        %add3A_597 = arith.addi %mul3A_576, %add3A_596 : i32
        %broadcast_in_dim3A_598 = vector.broadcast %add3A_597 : i32 to vector<16xi32>
        %get3A_599 = arith.index_cast %add3A_597 : i32 to index
        %get3A_600 = arith.constant 0 : index
        %get3A_601 = tpu.vector_load %arg8[%get3A_599, %get3A_600] {strides = array<i32>} : memref<128x64xf32, #tpu.memory_space<vmem>>, vector<16xf32>,
        %add3A_602 = arith.addf %get3A_601, %get3A_376 : vector<16xf32>
        tpu.vector_store_idx %arg10[%shift_right_arithmetic3A_10, %broadcast_in_dim3A_52, %and3A_33, %broadcast_in_dim3A_598], %add3A_602 : memref<8x1x8x133xf32, #tpu.memory_space<vmem>>[vector<16xi32>, vector<16xi32>, vector<16xi32>, vector<16xi32>], vector<16xf32>,
        %get3A_603 = arith.index_cast %add3A_597 : i32 to index
        %get3A_604 = arith.constant 16 : index
        %get3A_605 = tpu.vector_load %arg8[%get3A_603, %get3A_604] {strides = array<i32>} : memref<128x64xf32, #tpu.memory_space<vmem>>, vector<16xf32>,
        %add3A_606 = arith.addf %get3A_605, %get3A_379 : vector<16xf32>
        tpu.vector_store_idx %arg10[%shift_right_arithmetic3A_16, %broadcast_in_dim3A_52, %and3A_39, %broadcast_in_dim3A_598], %add3A_606 : memref<8x1x8x133xf32, #tpu.memory_space<vmem>>[vector<16xi32>, vector<16xi32>, vector<16xi32>, vector<16xi32>], vector<16xf32>,
        %get3A_607 = arith.index_cast %add3A_597 : i32 to index
        %get3A_608 = arith.constant 32 : index
        %get3A_609 = tpu.vector_load %arg8[%get3A_607, %get3A_608] {strides = array<i32>} : memref<128x64xf32, #tpu.memory_space<vmem>>, vector<16xf32>,
        %add3A_610 = arith.addf %get3A_609, %get3A_382 : vector<16xf32>
        tpu.vector_store_idx %arg10[%shift_right_arithmetic3A_22, %broadcast_in_dim3A_52, %and3A_45, %broadcast_in_dim3A_598], %add3A_610 : memref<8x1x8x133xf32, #tpu.memory_space<vmem>>[vector<16xi32>, vector<16xi32>, vector<16xi32>, vector<16xi32>], vector<16xf32>,
        %get3A_611 = arith.index_cast %add3A_597 : i32 to index
        %get3A_612 = arith.constant 48 : index
        %get3A_613 = tpu.vector_load %arg8[%get3A_611, %get3A_612] {strides = array<i32>} : memref<128x64xf32, #tpu.memory_space<vmem>>, vector<16xf32>,
        %add3A_614 = arith.addf %get3A_613, %get3A_385 : vector<16xf32>
        tpu.vector_store_idx %arg10[%shift_right_arithmetic3A_28, %broadcast_in_dim3A_52, %and3A_51, %broadcast_in_dim3A_598], %add3A_614 : memref<8x1x8x133xf32, #tpu.memory_space<vmem>>[vector<16xi32>, vector<16xi32>, vector<16xi32>, vector<16xi32>], vector<16xf32>,
        %add3A_615 = arith.constant 2 : i32
        %add3A_616 = arith.addi %mul3A_576, %add3A_615 : i32
        %broadcast_in_dim3A_617 = vector.broadcast %add3A_616 : i32 to vector<16xi32>
        %get3A_618 = arith.index_cast %add3A_616 : i32 to index
        %get3A_619 = arith.constant 0 : index
        %get3A_620 = tpu.vector_load %arg8[%get3A_618, %get3A_619] {strides = array<i32>} : memref<128x64xf32, #tpu.memory_space<vmem>>, vector<16xf32>,
        %add3A_621 = arith.addf %get3A_620, %get3A_376 : vector<16xf32>
        tpu.vector_store_idx %arg10[%shift_right_arithmetic3A_10, %broadcast_in_dim3A_52, %and3A_33, %broadcast_in_dim3A_617], %add3A_621 : memref<8x1x8x133xf32, #tpu.memory_space<vmem>>[vector<16xi32>, vector<16xi32>, vector<16xi32>, vector<16xi32>], vector<16xf32>,
        %get3A_622 = arith.index_cast %add3A_616 : i32 to index
        %get3A_623 = arith.constant 16 : index
        %get3A_624 = tpu.vector_load %arg8[%get3A_622, %get3A_623] {strides = array<i32>} : memref<128x64xf32, #tpu.memory_space<vmem>>, vector<16xf32>,
        %add3A_625 = arith.addf %get3A_624, %get3A_379 : vector<16xf32>
        tpu.vector_store_idx %arg10[%shift_right_arithmetic3A_16, %broadcast_in_dim3A_52, %and3A_39, %broadcast_in_dim3A_617], %add3A_625 : memref<8x1x8x133xf32, #tpu.memory_space<vmem>>[vector<16xi32>, vector<16xi32>, vector<16xi32>, vector<16xi32>], vector<16xf32>,
        %get3A_626 = arith.index_cast %add3A_616 : i32 to index
        %get3A_627 = arith.constant 32 : index
        %get3A_628 = tpu.vector_load %arg8[%get3A_626, %get3A_627] {strides = array<i32>} : memref<128x64xf32, #tpu.memory_space<vmem>>, vector<16xf32>,
        %add3A_629 = arith.addf %get3A_628, %get3A_382 : vector<16xf32>
        tpu.vector_store_idx %arg10[%shift_right_arithmetic3A_22, %broadcast_in_dim3A_52, %and3A_45, %broadcast_in_dim3A_617], %add3A_629 : memref<8x1x8x133xf32, #tpu.memory_space<vmem>>[vector<16xi32>, vector<16xi32>, vector<16xi32>, vector<16xi32>], vector<16xf32>,
        %get3A_630 = arith.index_cast %add3A_616 : i32 to index
        %get3A_631 = arith.constant 48 : index
        %get3A_632 = tpu.vector_load %arg8[%get3A_630, %get3A_631] {strides = array<i32>} : memref<128x64xf32, #tpu.memory_space<vmem>>, vector<16xf32>,
        %add3A_633 = arith.addf %get3A_632, %get3A_385 : vector<16xf32>
        tpu.vector_store_idx %arg10[%shift_right_arithmetic3A_28, %broadcast_in_dim3A_52, %and3A_51, %broadcast_in_dim3A_617], %add3A_633 : memref<8x1x8x133xf32, #tpu.memory_space<vmem>>[vector<16xi32>, vector<16xi32>, vector<16xi32>, vector<16xi32>], vector<16xf32>,
        %add3A_634 = arith.constant 3 : i32
        %add3A_635 = arith.addi %mul3A_576, %add3A_634 : i32
        %broadcast_in_dim3A_636 = vector.broadcast %add3A_635 : i32 to vector<16xi32>
        %get3A_637 = arith.index_cast %add3A_635 : i32 to index
        %get3A_638 = arith.constant 0 : index
        %get3A_639 = tpu.vector_load %arg8[%get3A_637, %get3A_638] {strides = array<i32>} : memref<128x64xf32, #tpu.memory_space<vmem>>, vector<16xf32>,
        %add3A_640 = arith.addf %get3A_639, %get3A_376 : vector<16xf32>
        tpu.vector_store_idx %arg10[%shift_right_arithmetic3A_10, %broadcast_in_dim3A_52, %and3A_33, %broadcast_in_dim3A_636], %add3A_640 : memref<8x1x8x133xf32, #tpu.memory_space<vmem>>[vector<16xi32>, vector<16xi32>, vector<16xi32>, vector<16xi32>], vector<16xf32>,
        %get3A_641 = arith.index_cast %add3A_635 : i32 to index
        %get3A_642 = arith.constant 16 : index
        %get3A_643 = tpu.vector_load %arg8[%get3A_641, %get3A_642] {strides = array<i32>} : memref<128x64xf32, #tpu.memory_space<vmem>>, vector<16xf32>,
        %add3A_644 = arith.addf %get3A_643, %get3A_379 : vector<16xf32>
        tpu.vector_store_idx %arg10[%shift_right_arithmetic3A_16, %broadcast_in_dim3A_52, %and3A_39, %broadcast_in_dim3A_636], %add3A_644 : memref<8x1x8x133xf32, #tpu.memory_space<vmem>>[vector<16xi32>, vector<16xi32>, vector<16xi32>, vector<16xi32>], vector<16xf32>,
        %get3A_645 = arith.index_cast %add3A_635 : i32 to index
        %get3A_646 = arith.constant 32 : index
        %get3A_647 = tpu.vector_load %arg8[%get3A_645, %get3A_646] {strides = array<i32>} : memref<128x64xf32, #tpu.memory_space<vmem>>, vector<16xf32>,
        %add3A_648 = arith.addf %get3A_647, %get3A_382 : vector<16xf32>
        tpu.vector_store_idx %arg10[%shift_right_arithmetic3A_22, %broadcast_in_dim3A_52, %and3A_45, %broadcast_in_dim3A_636], %add3A_648 : memref<8x1x8x133xf32, #tpu.memory_space<vmem>>[vector<16xi32>, vector<16xi32>, vector<16xi32>, vector<16xi32>], vector<16xf32>,
        %get3A_649 = arith.index_cast %add3A_635 : i32 to index
        %get3A_650 = arith.constant 48 : index
        %get3A_651 = tpu.vector_load %arg8[%get3A_649, %get3A_650] {strides = array<i32>} : memref<128x64xf32, #tpu.memory_space<vmem>>, vector<16xf32>,
        %add3A_652 = arith.addf %get3A_651, %get3A_385 : vector<16xf32>
        tpu.vector_store_idx %arg10[%shift_right_arithmetic3A_28, %broadcast_in_dim3A_52, %and3A_51, %broadcast_in_dim3A_636], %add3A_652 : memref<8x1x8x133xf32, #tpu.memory_space<vmem>>[vector<16xi32>, vector<16xi32>, vector<16xi32>, vector<16xi32>], vector<16xf32>,
      }
      %scan3A_553 = arith.constant 8 : i32
      %dma_start3A_554 = arith.constant 0 : i32
      %dma_start3A_555 = arith.constant 0 : i32
      %dma_start3A_556 = arith.constant 0 : i32
      %dma_start3A_557 = arith.constant 0 : i32
      %dma_start3A_558 = tpu.memref_slice %arg10[%dma_start3A_554, %dma_start3A_555, %dma_start3A_556, %dma_start3A_557] : memref<8x1x8x133xf32, #tpu.memory_space<vmem>> -> memref<8x1x8x128xf32, #tpu.memory_space<vmem>>
      %dma_start3A_559 = arith.constant 0 : i32
      %dma_start3A_560 = arith.constant 0 : i32
      %dma_start3A_561 = arith.constant 0 : i32
      %dma_start3A_562 = tpu.memref_slice %arg5[%add3A_361, %dma_start3A_559, %add3A, %dma_start3A_560, %dma_start3A_561] : memref<200x8x32x8x128xf32, #tpu.memory_space<hbm>> -> memref<1x8x1x8x128xf32, #tpu.memory_space<hbm>>
      %dma_start3A_563 = tpu.memref_squeeze %dma_start3A_562 : memref<1x8x1x8x128xf32, #tpu.memory_space<hbm>> -> memref<8x1x8x128xf32, #tpu.memory_space<hbm>>
      %dma_start3A_564 = arith.constant 0 : i32
      %dma_start3A_565 = arith.constant 0 : i32
      %dma_start3A_566 = arith.constant 0 : i32
      %dma_start3A_567 = tpu.memref_slice %arg5[%add3A_361, %dma_start3A_564, %add3A, %dma_start3A_565, %dma_start3A_566] : memref<200x8x32x8x128xf32, #tpu.memory_space<hbm>> -> memref<1x8x1x8x128xf32, #tpu.memory_space<hbm>>
      %dma_start3A_568 = tpu.memref_squeeze %dma_start3A_567 : memref<1x8x1x8x128xf32, #tpu.memory_space<hbm>> -> memref<8x1x8x128xf32, #tpu.memory_space<hbm>>
      %dma_start3A_569 = arith.constant 0 : i32
      %dma_start3A_570 = arith.constant 0 : i32
      %dma_start3A_571 = arith.constant 0 : i32
      %dma_start3A_572 = arith.constant 0 : i32
      %dma_start3A_573 = tpu.memref_slice %arg10[%dma_start3A_569, %dma_start3A_570, %dma_start3A_571, %dma_start3A_572] : memref<8x1x8x133xf32, #tpu.memory_space<vmem>> -> memref<8x1x8x128xf32, #tpu.memory_space<vmem>>
      tpu.enqueue_dma source(%dma_start3A_573 : memref<8x1x8x128xf32, #tpu.memory_space<vmem>>) target(%dma_start3A_568 : memref<8x1x8x128xf32, #tpu.memory_space<hbm>>) target_semaphore(%arg15 : memref<!tpu.dma_semaphore, #tpu.memory_space<semaphore_mem>>)
    }
    %scan3A_112 = arith.constant 100 : i32
    %dma_wait3A = arith.constant 198 : i32
    %dma_wait3A_113 = arith.constant 0 : i32
    %dma_wait3A_114 = arith.constant 0 : i32
    %dma_wait3A_115 = arith.constant 0 : i32
    %dma_wait3A_116 = arith.constant 0 : i32
    %dma_wait3A_117 = tpu.memref_slice %arg9[%dma_wait3A_113, %dma_wait3A_114, %dma_wait3A_115, %dma_wait3A_116] : memref<8x1x8x133xf32, #tpu.memory_space<vmem>> -> memref<8x1x8x128xf32, #tpu.memory_space<vmem>>
    %dma_wait3A_118 = arith.constant 0 : i32
    %dma_wait3A_119 = arith.constant 0 : i32
    %dma_wait3A_120 = arith.constant 0 : i32
    %dma_wait3A_121 = tpu.memref_slice %arg5[%dma_wait3A, %dma_wait3A_118, %add3A, %dma_wait3A_119, %dma_wait3A_120] : memref<200x8x32x8x128xf32, #tpu.memory_space<hbm>> -> memref<1x8x1x8x128xf32, #tpu.memory_space<hbm>>
    %dma_wait3A_122 = tpu.memref_squeeze %dma_wait3A_121 : memref<1x8x1x8x128xf32, #tpu.memory_space<hbm>> -> memref<8x1x8x128xf32, #tpu.memory_space<hbm>>
    %dma_wait3A_123 = arith.constant 0 : i32
    %dma_wait3A_124 = arith.constant 0 : i32
    %dma_wait3A_125 = arith.constant 0 : i32
    %dma_wait3A_126 = tpu.memref_slice %arg5[%dma_wait3A, %dma_wait3A_123, %add3A, %dma_wait3A_124, %dma_wait3A_125] : memref<200x8x32x8x128xf32, #tpu.memory_space<hbm>> -> memref<1x8x1x8x128xf32, #tpu.memory_space<hbm>>
    %dma_wait3A_127 = tpu.memref_squeeze %dma_wait3A_126 : memref<1x8x1x8x128xf32, #tpu.memory_space<hbm>> -> memref<8x1x8x128xf32, #tpu.memory_space<hbm>>
    %dma_wait3A_128 = arith.constant 0 : i32
    %dma_wait3A_129 = arith.constant 0 : i32
    %dma_wait3A_130 = arith.constant 0 : i32
    %dma_wait3A_131 = arith.constant 0 : i32
    %dma_wait3A_132 = tpu.memref_slice %arg9[%dma_wait3A_128, %dma_wait3A_129, %dma_wait3A_130, %dma_wait3A_131] : memref<8x1x8x133xf32, #tpu.memory_space<vmem>> -> memref<8x1x8x128xf32, #tpu.memory_space<vmem>>
    tpu.wait_dma2 semaphore(%arg14 : memref<!tpu.dma_semaphore, #tpu.memory_space<semaphore_mem>>) src(%dma_wait3A_132 : memref<8x1x8x128xf32, #tpu.memory_space<vmem>>) dst(%dma_wait3A_127 : memref<8x1x8x128xf32, #tpu.memory_space<hbm>>)
    %dma_wait3A_133 = arith.constant 199 : i32
    %dma_wait3A_134 = arith.constant 0 : i32
    %dma_wait3A_135 = arith.constant 0 : i32
    %dma_wait3A_136 = arith.constant 0 : i32
    %dma_wait3A_137 = arith.constant 0 : i32
    %dma_wait3A_138 = tpu.memref_slice %arg10[%dma_wait3A_134, %dma_wait3A_135, %dma_wait3A_136, %dma_wait3A_137] : memref<8x1x8x133xf32, #tpu.memory_space<vmem>> -> memref<8x1x8x128xf32, #tpu.memory_space<vmem>>
    %dma_wait3A_139 = arith.constant 0 : i32
    %dma_wait3A_140 = arith.constant 0 : i32
    %dma_wait3A_141 = arith.constant 0 : i32
    %dma_wait3A_142 = tpu.memref_slice %arg5[%dma_wait3A_133, %dma_wait3A_139, %add3A, %dma_wait3A_140, %dma_wait3A_141] : memref<200x8x32x8x128xf32, #tpu.memory_space<hbm>> -> memref<1x8x1x8x128xf32, #tpu.memory_space<hbm>>
    %dma_wait3A_143 = tpu.memref_squeeze %dma_wait3A_142 : memref<1x8x1x8x128xf32, #tpu.memory_space<hbm>> -> memref<8x1x8x128xf32, #tpu.memory_space<hbm>>
    %dma_wait3A_144 = arith.constant 0 : i32
    %dma_wait3A_145 = arith.constant 0 : i32
    %dma_wait3A_146 = arith.constant 0 : i32
    %dma_wait3A_147 = tpu.memref_slice %arg5[%dma_wait3A_133, %dma_wait3A_144, %add3A, %dma_wait3A_145, %dma_wait3A_146] : memref<200x8x32x8x128xf32, #tpu.memory_space<hbm>> -> memref<1x8x1x8x128xf32, #tpu.memory_space<hbm>>
    %dma_wait3A_148 = tpu.memref_squeeze %dma_wait3A_147 : memref<1x8x1x8x128xf32, #tpu.memory_space<hbm>> -> memref<8x1x8x128xf32, #tpu.memory_space<hbm>>
    %dma_wait3A_149 = arith.constant 0 : i32
    %dma_wait3A_150 = arith.constant 0 : i32
    %dma_wait3A_151 = arith.constant 0 : i32
    %dma_wait3A_152 = arith.constant 0 : i32
    %dma_wait3A_153 = tpu.memref_slice %arg10[%dma_wait3A_149, %dma_wait3A_150, %dma_wait3A_151, %dma_wait3A_152] : memref<8x1x8x133xf32, #tpu.memory_space<vmem>> -> memref<8x1x8x128xf32, #tpu.memory_space<vmem>>
    tpu.wait_dma2 semaphore(%arg15 : memref<!tpu.dma_semaphore, #tpu.memory_space<semaphore_mem>>) src(%dma_wait3A_153 : memref<8x1x8x128xf32, #tpu.memory_space<vmem>>) dst(%dma_wait3A_148 : memref<8x1x8x128xf32, #tpu.memory_space<hbm>>)
    return
  }
}

</mosaic_0001>

<sc_bundles>
// kernel: kernel.3.cloned.1.call-start
scs
__scs_entry_jumppad:
0x0: {  	(pc) =	sbr.rel $0x88, $3  }
0x1: {  	(tag) =	ssettag $0x0;
	lr =	simm.s32 $0x1  }
0x2: {  	[smem:$0x3F9E] =	sst lr;
	_ =	strace $0xD0000000  }
0x3: {  	_ = 	snop  }
0x4: {  	_ = 	snop  }
0x5: {  	_ = 	snop  }
0x6: {  	_ = 	snop  }
0x7: {  	_ = 	snop  }
__scs_overlays_trampoline_lowered:
0x8: {  	[smem:$0x3FAD] =	sst s0  }
0x9: {  	[smem:$0x3FAE] =	sst s1  }
0xa: {  	[smem:$0x3FAF] =	sst s2  }
0xb: {  	[smem:$0x3FB0] =	sst s3  }
0xc: {  	[smem:$0x3FB1] =	sst s4  }
0xd: {  	[smem:$0x3FB2] =	sst s5  }
0xe: {  	[smem:$0x3FB3] =	sst s6  }
0xf: {  	[smem:$0x3FB4] =	sst s7  }
0x10: {  	[smem:$0x3FB5] =	sst s8  }
0x11: {  	[smem:$0x3FB6] =	sst s9;
	s0 =	simm.s32 @!p0 $0x0  }
0x12: {  	s1 =	sld [smem:$0x3F9C];
	s0 =	simm.s32 @p0 $0x1  }
0x13: {  	[smem:$0x3FB7] =	sst s0;
	s0 =	simm.s32 @!p1 $0x0  }
0x14: {  	s2 =	sld [smem:$0x3F9B];
	s0 =	simm.s32 @p1 $0x1  }
0x15: {  	[smem:$0x3FB8] =	sst s0;
	s0 =	simm.s32 @!p2 $0x0  }
0x16: {  	s3 =	sld [smem:$0x3FDB];
	s0 =	simm.s32 @p2 $0x1  }
0x17: {  	s4 =	simm.s32 $0x1BF5;
	[smem:$0x3FBA] =	sst s0  }
0x18: {  	s0 =	sld [smem:$0x3F9D];
	_ =	swait.ge [sflag:s4], $0x0  }
0x19: {  	s7 =	sld [smem:$0x3F9E]  }
0x1a: {  	s8 =	sadd.s32 $0xFFFFE003, lr  }
0x1b: {  	s9 =	sadd.s32 $0xFFFFFEF7, lr;
	s5 =	simm.s32 $0xFFFFFFFF;
	p2 =	slt.u32 s8, $0xFFFFF086  }
0x1c: {  	p1 =	slt.u32 s9, $0xF7A;
	s5 =	simm.s32 @!p2 $0x0  }
0x1d: {  	s5 =	simm.s32 @p1 $0x1;
	p0 =	seq.s32 s7, s2  }
0x1e: {  	s7 =	smul.u32 @!p0 $0xF7A, s2;
	p2 =	seq.s32 @!p0 s5, $0x0  }
0x1f: {  	s9 =	smul.u32 $0xF7A, s1;
	s8 =	simm.s32 @!p0 $0x1BF5;
	p2 =	por !p2, p0  }
0x20: {  	[sflag:s8] =	ssyncset.s32 @!p0 $0xFFFFF086;
	s6 =	sadd.s32 @!p0 s3, s7;
	s7 =	simm.s32 @!p0 $0x108  }
0x21: {  	s3 =	sadd.s32 s3, s9;
	s6 =	sadd.s32 @!p0 $0x88, s6;
	s7 =	simm.s32 @p2 $0x1082  }
0x22: {  	[simem:s7], [sflag:s8] =	dma.local @!p0 [hbm:s6], $0xF7A  }
0x23: {  	s9 =	sor.u32 $0xD0000000, s2;
	s6 =	simm.s32 $0x108;
	_ =	swait.ge @!p0 [sflag:s8], $0x0  }
0x24: {  	s3 =	sadd.s32 $0x88, s3;
	s6 =	simm.s32 @!p1 $0x1082;
	[sflag:s4] =	ssyncset.s32 $0xFFFFF086  }
0x25: {  	[simem:s6], [sflag:s4] =	dma.local [hbm:s3], $0xF7A  }
0x26: {  	[smem:$0x3F9E] =	sst s1;
	(tag) =	ssettag s2;
	_ =	strace s9  }
0x27: {  	s1 =	sld [smem:$0x3FAE]  }
0x28: {  	s2 =	sld [smem:$0x3FAF]  }
0x29: {  	s4 =	sld [smem:$0x3FB1]  }
0x2a: {  	p0 =	seq.s32 s5, $0x0;
	s5 =	sld [smem:$0x3FB2]  }
0x2b: {  	s6 =	sld [smem:$0x3FB3]  }
0x2c: {  	s7 =	sld [smem:$0x3FB4]  }
0x2d: {  	s3 =	simm.s32 $0x108;
	s8 =	sld [smem:$0x3FB5]  }
0x2e: {  	s3 =	simm.s32 @!p0 $0x1082;
	s9 =	sld [smem:$0x3FB6]  }
0x2f: {  	lr =	sadd.s32 s0, s3;
	s0 =	sld [smem:$0x3FAD]  }
0x30: {  	s3 =	sld [smem:$0x3FB0]  }
0x31: {  	[smem:$0x3FB9] =	sst s10  }
0x32: {  	s10 =	sld [smem:$0x3FB7];
	_ =	sdelay $0x3  }
0x33: {  	p0 =	seq.s32 s10, $0x1;
	s10 =	sld [smem:$0x3FB9];
	_ =	sdelay $0x3  }
0x34: {  	[smem:$0x3FB9] =	sst s10  }
0x35: {  	s10 =	sld [smem:$0x3FB8];
	_ =	sdelay $0x3  }
0x36: {  	p1 =	seq.s32 s10, $0x1;
	s10 =	sld [smem:$0x3FB9];
	_ =	sdelay $0x3  }
0x37: {  	[smem:$0x3FB9] =	sst s10  }
0x38: {  	s10 =	sld [smem:$0x3FBA]  }
0x39: {  	_ = 	snop;
	(pc) =	sbr.ind lr, $3  }
0x3a: {  	_ = 	snop  }
0x3b: {  	_ = 	snop  }
0x3c: {  	p2 =	seq.s32 s10, $0x1;
	s10 =	sld [smem:$0x3FB9]  }
0x3d: {  	_ =	shalt  }
0x3e: {  	_ =	shalt  }
0x3f: {  	_ =	shalt  }
0x40: {  	_ =	shalt  }
0x41: {  	_ =	shalt  }
0x42: {  	_ =	shalt  }
0x43: {  	_ =	shalt  }
0x44: {  	_ =	shalt  }
0x45: {  	_ =	shalt  }
0x46: {  	_ =	shalt  }
0x47: {  	_ =	shalt  }
0x48: {  	_ =	shalt  }
0x49: {  	_ =	shalt  }
0x4a: {  	_ =	shalt  }
0x4b: {  	_ =	shalt  }
0x4c: {  	_ =	shalt  }
0x4d: {  	_ =	shalt  }
0x4e: {  	_ =	shalt  }
0x4f: {  	_ =	shalt  }
0x50: {  	_ =	shalt  }
0x51: {  	_ =	shalt  }
0x52: {  	_ =	shalt  }
0x53: {  	_ =	shalt  }
0x54: {  	_ =	shalt  }
0x55: {  	_ =	shalt  }
0x56: {  	_ =	shalt  }
0x57: {  	_ =	shalt  }
0x58: {  	_ =	shalt  }
0x59: {  	_ =	shalt  }
0x5a: {  	_ =	shalt  }
0x5b: {  	_ =	shalt  }
0x5c: {  	_ =	shalt  }
0x5d: {  	_ =	shalt  }
0x5e: {  	_ =	shalt  }
0x5f: {  	_ =	shalt  }
0x60: {  	_ =	shalt  }
0x61: {  	_ =	shalt  }
0x62: {  	_ =	shalt  }
0x63: {  	_ =	shalt  }
0x64: {  	_ =	shalt  }
0x65: {  	_ =	shalt  }
0x66: {  	_ =	shalt  }
0x67: {  	_ =	shalt  }
0x68: {  	_ =	shalt  }
0x69: {  	_ =	shalt  }
0x6a: {  	_ =	shalt  }
0x6b: {  	_ =	shalt  }
0x6c: {  	_ =	shalt  }
0x6d: {  	_ =	shalt  }
0x6e: {  	_ =	shalt  }
0x6f: {  	_ =	shalt  }
0x70: {  	_ =	shalt  }
0x71: {  	_ =	shalt  }
0x72: {  	_ =	shalt  }
0x73: {  	_ =	shalt  }
0x74: {  	_ =	shalt  }
0x75: {  	_ =	shalt  }
0x76: {  	_ =	shalt  }
0x77: {  	_ =	shalt  }
0x78: {  	_ =	shalt  }
0x79: {  	_ =	shalt  }
0x7a: {  	_ =	shalt  }
0x7b: {  	_ =	shalt  }
0x7c: {  	_ =	shalt  }
0x7d: {  	_ =	shalt  }
0x7e: {  	_ =	shalt  }
0x7f: {  	_ =	shalt  }
0x80: {  	_ =	shalt  }
0x81: {  	_ =	shalt  }
0x82: {  	_ =	shalt  }
0x83: {  	_ =	shalt  }
0x84: {  	_ =	shalt  }
0x85: {  	_ =	shalt  }
0x86: {  	_ =	shalt  }
0x87: {  	_ =	shalt  }
.Lfunc_end0:
.L_simem_size_0:
called_computation.1_lowered:
.L_overlay_start_0:
0x88: {  	s2 =	sld [smem:$0x3FD9]  }
0x89: {  	s3 =	sld [smem:$0x3FFE];
	_ =	sdelay $0x1  }
0x8a: {  	s1 =	srdreg.scid  }
0x8b: {  	s0 =	sand.u32 $0x1, s1  }
0x8c: {  	s17 =	sshll.u32 s0, $0xA;
	s2 =	sadd.s32 s3, s2  }
0x8d: {  	s2 =	sadd.s32 s2, s17  }
0x8e: {  	[smem:$0x3FC5] =	sst s2  }
0x8f: {  	_ = 	snop  }
0x90: {  	s2 =	sld [smem:$0x3FC9]  }
0x91: {  	s18 =	sld [smem:$0x3FD0];
	(tm) =	ssettm $0x1  }
0x92: {  	s4 =	sld [smem:$0x3FFB];
	_ =	sdelay $0x3  }
0x93: {  	_ =	strace s4  }
0x94: {  	s4 =	sld [smem:$0x3FFC];
	_ =	sdelay $0x3  }
0x95: {  	_ =	strace s4  }
0x96: {  	s4 =	sld [smem:$0x3FFD];
	_ =	sdelay $0x3  }
0x97: {  	_ =	strace s4  }
0x98: {  	_ =	strace $0x8FFFFFFF  }
0x99: {  	s19 =	sld [smem:$0x3FDB];
	_ =	sdelay $0x1  }
0x9a: {  	s5 =	simm.s32 $_scs_section_size  }
0x9b: {  	s6 =	simm.s32 $_size__tile_overlayer_lowered;
	s7 =	simm.s32 $_tile_overlayer_lowered  }
0x9c: {  	s22 =	simm.s32 $0x1BFF;
	s21 =	sshll.u32 s7, $0x1;
	s4 =	sadd.s32 s5, s19  }
0x9d: {  	s8 =	simm.s32 $0x0;
	s20 =	sshll.u32 s6, $0x1;
	s6 =	sadd.s32 s21, s4  }
0x9e: {  	[timem:s8], [sflag:s22] =	dma.local [hbm:s6], s20  }
0x9f: {  	_ =	swait.ge [sflag:s22], s20  }
0xa0: {  	s5 =	ssub.s32 $0x0, s20;
	[sflag:s22] =	ssyncset.done $0x0  }
0xa1: {  	[sflag:s22] =	ssyncadd.s32 s5;
	_ =	sdelay $0x1  }
0xa2: {  	s23 =	simm.s32 $0x1B8B  }
0xa3: {  	_ =	swait.ge [sflag:s23], $0x1  }
0xa4: {  	[sflag:s23] =	ssyncset.done $0x0  }
0xa5: {  	s25 =	simm.s32 $0x1B8E;
	s24 =	sld [smem:$0x3FFE];
	[sflag:s23] =	ssyncadd.s32 $0xFFFFFFFF  }
0xa6: {  	s26 =	simm.s32 $execute0_lowered;
	[smem:$0x3FD2] =	sst s25  }
0xa7: {  	s6 =	sshll.u32 s26, $0x1;
	_ =	strace $0x80000049;
	[dreg:$0x1] =	wrdreg $0xFFFFFFFF  }
0xa8: {  	s28 =	simm.s32 $_size_execute0_lowered;
	s4 =	sadd.s32 s4, s6;
	[dreg:$0x0] =	wrdreg $0x0  }
0xa9: {  	s6 =	sshll.u32 s28, $0x1;
	[dreg:$0x2] =	wrdreg s4  }
0xaa: {  	[dreg:$0x3] =	wrdreg s6  }
0xab: {  	[dreg:$0x4] =	wrdreg $0xC0  }
0xac: {  	_ =	task [dreg:s8], $0x5FFFF  }
0xad: {  	[dreg:$0x1] =	wrdreg $0xFFFFFFFF  }
0xae: {  	[dreg:$0x0] =	wrdreg $0x60  }
0xaf: {  	[dreg:$0x2] =	wrdreg s2  }
0xb0: {  	[dreg:$0x3] =	wrdreg s24  }
0xb1: {  	[dreg:$0x4] =	wrdreg s18  }
0xb2: {  	[dreg:$0x5] =	wrdreg $0x9  }
0xb3: {  	_ =	task.clear_ibuf [dreg:s8], $0x6FFFF;
	_ =	strace $0x90000049  }
0xb4: {  	s29 =	simm.s32 $0x9;
	_ =	strace $0x8000004B  }
0xb5: {  	_ =	swait.ge [sflag:s29], $0x1  }
0xb6: {  	[sflag:s29] =	ssyncadd.s32 $0xFFFFFFFF  }
0xb7: {  	_ =	strace $0x9000004B  }
0xb8: {  	_ =	sfence  }
0xb9: {  	s30 =	sld [smem:$0x0];
	_ =	sdelay $0x2  }
0xba: {  	s31 =	sshll.u32 s1, $0xD;
	s1 =	sshrl.u32 s1, $0x2  }
0xbb: {  	s3 =	sand.u32 $0x4000, s31;
	s1 =	sadd.s32 s1, s30  }
0xbc: {  	s0 =	sor.u32 s3, s0;
	s1 =	sshll.u32 s1, $0x11  }
0xbd: {  	s0 =	sor.u32 s1, s0  }
0xbe: {  	s0 =	sadd.s32 $0x8F2B, s0  }
0xbf: {  	[sflag:s0] =	ssyncadd.remote.s32 $0x1  }
0xc0: {  	_ =	sfence.sel $0xFFFF  }
0xc1: {  	[dreg:$0x0] =	wrdreg $0xFFFFFFFF;
	(pc) =	sbr.abs _section_cstart, $3  }
0xc2: {  	[dreg:$0x1] =	wrdreg $0xFFFFFFFF  }
0xc3: {  	_ =	task.clear_ibuf [dreg:s8], $0x2FFFF;
	_ =	strace $0x9FFFFFFF  }
0xc4: {  	(tm) =	ssettm $0x7FFFFFFF  }
0xc5: {  	_ =	shalt  }
tec
execute0_lowered:
.L_overlay_start_1:
0x0: {  	(tag) =	ssettag $0x1  }
0x1: {  	s0 =	rddreg [dreg:$0x0]  }
0x2: {  	s2 =	rddreg [dreg:$0x1]  }
0x3: {  	s1 =	rddreg [dreg:$0x2];
	s3 =	simm.s32 $0x0;
	s4 =	srdreg.scid  }
0x4: {  	s5 =	stileid.u32;
	s11 =	simm.s32 $0x5;
	s13 =	simm.s32 $0x20  }
0x5: {  	s18 =	simm.s32 $0x60;
	s19 =	simm.s32 $0x7C00;
	s20 =	simm.s32 $0x8400  }
0x6: {  	s21 =	simm.s32 $0x8C00;
	s22 =	simm.s32 $0x9400;
	s23 =	simm.s32 $0x9C00  }
0x7: {  	s24 =	simm.s32 $0x1;
	s28 =	simm.s32 $0xC600;
	s29 =	simm.s32 $0x3  }
0x8: {  	s30 =	simm.s32 $0x4;
	s31 =	simm.s32 $0x0;
	s4 =	sand.u32 $0x1, s4  }
0x9: {  	[smem:$0x7FF] =	sst s3;
	s5 =	sshll.u32 s5, $0xB;
	s6 =	sshll.u32 s4, $0xA  }
0xa: {  	v0 =	vlaneseq.u32;
	_ =	strace $0x8000004A;
	s7 =	ssub.s32 $0x2, s4;
	s5 =	sor.u32 s6, s5  }
0xb: {  	v0 =	vmul.u32 $0x88, v0;
	s4 =	sadd.s32 $0xF43E00, s2;
	s8 =	sshrl.u32 s7, $0x1;
	s26 =	sshrl.u32 s5, $0x3  }
0xc: {  	s6 =	sadd.s32 $0xF42E00, s2;
	s25 =	ssub.s32 s7, s8;
	s7 =	sadd.s32 s0, s26  }
0xd: {  	v1 =	vadd.s32 $0x880, v0;
	v2 =	vadd.s32 $0x1100, v0;
	v3 =	vadd.s32 $0x1980, v0;
	s8 =	smax.u32 s25, $0x1;
	s25 =	simm.s32 $0xA400;
	s26 =	simm.s32 $0x2  }
.LBB2_1:
0xe: {  	s0 =	simm.s32 $0x400;
	s2 =	simm.s32 $0x8000  }
0xf: {  	[tilespmem:s3], [sflag:$0x5] =	stream.strided.gather [hbm4b:s7+s0], $0x6400, s2, s0, $0x38;
	[tilespmem:$0x11A00] =	vst v63  }
0x10: {  	_ =	swait.ge [sflag:s11], $0x6400  }
0x11: {  	[sflag:s11] =	ssyncset.done $0x0  }
0x12: {  	s17 =	simm.s32 $0xE800;
	[sflag:s11] =	ssyncadd.s32 $0xFFFF9C00  }
0x13: {  	[tilespmem:s17], [sflag:$0x5] =	stream.linear.gather [hbm4b:s6+s3], $0x3200, $0x38;
	[tilespmem:$0x11A00] =	vst v63  }
0x14: {  	_ =	swait.ge [sflag:s11], $0x3200  }
0x15: {  	[sflag:s11] =	ssyncset.done $0x0  }
0x16: {  	s0 =	simm.s32 $0x0;
	[sflag:s11] =	ssyncadd.s32 $0xFFFFCE00  }
0x17: {  	v4 =	vld [tilespmem:s0+$0x0]  }
0x18: {  	v5 =	vld [tilespmem:s0+$0x10]  }
0x19: {  	v6 =	vld [tilespmem:s0+$0x20]  }
0x1a: {  	v7 =	vld [tilespmem:s0+$0x30]  }
0x1b: {  	v8 =	vld [tilespmem:s0+$0x40]  }
0x1c: {  	v9 =	vld [tilespmem:s0+$0x50];
	v4 =	vshll.u32 v4, $0x1  }
0x1d: {  	[tilespmem:s0+$0x0] =	vst v4;
	v4 =	vshll.u32 v5, $0x1;
	v5 =	vld [tilespmem:s0+$0x60]  }
0x1e: {  	[tilespmem:s0+$0x10] =	vst v4;
	v4 =	vshll.u32 v6, $0x1;
	v6 =	vld [tilespmem:s0+$0x70]  }
0x1f: {  	[tilespmem:s0+$0x20] =	vst v4;
	v4 =	vshll.u32 v7, $0x1;
	v7 =	vld [tilespmem:s0+$0x80]  }
0x20: {  	[tilespmem:s0+$0x30] =	vst v4;
	v4 =	vshll.u32 v8, $0x1;
	v8 =	vld [tilespmem:s0+$0x90]  }
0x21: {  	[tilespmem:s0+$0x40] =	vst v4;
	v4 =	vshll.u32 v9, $0x1;
	v9 =	vld [tilespmem:s0+$0xA0]  }
0x22: {  	[tilespmem:s0+$0x50] =	vst v4;
	v4 =	vshll.u32 v5, $0x1;
	v5 =	vld [tilespmem:s0+$0xB0]  }
0x23: {  	[tilespmem:s0+$0x60] =	vst v4;
	v4 =	vshll.u32 v6, $0x1;
	v6 =	vld [tilespmem:s0+$0xC0]  }
0x24: {  	[tilespmem:s0+$0x70] =	vst v4;
	v4 =	vshll.u32 v7, $0x1;
	v7 =	vld [tilespmem:s0+$0xD0]  }
0x25: {  	[tilespmem:s0+$0x80] =	vst v4;
	v4 =	vshll.u32 v8, $0x1;
	v8 =	vld [tilespmem:s0+$0xE0]  }
0x26: {  	[tilespmem:s0+$0x90] =	vst v4;
	v4 =	vshll.u32 v9, $0x1;
	v9 =	vld [tilespmem:s0+$0xF0]  }
0x27: {  	[tilespmem:s0+$0xA0] =	vst v4;
	v4 =	vshll.u32 v5, $0x1;
	v5 =	vld [tilespmem:s0+$0x100]  }
0x28: {  	[tilespmem:s0+$0xB0] =	vst v4;
	v4 =	vshll.u32 v6, $0x1;
	v6 =	vld [tilespmem:s0+$0x110]  }
0x29: {  	[tilespmem:s0+$0xC0] =	vst v4;
	v4 =	vshll.u32 v7, $0x1;
	v7 =	vld [tilespmem:s0+$0x120]  }
0x2a: {  	[tilespmem:s0+$0xD0] =	vst v4;
	v4 =	vshll.u32 v8, $0x1;
	v8 =	vld [tilespmem:s0+$0x130]  }
0x2b: {  	[tilespmem:s0+$0xE0] =	vst v4;
	v4 =	vshll.u32 v9, $0x1;
	v9 =	vld [tilespmem:s0+$0x140]  }
0x2c: {  	[tilespmem:s0+$0xF0] =	vst v4;
	v4 =	vshll.u32 v5, $0x1;
	v5 =	vld [tilespmem:s0+$0x150]  }
0x2d: {  	[tilespmem:s0+$0x100] =	vst v4;
	v4 =	vshll.u32 v6, $0x1;
	v6 =	vld [tilespmem:s0+$0x160]  }
0x2e: {  	[tilespmem:s0+$0x110] =	vst v4;
	v4 =	vshll.u32 v7, $0x1;
	v7 =	vld [tilespmem:s0+$0x170]  }
0x2f: {  	[tilespmem:s0+$0x120] =	vst v4;
	v4 =	vshll.u32 v8, $0x1;
	v8 =	vld [tilespmem:s0+$0x180]  }
0x30: {  	[tilespmem:s0+$0x130] =	vst v4;
	v4 =	vshll.u32 v9, $0x1;
	v9 =	vld [tilespmem:s0+$0x190]  }
0x31: {  	[tilespmem:s0+$0x140] =	vst v4;
	v4 =	vshll.u32 v5, $0x1;
	v5 =	vld [tilespmem:s0+$0x1A0]  }
0x32: {  	[tilespmem:s0+$0x150] =	vst v4;
	v4 =	vshll.u32 v6, $0x1;
	v6 =	vld [tilespmem:s0+$0x1B0]  }
0x33: {  	[tilespmem:s0+$0x160] =	vst v4;
	v4 =	vshll.u32 v7, $0x1;
	v7 =	vld [tilespmem:s0+$0x1C0]  }
0x34: {  	[tilespmem:s0+$0x170] =	vst v4;
	v4 =	vshll.u32 v8, $0x1;
	v8 =	vld [tilespmem:s0+$0x1D0]  }
0x35: {  	[tilespmem:s0+$0x180] =	vst v4;
	v4 =	vshll.u32 v9, $0x1;
	v9 =	vld [tilespmem:s0+$0x1E0]  }
0x36: {  	[tilespmem:s0+$0x190] =	vst v4;
	v4 =	vshll.u32 v5, $0x1;
	v5 =	vld [tilespmem:s0+$0x1F0]  }
0x37: {  	[tilespmem:s0+$0x1A0] =	vst v4;
	v4 =	vshll.u32 v6, $0x1;
	v6 =	vld [tilespmem:s0+$0x200]  }
0x38: {  	[tilespmem:s0+$0x1B0] =	vst v4;
	v4 =	vshll.u32 v7, $0x1;
	v7 =	vld [tilespmem:s0+$0x210]  }
0x39: {  	[tilespmem:s0+$0x1C0] =	vst v4;
	v4 =	vshll.u32 v8, $0x1;
	v8 =	vld [tilespmem:s0+$0x220]  }
0x3a: {  	[tilespmem:s0+$0x1D0] =	vst v4;
	v4 =	vshll.u32 v9, $0x1;
	v9 =	vld [tilespmem:s0+$0x230]  }
0x3b: {  	[tilespmem:s0+$0x1E0] =	vst v4;
	v4 =	vshll.u32 v5, $0x1;
	v5 =	vld [tilespmem:s0+$0x240]  }
0x3c: {  	[tilespmem:s0+$0x1F0] =	vst v4;
	v4 =	vshll.u32 v6, $0x1;
	v6 =	vld [tilespmem:s0+$0x250]  }
0x3d: {  	[tilespmem:s0+$0x200] =	vst v4;
	v4 =	vshll.u32 v7, $0x1;
	v7 =	vld [tilespmem:s0+$0x260]  }
0x3e: {  	[tilespmem:s0+$0x210] =	vst v4;
	v4 =	vshll.u32 v8, $0x1;
	v8 =	vld [tilespmem:s0+$0x270]  }
0x3f: {  	[tilespmem:s0+$0x220] =	vst v4;
	v4 =	vshll.u32 v9, $0x1;
	v9 =	vld [tilespmem:s0+$0x280]  }
0x40: {  	[tilespmem:s0+$0x230] =	vst v4;
	v4 =	vshll.u32 v5, $0x1;
	v5 =	vld [tilespmem:s0+$0x290]  }
0x41: {  	[tilespmem:s0+$0x240] =	vst v4;
	v4 =	vshll.u32 v6, $0x1;
	v6 =	vld [tilespmem:s0+$0x2A0]  }
0x42: {  	[tilespmem:s0+$0x250] =	vst v4;
	v4 =	vshll.u32 v7, $0x1;
	v7 =	vld [tilespmem:s0+$0x2B0]  }
0x43: {  	[tilespmem:s0+$0x260] =	vst v4;
	v4 =	vshll.u32 v8, $0x1;
	v8 =	vld [tilespmem:s0+$0x2C0]  }
0x44: {  	[tilespmem:s0+$0x270] =	vst v4;
	v4 =	vshll.u32 v9, $0x1;
	v9 =	vld [tilespmem:s0+$0x2D0]  }
0x45: {  	[tilespmem:s0+$0x280] =	vst v4;
	v4 =	vshll.u32 v5, $0x1;
	v5 =	vld [tilespmem:s0+$0x2E0]  }
0x46: {  	[tilespmem:s0+$0x290] =	vst v4;
	v4 =	vshll.u32 v6, $0x1;
	v6 =	vld [tilespmem:s0+$0x2F0]  }
0x47: {  	[tilespmem:s0+$0x2A0] =	vst v4;
	v4 =	vshll.u32 v7, $0x1;
	v7 =	vld [tilespmem:s0+$0x300]  }
0x48: {  	[tilespmem:s0+$0x2B0] =	vst v4;
	v4 =	vshll.u32 v8, $0x1;
	v8 =	vld [tilespmem:s0+$0x310]  }
0x49: {  	[tilespmem:s0+$0x2C0] =	vst v4;
	v4 =	vshll.u32 v9, $0x1;
	v9 =	vld [tilespmem:s0+$0x320]  }
0x4a: {  	[tilespmem:s0+$0x2D0] =	vst v4;
	v4 =	vshll.u32 v5, $0x1;
	v5 =	vld [tilespmem:s0+$0x330]  }
0x4b: {  	[tilespmem:s0+$0x2E0] =	vst v4;
	v4 =	vshll.u32 v6, $0x1;
	v6 =	vld [tilespmem:s0+$0x340]  }
0x4c: {  	[tilespmem:s0+$0x2F0] =	vst v4;
	v4 =	vshll.u32 v7, $0x1;
	v7 =	vld [tilespmem:s0+$0x350]  }
0x4d: {  	[tilespmem:s0+$0x300] =	vst v4;
	v4 =	vshll.u32 v8, $0x1;
	v8 =	vld [tilespmem:s0+$0x360]  }
0x4e: {  	[tilespmem:s0+$0x310] =	vst v4;
	v4 =	vshll.u32 v9, $0x1;
	v9 =	vld [tilespmem:s0+$0x370]  }
0x4f: {  	v10 =	vld [tilespmem:s0+$0x380];
	[tilespmem:s0+$0x320] =	vst v4;
	v4 =	vshll.u32 v5, $0x1  }
0x50: {  	v11 =	vld [tilespmem:s0+$0x390];
	[tilespmem:s0+$0x330] =	vst v4;
	v4 =	vshll.u32 v6, $0x1  }
0x51: {  	v5 =	vld [tilespmem:s0+$0x3A0];
	[tilespmem:s0+$0x340] =	vst v4;
	v4 =	vshll.u32 v7, $0x1  }
0x52: {  	[tilespmem:s0+$0x350] =	vst v4;
	v6 =	vshll.u32 v8, $0x1;
	v4 =	vld [tilespmem:s0+$0x3B0]  }
0x53: {  	[tilespmem:s0+$0x360] =	vst v6;
	v7 =	vshll.u32 v9, $0x1;
	v6 =	vld [tilespmem:s0+$0x3C0]  }
0x54: {  	v8 =	vshll.u32 v10, $0x1;
	[tilespmem:s0+$0x370] =	vst v7;
	v7 =	vld [tilespmem:s0+$0x3D0]  }
0x55: {  	s2 =	simm.s32 $0x1000;
	[tilespmem:s0+$0x380] =	vst v8;
	v9 =	vshll.u32 v11, $0x1;
	v8 =	vld [tilespmem:s0+$0x3E0]  }
.LBB2_2:
0x56: {  	s9 =	sshra.s32 s2, $0x2;
	p0 =	sne.s32 s2, $0x18000;
	[tilespmem:s0+$0x390] =	vst v9;
	v5 =	vshll.u32 v5, $0x1;
	v9 =	vld [tilespmem:s0+$0x3F0]  }
0x57: {  	v10 =	vld [tilespmem:s9+$0x0];
	[tilespmem:s0+$0x3A0] =	vst v5;
	v4 =	vshll.u32 v4, $0x1  }
0x58: {  	v5 =	vld [tilespmem:s9+$0x10];
	[tilespmem:s0+$0x3B0] =	vst v4;
	v4 =	vshll.u32 v6, $0x1  }
0x59: {  	v6 =	vld [tilespmem:s9+$0x20];
	[tilespmem:s0+$0x3C0] =	vst v4;
	v4 =	vshll.u32 v7, $0x1  }
0x5a: {  	v7 =	vld [tilespmem:s9+$0x30];
	[tilespmem:s0+$0x3D0] =	vst v4;
	v4 =	vshll.u32 v8, $0x1  }
0x5b: {  	v8 =	vld [tilespmem:s9+$0x40];
	[tilespmem:s0+$0x3E0] =	vst v4;
	v4 =	vshll.u32 v9, $0x1  }
0x5c: {  	v9 =	vshll.u32 v10, $0x1;
	v10 =	vld [tilespmem:s9+$0x50];
	[tilespmem:s0+$0x3F0] =	vst v4;
	s0 =	smov.u32 s9  }
0x5d: {  	[tilespmem:s0+$0x0] =	vst v9;
	v4 =	vshll.u32 v5, $0x1;
	v5 =	vld [tilespmem:s0+$0x60]  }
0x5e: {  	[tilespmem:s0+$0x10] =	vst v4;
	v4 =	vshll.u32 v6, $0x1;
	v6 =	vld [tilespmem:s0+$0x70]  }
0x5f: {  	[tilespmem:s0+$0x20] =	vst v4;
	v4 =	vshll.u32 v7, $0x1;
	v7 =	vld [tilespmem:s0+$0x80]  }
0x60: {  	[tilespmem:s0+$0x30] =	vst v4;
	v4 =	vshll.u32 v8, $0x1;
	v8 =	vld [tilespmem:s0+$0x90]  }
0x61: {  	[tilespmem:s0+$0x40] =	vst v4;
	v4 =	vshll.u32 v10, $0x1;
	v9 =	vld [tilespmem:s0+$0xA0]  }
0x62: {  	[tilespmem:s0+$0x50] =	vst v4;
	v4 =	vshll.u32 v5, $0x1;
	v5 =	vld [tilespmem:s0+$0xB0]  }
0x63: {  	[tilespmem:s0+$0x60] =	vst v4;
	v4 =	vshll.u32 v6, $0x1;
	v6 =	vld [tilespmem:s0+$0xC0]  }
0x64: {  	[tilespmem:s0+$0x70] =	vst v4;
	v4 =	vshll.u32 v7, $0x1;
	v7 =	vld [tilespmem:s0+$0xD0]  }
0x65: {  	[tilespmem:s0+$0x80] =	vst v4;
	v4 =	vshll.u32 v8, $0x1;
	v8 =	vld [tilespmem:s0+$0xE0]  }
0x66: {  	[tilespmem:s0+$0x90] =	vst v4;
	v4 =	vshll.u32 v9, $0x1;
	v9 =	vld [tilespmem:s0+$0xF0]  }
0x67: {  	[tilespmem:s0+$0xA0] =	vst v4;
	v4 =	vshll.u32 v5, $0x1;
	v5 =	vld [tilespmem:s0+$0x100]  }
0x68: {  	[tilespmem:s0+$0xB0] =	vst v4;
	v4 =	vshll.u32 v6, $0x1;
	v6 =	vld [tilespmem:s0+$0x110]  }
0x69: {  	[tilespmem:s0+$0xC0] =	vst v4;
	v4 =	vshll.u32 v7, $0x1;
	v7 =	vld [tilespmem:s0+$0x120]  }
0x6a: {  	[tilespmem:s0+$0xD0] =	vst v4;
	v4 =	vshll.u32 v8, $0x1;
	v8 =	vld [tilespmem:s0+$0x130]  }
0x6b: {  	[tilespmem:s0+$0xE0] =	vst v4;
	v4 =	vshll.u32 v9, $0x1;
	v9 =	vld [tilespmem:s0+$0x140]  }
0x6c: {  	[tilespmem:s0+$0xF0] =	vst v4;
	v4 =	vshll.u32 v5, $0x1;
	v5 =	vld [tilespmem:s0+$0x150]  }
0x6d: {  	[tilespmem:s0+$0x100] =	vst v4;
	v4 =	vshll.u32 v6, $0x1;
	v6 =	vld [tilespmem:s0+$0x160]  }
0x6e: {  	[tilespmem:s0+$0x110] =	vst v4;
	v4 =	vshll.u32 v7, $0x1;
	v7 =	vld [tilespmem:s0+$0x170]  }
0x6f: {  	[tilespmem:s0+$0x120] =	vst v4;
	v4 =	vshll.u32 v8, $0x1;
	v8 =	vld [tilespmem:s0+$0x180]  }
0x70: {  	[tilespmem:s0+$0x130] =	vst v4;
	v4 =	vshll.u32 v9, $0x1;
	v9 =	vld [tilespmem:s0+$0x190]  }
0x71: {  	[tilespmem:s0+$0x140] =	vst v4;
	v4 =	vshll.u32 v5, $0x1;
	v5 =	vld [tilespmem:s0+$0x1A0]  }
0x72: {  	[tilespmem:s0+$0x150] =	vst v4;
	v4 =	vshll.u32 v6, $0x1;
	v6 =	vld [tilespmem:s0+$0x1B0]  }
0x73: {  	[tilespmem:s0+$0x160] =	vst v4;
	v4 =	vshll.u32 v7, $0x1;
	v7 =	vld [tilespmem:s0+$0x1C0]  }
0x74: {  	[tilespmem:s0+$0x170] =	vst v4;
	v4 =	vshll.u32 v8, $0x1;
	v8 =	vld [tilespmem:s0+$0x1D0]  }
0x75: {  	[tilespmem:s0+$0x180] =	vst v4;
	v4 =	vshll.u32 v9, $0x1;
	v9 =	vld [tilespmem:s0+$0x1E0]  }
0x76: {  	[tilespmem:s0+$0x190] =	vst v4;
	v4 =	vshll.u32 v5, $0x1;
	v5 =	vld [tilespmem:s0+$0x1F0]  }
0x77: {  	[tilespmem:s0+$0x1A0] =	vst v4;
	v4 =	vshll.u32 v6, $0x1;
	v6 =	vld [tilespmem:s0+$0x200]  }
0x78: {  	[tilespmem:s0+$0x1B0] =	vst v4;
	v4 =	vshll.u32 v7, $0x1;
	v7 =	vld [tilespmem:s0+$0x210]  }
0x79: {  	[tilespmem:s0+$0x1C0] =	vst v4;
	v4 =	vshll.u32 v8, $0x1;
	v8 =	vld [tilespmem:s0+$0x220]  }
0x7a: {  	[tilespmem:s0+$0x1D0] =	vst v4;
	v4 =	vshll.u32 v9, $0x1;
	v9 =	vld [tilespmem:s0+$0x230]  }
0x7b: {  	[tilespmem:s0+$0x1E0] =	vst v4;
	v4 =	vshll.u32 v5, $0x1;
	v5 =	vld [tilespmem:s0+$0x240]  }
0x7c: {  	[tilespmem:s0+$0x1F0] =	vst v4;
	v4 =	vshll.u32 v6, $0x1;
	v6 =	vld [tilespmem:s0+$0x250]  }
0x7d: {  	[tilespmem:s0+$0x200] =	vst v4;
	v4 =	vshll.u32 v7, $0x1;
	v7 =	vld [tilespmem:s0+$0x260]  }
0x7e: {  	[tilespmem:s0+$0x210] =	vst v4;
	v4 =	vshll.u32 v8, $0x1;
	v8 =	vld [tilespmem:s0+$0x270]  }
0x7f: {  	[tilespmem:s0+$0x220] =	vst v4;
	v4 =	vshll.u32 v9, $0x1;
	v9 =	vld [tilespmem:s0+$0x280]  }
0x80: {  	[tilespmem:s0+$0x230] =	vst v4;
	v4 =	vshll.u32 v5, $0x1;
	v5 =	vld [tilespmem:s0+$0x290]  }
0x81: {  	[tilespmem:s0+$0x240] =	vst v4;
	v4 =	vshll.u32 v6, $0x1;
	v6 =	vld [tilespmem:s0+$0x2A0]  }
0x82: {  	[tilespmem:s0+$0x250] =	vst v4;
	v4 =	vshll.u32 v7, $0x1;
	v7 =	vld [tilespmem:s0+$0x2B0]  }
0x83: {  	[tilespmem:s0+$0x260] =	vst v4;
	v4 =	vshll.u32 v8, $0x1;
	v8 =	vld [tilespmem:s0+$0x2C0]  }
0x84: {  	[tilespmem:s0+$0x270] =	vst v4;
	v4 =	vshll.u32 v9, $0x1;
	v9 =	vld [tilespmem:s0+$0x2D0]  }
0x85: {  	[tilespmem:s0+$0x280] =	vst v4;
	v4 =	vshll.u32 v5, $0x1;
	v5 =	vld [tilespmem:s0+$0x2E0]  }
0x86: {  	[tilespmem:s0+$0x290] =	vst v4;
	v4 =	vshll.u32 v6, $0x1;
	v6 =	vld [tilespmem:s0+$0x2F0]  }
0x87: {  	[tilespmem:s0+$0x2A0] =	vst v4;
	v4 =	vshll.u32 v7, $0x1;
	v7 =	vld [tilespmem:s0+$0x300]  }
0x88: {  	[tilespmem:s0+$0x2B0] =	vst v4;
	v4 =	vshll.u32 v8, $0x1;
	v8 =	vld [tilespmem:s0+$0x310]  }
0x89: {  	[tilespmem:s0+$0x2C0] =	vst v4;
	v4 =	vshll.u32 v9, $0x1;
	v9 =	vld [tilespmem:s0+$0x320]  }
0x8a: {  	[tilespmem:s0+$0x2D0] =	vst v4;
	v4 =	vshll.u32 v5, $0x1;
	v5 =	vld [tilespmem:s0+$0x330]  }
0x8b: {  	[tilespmem:s0+$0x2E0] =	vst v4;
	v4 =	vshll.u32 v6, $0x1;
	v6 =	vld [tilespmem:s0+$0x340]  }
0x8c: {  	[tilespmem:s0+$0x2F0] =	vst v4;
	v4 =	vshll.u32 v7, $0x1;
	v7 =	vld [tilespmem:s0+$0x350]  }
0x8d: {  	[tilespmem:s0+$0x300] =	vst v4;
	v4 =	vshll.u32 v8, $0x1;
	v8 =	vld [tilespmem:s0+$0x360]  }
0x8e: {  	[tilespmem:s0+$0x310] =	vst v4;
	v4 =	vshll.u32 v9, $0x1;
	v9 =	vld [tilespmem:s0+$0x370]  }
0x8f: {  	[tilespmem:s0+$0x320] =	vst v4;
	v4 =	vshll.u32 v5, $0x1;
	v10 =	vld [tilespmem:s0+$0x380]  }
0x90: {  	[tilespmem:s0+$0x330] =	vst v4;
	v4 =	vshll.u32 v6, $0x1;
	v11 =	vld [tilespmem:s0+$0x390]  }
.Ltmp0:
0x91: {  	[tilespmem:s0+$0x340] =	vst v4;
	v4 =	vshll.u32 v7, $0x1;
	v5 =	vld [tilespmem:s0+$0x3A0];
	(pc) =	sbr.rel @p0 .LBB2_2-.Ltmp0, $4  }
0x92: {  	[tilespmem:s0+$0x350] =	vst v4;
	v6 =	vshll.u32 v8, $0x1;
	v4 =	vld [tilespmem:s0+$0x3B0]  }
0x93: {  	[tilespmem:s0+$0x360] =	vst v6;
	v7 =	vshll.u32 v9, $0x1;
	v6 =	vld [tilespmem:s0+$0x3C0]  }
0x94: {  	[tilespmem:s0+$0x370] =	vst v7;
	v8 =	vshll.u32 v10, $0x1;
	v7 =	vld [tilespmem:s0+$0x3D0]  }
0x95: {  	s2 =	sadd.s32 $0x1000, s2;
	[tilespmem:s0+$0x380] =	vst v8;
	v9 =	vshll.u32 v11, $0x1;
	v8 =	vld [tilespmem:s0+$0x3E0]  }
0x96: {  	[tilespmem:s0+$0x390] =	vst v9;
	v5 =	vshll.u32 v5, $0x1;
	v63 =	vld [tilespmem:s0+$0x3F0]  }
0x97: {  	[tilespmem:s0+$0x3A0] =	vst v5;
	v4 =	vshll.u32 v4, $0x1  }
0x98: {  	[tilespmem:s0+$0x3B0] =	vst v4;
	v4 =	vshll.u32 v6, $0x1  }
0x99: {  	[tilespmem:s0+$0x3C0] =	vst v4;
	v4 =	vshll.u32 v7, $0x1  }
0x9a: {  	[tilespmem:s0+$0x3D0] =	vst v4;
	v4 =	vshll.u32 v8, $0x1  }
0x9b: {  	[tilespmem:s0+$0x3E0] =	vst v4;
	v4 =	vshll.u32 v63, $0x1  }
0x9c: {  	s2 =	simm.s32 $0x6400;
	[tilespmem:s0+$0x3F0] =	vst v4;
	s0 =	simm.s32 $0x0  }
0x9d: {  	[tilespmem:s2], [sflag:$0x1] =	stream.indirect.gather [hbm4b:s4+s13], $0x40, s0, s13, $0xb8;
	[tilespmem:$0x11A00] =	vst v63  }
0x9e: {  	s16 =	simm.s32 $0x6C00  }
0x9f: {  	[tilespmem:s16], [sflag:$0x1] =	stream.indirect.gather [hbm4b:s4+s13], $0x40, s13, s13, $0xb8;
	[tilespmem:$0x11A00] =	vst v63  }
0xa0: {  	s17 =	simm.s32 $0x40;
	s9 =	simm.s32 $0x7400  }
0xa1: {  	[tilespmem:s9], [sflag:$0x1] =	stream.indirect.gather [hbm4b:s4+s13], $0x40, s17, s13, $0xb8;
	[tilespmem:$0x11A00] =	vst v63  }
0xa2: {  	s2 =	simm.s32 $0x0  }
0xa3: {  	[tilespmem:s19], [sflag:$0x1] =	stream.indirect.gather [hbm4b:s4+s13], $0x40, s18, s13, $0xb8;
	[tilespmem:$0x11A00] =	vst v63  }
.LBB2_4:
0xa4: {  	s9 =	sshllo.u32 s2, $0x1  }
0xa5: {  	s10 =	sshll.u32 s2, $0x8;
	s12 =	sshll.u32 s9, $0x7  }
0xa6: {  	s10 =	sand.u32 $0x7C00, s10;
	s12 =	sand.u32 $0x380, s12  }
0xa7: {  	s10 =	sor.u32 s12, s10  }
0xa8: {  	[tilespmem:s20], [sflag:$0x2] =	stream.indirect.gather [hbm4b:s4+s13], $0x40, s10, s13, $0xb8;
	[tilespmem:$0x11A00] =	vst v63  }
0xa9: {  	s12 =	sor.u32 $0x20, s10  }
0xaa: {  	[tilespmem:s21], [sflag:$0x2] =	stream.indirect.gather [hbm4b:s4+s13], $0x40, s12, s13, $0xb8;
	[tilespmem:$0x11A00] =	vst v63  }
0xab: {  	s16 =	sor.u32 $0x40, s10  }
0xac: {  	[tilespmem:s22], [sflag:$0x2] =	stream.indirect.gather [hbm4b:s4+s13], $0x40, s16, s13, $0xb8;
	[tilespmem:$0x11A00] =	vst v63  }
0xad: {  	p0 =	seq.s32 s2, $0x0;
	s10 =	sor.u32 $0x60, s10  }
0xae: {  	[tilespmem:s23], [sflag:$0x2] =	stream.indirect.gather [hbm4b:s4+s13], $0x40, s10, s13, $0xb8;
	[tilespmem:$0x11A00] =	vst v63  }
0xaf: {  	s10 =	simm.s32 @!p0 $0x3  }
0xb0: {  	_ =	swait.ge @!p0 [sflag:s10], $0x2000  }
0xb1: {  	s17 =	sshll.u32 s2, $0x7;
	[sflag:s10] =	ssyncset.done @!p0 $0x0  }
0xb2: {  	s14 =	sand.u32 $0x3FFFFF80, s17;
	[sflag:s10] =	ssyncadd.s32 @!p0 $0xFFFFE000  }
0xb3: {  	v4 =	vld [tilespmem:s14+$0xE800]  }
0xb4: {  	v5 =	vld [tilespmem:s14+$0xE810]  }
0xb5: {  	v6 =	vld [tilespmem:s14+$0xE820]  }
0xb6: {  	v7 =	vld [tilespmem:s14+$0xE830];
	_ =	swait.ge [sflag:s24], $0x800  }
0xb7: {  	[sflag:s24] =	ssyncset.done $0x0  }
0xb8: {  	s10 =	simm.s32 $0x6480;
	[sflag:s24] =	ssyncadd.s32 $0xFFFFF800  }
0xb9: {  	v8 =	vmov s0;
	v9 =	vld [tilespmem:s10+$0xFFFFFF80]  }
0xba: {  	v8 =	vand.u32 $0x1C, v8  }
0xbb: {  	v10 =	vadd.s32 v0, v8;
	_ =	sdelay $0x2  }
0xbc: {  	v9 =	vadd.f32 v9, v4;
	_ =	sdelay $0x1  }
0xbd: {  	[tilespmem:v10+s25+$0x0] =	vst.idx.msk $0xffff, v9  }
0xbe: {  	v9 =	vld [tilespmem:s10+$0xFFFFFF90];
	_ =	sdelay $0x1  }
0xbf: {  	v10 =	vadd.s32 v1, v8;
	_ =	sdelay $0x2  }
0xc0: {  	v9 =	vadd.f32 v9, v5;
	_ =	sdelay $0x1  }
0xc1: {  	[tilespmem:v10+s25+$0x0] =	vst.idx.msk $0xffff, v9  }
0xc2: {  	v9 =	vld [tilespmem:s10+$0xFFFFFFA0];
	_ =	sdelay $0x1  }
0xc3: {  	v10 =	vadd.s32 v2, v8;
	_ =	sdelay $0x2  }
0xc4: {  	v9 =	vadd.f32 v9, v6;
	_ =	sdelay $0x1  }
0xc5: {  	[tilespmem:v10+s25+$0x0] =	vst.idx.msk $0xffff, v9  }
0xc6: {  	v9 =	vld [tilespmem:s10+$0xFFFFFFB0];
	_ =	sdelay $0x1  }
0xc7: {  	v8 =	vadd.s32 v3, v8;
	_ =	sdelay $0x2  }
0xc8: {  	v9 =	vadd.f32 v9, v7;
	_ =	sdelay $0x1  }
0xc9: {  	s15 =	simm.s32 $0x1;
	[tilespmem:v8+s25+$0x0] =	vst.idx.msk $0xffff, v9  }
0xca: {  	v8 =	vmov s15;
	v9 =	vld [tilespmem:s10+$0xFFFFFFC0]  }
0xcb: {  	v8 =	vand.u32 $0x1D, v8  }
0xcc: {  	v10 =	vadd.s32 v0, v8;
	_ =	sdelay $0x2  }
0xcd: {  	v9 =	vadd.f32 v9, v4;
	_ =	sdelay $0x1  }
0xce: {  	[tilespmem:v10+s25+$0x0] =	vst.idx.msk $0xffff, v9  }
0xcf: {  	v9 =	vld [tilespmem:s10+$0xFFFFFFD0];
	_ =	sdelay $0x1  }
0xd0: {  	v10 =	vadd.s32 v1, v8;
	_ =	sdelay $0x2  }
0xd1: {  	v9 =	vadd.f32 v9, v5;
	_ =	sdelay $0x1  }
0xd2: {  	[tilespmem:v10+s25+$0x0] =	vst.idx.msk $0xffff, v9  }
0xd3: {  	v9 =	vld [tilespmem:s10+$0xFFFFFFE0];
	_ =	sdelay $0x1  }
0xd4: {  	v10 =	vadd.s32 v2, v8;
	_ =	sdelay $0x2  }
0xd5: {  	v9 =	vadd.f32 v9, v6;
	_ =	sdelay $0x1  }
0xd6: {  	[tilespmem:v10+s25+$0x0] =	vst.idx.msk $0xffff, v9  }
0xd7: {  	v9 =	vld [tilespmem:s10+$0xFFFFFFF0];
	_ =	sdelay $0x1  }
0xd8: {  	v8 =	vadd.s32 v3, v8;
	_ =	sdelay $0x2  }
0xd9: {  	v9 =	vadd.f32 v9, v7;
	_ =	sdelay $0x1  }
0xda: {  	s16 =	simm.s32 $0x2;
	[tilespmem:v8+s25+$0x0] =	vst.idx.msk $0xffff, v9  }
0xdb: {  	v8 =	vmov s16;
	v9 =	vld [tilespmem:s10+$0x0]  }
0xdc: {  	v8 =	vand.u32 $0x1E, v8  }
0xdd: {  	v10 =	vadd.s32 v0, v8;
	_ =	sdelay $0x2  }
0xde: {  	v9 =	vadd.f32 v9, v4;
	_ =	sdelay $0x1  }
0xdf: {  	[tilespmem:v10+s25+$0x0] =	vst.idx.msk $0xffff, v9  }
0xe0: {  	v9 =	vld [tilespmem:s10+$0x10];
	_ =	sdelay $0x1  }
0xe1: {  	v10 =	vadd.s32 v1, v8;
	_ =	sdelay $0x2  }
0xe2: {  	v9 =	vadd.f32 v9, v5;
	_ =	sdelay $0x1  }
0xe3: {  	[tilespmem:v10+s25+$0x0] =	vst.idx.msk $0xffff, v9  }
0xe4: {  	v9 =	vld [tilespmem:s10+$0x20];
	_ =	sdelay $0x1  }
0xe5: {  	v10 =	vadd.s32 v2, v8;
	_ =	sdelay $0x2  }
0xe6: {  	v9 =	vadd.f32 v9, v6;
	_ =	sdelay $0x1  }
0xe7: {  	[tilespmem:v10+s25+$0x0] =	vst.idx.msk $0xffff, v9  }
0xe8: {  	v9 =	vld [tilespmem:s10+$0x30];
	_ =	sdelay $0x1  }
0xe9: {  	v8 =	vadd.s32 v3, v8;
	_ =	sdelay $0x2  }
0xea: {  	v9 =	vadd.f32 v9, v7;
	_ =	sdelay $0x1  }
0xeb: {  	s17 =	simm.s32 $0x3;
	[tilespmem:v8+s25+$0x0] =	vst.idx.msk $0xffff, v9  }
0xec: {  	v8 =	vmov s17;
	v9 =	vld [tilespmem:s10+$0x40]  }
0xed: {  	v8 =	vand.u32 $0x1F, v8  }
0xee: {  	v10 =	vadd.s32 v0, v8;
	_ =	sdelay $0x2  }
0xef: {  	v9 =	vadd.f32 v9, v4;
	_ =	sdelay $0x1  }
0xf0: {  	[tilespmem:v10+s25+$0x0] =	vst.idx.msk $0xffff, v9  }
0xf1: {  	v9 =	vld [tilespmem:s10+$0x50];
	_ =	sdelay $0x1  }
0xf2: {  	v10 =	vadd.s32 v1, v8;
	_ =	sdelay $0x2  }
0xf3: {  	v9 =	vadd.f32 v9, v5;
	_ =	sdelay $0x1  }
0xf4: {  	[tilespmem:v10+s25+$0x0] =	vst.idx.msk $0xffff, v9  }
0xf5: {  	v9 =	vld [tilespmem:s10+$0x60];
	_ =	sdelay $0x1  }
0xf6: {  	v10 =	vadd.s32 v2, v8;
	_ =	sdelay $0x2  }
0xf7: {  	v9 =	vadd.f32 v9, v6;
	_ =	sdelay $0x1  }
0xf8: {  	[tilespmem:v10+s25+$0x0] =	vst.idx.msk $0xffff, v9  }
0xf9: {  	v9 =	vld [tilespmem:s10+$0x70];
	_ =	sdelay $0x1  }
0xfa: {  	v8 =	vadd.s32 v3, v8;
	_ =	sdelay $0x2  }
0xfb: {  	s12 =	simm.s32 $0x4;
	v9 =	vadd.f32 v9, v7  }
.LBB2_5:
0xfc: {  	p0 =	sne.s32 s12, $0x1C  }
0xfd: {  	s10 =	sadd.s32 $0x100, s10;
	s14 =	smov.u32 s12;
	s12 =	sadd.s32 $0x4, s12;
	[tilespmem:v8+s25+$0x0] =	vst.idx.msk $0xffff, v9  }
0xfe: {  	v8 =	vmov s14;
	v9 =	vld [tilespmem:s10+$0xFFFFFF80]  }
0xff: {  	v8 =	vand.u32 $0x1C, v8  }
0x100: {  	v10 =	vadd.s32 v0, v8;
	_ =	sdelay $0x2  }
0x101: {  	v9 =	vadd.f32 v9, v4;
	_ =	sdelay $0x1  }
0x102: {  	[tilespmem:v10+s25+$0x0] =	vst.idx.msk $0xffff, v9  }
0x103: {  	v9 =	vld [tilespmem:s10+$0xFFFFFF90];
	_ =	sdelay $0x1  }
0x104: {  	v10 =	vadd.s32 v1, v8;
	_ =	sdelay $0x2  }
0x105: {  	v9 =	vadd.f32 v9, v5;
	_ =	sdelay $0x1  }
0x106: {  	[tilespmem:v10+s25+$0x0] =	vst.idx.msk $0xffff, v9  }
0x107: {  	v9 =	vld [tilespmem:s10+$0xFFFFFFA0];
	_ =	sdelay $0x1  }
0x108: {  	v10 =	vadd.s32 v2, v8;
	_ =	sdelay $0x2  }
0x109: {  	v9 =	vadd.f32 v9, v6;
	_ =	sdelay $0x1  }
0x10a: {  	[tilespmem:v10+s25+$0x0] =	vst.idx.msk $0xffff, v9  }
0x10b: {  	v9 =	vld [tilespmem:s10+$0xFFFFFFB0];
	_ =	sdelay $0x1  }
0x10c: {  	v8 =	vadd.s32 v3, v8;
	_ =	sdelay $0x2  }
0x10d: {  	v9 =	vadd.f32 v9, v7;
	_ =	sdelay $0x1  }
0x10e: {  	s15 =	sadd.s32 $0x1, s14;
	[tilespmem:v8+s25+$0x0] =	vst.idx.msk $0xffff, v9  }
0x10f: {  	v8 =	vmov s15;
	v9 =	vld [tilespmem:s10+$0xFFFFFFC0]  }
0x110: {  	v8 =	vand.u32 $0x1D, v8  }
0x111: {  	v10 =	vadd.s32 v0, v8;
	_ =	sdelay $0x2  }
0x112: {  	v9 =	vadd.f32 v9, v4;
	_ =	sdelay $0x1  }
0x113: {  	[tilespmem:v10+s25+$0x0] =	vst.idx.msk $0xffff, v9  }
0x114: {  	v9 =	vld [tilespmem:s10+$0xFFFFFFD0];
	_ =	sdelay $0x1  }
0x115: {  	v10 =	vadd.s32 v1, v8;
	_ =	sdelay $0x2  }
0x116: {  	v9 =	vadd.f32 v9, v5;
	_ =	sdelay $0x1  }
0x117: {  	[tilespmem:v10+s25+$0x0] =	vst.idx.msk $0xffff, v9  }
0x118: {  	v9 =	vld [tilespmem:s10+$0xFFFFFFE0];
	_ =	sdelay $0x1  }
0x119: {  	v10 =	vadd.s32 v2, v8;
	_ =	sdelay $0x2  }
0x11a: {  	v9 =	vadd.f32 v9, v6;
	_ =	sdelay $0x1  }
0x11b: {  	[tilespmem:v10+s25+$0x0] =	vst.idx.msk $0xffff, v9  }
0x11c: {  	v9 =	vld [tilespmem:s10+$0xFFFFFFF0];
	_ =	sdelay $0x1  }
0x11d: {  	v8 =	vadd.s32 v3, v8;
	_ =	sdelay $0x2  }
0x11e: {  	v9 =	vadd.f32 v9, v7;
	_ =	sdelay $0x1  }
0x11f: {  	s15 =	sadd.s32 $0x2, s14;
	[tilespmem:v8+s25+$0x0] =	vst.idx.msk $0xffff, v9  }
0x120: {  	v8 =	vmov s15;
	v9 =	vld [tilespmem:s10+$0x0]  }
0x121: {  	v8 =	vand.u32 $0x1E, v8  }
0x122: {  	v10 =	vadd.s32 v0, v8;
	_ =	sdelay $0x2  }
0x123: {  	v9 =	vadd.f32 v9, v4;
	_ =	sdelay $0x1  }
0x124: {  	[tilespmem:v10+s25+$0x0] =	vst.idx.msk $0xffff, v9  }
0x125: {  	v9 =	vld [tilespmem:s10+$0x10];
	_ =	sdelay $0x1  }
0x126: {  	v10 =	vadd.s32 v1, v8;
	_ =	sdelay $0x2  }
0x127: {  	v9 =	vadd.f32 v9, v5;
	_ =	sdelay $0x1  }
0x128: {  	[tilespmem:v10+s25+$0x0] =	vst.idx.msk $0xffff, v9  }
0x129: {  	v9 =	vld [tilespmem:s10+$0x20];
	_ =	sdelay $0x1  }
0x12a: {  	v10 =	vadd.s32 v2, v8;
	_ =	sdelay $0x2  }
0x12b: {  	v9 =	vadd.f32 v9, v6;
	_ =	sdelay $0x1  }
0x12c: {  	[tilespmem:v10+s25+$0x0] =	vst.idx.msk $0xffff, v9  }
0x12d: {  	v9 =	vld [tilespmem:s10+$0x30];
	_ =	sdelay $0x1  }
0x12e: {  	v8 =	vadd.s32 v3, v8;
	_ =	sdelay $0x2  }
0x12f: {  	v9 =	vadd.f32 v9, v7;
	_ =	sdelay $0x1  }
0x130: {  	s14 =	sadd.s32 $0x3, s14;
	[tilespmem:v8+s25+$0x0] =	vst.idx.msk $0xffff, v9  }
0x131: {  	v8 =	vmov s14;
	v9 =	vld [tilespmem:s10+$0x40]  }
0x132: {  	v8 =	vand.u32 $0x1F, v8  }
0x133: {  	v10 =	vadd.s32 v0, v8;
	_ =	sdelay $0x2  }
0x134: {  	v9 =	vadd.f32 v9, v4;
	_ =	sdelay $0x1  }
0x135: {  	[tilespmem:v10+s25+$0x0] =	vst.idx.msk $0xffff, v9  }
0x136: {  	v9 =	vld [tilespmem:s10+$0x50];
	_ =	sdelay $0x1  }
0x137: {  	v10 =	vadd.s32 v1, v8;
	_ =	sdelay $0x2  }
0x138: {  	v9 =	vadd.f32 v9, v5;
	_ =	sdelay $0x1  }
0x139: {  	[tilespmem:v10+s25+$0x0] =	vst.idx.msk $0xffff, v9  }
0x13a: {  	v9 =	vld [tilespmem:s10+$0x60];
	_ =	sdelay $0x1  }
0x13b: {  	v10 =	vadd.s32 v2, v8;
	_ =	sdelay $0x2  }
0x13c: {  	v9 =	vadd.f32 v9, v6;
	_ =	sdelay $0x1  }
0x13d: {  	[tilespmem:v10+s25+$0x0] =	vst.idx.msk $0xffff, v9  }
0x13e: {  	v9 =	vld [tilespmem:s10+$0x70]  }
.Ltmp1:
0x13f: {  	(pc) =	sbr.rel @p0 .LBB2_5-.Ltmp1, $2  }
0x140: {  	v8 =	vadd.s32 v3, v8;
	_ =	sdelay $0x2  }
0x141: {  	v9 =	vadd.f32 v9, v7  }
0x142: {  	_ =	sdelay $0x3  }
0x143: {  	[tilespmem:v8+s25+$0x0] =	vst.idx.msk $0xffff, v9  }
0x144: {  	_ =	swait.ge [sflag:s24], $0x800  }
0x145: {  	[sflag:s24] =	ssyncset.done $0x0  }
0x146: {  	s12 =	simm.s32 $0x20;
	s10 =	simm.s32 $0x6CF0;
	[sflag:s24] =	ssyncadd.s32 $0xFFFFF800  }
0x147: {  	v8 =	vmov s12;
	v9 =	vld [tilespmem:s10+$0xFFFFFF10]  }
0x148: {  	v8 =	vand.u32 $0x3C, v8  }
0x149: {  	v10 =	vadd.s32 v0, v8;
	_ =	sdelay $0x2  }
0x14a: {  	v9 =	vadd.f32 v9, v4;
	_ =	sdelay $0x1  }
0x14b: {  	[tilespmem:v10+s25+$0x0] =	vst.idx.msk $0xffff, v9  }
0x14c: {  	v9 =	vld [tilespmem:s10+$0xFFFFFF20];
	_ =	sdelay $0x1  }
0x14d: {  	v10 =	vadd.s32 v1, v8;
	_ =	sdelay $0x2  }
0x14e: {  	v9 =	vadd.f32 v9, v5;
	_ =	sdelay $0x1  }
0x14f: {  	[tilespmem:v10+s25+$0x0] =	vst.idx.msk $0xffff, v9  }
0x150: {  	v9 =	vld [tilespmem:s10+$0xFFFFFF30];
	_ =	sdelay $0x1  }
0x151: {  	v10 =	vadd.s32 v2, v8;
	_ =	sdelay $0x2  }
0x152: {  	v9 =	vadd.f32 v9, v6;
	_ =	sdelay $0x1  }
0x153: {  	[tilespmem:v10+s25+$0x0] =	vst.idx.msk $0xffff, v9  }
0x154: {  	v9 =	vld [tilespmem:s10+$0xFFFFFF40];
	_ =	sdelay $0x1  }
0x155: {  	v8 =	vadd.s32 v3, v8;
	_ =	sdelay $0x2  }
0x156: {  	v9 =	vadd.f32 v9, v7;
	_ =	sdelay $0x1  }
0x157: {  	s15 =	simm.s32 $0x21;
	[tilespmem:v8+s25+$0x0] =	vst.idx.msk $0xffff, v9  }
0x158: {  	v8 =	vmov s15;
	v9 =	vld [tilespmem:s10+$0xFFFFFF50]  }
0x159: {  	v8 =	vand.u32 $0x3D, v8  }
0x15a: {  	v10 =	vadd.s32 v0, v8;
	_ =	sdelay $0x2  }
0x15b: {  	v9 =	vadd.f32 v9, v4;
	_ =	sdelay $0x1  }
0x15c: {  	[tilespmem:v10+s25+$0x0] =	vst.idx.msk $0xffff, v9  }
0x15d: {  	v9 =	vld [tilespmem:s10+$0xFFFFFF60];
	_ =	sdelay $0x1  }
0x15e: {  	v10 =	vadd.s32 v1, v8;
	_ =	sdelay $0x2  }
0x15f: {  	v9 =	vadd.f32 v9, v5;
	_ =	sdelay $0x1  }
0x160: {  	[tilespmem:v10+s25+$0x0] =	vst.idx.msk $0xffff, v9  }
0x161: {  	v9 =	vld [tilespmem:s10+$0xFFFFFF70];
	_ =	sdelay $0x1  }
0x162: {  	v10 =	vadd.s32 v2, v8;
	_ =	sdelay $0x2  }
0x163: {  	v9 =	vadd.f32 v9, v6;
	_ =	sdelay $0x1  }
0x164: {  	[tilespmem:v10+s25+$0x0] =	vst.idx.msk $0xffff, v9  }
0x165: {  	v9 =	vld [tilespmem:s10+$0xFFFFFF80];
	_ =	sdelay $0x1  }
0x166: {  	v8 =	vadd.s32 v3, v8;
	_ =	sdelay $0x2  }
0x167: {  	v9 =	vadd.f32 v9, v7;
	_ =	sdelay $0x1  }
0x168: {  	s16 =	simm.s32 $0x22;
	[tilespmem:v8+s25+$0x0] =	vst.idx.msk $0xffff, v9  }
0x169: {  	v8 =	vmov s16;
	v9 =	vld [tilespmem:s10+$0xFFFFFF90]  }
0x16a: {  	v8 =	vand.u32 $0x3E, v8  }
0x16b: {  	v10 =	vadd.s32 v0, v8;
	_ =	sdelay $0x2  }
0x16c: {  	v9 =	vadd.f32 v9, v4;
	_ =	sdelay $0x1  }
0x16d: {  	[tilespmem:v10+s25+$0x0] =	vst.idx.msk $0xffff, v9  }
0x16e: {  	v9 =	vld [tilespmem:s10+$0xFFFFFFA0];
	_ =	sdelay $0x1  }
0x16f: {  	v10 =	vadd.s32 v1, v8;
	_ =	sdelay $0x2  }
0x170: {  	v9 =	vadd.f32 v9, v5;
	_ =	sdelay $0x1  }
0x171: {  	[tilespmem:v10+s25+$0x0] =	vst.idx.msk $0xffff, v9  }
0x172: {  	v9 =	vld [tilespmem:s10+$0xFFFFFFB0];
	_ =	sdelay $0x1  }
0x173: {  	v10 =	vadd.s32 v2, v8;
	_ =	sdelay $0x2  }
0x174: {  	v9 =	vadd.f32 v9, v6;
	_ =	sdelay $0x1  }
0x175: {  	[tilespmem:v10+s25+$0x0] =	vst.idx.msk $0xffff, v9  }
0x176: {  	v9 =	vld [tilespmem:s10+$0xFFFFFFC0];
	_ =	sdelay $0x1  }
0x177: {  	v8 =	vadd.s32 v3, v8;
	_ =	sdelay $0x2  }
0x178: {  	v9 =	vadd.f32 v9, v7;
	_ =	sdelay $0x1  }
0x179: {  	s17 =	simm.s32 $0x23;
	[tilespmem:v8+s25+$0x0] =	vst.idx.msk $0xffff, v9  }
0x17a: {  	v8 =	vmov s17;
	v9 =	vld [tilespmem:s10+$0xFFFFFFD0]  }
0x17b: {  	v8 =	vand.u32 $0x3F, v8  }
0x17c: {  	v10 =	vadd.s32 v0, v8;
	_ =	sdelay $0x2  }
0x17d: {  	v9 =	vadd.f32 v9, v4;
	_ =	sdelay $0x1  }
0x17e: {  	[tilespmem:v10+s25+$0x0] =	vst.idx.msk $0xffff, v9  }
0x17f: {  	v9 =	vld [tilespmem:s10+$0xFFFFFFE0];
	_ =	sdelay $0x1  }
0x180: {  	v10 =	vadd.s32 v1, v8;
	_ =	sdelay $0x2  }
0x181: {  	v9 =	vadd.f32 v9, v5;
	_ =	sdelay $0x1  }
0x182: {  	[tilespmem:v10+s25+$0x0] =	vst.idx.msk $0xffff, v9  }
0x183: {  	v9 =	vld [tilespmem:s10+$0xFFFFFFF0];
	_ =	sdelay $0x1  }
0x184: {  	v10 =	vadd.s32 v2, v8;
	_ =	sdelay $0x2  }
0x185: {  	v9 =	vadd.f32 v9, v6;
	_ =	sdelay $0x1  }
0x186: {  	[tilespmem:v10+s25+$0x0] =	vst.idx.msk $0xffff, v9  }
0x187: {  	v9 =	vld [tilespmem:s10+$0x0];
	_ =	sdelay $0x1  }
0x188: {  	v8 =	vadd.s32 v3, v8;
	_ =	sdelay $0x2  }
0x189: {  	s12 =	simm.s32 $0x24;
	v9 =	vadd.f32 v9, v7  }
.LBB2_7:
0x18a: {  	p0 =	sne.s32 s12, $0x3C  }
0x18b: {  	s10 =	sadd.s32 $0x100, s10;
	s14 =	smov.u32 s12;
	s12 =	sadd.s32 $0x4, s12;
	[tilespmem:v8+s25+$0x0] =	vst.idx.msk $0xffff, v9  }
0x18c: {  	v8 =	vmov s14;
	v9 =	vld [tilespmem:s10+$0xFFFFFF10]  }
0x18d: {  	v8 =	vand.u32 $0x3C, v8  }
0x18e: {  	v10 =	vadd.s32 v0, v8;
	_ =	sdelay $0x2  }
0x18f: {  	v9 =	vadd.f32 v9, v4;
	_ =	sdelay $0x1  }
0x190: {  	[tilespmem:v10+s25+$0x0] =	vst.idx.msk $0xffff, v9  }
0x191: {  	v9 =	vld [tilespmem:s10+$0xFFFFFF20];
	_ =	sdelay $0x1  }
0x192: {  	v10 =	vadd.s32 v1, v8;
	_ =	sdelay $0x2  }
0x193: {  	v9 =	vadd.f32 v9, v5;
	_ =	sdelay $0x1  }
0x194: {  	[tilespmem:v10+s25+$0x0] =	vst.idx.msk $0xffff, v9  }
0x195: {  	v9 =	vld [tilespmem:s10+$0xFFFFFF30];
	_ =	sdelay $0x1  }
0x196: {  	v10 =	vadd.s32 v2, v8;
	_ =	sdelay $0x2  }
0x197: {  	v9 =	vadd.f32 v9, v6;
	_ =	sdelay $0x1  }
0x198: {  	[tilespmem:v10+s25+$0x0] =	vst.idx.msk $0xffff, v9  }
0x199: {  	v9 =	vld [tilespmem:s10+$0xFFFFFF40];
	_ =	sdelay $0x1  }
0x19a: {  	v8 =	vadd.s32 v3, v8;
	_ =	sdelay $0x2  }
0x19b: {  	v9 =	vadd.f32 v9, v7;
	_ =	sdelay $0x1  }
0x19c: {  	s15 =	sadd.s32 $0x1, s14;
	[tilespmem:v8+s25+$0x0] =	vst.idx.msk $0xffff, v9  }
0x19d: {  	v8 =	vmov s15;
	v9 =	vld [tilespmem:s10+$0xFFFFFF50]  }
0x19e: {  	v8 =	vand.u32 $0x3D, v8  }
0x19f: {  	v10 =	vadd.s32 v0, v8;
	_ =	sdelay $0x2  }
0x1a0: {  	v9 =	vadd.f32 v9, v4;
	_ =	sdelay $0x1  }
0x1a1: {  	[tilespmem:v10+s25+$0x0] =	vst.idx.msk $0xffff, v9  }
0x1a2: {  	v9 =	vld [tilespmem:s10+$0xFFFFFF60];
	_ =	sdelay $0x1  }
0x1a3: {  	v10 =	vadd.s32 v1, v8;
	_ =	sdelay $0x2  }
0x1a4: {  	v9 =	vadd.f32 v9, v5;
	_ =	sdelay $0x1  }
0x1a5: {  	[tilespmem:v10+s25+$0x0] =	vst.idx.msk $0xffff, v9  }
0x1a6: {  	v9 =	vld [tilespmem:s10+$0xFFFFFF70];
	_ =	sdelay $0x1  }
0x1a7: {  	v10 =	vadd.s32 v2, v8;
	_ =	sdelay $0x2  }
0x1a8: {  	v9 =	vadd.f32 v9, v6;
	_ =	sdelay $0x1  }
0x1a9: {  	[tilespmem:v10+s25+$0x0] =	vst.idx.msk $0xffff, v9  }
0x1aa: {  	v9 =	vld [tilespmem:s10+$0xFFFFFF80];
	_ =	sdelay $0x1  }
0x1ab: {  	v8 =	vadd.s32 v3, v8;
	_ =	sdelay $0x2  }
0x1ac: {  	v9 =	vadd.f32 v9, v7;
	_ =	sdelay $0x1  }
0x1ad: {  	s15 =	sadd.s32 $0x2, s14;
	[tilespmem:v8+s25+$0x0] =	vst.idx.msk $0xffff, v9  }
0x1ae: {  	v8 =	vmov s15;
	v9 =	vld [tilespmem:s10+$0xFFFFFF90]  }
0x1af: {  	v8 =	vand.u32 $0x3E, v8  }
0x1b0: {  	v10 =	vadd.s32 v0, v8;
	_ =	sdelay $0x2  }
0x1b1: {  	v9 =	vadd.f32 v9, v4;
	_ =	sdelay $0x1  }
0x1b2: {  	[tilespmem:v10+s25+$0x0] =	vst.idx.msk $0xffff, v9  }
0x1b3: {  	v9 =	vld [tilespmem:s10+$0xFFFFFFA0];
	_ =	sdelay $0x1  }
0x1b4: {  	v10 =	vadd.s32 v1, v8;
	_ =	sdelay $0x2  }
0x1b5: {  	v9 =	vadd.f32 v9, v5;
	_ =	sdelay $0x1  }
0x1b6: {  	[tilespmem:v10+s25+$0x0] =	vst.idx.msk $0xffff, v9  }
0x1b7: {  	v9 =	vld [tilespmem:s10+$0xFFFFFFB0];
	_ =	sdelay $0x1  }
0x1b8: {  	v10 =	vadd.s32 v2, v8;
	_ =	sdelay $0x2  }
0x1b9: {  	v9 =	vadd.f32 v9, v6;
	_ =	sdelay $0x1  }
0x1ba: {  	[tilespmem:v10+s25+$0x0] =	vst.idx.msk $0xffff, v9  }
0x1bb: {  	v9 =	vld [tilespmem:s10+$0xFFFFFFC0];
	_ =	sdelay $0x1  }
0x1bc: {  	v8 =	vadd.s32 v3, v8;
	_ =	sdelay $0x2  }
0x1bd: {  	v9 =	vadd.f32 v9, v7;
	_ =	sdelay $0x1  }
0x1be: {  	s14 =	sadd.s32 $0x3, s14;
	[tilespmem:v8+s25+$0x0] =	vst.idx.msk $0xffff, v9  }
0x1bf: {  	v8 =	vmov s14;
	v9 =	vld [tilespmem:s10+$0xFFFFFFD0]  }
0x1c0: {  	v8 =	vand.u32 $0x3F, v8  }
0x1c1: {  	v10 =	vadd.s32 v0, v8;
	_ =	sdelay $0x2  }
0x1c2: {  	v9 =	vadd.f32 v9, v4;
	_ =	sdelay $0x1  }
0x1c3: {  	[tilespmem:v10+s25+$0x0] =	vst.idx.msk $0xffff, v9  }
0x1c4: {  	v9 =	vld [tilespmem:s10+$0xFFFFFFE0];
	_ =	sdelay $0x1  }
0x1c5: {  	v10 =	vadd.s32 v1, v8;
	_ =	sdelay $0x2  }
0x1c6: {  	v9 =	vadd.f32 v9, v5;
	_ =	sdelay $0x1  }
0x1c7: {  	[tilespmem:v10+s25+$0x0] =	vst.idx.msk $0xffff, v9  }
0x1c8: {  	v9 =	vld [tilespmem:s10+$0xFFFFFFF0];
	_ =	sdelay $0x1  }
0x1c9: {  	v10 =	vadd.s32 v2, v8;
	_ =	sdelay $0x2  }
0x1ca: {  	v9 =	vadd.f32 v9, v6;
	_ =	sdelay $0x1  }
0x1cb: {  	[tilespmem:v10+s25+$0x0] =	vst.idx.msk $0xffff, v9  }
0x1cc: {  	v9 =	vld [tilespmem:s10+$0x0]  }
.Ltmp2:
0x1cd: {  	(pc) =	sbr.rel @p0 .LBB2_7-.Ltmp2, $2  }
0x1ce: {  	v8 =	vadd.s32 v3, v8;
	_ =	sdelay $0x2  }
0x1cf: {  	v9 =	vadd.f32 v9, v7  }
0x1d0: {  	_ =	sdelay $0x3  }
0x1d1: {  	[tilespmem:v8+s25+$0x0] =	vst.idx.msk $0xffff, v9  }
0x1d2: {  	_ =	swait.ge [sflag:s24], $0x800  }
0x1d3: {  	[sflag:s24] =	ssyncset.done $0x0  }
0x1d4: {  	s12 =	simm.s32 $0x40;
	s10 =	simm.s32 $0x74F0;
	[sflag:s24] =	ssyncadd.s32 $0xFFFFF800  }
0x1d5: {  	v8 =	vmov s12;
	v9 =	vld [tilespmem:s10+$0xFFFFFF10]  }
0x1d6: {  	v8 =	vand.u32 $0x7C, v8  }
0x1d7: {  	v10 =	vadd.s32 v0, v8;
	_ =	sdelay $0x2  }
0x1d8: {  	v9 =	vadd.f32 v9, v4;
	_ =	sdelay $0x1  }
0x1d9: {  	[tilespmem:v10+s25+$0x0] =	vst.idx.msk $0xffff, v9  }
0x1da: {  	v9 =	vld [tilespmem:s10+$0xFFFFFF20];
	_ =	sdelay $0x1  }
0x1db: {  	v10 =	vadd.s32 v1, v8;
	_ =	sdelay $0x2  }
0x1dc: {  	v9 =	vadd.f32 v9, v5;
	_ =	sdelay $0x1  }
0x1dd: {  	[tilespmem:v10+s25+$0x0] =	vst.idx.msk $0xffff, v9  }
0x1de: {  	v9 =	vld [tilespmem:s10+$0xFFFFFF30];
	_ =	sdelay $0x1  }
0x1df: {  	v10 =	vadd.s32 v2, v8;
	_ =	sdelay $0x2  }
0x1e0: {  	v9 =	vadd.f32 v9, v6;
	_ =	sdelay $0x1  }
0x1e1: {  	[tilespmem:v10+s25+$0x0] =	vst.idx.msk $0xffff, v9  }
0x1e2: {  	v9 =	vld [tilespmem:s10+$0xFFFFFF40];
	_ =	sdelay $0x1  }
0x1e3: {  	v8 =	vadd.s32 v3, v8;
	_ =	sdelay $0x2  }
0x1e4: {  	v9 =	vadd.f32 v9, v7;
	_ =	sdelay $0x1  }
0x1e5: {  	s15 =	simm.s32 $0x41;
	[tilespmem:v8+s25+$0x0] =	vst.idx.msk $0xffff, v9  }
0x1e6: {  	v8 =	vmov s15;
	v9 =	vld [tilespmem:s10+$0xFFFFFF50]  }
0x1e7: {  	v8 =	vand.u32 $0x7D, v8  }
0x1e8: {  	v10 =	vadd.s32 v0, v8;
	_ =	sdelay $0x2  }
0x1e9: {  	v9 =	vadd.f32 v9, v4;
	_ =	sdelay $0x1  }
0x1ea: {  	[tilespmem:v10+s25+$0x0] =	vst.idx.msk $0xffff, v9  }
0x1eb: {  	v9 =	vld [tilespmem:s10+$0xFFFFFF60];
	_ =	sdelay $0x1  }
0x1ec: {  	v10 =	vadd.s32 v1, v8;
	_ =	sdelay $0x2  }
0x1ed: {  	v9 =	vadd.f32 v9, v5;
	_ =	sdelay $0x1  }
0x1ee: {  	[tilespmem:v10+s25+$0x0] =	vst.idx.msk $0xffff, v9  }
0x1ef: {  	v9 =	vld [tilespmem:s10+$0xFFFFFF70];
	_ =	sdelay $0x1  }
0x1f0: {  	v10 =	vadd.s32 v2, v8;
	_ =	sdelay $0x2  }
0x1f1: {  	v9 =	vadd.f32 v9, v6;
	_ =	sdelay $0x1  }
0x1f2: {  	[tilespmem:v10+s25+$0x0] =	vst.idx.msk $0xffff, v9  }
0x1f3: {  	v9 =	vld [tilespmem:s10+$0xFFFFFF80];
	_ =	sdelay $0x1  }
0x1f4: {  	v8 =	vadd.s32 v3, v8;
	_ =	sdelay $0x2  }
0x1f5: {  	v9 =	vadd.f32 v9, v7;
	_ =	sdelay $0x1  }
0x1f6: {  	s16 =	simm.s32 $0x42;
	[tilespmem:v8+s25+$0x0] =	vst.idx.msk $0xffff, v9  }
0x1f7: {  	v8 =	vmov s16;
	v9 =	vld [tilespmem:s10+$0xFFFFFF90]  }
0x1f8: {  	v8 =	vand.u32 $0x7E, v8  }
0x1f9: {  	v10 =	vadd.s32 v0, v8;
	_ =	sdelay $0x2  }
0x1fa: {  	v9 =	vadd.f32 v9, v4;
	_ =	sdelay $0x1  }
0x1fb: {  	[tilespmem:v10+s25+$0x0] =	vst.idx.msk $0xffff, v9  }
0x1fc: {  	v9 =	vld [tilespmem:s10+$0xFFFFFFA0];
	_ =	sdelay $0x1  }
0x1fd: {  	v10 =	vadd.s32 v1, v8;
	_ =	sdelay $0x2  }
0x1fe: {  	v9 =	vadd.f32 v9, v5;
	_ =	sdelay $0x1  }
0x1ff: {  	[tilespmem:v10+s25+$0x0] =	vst.idx.msk $0xffff, v9  }
0x200: {  	v9 =	vld [tilespmem:s10+$0xFFFFFFB0];
	_ =	sdelay $0x1  }
0x201: {  	v10 =	vadd.s32 v2, v8;
	_ =	sdelay $0x2  }
0x202: {  	v9 =	vadd.f32 v9, v6;
	_ =	sdelay $0x1  }
0x203: {  	[tilespmem:v10+s25+$0x0] =	vst.idx.msk $0xffff, v9  }
0x204: {  	v9 =	vld [tilespmem:s10+$0xFFFFFFC0];
	_ =	sdelay $0x1  }
0x205: {  	v8 =	vadd.s32 v3, v8;
	_ =	sdelay $0x2  }
0x206: {  	v9 =	vadd.f32 v9, v7;
	_ =	sdelay $0x1  }
0x207: {  	s17 =	simm.s32 $0x43;
	[tilespmem:v8+s25+$0x0] =	vst.idx.msk $0xffff, v9  }
0x208: {  	v8 =	vmov s17;
	v9 =	vld [tilespmem:s10+$0xFFFFFFD0]  }
0x209: {  	v8 =	vand.u32 $0x7F, v8  }
0x20a: {  	v10 =	vadd.s32 v0, v8;
	_ =	sdelay $0x2  }
0x20b: {  	v9 =	vadd.f32 v9, v4;
	_ =	sdelay $0x1  }
0x20c: {  	[tilespmem:v10+s25+$0x0] =	vst.idx.msk $0xffff, v9  }
0x20d: {  	v9 =	vld [tilespmem:s10+$0xFFFFFFE0];
	_ =	sdelay $0x1  }
0x20e: {  	v10 =	vadd.s32 v1, v8;
	_ =	sdelay $0x2  }
0x20f: {  	v9 =	vadd.f32 v9, v5;
	_ =	sdelay $0x1  }
0x210: {  	[tilespmem:v10+s25+$0x0] =	vst.idx.msk $0xffff, v9  }
0x211: {  	v9 =	vld [tilespmem:s10+$0xFFFFFFF0];
	_ =	sdelay $0x1  }
0x212: {  	v10 =	vadd.s32 v2, v8;
	_ =	sdelay $0x2  }
0x213: {  	v9 =	vadd.f32 v9, v6;
	_ =	sdelay $0x1  }
0x214: {  	[tilespmem:v10+s25+$0x0] =	vst.idx.msk $0xffff, v9  }
0x215: {  	v9 =	vld [tilespmem:s10+$0x0];
	_ =	sdelay $0x1  }
0x216: {  	v8 =	vadd.s32 v3, v8;
	_ =	sdelay $0x2  }
0x217: {  	s12 =	simm.s32 $0x44;
	v9 =	vadd.f32 v9, v7  }
.LBB2_9:
0x218: {  	p0 =	sne.s32 s12, $0x5C  }
0x219: {  	s10 =	sadd.s32 $0x100, s10;
	s14 =	smov.u32 s12;
	s12 =	sadd.s32 $0x4, s12;
	[tilespmem:v8+s25+$0x0] =	vst.idx.msk $0xffff, v9  }
0x21a: {  	v8 =	vmov s14;
	v9 =	vld [tilespmem:s10+$0xFFFFFF10]  }
0x21b: {  	v8 =	vand.u32 $0x7C, v8  }
0x21c: {  	v10 =	vadd.s32 v0, v8;
	_ =	sdelay $0x2  }
0x21d: {  	v9 =	vadd.f32 v9, v4;
	_ =	sdelay $0x1  }
0x21e: {  	[tilespmem:v10+s25+$0x0] =	vst.idx.msk $0xffff, v9  }
0x21f: {  	v9 =	vld [tilespmem:s10+$0xFFFFFF20];
	_ =	sdelay $0x1  }
0x220: {  	v10 =	vadd.s32 v1, v8;
	_ =	sdelay $0x2  }
0x221: {  	v9 =	vadd.f32 v9, v5;
	_ =	sdelay $0x1  }
0x222: {  	[tilespmem:v10+s25+$0x0] =	vst.idx.msk $0xffff, v9  }
0x223: {  	v9 =	vld [tilespmem:s10+$0xFFFFFF30];
	_ =	sdelay $0x1  }
0x224: {  	v10 =	vadd.s32 v2, v8;
	_ =	sdelay $0x2  }
0x225: {  	v9 =	vadd.f32 v9, v6;
	_ =	sdelay $0x1  }
0x226: {  	[tilespmem:v10+s25+$0x0] =	vst.idx.msk $0xffff, v9  }
0x227: {  	v9 =	vld [tilespmem:s10+$0xFFFFFF40];
	_ =	sdelay $0x1  }
0x228: {  	v8 =	vadd.s32 v3, v8;
	_ =	sdelay $0x2  }
0x229: {  	v9 =	vadd.f32 v9, v7;
	_ =	sdelay $0x1  }
0x22a: {  	s15 =	sadd.s32 $0x1, s14;
	[tilespmem:v8+s25+$0x0] =	vst.idx.msk $0xffff, v9  }
0x22b: {  	v8 =	vmov s15;
	v9 =	vld [tilespmem:s10+$0xFFFFFF50]  }
0x22c: {  	v8 =	vand.u32 $0x7D, v8  }
0x22d: {  	v10 =	vadd.s32 v0, v8;
	_ =	sdelay $0x2  }
0x22e: {  	v9 =	vadd.f32 v9, v4;
	_ =	sdelay $0x1  }
0x22f: {  	[tilespmem:v10+s25+$0x0] =	vst.idx.msk $0xffff, v9  }
0x230: {  	v9 =	vld [tilespmem:s10+$0xFFFFFF60];
	_ =	sdelay $0x1  }
0x231: {  	v10 =	vadd.s32 v1, v8;
	_ =	sdelay $0x2  }
0x232: {  	v9 =	vadd.f32 v9, v5;
	_ =	sdelay $0x1  }
0x233: {  	[tilespmem:v10+s25+$0x0] =	vst.idx.msk $0xffff, v9  }
0x234: {  	v9 =	vld [tilespmem:s10+$0xFFFFFF70];
	_ =	sdelay $0x1  }
0x235: {  	v10 =	vadd.s32 v2, v8;
	_ =	sdelay $0x2  }
0x236: {  	v9 =	vadd.f32 v9, v6;
	_ =	sdelay $0x1  }
0x237: {  	[tilespmem:v10+s25+$0x0] =	vst.idx.msk $0xffff, v9  }
0x238: {  	v9 =	vld [tilespmem:s10+$0xFFFFFF80];
	_ =	sdelay $0x1  }
0x239: {  	v8 =	vadd.s32 v3, v8;
	_ =	sdelay $0x2  }
0x23a: {  	v9 =	vadd.f32 v9, v7;
	_ =	sdelay $0x1  }
0x23b: {  	s15 =	sadd.s32 $0x2, s14;
	[tilespmem:v8+s25+$0x0] =	vst.idx.msk $0xffff, v9  }
0x23c: {  	v8 =	vmov s15;
	v9 =	vld [tilespmem:s10+$0xFFFFFF90]  }
0x23d: {  	v8 =	vand.u32 $0x7E, v8  }
0x23e: {  	v10 =	vadd.s32 v0, v8;
	_ =	sdelay $0x2  }
0x23f: {  	v9 =	vadd.f32 v9, v4;
	_ =	sdelay $0x1  }
0x240: {  	[tilespmem:v10+s25+$0x0] =	vst.idx.msk $0xffff, v9  }
0x241: {  	v9 =	vld [tilespmem:s10+$0xFFFFFFA0];
	_ =	sdelay $0x1  }
0x242: {  	v10 =	vadd.s32 v1, v8;
	_ =	sdelay $0x2  }
0x243: {  	v9 =	vadd.f32 v9, v5;
	_ =	sdelay $0x1  }
0x244: {  	[tilespmem:v10+s25+$0x0] =	vst.idx.msk $0xffff, v9  }
0x245: {  	v9 =	vld [tilespmem:s10+$0xFFFFFFB0];
	_ =	sdelay $0x1  }
0x246: {  	v10 =	vadd.s32 v2, v8;
	_ =	sdelay $0x2  }
0x247: {  	v9 =	vadd.f32 v9, v6;
	_ =	sdelay $0x1  }
0x248: {  	[tilespmem:v10+s25+$0x0] =	vst.idx.msk $0xffff, v9  }
0x249: {  	v9 =	vld [tilespmem:s10+$0xFFFFFFC0];
	_ =	sdelay $0x1  }
0x24a: {  	v8 =	vadd.s32 v3, v8;
	_ =	sdelay $0x2  }
0x24b: {  	v9 =	vadd.f32 v9, v7;
	_ =	sdelay $0x1  }
0x24c: {  	s14 =	sadd.s32 $0x3, s14;
	[tilespmem:v8+s25+$0x0] =	vst.idx.msk $0xffff, v9  }
0x24d: {  	v8 =	vmov s14;
	v9 =	vld [tilespmem:s10+$0xFFFFFFD0]  }
0x24e: {  	v8 =	vand.u32 $0x7F, v8  }
0x24f: {  	v10 =	vadd.s32 v0, v8;
	_ =	sdelay $0x2  }
0x250: {  	v9 =	vadd.f32 v9, v4;
	_ =	sdelay $0x1  }
0x251: {  	[tilespmem:v10+s25+$0x0] =	vst.idx.msk $0xffff, v9  }
0x252: {  	v9 =	vld [tilespmem:s10+$0xFFFFFFE0];
	_ =	sdelay $0x1  }
0x253: {  	v10 =	vadd.s32 v1, v8;
	_ =	sdelay $0x2  }
0x254: {  	v9 =	vadd.f32 v9, v5;
	_ =	sdelay $0x1  }
0x255: {  	[tilespmem:v10+s25+$0x0] =	vst.idx.msk $0xffff, v9  }
0x256: {  	v9 =	vld [tilespmem:s10+$0xFFFFFFF0];
	_ =	sdelay $0x1  }
0x257: {  	v10 =	vadd.s32 v2, v8;
	_ =	sdelay $0x2  }
0x258: {  	v9 =	vadd.f32 v9, v6;
	_ =	sdelay $0x1  }
0x259: {  	[tilespmem:v10+s25+$0x0] =	vst.idx.msk $0xffff, v9  }
0x25a: {  	v9 =	vld [tilespmem:s10+$0x0]  }
.Ltmp3:
0x25b: {  	(pc) =	sbr.rel @p0 .LBB2_9-.Ltmp3, $2  }
0x25c: {  	v8 =	vadd.s32 v3, v8;
	_ =	sdelay $0x2  }
0x25d: {  	v9 =	vadd.f32 v9, v7  }
0x25e: {  	_ =	sdelay $0x3  }
0x25f: {  	[tilespmem:v8+s25+$0x0] =	vst.idx.msk $0xffff, v9  }
0x260: {  	_ =	swait.ge [sflag:s24], $0x800  }
0x261: {  	[sflag:s24] =	ssyncset.done $0x0  }
0x262: {  	s12 =	simm.s32 $0x60;
	s10 =	simm.s32 $0x7CF0;
	[sflag:s24] =	ssyncadd.s32 $0xFFFFF800  }
0x263: {  	v8 =	vmov s12;
	v9 =	vld [tilespmem:s10+$0xFFFFFF10]  }
0x264: {  	v8 =	vand.u32 $0x7C, v8  }
0x265: {  	v10 =	vadd.s32 v0, v8;
	_ =	sdelay $0x2  }
0x266: {  	v9 =	vadd.f32 v9, v4;
	_ =	sdelay $0x1  }
0x267: {  	[tilespmem:v10+s25+$0x0] =	vst.idx.msk $0xffff, v9  }
0x268: {  	v9 =	vld [tilespmem:s10+$0xFFFFFF20];
	_ =	sdelay $0x1  }
0x269: {  	v10 =	vadd.s32 v1, v8;
	_ =	sdelay $0x2  }
0x26a: {  	v9 =	vadd.f32 v9, v5;
	_ =	sdelay $0x1  }
0x26b: {  	[tilespmem:v10+s25+$0x0] =	vst.idx.msk $0xffff, v9  }
0x26c: {  	v9 =	vld [tilespmem:s10+$0xFFFFFF30];
	_ =	sdelay $0x1  }
0x26d: {  	v10 =	vadd.s32 v2, v8;
	_ =	sdelay $0x2  }
0x26e: {  	v9 =	vadd.f32 v9, v6;
	_ =	sdelay $0x1  }
0x26f: {  	[tilespmem:v10+s25+$0x0] =	vst.idx.msk $0xffff, v9  }
0x270: {  	v9 =	vld [tilespmem:s10+$0xFFFFFF40];
	_ =	sdelay $0x1  }
0x271: {  	v8 =	vadd.s32 v3, v8;
	_ =	sdelay $0x2  }
0x272: {  	v9 =	vadd.f32 v9, v7;
	_ =	sdelay $0x1  }
0x273: {  	s15 =	simm.s32 $0x61;
	[tilespmem:v8+s25+$0x0] =	vst.idx.msk $0xffff, v9  }
0x274: {  	v8 =	vmov s15;
	v9 =	vld [tilespmem:s10+$0xFFFFFF50]  }
0x275: {  	v8 =	vand.u32 $0x7D, v8  }
0x276: {  	v10 =	vadd.s32 v0, v8;
	_ =	sdelay $0x2  }
0x277: {  	v9 =	vadd.f32 v9, v4;
	_ =	sdelay $0x1  }
0x278: {  	[tilespmem:v10+s25+$0x0] =	vst.idx.msk $0xffff, v9  }
0x279: {  	v9 =	vld [tilespmem:s10+$0xFFFFFF60];
	_ =	sdelay $0x1  }
0x27a: {  	v10 =	vadd.s32 v1, v8;
	_ =	sdelay $0x2  }
0x27b: {  	v9 =	vadd.f32 v9, v5;
	_ =	sdelay $0x1  }
0x27c: {  	[tilespmem:v10+s25+$0x0] =	vst.idx.msk $0xffff, v9  }
0x27d: {  	v9 =	vld [tilespmem:s10+$0xFFFFFF70];
	_ =	sdelay $0x1  }
0x27e: {  	v10 =	vadd.s32 v2, v8;
	_ =	sdelay $0x2  }
0x27f: {  	v9 =	vadd.f32 v9, v6;
	_ =	sdelay $0x1  }
0x280: {  	[tilespmem:v10+s25+$0x0] =	vst.idx.msk $0xffff, v9  }
0x281: {  	v9 =	vld [tilespmem:s10+$0xFFFFFF80];
	_ =	sdelay $0x1  }
0x282: {  	v8 =	vadd.s32 v3, v8;
	_ =	sdelay $0x2  }
0x283: {  	v9 =	vadd.f32 v9, v7;
	_ =	sdelay $0x1  }
0x284: {  	s16 =	simm.s32 $0x62;
	[tilespmem:v8+s25+$0x0] =	vst.idx.msk $0xffff, v9  }
0x285: {  	v8 =	vmov s16;
	v9 =	vld [tilespmem:s10+$0xFFFFFF90]  }
0x286: {  	v8 =	vand.u32 $0x7E, v8  }
0x287: {  	v10 =	vadd.s32 v0, v8;
	_ =	sdelay $0x2  }
0x288: {  	v9 =	vadd.f32 v9, v4;
	_ =	sdelay $0x1  }
0x289: {  	[tilespmem:v10+s25+$0x0] =	vst.idx.msk $0xffff, v9  }
0x28a: {  	v9 =	vld [tilespmem:s10+$0xFFFFFFA0];
	_ =	sdelay $0x1  }
0x28b: {  	v10 =	vadd.s32 v1, v8;
	_ =	sdelay $0x2  }
0x28c: {  	v9 =	vadd.f32 v9, v5;
	_ =	sdelay $0x1  }
0x28d: {  	[tilespmem:v10+s25+$0x0] =	vst.idx.msk $0xffff, v9  }
0x28e: {  	v9 =	vld [tilespmem:s10+$0xFFFFFFB0];
	_ =	sdelay $0x1  }
0x28f: {  	v10 =	vadd.s32 v2, v8;
	_ =	sdelay $0x2  }
0x290: {  	v9 =	vadd.f32 v9, v6;
	_ =	sdelay $0x1  }
0x291: {  	[tilespmem:v10+s25+$0x0] =	vst.idx.msk $0xffff, v9  }
0x292: {  	v9 =	vld [tilespmem:s10+$0xFFFFFFC0];
	_ =	sdelay $0x1  }
0x293: {  	v8 =	vadd.s32 v3, v8;
	_ =	sdelay $0x2  }
0x294: {  	v9 =	vadd.f32 v9, v7;
	_ =	sdelay $0x1  }
0x295: {  	s17 =	simm.s32 $0x63;
	[tilespmem:v8+s25+$0x0] =	vst.idx.msk $0xffff, v9  }
0x296: {  	v8 =	vmov s17;
	v9 =	vld [tilespmem:s10+$0xFFFFFFD0]  }
0x297: {  	v8 =	vand.u32 $0x7F, v8  }
0x298: {  	v10 =	vadd.s32 v0, v8;
	_ =	sdelay $0x2  }
0x299: {  	v9 =	vadd.f32 v9, v4;
	_ =	sdelay $0x1  }
0x29a: {  	[tilespmem:v10+s25+$0x0] =	vst.idx.msk $0xffff, v9  }
0x29b: {  	v9 =	vld [tilespmem:s10+$0xFFFFFFE0];
	_ =	sdelay $0x1  }
0x29c: {  	v10 =	vadd.s32 v1, v8;
	_ =	sdelay $0x2  }
0x29d: {  	v9 =	vadd.f32 v9, v5;
	_ =	sdelay $0x1  }
0x29e: {  	[tilespmem:v10+s25+$0x0] =	vst.idx.msk $0xffff, v9  }
0x29f: {  	v9 =	vld [tilespmem:s10+$0xFFFFFFF0];
	_ =	sdelay $0x1  }
0x2a0: {  	v10 =	vadd.s32 v2, v8;
	_ =	sdelay $0x2  }
0x2a1: {  	v9 =	vadd.f32 v9, v6;
	_ =	sdelay $0x1  }
0x2a2: {  	[tilespmem:v10+s25+$0x0] =	vst.idx.msk $0xffff, v9  }
0x2a3: {  	v9 =	vld [tilespmem:s10+$0x0];
	_ =	sdelay $0x1  }
0x2a4: {  	v8 =	vadd.s32 v3, v8;
	_ =	sdelay $0x2  }
0x2a5: {  	s12 =	simm.s32 $0x64;
	v9 =	vadd.f32 v9, v7  }
.LBB2_11:
0x2a6: {  	p0 =	sne.s32 s12, $0x7C  }
0x2a7: {  	s10 =	sadd.s32 $0x100, s10;
	s14 =	smov.u32 s12;
	s12 =	sadd.s32 $0x4, s12;
	[tilespmem:v8+s25+$0x0] =	vst.idx.msk $0xffff, v9  }
0x2a8: {  	v8 =	vmov s14;
	v9 =	vld [tilespmem:s10+$0xFFFFFF10]  }
0x2a9: {  	v8 =	vand.u32 $0x7C, v8  }
0x2aa: {  	v10 =	vadd.s32 v0, v8;
	_ =	sdelay $0x2  }
0x2ab: {  	v9 =	vadd.f32 v9, v4;
	_ =	sdelay $0x1  }
0x2ac: {  	[tilespmem:v10+s25+$0x0] =	vst.idx.msk $0xffff, v9  }
0x2ad: {  	v9 =	vld [tilespmem:s10+$0xFFFFFF20];
	_ =	sdelay $0x1  }
0x2ae: {  	v10 =	vadd.s32 v1, v8;
	_ =	sdelay $0x2  }
0x2af: {  	v9 =	vadd.f32 v9, v5;
	_ =	sdelay $0x1  }
0x2b0: {  	[tilespmem:v10+s25+$0x0] =	vst.idx.msk $0xffff, v9  }
0x2b1: {  	v9 =	vld [tilespmem:s10+$0xFFFFFF30];
	_ =	sdelay $0x1  }
0x2b2: {  	v10 =	vadd.s32 v2, v8;
	_ =	sdelay $0x2  }
0x2b3: {  	v9 =	vadd.f32 v9, v6;
	_ =	sdelay $0x1  }
0x2b4: {  	[tilespmem:v10+s25+$0x0] =	vst.idx.msk $0xffff, v9  }
0x2b5: {  	v9 =	vld [tilespmem:s10+$0xFFFFFF40];
	_ =	sdelay $0x1  }
0x2b6: {  	v8 =	vadd.s32 v3, v8;
	_ =	sdelay $0x2  }
0x2b7: {  	v9 =	vadd.f32 v9, v7;
	_ =	sdelay $0x1  }
0x2b8: {  	s15 =	sadd.s32 $0x1, s14;
	[tilespmem:v8+s25+$0x0] =	vst.idx.msk $0xffff, v9  }
0x2b9: {  	v8 =	vmov s15;
	v9 =	vld [tilespmem:s10+$0xFFFFFF50]  }
0x2ba: {  	v8 =	vand.u32 $0x7D, v8  }
0x2bb: {  	v10 =	vadd.s32 v0, v8;
	_ =	sdelay $0x2  }
0x2bc: {  	v9 =	vadd.f32 v9, v4;
	_ =	sdelay $0x1  }
0x2bd: {  	[tilespmem:v10+s25+$0x0] =	vst.idx.msk $0xffff, v9  }
0x2be: {  	v9 =	vld [tilespmem:s10+$0xFFFFFF60];
	_ =	sdelay $0x1  }
0x2bf: {  	v10 =	vadd.s32 v1, v8;
	_ =	sdelay $0x2  }
0x2c0: {  	v9 =	vadd.f32 v9, v5;
	_ =	sdelay $0x1  }
0x2c1: {  	[tilespmem:v10+s25+$0x0] =	vst.idx.msk $0xffff, v9  }
0x2c2: {  	v9 =	vld [tilespmem:s10+$0xFFFFFF70];
	_ =	sdelay $0x1  }
0x2c3: {  	v10 =	vadd.s32 v2, v8;
	_ =	sdelay $0x2  }
0x2c4: {  	v9 =	vadd.f32 v9, v6;
	_ =	sdelay $0x1  }
0x2c5: {  	[tilespmem:v10+s25+$0x0] =	vst.idx.msk $0xffff, v9  }
0x2c6: {  	v9 =	vld [tilespmem:s10+$0xFFFFFF80];
	_ =	sdelay $0x1  }
0x2c7: {  	v8 =	vadd.s32 v3, v8;
	_ =	sdelay $0x2  }
0x2c8: {  	v9 =	vadd.f32 v9, v7;
	_ =	sdelay $0x1  }
0x2c9: {  	s15 =	sadd.s32 $0x2, s14;
	[tilespmem:v8+s25+$0x0] =	vst.idx.msk $0xffff, v9  }
0x2ca: {  	v8 =	vmov s15;
	v9 =	vld [tilespmem:s10+$0xFFFFFF90]  }
0x2cb: {  	v8 =	vand.u32 $0x7E, v8  }
0x2cc: {  	v10 =	vadd.s32 v0, v8;
	_ =	sdelay $0x2  }
0x2cd: {  	v9 =	vadd.f32 v9, v4;
	_ =	sdelay $0x1  }
0x2ce: {  	[tilespmem:v10+s25+$0x0] =	vst.idx.msk $0xffff, v9  }
0x2cf: {  	v9 =	vld [tilespmem:s10+$0xFFFFFFA0];
	_ =	sdelay $0x1  }
0x2d0: {  	v10 =	vadd.s32 v1, v8;
	_ =	sdelay $0x2  }
0x2d1: {  	v9 =	vadd.f32 v9, v5;
	_ =	sdelay $0x1  }
0x2d2: {  	[tilespmem:v10+s25+$0x0] =	vst.idx.msk $0xffff, v9  }
0x2d3: {  	v9 =	vld [tilespmem:s10+$0xFFFFFFB0];
	_ =	sdelay $0x1  }
0x2d4: {  	v10 =	vadd.s32 v2, v8;
	_ =	sdelay $0x2  }
0x2d5: {  	v9 =	vadd.f32 v9, v6;
	_ =	sdelay $0x1  }
0x2d6: {  	[tilespmem:v10+s25+$0x0] =	vst.idx.msk $0xffff, v9  }
0x2d7: {  	v9 =	vld [tilespmem:s10+$0xFFFFFFC0];
	_ =	sdelay $0x1  }
0x2d8: {  	v8 =	vadd.s32 v3, v8;
	_ =	sdelay $0x2  }
0x2d9: {  	v9 =	vadd.f32 v9, v7;
	_ =	sdelay $0x1  }
0x2da: {  	s14 =	sadd.s32 $0x3, s14;
	[tilespmem:v8+s25+$0x0] =	vst.idx.msk $0xffff, v9  }
0x2db: {  	v8 =	vmov s14;
	v9 =	vld [tilespmem:s10+$0xFFFFFFD0]  }
0x2dc: {  	v8 =	vand.u32 $0x7F, v8  }
0x2dd: {  	v10 =	vadd.s32 v0, v8;
	_ =	sdelay $0x2  }
0x2de: {  	v9 =	vadd.f32 v9, v4;
	_ =	sdelay $0x1  }
0x2df: {  	[tilespmem:v10+s25+$0x0] =	vst.idx.msk $0xffff, v9  }
0x2e0: {  	v9 =	vld [tilespmem:s10+$0xFFFFFFE0];
	_ =	sdelay $0x1  }
0x2e1: {  	v10 =	vadd.s32 v1, v8;
	_ =	sdelay $0x2  }
0x2e2: {  	v9 =	vadd.f32 v9, v5;
	_ =	sdelay $0x1  }
0x2e3: {  	[tilespmem:v10+s25+$0x0] =	vst.idx.msk $0xffff, v9  }
0x2e4: {  	v9 =	vld [tilespmem:s10+$0xFFFFFFF0];
	_ =	sdelay $0x1  }
0x2e5: {  	v10 =	vadd.s32 v2, v8;
	_ =	sdelay $0x2  }
0x2e6: {  	v9 =	vadd.f32 v9, v6;
	_ =	sdelay $0x1  }
0x2e7: {  	[tilespmem:v10+s25+$0x0] =	vst.idx.msk $0xffff, v9  }
0x2e8: {  	v9 =	vld [tilespmem:s10+$0x0]  }
.Ltmp4:
0x2e9: {  	(pc) =	sbr.rel @p0 .LBB2_11-.Ltmp4, $2  }
0x2ea: {  	v8 =	vadd.s32 v3, v8;
	_ =	sdelay $0x2  }
0x2eb: {  	v9 =	vadd.f32 v9, v7  }
0x2ec: {  	_ = 	snop  }
0x2ed: {  	s10 =	sshll.u32 s2, $0x13  }
0x2ee: {  	s10 =	sor.u32 s5, s10  }
0x2ef: {  	s10 =	sshrl.u32 s10, $0x3  }
0x2f0: {  	s14 =	simm.s32 $0xA400;
	[tilespmem:v8+s25+$0x0] =	vst.idx.msk $0xffff, v9;
	s12 =	sadd.s32 s1, s10  }
0x2f1: {  	[hbm4b:s12+s3] =	stream.linear.scatter [tilespmem:s14], [sflag:$0x3], $0x80, $0x38;
	[tilespmem:$0x11A00] =	vst v63  }
0x2f2: {  	s15 =	simm.s32 $0xA488;
	s14 =	sadd.s32 $0x10, s12  }
0x2f3: {  	[hbm4b:s14+s3] =	stream.linear.scatter [tilespmem:s15], [sflag:$0x3], $0x80, $0x38;
	[tilespmem:$0x11A00] =	vst v63  }
0x2f4: {  	s16 =	simm.s32 $0xA510;
	s17 =	sadd.s32 $0x20, s12  }
0x2f5: {  	[hbm4b:s17+s3] =	stream.linear.scatter [tilespmem:s16], [sflag:$0x3], $0x80, $0x38;
	[tilespmem:$0x11A00] =	vst v63  }
0x2f6: {  	s14 =	simm.s32 $0xA598;
	s15 =	sadd.s32 $0x30, s12  }
0x2f7: {  	[hbm4b:s15+s3] =	stream.linear.scatter [tilespmem:s14], [sflag:$0x3], $0x80, $0x38;
	[tilespmem:$0x11A00] =	vst v63  }
0x2f8: {  	s16 =	simm.s32 $0xA620;
	s17 =	sadd.s32 $0x40, s12  }
0x2f9: {  	[hbm4b:s17+s3] =	stream.linear.scatter [tilespmem:s16], [sflag:$0x3], $0x80, $0x38;
	[tilespmem:$0x11A00] =	vst v63  }
0x2fa: {  	s10 =	simm.s32 $0x440;
	s14 =	simm.s32 $0xA6A8;
	s15 =	sadd.s32 $0x50, s12  }
0x2fb: {  	[hbm4b:s15+s3] =	stream.linear.scatter [tilespmem:s14], [sflag:$0x3], $0x80, $0x38;
	[tilespmem:$0x11A00] =	vst v63  }
0x2fc: {  	s16 =	simm.s32 $0xA730;
	s17 =	sadd.s32 $0x60, s12;
	s14 =	simm.s32 $0x2200  }
0x2fd: {  	[hbm4b:s17+s3] =	stream.linear.scatter [tilespmem:s16], [sflag:$0x3], $0x80, $0x38;
	[tilespmem:$0x11A00] =	vst v63  }
0x2fe: {  	s15 =	simm.s32 $0xA7B8;
	s16 =	sadd.s32 $0x70, s12;
	s12 =	sadd.s32 $0x1000, s12  }
.LBB2_13:
0x2ff: {  	[hbm4b:s16+s3] =	stream.linear.scatter [tilespmem:s15], [sflag:$0x3], $0x80, $0x38;
	[tilespmem:$0x11A00] =	vst v63  }
0x300: {  	s15 =	smov.u32 s10;
	s10 =	smov.u32 s14  }
0x301: {  	s17 =	sadd.s32 $0x1100, s14;
	s10 =	sshra.s32 s10, $0x2;
	s16 =	sadd.s32 $0xA400, s15  }
0x302: {  	[hbm4b:s12+s3] =	stream.linear.scatter [tilespmem:s16], [sflag:$0x3], $0x80, $0x38;
	[tilespmem:$0x11A00] =	vst v63  }
0x303: {  	p0 =	sne.s32 s14, $0x7700;
	s14 =	sadd.s32 $0xA488, s15;
	s16 =	sadd.s32 $0x10, s12  }
0x304: {  	[hbm4b:s16+s3] =	stream.linear.scatter [tilespmem:s14], [sflag:$0x3], $0x80, $0x38;
	[tilespmem:$0x11A00] =	vst v63  }
0x305: {  	s14 =	sadd.s32 $0xA510, s15;
	s16 =	sadd.s32 $0x20, s12  }
0x306: {  	[hbm4b:s16+s3] =	stream.linear.scatter [tilespmem:s14], [sflag:$0x3], $0x80, $0x38;
	[tilespmem:$0x11A00] =	vst v63  }
0x307: {  	s14 =	sadd.s32 $0xA598, s15;
	s16 =	sadd.s32 $0x30, s12  }
0x308: {  	[hbm4b:s16+s3] =	stream.linear.scatter [tilespmem:s14], [sflag:$0x3], $0x80, $0x38;
	[tilespmem:$0x11A00] =	vst v63  }
0x309: {  	s14 =	sadd.s32 $0xA620, s15;
	s16 =	sadd.s32 $0x40, s12  }
0x30a: {  	[hbm4b:s16+s3] =	stream.linear.scatter [tilespmem:s14], [sflag:$0x3], $0x80, $0x38;
	[tilespmem:$0x11A00] =	vst v63  }
.Ltmp5:
0x30b: {  	s14 =	sadd.s32 $0xA6A8, s15;
	s16 =	sadd.s32 $0x50, s12;
	(pc) =	sbr.rel @p0 .LBB2_13-.Ltmp5, $4  }
0x30c: {  	[hbm4b:s16+s3] =	stream.linear.scatter [tilespmem:s14], [sflag:$0x3], $0x80, $0x38;
	[tilespmem:$0x11A00] =	vst v63  }
0x30d: {  	s14 =	sadd.s32 $0xA730, s15;
	s16 =	sadd.s32 $0x60, s12;
	s15 =	sadd.s32 $0xA7B8, s15  }
0x30e: {  	[hbm4b:s16+s3] =	stream.linear.scatter [tilespmem:s14], [sflag:$0x3], $0x80, $0x38;
	[tilespmem:$0x11A00] =	vst v63  }
0x30f: {  	s16 =	sadd.s32 $0x70, s12;
	s12 =	sadd.s32 $0x1000, s12;
	s14 =	smov.u32 s17  }
0x310: {  	[hbm4b:s16+s3] =	stream.linear.scatter [tilespmem:s15], [sflag:$0x3], $0x80, $0x38;
	[tilespmem:$0x11A00] =	vst v63  }
0x311: {  	s14 =	sadd.s32 $0xA400, s10  }
0x312: {  	[hbm4b:s12+s3] =	stream.linear.scatter [tilespmem:s14], [sflag:$0x3], $0x80, $0x38;
	[tilespmem:$0x11A00] =	vst v63  }
0x313: {  	s16 =	sadd.s32 $0xA488, s10;
	s17 =	sadd.s32 $0x10, s12  }
0x314: {  	[hbm4b:s17+s3] =	stream.linear.scatter [tilespmem:s16], [sflag:$0x3], $0x80, $0x38;
	[tilespmem:$0x11A00] =	vst v63  }
0x315: {  	s16 =	sadd.s32 $0xA510, s10;
	s17 =	sadd.s32 $0x20, s12  }
0x316: {  	[hbm4b:s17+s3] =	stream.linear.scatter [tilespmem:s16], [sflag:$0x3], $0x80, $0x38;
	[tilespmem:$0x11A00] =	vst v63  }
0x317: {  	s16 =	sadd.s32 $0xA598, s10;
	s17 =	sadd.s32 $0x30, s12  }
0x318: {  	[hbm4b:s17+s3] =	stream.linear.scatter [tilespmem:s16], [sflag:$0x3], $0x80, $0x38;
	[tilespmem:$0x11A00] =	vst v63  }
0x319: {  	s16 =	sadd.s32 $0xA620, s10;
	s17 =	sadd.s32 $0x40, s12  }
0x31a: {  	[hbm4b:s17+s3] =	stream.linear.scatter [tilespmem:s16], [sflag:$0x3], $0x80, $0x38;
	[tilespmem:$0x11A00] =	vst v63  }
0x31b: {  	s16 =	sadd.s32 $0xA6A8, s10;
	s17 =	sadd.s32 $0x50, s12  }
0x31c: {  	[hbm4b:s17+s3] =	stream.linear.scatter [tilespmem:s16], [sflag:$0x3], $0x80, $0x38;
	[tilespmem:$0x11A00] =	vst v63  }
0x31d: {  	p0 =	seq.s32 s2, $0x63;
	s16 =	sadd.s32 $0xA730, s10;
	s17 =	sadd.s32 $0x60, s12  }
0x31e: {  	[hbm4b:s17+s3] =	stream.linear.scatter [tilespmem:s16], [sflag:$0x3], $0x80, $0x38;
	[tilespmem:$0x11A00] =	vst v63  }
0x31f: {  	s16 =	sadd.s32 $0xA7B8, s10;
	s10 =	sshll.u32 @!p0 s2, $0x8  }
0x320: {  	s17 =	sadd.s32 $0x70, s12;
	s10 =	sand.u32 @!p0 $0x3FFFFF00, s10  }
0x321: {  	[hbm4b:s17+s3] =	stream.linear.scatter [tilespmem:s16], [sflag:$0x3], $0x80, $0x38;
	[tilespmem:$0x11A00] =	vst v63  }
0x322: {  	s15 =	simm.s32 @!p0 $0x6400;
	s14 =	simm.s32 @!p0 $0x20;
	s12 =	sadd.s32 @!p0 $0x100, s10  }
0x323: {  	[tilespmem:s15], [sflag:$0x1] =	stream.indirect.gather @!p0 [hbm4b:s4+s14], $0x40, s12, s14, $0xb8;
	[tilespmem:$0x11A00] =	vst v63  }
0x324: {  	s12 =	sadd.s32 @!p0 $0x120, s10;
	s15 =	simm.s32 @!p0 $0x6C00  }
0x325: {  	[tilespmem:s15], [sflag:$0x1] =	stream.indirect.gather @!p0 [hbm4b:s4+s14], $0x40, s12, s14, $0xb8;
	[tilespmem:$0x11A00] =	vst v63  }
0x326: {  	s12 =	sadd.s32 @!p0 $0x140, s10;
	s15 =	simm.s32 @!p0 $0x7400  }
0x327: {  	[tilespmem:s15], [sflag:$0x1] =	stream.indirect.gather @!p0 [hbm4b:s4+s14], $0x40, s12, s14, $0xb8;
	[tilespmem:$0x11A00] =	vst v63  }
0x328: {  	p1 =	seq.s32 @!p0 s2, $0x0;
	s10 =	sadd.s32 @!p0 $0x160, s10;
	s12 =	simm.s32 @!p0 $0x7C00  }
0x329: {  	[tilespmem:s12], [sflag:$0x1] =	stream.indirect.gather @!p0 [hbm4b:s4+s14], $0x40, s10, s14, $0xb8;
	[tilespmem:$0x11A00] =	vst v63  }
0x32a: {  	p0 =	por p0, !p1  }
0x32b: {  	_ =	swait.ge @p0 [sflag:s30], $0x2000  }
0x32c: {  	s12 =	sshll.u32 s9, $0x6;
	[sflag:s30] =	ssyncset.done @p0 $0x0  }
0x32d: {  	s10 =	sand.u32 $0x3FFFFFC0, s12;
	[sflag:s30] =	ssyncadd.s32 @p0 $0xFFFFE000  }
0x32e: {  	v4 =	vld [tilespmem:s10+$0xE800]  }
0x32f: {  	v5 =	vld [tilespmem:s10+$0xE810]  }
0x330: {  	v6 =	vld [tilespmem:s10+$0xE820]  }
0x331: {  	v7 =	vld [tilespmem:s10+$0xE830];
	_ =	swait.ge [sflag:s26], $0x800  }
0x332: {  	[sflag:s26] =	ssyncset.done $0x0  }
0x333: {  	s14 =	simm.s32 $0x0;
	s10 =	simm.s32 $0x8480;
	[sflag:s26] =	ssyncadd.s32 $0xFFFFF800  }
0x334: {  	v8 =	vmov s14;
	v9 =	vld [tilespmem:s10+$0xFFFFFF80]  }
0x335: {  	v8 =	vand.u32 $0x1C, v8  }
0x336: {  	v10 =	vadd.s32 v0, v8;
	_ =	sdelay $0x2  }
0x337: {  	v9 =	vadd.f32 v9, v4;
	_ =	sdelay $0x1  }
0x338: {  	[tilespmem:v10+s28+$0x0] =	vst.idx.msk $0xffff, v9  }
0x339: {  	v9 =	vld [tilespmem:s10+$0xFFFFFF90];
	_ =	sdelay $0x1  }
0x33a: {  	v10 =	vadd.s32 v1, v8;
	_ =	sdelay $0x2  }
0x33b: {  	v9 =	vadd.f32 v9, v5;
	_ =	sdelay $0x1  }
0x33c: {  	[tilespmem:v10+s28+$0x0] =	vst.idx.msk $0xffff, v9  }
0x33d: {  	v9 =	vld [tilespmem:s10+$0xFFFFFFA0];
	_ =	sdelay $0x1  }
0x33e: {  	v10 =	vadd.s32 v2, v8;
	_ =	sdelay $0x2  }
0x33f: {  	v9 =	vadd.f32 v9, v6;
	_ =	sdelay $0x1  }
0x340: {  	[tilespmem:v10+s28+$0x0] =	vst.idx.msk $0xffff, v9  }
0x341: {  	v9 =	vld [tilespmem:s10+$0xFFFFFFB0];
	_ =	sdelay $0x1  }
0x342: {  	v8 =	vadd.s32 v3, v8;
	_ =	sdelay $0x2  }
0x343: {  	v9 =	vadd.f32 v9, v7;
	_ =	sdelay $0x1  }
0x344: {  	s15 =	simm.s32 $0x1;
	[tilespmem:v8+s28+$0x0] =	vst.idx.msk $0xffff, v9  }
0x345: {  	v8 =	vmov s15;
	v9 =	vld [tilespmem:s10+$0xFFFFFFC0]  }
0x346: {  	v8 =	vand.u32 $0x1D, v8  }
0x347: {  	v10 =	vadd.s32 v0, v8;
	_ =	sdelay $0x2  }
0x348: {  	v9 =	vadd.f32 v9, v4;
	_ =	sdelay $0x1  }
0x349: {  	[tilespmem:v10+s28+$0x0] =	vst.idx.msk $0xffff, v9  }
0x34a: {  	v9 =	vld [tilespmem:s10+$0xFFFFFFD0];
	_ =	sdelay $0x1  }
0x34b: {  	v10 =	vadd.s32 v1, v8;
	_ =	sdelay $0x2  }
0x34c: {  	v9 =	vadd.f32 v9, v5;
	_ =	sdelay $0x1  }
0x34d: {  	[tilespmem:v10+s28+$0x0] =	vst.idx.msk $0xffff, v9  }
0x34e: {  	v9 =	vld [tilespmem:s10+$0xFFFFFFE0];
	_ =	sdelay $0x1  }
0x34f: {  	v10 =	vadd.s32 v2, v8;
	_ =	sdelay $0x2  }
0x350: {  	v9 =	vadd.f32 v9, v6;
	_ =	sdelay $0x1  }
0x351: {  	[tilespmem:v10+s28+$0x0] =	vst.idx.msk $0xffff, v9  }
0x352: {  	v9 =	vld [tilespmem:s10+$0xFFFFFFF0];
	_ =	sdelay $0x1  }
0x353: {  	v8 =	vadd.s32 v3, v8;
	_ =	sdelay $0x2  }
0x354: {  	v9 =	vadd.f32 v9, v7;
	_ =	sdelay $0x1  }
0x355: {  	s16 =	simm.s32 $0x2;
	[tilespmem:v8+s28+$0x0] =	vst.idx.msk $0xffff, v9  }
0x356: {  	v8 =	vmov s16;
	v9 =	vld [tilespmem:s10+$0x0]  }
0x357: {  	v8 =	vand.u32 $0x1E, v8  }
0x358: {  	v10 =	vadd.s32 v0, v8;
	_ =	sdelay $0x2  }
0x359: {  	v9 =	vadd.f32 v9, v4;
	_ =	sdelay $0x1  }
0x35a: {  	[tilespmem:v10+s28+$0x0] =	vst.idx.msk $0xffff, v9  }
0x35b: {  	v9 =	vld [tilespmem:s10+$0x10];
	_ =	sdelay $0x1  }
0x35c: {  	v10 =	vadd.s32 v1, v8;
	_ =	sdelay $0x2  }
0x35d: {  	v9 =	vadd.f32 v9, v5;
	_ =	sdelay $0x1  }
0x35e: {  	[tilespmem:v10+s28+$0x0] =	vst.idx.msk $0xffff, v9  }
0x35f: {  	v9 =	vld [tilespmem:s10+$0x20];
	_ =	sdelay $0x1  }
0x360: {  	v10 =	vadd.s32 v2, v8;
	_ =	sdelay $0x2  }
0x361: {  	v9 =	vadd.f32 v9, v6;
	_ =	sdelay $0x1  }
0x362: {  	[tilespmem:v10+s28+$0x0] =	vst.idx.msk $0xffff, v9  }
0x363: {  	v9 =	vld [tilespmem:s10+$0x30];
	_ =	sdelay $0x1  }
0x364: {  	v8 =	vadd.s32 v3, v8;
	_ =	sdelay $0x2  }
0x365: {  	v9 =	vadd.f32 v9, v7;
	_ =	sdelay $0x1  }
0x366: {  	s17 =	simm.s32 $0x3;
	[tilespmem:v8+s28+$0x0] =	vst.idx.msk $0xffff, v9  }
0x367: {  	v8 =	vmov s17;
	v9 =	vld [tilespmem:s10+$0x40]  }
0x368: {  	v8 =	vand.u32 $0x1F, v8  }
0x369: {  	v10 =	vadd.s32 v0, v8;
	_ =	sdelay $0x2  }
0x36a: {  	v9 =	vadd.f32 v9, v4;
	_ =	sdelay $0x1  }
0x36b: {  	[tilespmem:v10+s28+$0x0] =	vst.idx.msk $0xffff, v9  }
0x36c: {  	v9 =	vld [tilespmem:s10+$0x50];
	_ =	sdelay $0x1  }
0x36d: {  	v10 =	vadd.s32 v1, v8;
	_ =	sdelay $0x2  }
0x36e: {  	v9 =	vadd.f32 v9, v5;
	_ =	sdelay $0x1  }
0x36f: {  	[tilespmem:v10+s28+$0x0] =	vst.idx.msk $0xffff, v9  }
0x370: {  	v9 =	vld [tilespmem:s10+$0x60];
	_ =	sdelay $0x1  }
0x371: {  	v10 =	vadd.s32 v2, v8;
	_ =	sdelay $0x2  }
0x372: {  	v9 =	vadd.f32 v9, v6;
	_ =	sdelay $0x1  }
0x373: {  	[tilespmem:v10+s28+$0x0] =	vst.idx.msk $0xffff, v9  }
0x374: {  	v9 =	vld [tilespmem:s10+$0x70];
	_ =	sdelay $0x1  }
0x375: {  	v8 =	vadd.s32 v3, v8;
	_ =	sdelay $0x2  }
0x376: {  	s12 =	simm.s32 $0x4;
	v9 =	vadd.f32 v9, v7  }
.LBB2_15:
0x377: {  	p0 =	sne.s32 s12, $0x1C  }
0x378: {  	s10 =	sadd.s32 $0x100, s10;
	s14 =	smov.u32 s12;
	s12 =	sadd.s32 $0x4, s12;
	[tilespmem:v8+s28+$0x0] =	vst.idx.msk $0xffff, v9  }
0x379: {  	v8 =	vmov s14;
	v9 =	vld [tilespmem:s10+$0xFFFFFF80]  }
0x37a: {  	v8 =	vand.u32 $0x1C, v8  }
0x37b: {  	v10 =	vadd.s32 v0, v8;
	_ =	sdelay $0x2  }
0x37c: {  	v9 =	vadd.f32 v9, v4;
	_ =	sdelay $0x1  }
0x37d: {  	[tilespmem:v10+s28+$0x0] =	vst.idx.msk $0xffff, v9  }
0x37e: {  	v9 =	vld [tilespmem:s10+$0xFFFFFF90];
	_ =	sdelay $0x1  }
0x37f: {  	v10 =	vadd.s32 v1, v8;
	_ =	sdelay $0x2  }
0x380: {  	v9 =	vadd.f32 v9, v5;
	_ =	sdelay $0x1  }
0x381: {  	[tilespmem:v10+s28+$0x0] =	vst.idx.msk $0xffff, v9  }
0x382: {  	v9 =	vld [tilespmem:s10+$0xFFFFFFA0];
	_ =	sdelay $0x1  }
0x383: {  	v10 =	vadd.s32 v2, v8;
	_ =	sdelay $0x2  }
0x384: {  	v9 =	vadd.f32 v9, v6;
	_ =	sdelay $0x1  }
0x385: {  	[tilespmem:v10+s28+$0x0] =	vst.idx.msk $0xffff, v9  }
0x386: {  	v9 =	vld [tilespmem:s10+$0xFFFFFFB0];
	_ =	sdelay $0x1  }
0x387: {  	v8 =	vadd.s32 v3, v8;
	_ =	sdelay $0x2  }
0x388: {  	v9 =	vadd.f32 v9, v7;
	_ =	sdelay $0x1  }
0x389: {  	s15 =	sadd.s32 $0x1, s14;
	[tilespmem:v8+s28+$0x0] =	vst.idx.msk $0xffff, v9  }
0x38a: {  	v8 =	vmov s15;
	v9 =	vld [tilespmem:s10+$0xFFFFFFC0]  }
0x38b: {  	v8 =	vand.u32 $0x1D, v8  }
0x38c: {  	v10 =	vadd.s32 v0, v8;
	_ =	sdelay $0x2  }
0x38d: {  	v9 =	vadd.f32 v9, v4;
	_ =	sdelay $0x1  }
0x38e: {  	[tilespmem:v10+s28+$0x0] =	vst.idx.msk $0xffff, v9  }
0x38f: {  	v9 =	vld [tilespmem:s10+$0xFFFFFFD0];
	_ =	sdelay $0x1  }
0x390: {  	v10 =	vadd.s32 v1, v8;
	_ =	sdelay $0x2  }
0x391: {  	v9 =	vadd.f32 v9, v5;
	_ =	sdelay $0x1  }
0x392: {  	[tilespmem:v10+s28+$0x0] =	vst.idx.msk $0xffff, v9  }
0x393: {  	v9 =	vld [tilespmem:s10+$0xFFFFFFE0];
	_ =	sdelay $0x1  }
0x394: {  	v10 =	vadd.s32 v2, v8;
	_ =	sdelay $0x2  }
0x395: {  	v9 =	vadd.f32 v9, v6;
	_ =	sdelay $0x1  }
0x396: {  	[tilespmem:v10+s28+$0x0] =	vst.idx.msk $0xffff, v9  }
0x397: {  	v9 =	vld [tilespmem:s10+$0xFFFFFFF0];
	_ =	sdelay $0x1  }
0x398: {  	v8 =	vadd.s32 v3, v8;
	_ =	sdelay $0x2  }
0x399: {  	v9 =	vadd.f32 v9, v7;
	_ =	sdelay $0x1  }
0x39a: {  	s15 =	sadd.s32 $0x2, s14;
	[tilespmem:v8+s28+$0x0] =	vst.idx.msk $0xffff, v9  }
0x39b: {  	v8 =	vmov s15;
	v9 =	vld [tilespmem:s10+$0x0]  }
0x39c: {  	v8 =	vand.u32 $0x1E, v8  }
0x39d: {  	v10 =	vadd.s32 v0, v8;
	_ =	sdelay $0x2  }
0x39e: {  	v9 =	vadd.f32 v9, v4;
	_ =	sdelay $0x1  }
0x39f: {  	[tilespmem:v10+s28+$0x0] =	vst.idx.msk $0xffff, v9  }
0x3a0: {  	v9 =	vld [tilespmem:s10+$0x10];
	_ =	sdelay $0x1  }
0x3a1: {  	v10 =	vadd.s32 v1, v8;
	_ =	sdelay $0x2  }
0x3a2: {  	v9 =	vadd.f32 v9, v5;
	_ =	sdelay $0x1  }
0x3a3: {  	[tilespmem:v10+s28+$0x0] =	vst.idx.msk $0xffff, v9  }
0x3a4: {  	v9 =	vld [tilespmem:s10+$0x20];
	_ =	sdelay $0x1  }
0x3a5: {  	v10 =	vadd.s32 v2, v8;
	_ =	sdelay $0x2  }
0x3a6: {  	v9 =	vadd.f32 v9, v6;
	_ =	sdelay $0x1  }
0x3a7: {  	[tilespmem:v10+s28+$0x0] =	vst.idx.msk $0xffff, v9  }
0x3a8: {  	v9 =	vld [tilespmem:s10+$0x30];
	_ =	sdelay $0x1  }
0x3a9: {  	v8 =	vadd.s32 v3, v8;
	_ =	sdelay $0x2  }
0x3aa: {  	v9 =	vadd.f32 v9, v7;
	_ =	sdelay $0x1  }
0x3ab: {  	s14 =	sadd.s32 $0x3, s14;
	[tilespmem:v8+s28+$0x0] =	vst.idx.msk $0xffff, v9  }
0x3ac: {  	v8 =	vmov s14;
	v9 =	vld [tilespmem:s10+$0x40]  }
0x3ad: {  	v8 =	vand.u32 $0x1F, v8  }
0x3ae: {  	v10 =	vadd.s32 v0, v8;
	_ =	sdelay $0x2  }
0x3af: {  	v9 =	vadd.f32 v9, v4;
	_ =	sdelay $0x1  }
0x3b0: {  	[tilespmem:v10+s28+$0x0] =	vst.idx.msk $0xffff, v9  }
0x3b1: {  	v9 =	vld [tilespmem:s10+$0x50];
	_ =	sdelay $0x1  }
0x3b2: {  	v10 =	vadd.s32 v1, v8;
	_ =	sdelay $0x2  }
0x3b3: {  	v9 =	vadd.f32 v9, v5;
	_ =	sdelay $0x1  }
0x3b4: {  	[tilespmem:v10+s28+$0x0] =	vst.idx.msk $0xffff, v9  }
0x3b5: {  	v9 =	vld [tilespmem:s10+$0x60];
	_ =	sdelay $0x1  }
0x3b6: {  	v10 =	vadd.s32 v2, v8;
	_ =	sdelay $0x2  }
0x3b7: {  	v9 =	vadd.f32 v9, v6;
	_ =	sdelay $0x1  }
0x3b8: {  	[tilespmem:v10+s28+$0x0] =	vst.idx.msk $0xffff, v9  }
0x3b9: {  	v9 =	vld [tilespmem:s10+$0x70]  }
.Ltmp6:
0x3ba: {  	(pc) =	sbr.rel @p0 .LBB2_15-.Ltmp6, $2  }
0x3bb: {  	v8 =	vadd.s32 v3, v8;
	_ =	sdelay $0x2  }
0x3bc: {  	v9 =	vadd.f32 v9, v7  }
0x3bd: {  	_ =	sdelay $0x3  }
0x3be: {  	[tilespmem:v8+s28+$0x0] =	vst.idx.msk $0xffff, v9  }
0x3bf: {  	_ =	swait.ge [sflag:s26], $0x800  }
0x3c0: {  	[sflag:s26] =	ssyncset.done $0x0  }
0x3c1: {  	s12 =	simm.s32 $0x20;
	s10 =	simm.s32 $0x8CF0;
	[sflag:s26] =	ssyncadd.s32 $0xFFFFF800  }
0x3c2: {  	v8 =	vmov s12;
	v9 =	vld [tilespmem:s10+$0xFFFFFF10]  }
0x3c3: {  	v8 =	vand.u32 $0x3C, v8  }
0x3c4: {  	v10 =	vadd.s32 v0, v8;
	_ =	sdelay $0x2  }
0x3c5: {  	v9 =	vadd.f32 v9, v4;
	_ =	sdelay $0x1  }
0x3c6: {  	[tilespmem:v10+s28+$0x0] =	vst.idx.msk $0xffff, v9  }
0x3c7: {  	v9 =	vld [tilespmem:s10+$0xFFFFFF20];
	_ =	sdelay $0x1  }
0x3c8: {  	v10 =	vadd.s32 v1, v8;
	_ =	sdelay $0x2  }
0x3c9: {  	v9 =	vadd.f32 v9, v5;
	_ =	sdelay $0x1  }
0x3ca: {  	[tilespmem:v10+s28+$0x0] =	vst.idx.msk $0xffff, v9  }
0x3cb: {  	v9 =	vld [tilespmem:s10+$0xFFFFFF30];
	_ =	sdelay $0x1  }
0x3cc: {  	v10 =	vadd.s32 v2, v8;
	_ =	sdelay $0x2  }
0x3cd: {  	v9 =	vadd.f32 v9, v6;
	_ =	sdelay $0x1  }
0x3ce: {  	[tilespmem:v10+s28+$0x0] =	vst.idx.msk $0xffff, v9  }
0x3cf: {  	v9 =	vld [tilespmem:s10+$0xFFFFFF40];
	_ =	sdelay $0x1  }
0x3d0: {  	v8 =	vadd.s32 v3, v8;
	_ =	sdelay $0x2  }
0x3d1: {  	v9 =	vadd.f32 v9, v7;
	_ =	sdelay $0x1  }
0x3d2: {  	s15 =	simm.s32 $0x21;
	[tilespmem:v8+s28+$0x0] =	vst.idx.msk $0xffff, v9  }
0x3d3: {  	v8 =	vmov s15;
	v9 =	vld [tilespmem:s10+$0xFFFFFF50]  }
0x3d4: {  	v8 =	vand.u32 $0x3D, v8  }
0x3d5: {  	v10 =	vadd.s32 v0, v8;
	_ =	sdelay $0x2  }
0x3d6: {  	v9 =	vadd.f32 v9, v4;
	_ =	sdelay $0x1  }
0x3d7: {  	[tilespmem:v10+s28+$0x0] =	vst.idx.msk $0xffff, v9  }
0x3d8: {  	v9 =	vld [tilespmem:s10+$0xFFFFFF60];
	_ =	sdelay $0x1  }
0x3d9: {  	v10 =	vadd.s32 v1, v8;
	_ =	sdelay $0x2  }
0x3da: {  	v9 =	vadd.f32 v9, v5;
	_ =	sdelay $0x1  }
0x3db: {  	[tilespmem:v10+s28+$0x0] =	vst.idx.msk $0xffff, v9  }
0x3dc: {  	v9 =	vld [tilespmem:s10+$0xFFFFFF70];
	_ =	sdelay $0x1  }
0x3dd: {  	v10 =	vadd.s32 v2, v8;
	_ =	sdelay $0x2  }
0x3de: {  	v9 =	vadd.f32 v9, v6;
	_ =	sdelay $0x1  }
0x3df: {  	[tilespmem:v10+s28+$0x0] =	vst.idx.msk $0xffff, v9  }
0x3e0: {  	v9 =	vld [tilespmem:s10+$0xFFFFFF80];
	_ =	sdelay $0x1  }
0x3e1: {  	v8 =	vadd.s32 v3, v8;
	_ =	sdelay $0x2  }
0x3e2: {  	v9 =	vadd.f32 v9, v7;
	_ =	sdelay $0x1  }
0x3e3: {  	s16 =	simm.s32 $0x22;
	[tilespmem:v8+s28+$0x0] =	vst.idx.msk $0xffff, v9  }
0x3e4: {  	v8 =	vmov s16;
	v9 =	vld [tilespmem:s10+$0xFFFFFF90]  }
0x3e5: {  	v8 =	vand.u32 $0x3E, v8  }
0x3e6: {  	v10 =	vadd.s32 v0, v8;
	_ =	sdelay $0x2  }
0x3e7: {  	v9 =	vadd.f32 v9, v4;
	_ =	sdelay $0x1  }
0x3e8: {  	[tilespmem:v10+s28+$0x0] =	vst.idx.msk $0xffff, v9  }
0x3e9: {  	v9 =	vld [tilespmem:s10+$0xFFFFFFA0];
	_ =	sdelay $0x1  }
0x3ea: {  	v10 =	vadd.s32 v1, v8;
	_ =	sdelay $0x2  }
0x3eb: {  	v9 =	vadd.f32 v9, v5;
	_ =	sdelay $0x1  }
0x3ec: {  	[tilespmem:v10+s28+$0x0] =	vst.idx.msk $0xffff, v9  }
0x3ed: {  	v9 =	vld [tilespmem:s10+$0xFFFFFFB0];
	_ =	sdelay $0x1  }
0x3ee: {  	v10 =	vadd.s32 v2, v8;
	_ =	sdelay $0x2  }
0x3ef: {  	v9 =	vadd.f32 v9, v6;
	_ =	sdelay $0x1  }
0x3f0: {  	[tilespmem:v10+s28+$0x0] =	vst.idx.msk $0xffff, v9  }
0x3f1: {  	v9 =	vld [tilespmem:s10+$0xFFFFFFC0];
	_ =	sdelay $0x1  }
0x3f2: {  	v8 =	vadd.s32 v3, v8;
	_ =	sdelay $0x2  }
0x3f3: {  	v9 =	vadd.f32 v9, v7;
	_ =	sdelay $0x1  }
0x3f4: {  	s17 =	simm.s32 $0x23;
	[tilespmem:v8+s28+$0x0] =	vst.idx.msk $0xffff, v9  }
0x3f5: {  	v8 =	vmov s17;
	v9 =	vld [tilespmem:s10+$0xFFFFFFD0]  }
0x3f6: {  	v8 =	vand.u32 $0x3F, v8  }
0x3f7: {  	v10 =	vadd.s32 v0, v8;
	_ =	sdelay $0x2  }
0x3f8: {  	v9 =	vadd.f32 v9, v4;
	_ =	sdelay $0x1  }
0x3f9: {  	[tilespmem:v10+s28+$0x0] =	vst.idx.msk $0xffff, v9  }
0x3fa: {  	v9 =	vld [tilespmem:s10+$0xFFFFFFE0];
	_ =	sdelay $0x1  }
0x3fb: {  	v10 =	vadd.s32 v1, v8;
	_ =	sdelay $0x2  }
0x3fc: {  	v9 =	vadd.f32 v9, v5;
	_ =	sdelay $0x1  }
0x3fd: {  	[tilespmem:v10+s28+$0x0] =	vst.idx.msk $0xffff, v9  }
0x3fe: {  	v9 =	vld [tilespmem:s10+$0xFFFFFFF0];
	_ =	sdelay $0x1  }
0x3ff: {  	v10 =	vadd.s32 v2, v8;
	_ =	sdelay $0x2  }
0x400: {  	v9 =	vadd.f32 v9, v6;
	_ =	sdelay $0x1  }
0x401: {  	[tilespmem:v10+s28+$0x0] =	vst.idx.msk $0xffff, v9  }
0x402: {  	v9 =	vld [tilespmem:s10+$0x0];
	_ =	sdelay $0x1  }
0x403: {  	v8 =	vadd.s32 v3, v8;
	_ =	sdelay $0x2  }
0x404: {  	s12 =	simm.s32 $0x24;
	v9 =	vadd.f32 v9, v7  }
.LBB2_17:
0x405: {  	p0 =	sne.s32 s12, $0x3C  }
0x406: {  	s10 =	sadd.s32 $0x100, s10;
	s14 =	smov.u32 s12;
	s12 =	sadd.s32 $0x4, s12;
	[tilespmem:v8+s28+$0x0] =	vst.idx.msk $0xffff, v9  }
0x407: {  	v8 =	vmov s14;
	v9 =	vld [tilespmem:s10+$0xFFFFFF10]  }
0x408: {  	v8 =	vand.u32 $0x3C, v8  }
0x409: {  	v10 =	vadd.s32 v0, v8;
	_ =	sdelay $0x2  }
0x40a: {  	v9 =	vadd.f32 v9, v4;
	_ =	sdelay $0x1  }
0x40b: {  	[tilespmem:v10+s28+$0x0] =	vst.idx.msk $0xffff, v9  }
0x40c: {  	v9 =	vld [tilespmem:s10+$0xFFFFFF20];
	_ =	sdelay $0x1  }
0x40d: {  	v10 =	vadd.s32 v1, v8;
	_ =	sdelay $0x2  }
0x40e: {  	v9 =	vadd.f32 v9, v5;
	_ =	sdelay $0x1  }
0x40f: {  	[tilespmem:v10+s28+$0x0] =	vst.idx.msk $0xffff, v9  }
0x410: {  	v9 =	vld [tilespmem:s10+$0xFFFFFF30];
	_ =	sdelay $0x1  }
0x411: {  	v10 =	vadd.s32 v2, v8;
	_ =	sdelay $0x2  }
0x412: {  	v9 =	vadd.f32 v9, v6;
	_ =	sdelay $0x1  }
0x413: {  	[tilespmem:v10+s28+$0x0] =	vst.idx.msk $0xffff, v9  }
0x414: {  	v9 =	vld [tilespmem:s10+$0xFFFFFF40];
	_ =	sdelay $0x1  }
0x415: {  	v8 =	vadd.s32 v3, v8;
	_ =	sdelay $0x2  }
0x416: {  	v9 =	vadd.f32 v9, v7;
	_ =	sdelay $0x1  }
0x417: {  	s15 =	sadd.s32 $0x1, s14;
	[tilespmem:v8+s28+$0x0] =	vst.idx.msk $0xffff, v9  }
0x418: {  	v8 =	vmov s15;
	v9 =	vld [tilespmem:s10+$0xFFFFFF50]  }
0x419: {  	v8 =	vand.u32 $0x3D, v8  }
0x41a: {  	v10 =	vadd.s32 v0, v8;
	_ =	sdelay $0x2  }
0x41b: {  	v9 =	vadd.f32 v9, v4;
	_ =	sdelay $0x1  }
0x41c: {  	[tilespmem:v10+s28+$0x0] =	vst.idx.msk $0xffff, v9  }
0x41d: {  	v9 =	vld [tilespmem:s10+$0xFFFFFF60];
	_ =	sdelay $0x1  }
0x41e: {  	v10 =	vadd.s32 v1, v8;
	_ =	sdelay $0x2  }
0x41f: {  	v9 =	vadd.f32 v9, v5;
	_ =	sdelay $0x1  }
0x420: {  	[tilespmem:v10+s28+$0x0] =	vst.idx.msk $0xffff, v9  }
0x421: {  	v9 =	vld [tilespmem:s10+$0xFFFFFF70];
	_ =	sdelay $0x1  }
0x422: {  	v10 =	vadd.s32 v2, v8;
	_ =	sdelay $0x2  }
0x423: {  	v9 =	vadd.f32 v9, v6;
	_ =	sdelay $0x1  }
0x424: {  	[tilespmem:v10+s28+$0x0] =	vst.idx.msk $0xffff, v9  }
0x425: {  	v9 =	vld [tilespmem:s10+$0xFFFFFF80];
	_ =	sdelay $0x1  }
0x426: {  	v8 =	vadd.s32 v3, v8;
	_ =	sdelay $0x2  }
0x427: {  	v9 =	vadd.f32 v9, v7;
	_ =	sdelay $0x1  }
0x428: {  	s15 =	sadd.s32 $0x2, s14;
	[tilespmem:v8+s28+$0x0] =	vst.idx.msk $0xffff, v9  }
0x429: {  	v8 =	vmov s15;
	v9 =	vld [tilespmem:s10+$0xFFFFFF90]  }
0x42a: {  	v8 =	vand.u32 $0x3E, v8  }
0x42b: {  	v10 =	vadd.s32 v0, v8;
	_ =	sdelay $0x2  }
0x42c: {  	v9 =	vadd.f32 v9, v4;
	_ =	sdelay $0x1  }
0x42d: {  	[tilespmem:v10+s28+$0x0] =	vst.idx.msk $0xffff, v9  }
0x42e: {  	v9 =	vld [tilespmem:s10+$0xFFFFFFA0];
	_ =	sdelay $0x1  }
0x42f: {  	v10 =	vadd.s32 v1, v8;
	_ =	sdelay $0x2  }
0x430: {  	v9 =	vadd.f32 v9, v5;
	_ =	sdelay $0x1  }
0x431: {  	[tilespmem:v10+s28+$0x0] =	vst.idx.msk $0xffff, v9  }
0x432: {  	v9 =	vld [tilespmem:s10+$0xFFFFFFB0];
	_ =	sdelay $0x1  }
0x433: {  	v10 =	vadd.s32 v2, v8;
	_ =	sdelay $0x2  }
0x434: {  	v9 =	vadd.f32 v9, v6;
	_ =	sdelay $0x1  }
0x435: {  	[tilespmem:v10+s28+$0x0] =	vst.idx.msk $0xffff, v9  }
0x436: {  	v9 =	vld [tilespmem:s10+$0xFFFFFFC0];
	_ =	sdelay $0x1  }
0x437: {  	v8 =	vadd.s32 v3, v8;
	_ =	sdelay $0x2  }
0x438: {  	v9 =	vadd.f32 v9, v7;
	_ =	sdelay $0x1  }
0x439: {  	s14 =	sadd.s32 $0x3, s14;
	[tilespmem:v8+s28+$0x0] =	vst.idx.msk $0xffff, v9  }
0x43a: {  	v8 =	vmov s14;
	v9 =	vld [tilespmem:s10+$0xFFFFFFD0]  }
0x43b: {  	v8 =	vand.u32 $0x3F, v8  }
0x43c: {  	v10 =	vadd.s32 v0, v8;
	_ =	sdelay $0x2  }
0x43d: {  	v9 =	vadd.f32 v9, v4;
	_ =	sdelay $0x1  }
0x43e: {  	[tilespmem:v10+s28+$0x0] =	vst.idx.msk $0xffff, v9  }
0x43f: {  	v9 =	vld [tilespmem:s10+$0xFFFFFFE0];
	_ =	sdelay $0x1  }
0x440: {  	v10 =	vadd.s32 v1, v8;
	_ =	sdelay $0x2  }
0x441: {  	v9 =	vadd.f32 v9, v5;
	_ =	sdelay $0x1  }
0x442: {  	[tilespmem:v10+s28+$0x0] =	vst.idx.msk $0xffff, v9  }
0x443: {  	v9 =	vld [tilespmem:s10+$0xFFFFFFF0];
	_ =	sdelay $0x1  }
0x444: {  	v10 =	vadd.s32 v2, v8;
	_ =	sdelay $0x2  }
0x445: {  	v9 =	vadd.f32 v9, v6;
	_ =	sdelay $0x1  }
0x446: {  	[tilespmem:v10+s28+$0x0] =	vst.idx.msk $0xffff, v9  }
0x447: {  	v9 =	vld [tilespmem:s10+$0x0]  }
.Ltmp7:
0x448: {  	(pc) =	sbr.rel @p0 .LBB2_17-.Ltmp7, $2  }
0x449: {  	v8 =	vadd.s32 v3, v8;
	_ =	sdelay $0x2  }
0x44a: {  	v9 =	vadd.f32 v9, v7  }
0x44b: {  	_ =	sdelay $0x3  }
0x44c: {  	[tilespmem:v8+s28+$0x0] =	vst.idx.msk $0xffff, v9  }
0x44d: {  	_ =	swait.ge [sflag:s26], $0x800  }
0x44e: {  	[sflag:s26] =	ssyncset.done $0x0  }
0x44f: {  	s12 =	simm.s32 $0x40;
	s10 =	simm.s32 $0x94F0;
	[sflag:s26] =	ssyncadd.s32 $0xFFFFF800  }
0x450: {  	v8 =	vmov s12;
	v9 =	vld [tilespmem:s10+$0xFFFFFF10]  }
0x451: {  	v8 =	vand.u32 $0x7C, v8  }
0x452: {  	v10 =	vadd.s32 v0, v8;
	_ =	sdelay $0x2  }
0x453: {  	v9 =	vadd.f32 v9, v4;
	_ =	sdelay $0x1  }
0x454: {  	[tilespmem:v10+s28+$0x0] =	vst.idx.msk $0xffff, v9  }
0x455: {  	v9 =	vld [tilespmem:s10+$0xFFFFFF20];
	_ =	sdelay $0x1  }
0x456: {  	v10 =	vadd.s32 v1, v8;
	_ =	sdelay $0x2  }
0x457: {  	v9 =	vadd.f32 v9, v5;
	_ =	sdelay $0x1  }
0x458: {  	[tilespmem:v10+s28+$0x0] =	vst.idx.msk $0xffff, v9  }
0x459: {  	v9 =	vld [tilespmem:s10+$0xFFFFFF30];
	_ =	sdelay $0x1  }
0x45a: {  	v10 =	vadd.s32 v2, v8;
	_ =	sdelay $0x2  }
0x45b: {  	v9 =	vadd.f32 v9, v6;
	_ =	sdelay $0x1  }
0x45c: {  	[tilespmem:v10+s28+$0x0] =	vst.idx.msk $0xffff, v9  }
0x45d: {  	v9 =	vld [tilespmem:s10+$0xFFFFFF40];
	_ =	sdelay $0x1  }
0x45e: {  	v8 =	vadd.s32 v3, v8;
	_ =	sdelay $0x2  }
0x45f: {  	v9 =	vadd.f32 v9, v7;
	_ =	sdelay $0x1  }
0x460: {  	s15 =	simm.s32 $0x41;
	[tilespmem:v8+s28+$0x0] =	vst.idx.msk $0xffff, v9  }
0x461: {  	v8 =	vmov s15;
	v9 =	vld [tilespmem:s10+$0xFFFFFF50]  }
0x462: {  	v8 =	vand.u32 $0x7D, v8  }
0x463: {  	v10 =	vadd.s32 v0, v8;
	_ =	sdelay $0x2  }
0x464: {  	v9 =	vadd.f32 v9, v4;
	_ =	sdelay $0x1  }
0x465: {  	[tilespmem:v10+s28+$0x0] =	vst.idx.msk $0xffff, v9  }
0x466: {  	v9 =	vld [tilespmem:s10+$0xFFFFFF60];
	_ =	sdelay $0x1  }
0x467: {  	v10 =	vadd.s32 v1, v8;
	_ =	sdelay $0x2  }
0x468: {  	v9 =	vadd.f32 v9, v5;
	_ =	sdelay $0x1  }
0x469: {  	[tilespmem:v10+s28+$0x0] =	vst.idx.msk $0xffff, v9  }
0x46a: {  	v9 =	vld [tilespmem:s10+$0xFFFFFF70];
	_ =	sdelay $0x1  }
0x46b: {  	v10 =	vadd.s32 v2, v8;
	_ =	sdelay $0x2  }
0x46c: {  	v9 =	vadd.f32 v9, v6;
	_ =	sdelay $0x1  }
0x46d: {  	[tilespmem:v10+s28+$0x0] =	vst.idx.msk $0xffff, v9  }
0x46e: {  	v9 =	vld [tilespmem:s10+$0xFFFFFF80];
	_ =	sdelay $0x1  }
0x46f: {  	v8 =	vadd.s32 v3, v8;
	_ =	sdelay $0x2  }
0x470: {  	v9 =	vadd.f32 v9, v7;
	_ =	sdelay $0x1  }
0x471: {  	s16 =	simm.s32 $0x42;
	[tilespmem:v8+s28+$0x0] =	vst.idx.msk $0xffff, v9  }
0x472: {  	v8 =	vmov s16;
	v9 =	vld [tilespmem:s10+$0xFFFFFF90]  }
0x473: {  	v8 =	vand.u32 $0x7E, v8  }
0x474: {  	v10 =	vadd.s32 v0, v8;
	_ =	sdelay $0x2  }
0x475: {  	v9 =	vadd.f32 v9, v4;
	_ =	sdelay $0x1  }
0x476: {  	[tilespmem:v10+s28+$0x0] =	vst.idx.msk $0xffff, v9  }
0x477: {  	v9 =	vld [tilespmem:s10+$0xFFFFFFA0];
	_ =	sdelay $0x1  }
0x478: {  	v10 =	vadd.s32 v1, v8;
	_ =	sdelay $0x2  }
0x479: {  	v9 =	vadd.f32 v9, v5;
	_ =	sdelay $0x1  }
0x47a: {  	[tilespmem:v10+s28+$0x0] =	vst.idx.msk $0xffff, v9  }
0x47b: {  	v9 =	vld [tilespmem:s10+$0xFFFFFFB0];
	_ =	sdelay $0x1  }
0x47c: {  	v10 =	vadd.s32 v2, v8;
	_ =	sdelay $0x2  }
0x47d: {  	v9 =	vadd.f32 v9, v6;
	_ =	sdelay $0x1  }
0x47e: {  	[tilespmem:v10+s28+$0x0] =	vst.idx.msk $0xffff, v9  }
0x47f: {  	v9 =	vld [tilespmem:s10+$0xFFFFFFC0];
	_ =	sdelay $0x1  }
0x480: {  	v8 =	vadd.s32 v3, v8;
	_ =	sdelay $0x2  }
0x481: {  	v9 =	vadd.f32 v9, v7;
	_ =	sdelay $0x1  }
0x482: {  	s17 =	simm.s32 $0x43;
	[tilespmem:v8+s28+$0x0] =	vst.idx.msk $0xffff, v9  }
0x483: {  	v8 =	vmov s17;
	v9 =	vld [tilespmem:s10+$0xFFFFFFD0]  }
0x484: {  	v8 =	vand.u32 $0x7F, v8  }
0x485: {  	v10 =	vadd.s32 v0, v8;
	_ =	sdelay $0x2  }
0x486: {  	v9 =	vadd.f32 v9, v4;
	_ =	sdelay $0x1  }
0x487: {  	[tilespmem:v10+s28+$0x0] =	vst.idx.msk $0xffff, v9  }
0x488: {  	v9 =	vld [tilespmem:s10+$0xFFFFFFE0];
	_ =	sdelay $0x1  }
0x489: {  	v10 =	vadd.s32 v1, v8;
	_ =	sdelay $0x2  }
0x48a: {  	v9 =	vadd.f32 v9, v5;
	_ =	sdelay $0x1  }
0x48b: {  	[tilespmem:v10+s28+$0x0] =	vst.idx.msk $0xffff, v9  }
0x48c: {  	v9 =	vld [tilespmem:s10+$0xFFFFFFF0];
	_ =	sdelay $0x1  }
0x48d: {  	v10 =	vadd.s32 v2, v8;
	_ =	sdelay $0x2  }
0x48e: {  	v9 =	vadd.f32 v9, v6;
	_ =	sdelay $0x1  }
0x48f: {  	[tilespmem:v10+s28+$0x0] =	vst.idx.msk $0xffff, v9  }
0x490: {  	v9 =	vld [tilespmem:s10+$0x0];
	_ =	sdelay $0x1  }
0x491: {  	v8 =	vadd.s32 v3, v8;
	_ =	sdelay $0x2  }
0x492: {  	s12 =	simm.s32 $0x44;
	v9 =	vadd.f32 v9, v7  }
.LBB2_19:
0x493: {  	p0 =	sne.s32 s12, $0x5C  }
0x494: {  	s10 =	sadd.s32 $0x100, s10;
	s14 =	smov.u32 s12;
	s12 =	sadd.s32 $0x4, s12;
	[tilespmem:v8+s28+$0x0] =	vst.idx.msk $0xffff, v9  }
0x495: {  	v8 =	vmov s14;
	v9 =	vld [tilespmem:s10+$0xFFFFFF10]  }
0x496: {  	v8 =	vand.u32 $0x7C, v8  }
0x497: {  	v10 =	vadd.s32 v0, v8;
	_ =	sdelay $0x2  }
0x498: {  	v9 =	vadd.f32 v9, v4;
	_ =	sdelay $0x1  }
0x499: {  	[tilespmem:v10+s28+$0x0] =	vst.idx.msk $0xffff, v9  }
0x49a: {  	v9 =	vld [tilespmem:s10+$0xFFFFFF20];
	_ =	sdelay $0x1  }
0x49b: {  	v10 =	vadd.s32 v1, v8;
	_ =	sdelay $0x2  }
0x49c: {  	v9 =	vadd.f32 v9, v5;
	_ =	sdelay $0x1  }
0x49d: {  	[tilespmem:v10+s28+$0x0] =	vst.idx.msk $0xffff, v9  }
0x49e: {  	v9 =	vld [tilespmem:s10+$0xFFFFFF30];
	_ =	sdelay $0x1  }
0x49f: {  	v10 =	vadd.s32 v2, v8;
	_ =	sdelay $0x2  }
0x4a0: {  	v9 =	vadd.f32 v9, v6;
	_ =	sdelay $0x1  }
0x4a1: {  	[tilespmem:v10+s28+$0x0] =	vst.idx.msk $0xffff, v9  }
0x4a2: {  	v9 =	vld [tilespmem:s10+$0xFFFFFF40];
	_ =	sdelay $0x1  }
0x4a3: {  	v8 =	vadd.s32 v3, v8;
	_ =	sdelay $0x2  }
0x4a4: {  	v9 =	vadd.f32 v9, v7;
	_ =	sdelay $0x1  }
0x4a5: {  	s15 =	sadd.s32 $0x1, s14;
	[tilespmem:v8+s28+$0x0] =	vst.idx.msk $0xffff, v9  }
0x4a6: {  	v8 =	vmov s15;
	v9 =	vld [tilespmem:s10+$0xFFFFFF50]  }
0x4a7: {  	v8 =	vand.u32 $0x7D, v8  }
0x4a8: {  	v10 =	vadd.s32 v0, v8;
	_ =	sdelay $0x2  }
0x4a9: {  	v9 =	vadd.f32 v9, v4;
	_ =	sdelay $0x1  }
0x4aa: {  	[tilespmem:v10+s28+$0x0] =	vst.idx.msk $0xffff, v9  }
0x4ab: {  	v9 =	vld [tilespmem:s10+$0xFFFFFF60];
	_ =	sdelay $0x1  }
0x4ac: {  	v10 =	vadd.s32 v1, v8;
	_ =	sdelay $0x2  }
0x4ad: {  	v9 =	vadd.f32 v9, v5;
	_ =	sdelay $0x1  }
0x4ae: {  	[tilespmem:v10+s28+$0x0] =	vst.idx.msk $0xffff, v9  }
0x4af: {  	v9 =	vld [tilespmem:s10+$0xFFFFFF70];
	_ =	sdelay $0x1  }
0x4b0: {  	v10 =	vadd.s32 v2, v8;
	_ =	sdelay $0x2  }
0x4b1: {  	v9 =	vadd.f32 v9, v6;
	_ =	sdelay $0x1  }
0x4b2: {  	[tilespmem:v10+s28+$0x0] =	vst.idx.msk $0xffff, v9  }
0x4b3: {  	v9 =	vld [tilespmem:s10+$0xFFFFFF80];
	_ =	sdelay $0x1  }
0x4b4: {  	v8 =	vadd.s32 v3, v8;
	_ =	sdelay $0x2  }
0x4b5: {  	v9 =	vadd.f32 v9, v7;
	_ =	sdelay $0x1  }
0x4b6: {  	s15 =	sadd.s32 $0x2, s14;
	[tilespmem:v8+s28+$0x0] =	vst.idx.msk $0xffff, v9  }
0x4b7: {  	v8 =	vmov s15;
	v9 =	vld [tilespmem:s10+$0xFFFFFF90]  }
0x4b8: {  	v8 =	vand.u32 $0x7E, v8  }
0x4b9: {  	v10 =	vadd.s32 v0, v8;
	_ =	sdelay $0x2  }
0x4ba: {  	v9 =	vadd.f32 v9, v4;
	_ =	sdelay $0x1  }
0x4bb: {  	[tilespmem:v10+s28+$0x0] =	vst.idx.msk $0xffff, v9  }
0x4bc: {  	v9 =	vld [tilespmem:s10+$0xFFFFFFA0];
	_ =	sdelay $0x1  }
0x4bd: {  	v10 =	vadd.s32 v1, v8;
	_ =	sdelay $0x2  }
0x4be: {  	v9 =	vadd.f32 v9, v5;
	_ =	sdelay $0x1  }
0x4bf: {  	[tilespmem:v10+s28+$0x0] =	vst.idx.msk $0xffff, v9  }
0x4c0: {  	v9 =	vld [tilespmem:s10+$0xFFFFFFB0];
	_ =	sdelay $0x1  }
0x4c1: {  	v10 =	vadd.s32 v2, v8;
	_ =	sdelay $0x2  }
0x4c2: {  	v9 =	vadd.f32 v9, v6;
	_ =	sdelay $0x1  }
0x4c3: {  	[tilespmem:v10+s28+$0x0] =	vst.idx.msk $0xffff, v9  }
0x4c4: {  	v9 =	vld [tilespmem:s10+$0xFFFFFFC0];
	_ =	sdelay $0x1  }
0x4c5: {  	v8 =	vadd.s32 v3, v8;
	_ =	sdelay $0x2  }
0x4c6: {  	v9 =	vadd.f32 v9, v7;
	_ =	sdelay $0x1  }
0x4c7: {  	s14 =	sadd.s32 $0x3, s14;
	[tilespmem:v8+s28+$0x0] =	vst.idx.msk $0xffff, v9  }
0x4c8: {  	v8 =	vmov s14;
	v9 =	vld [tilespmem:s10+$0xFFFFFFD0]  }
0x4c9: {  	v8 =	vand.u32 $0x7F, v8  }
0x4ca: {  	v10 =	vadd.s32 v0, v8;
	_ =	sdelay $0x2  }
0x4cb: {  	v9 =	vadd.f32 v9, v4;
	_ =	sdelay $0x1  }
0x4cc: {  	[tilespmem:v10+s28+$0x0] =	vst.idx.msk $0xffff, v9  }
0x4cd: {  	v9 =	vld [tilespmem:s10+$0xFFFFFFE0];
	_ =	sdelay $0x1  }
0x4ce: {  	v10 =	vadd.s32 v1, v8;
	_ =	sdelay $0x2  }
0x4cf: {  	v9 =	vadd.f32 v9, v5;
	_ =	sdelay $0x1  }
0x4d0: {  	[tilespmem:v10+s28+$0x0] =	vst.idx.msk $0xffff, v9  }
0x4d1: {  	v9 =	vld [tilespmem:s10+$0xFFFFFFF0];
	_ =	sdelay $0x1  }
0x4d2: {  	v10 =	vadd.s32 v2, v8;
	_ =	sdelay $0x2  }
0x4d3: {  	v9 =	vadd.f32 v9, v6;
	_ =	sdelay $0x1  }
0x4d4: {  	[tilespmem:v10+s28+$0x0] =	vst.idx.msk $0xffff, v9  }
0x4d5: {  	v9 =	vld [tilespmem:s10+$0x0]  }
.Ltmp8:
0x4d6: {  	(pc) =	sbr.rel @p0 .LBB2_19-.Ltmp8, $2  }
0x4d7: {  	v8 =	vadd.s32 v3, v8;
	_ =	sdelay $0x2  }
0x4d8: {  	v9 =	vadd.f32 v9, v7  }
0x4d9: {  	_ =	sdelay $0x3  }
0x4da: {  	[tilespmem:v8+s28+$0x0] =	vst.idx.msk $0xffff, v9  }
0x4db: {  	_ =	swait.ge [sflag:s26], $0x800  }
0x4dc: {  	[sflag:s26] =	ssyncset.done $0x0  }
0x4dd: {  	s12 =	simm.s32 $0x60;
	s10 =	simm.s32 $0x9CF0;
	[sflag:s26] =	ssyncadd.s32 $0xFFFFF800  }
0x4de: {  	v8 =	vmov s12;
	v9 =	vld [tilespmem:s10+$0xFFFFFF10]  }
0x4df: {  	v8 =	vand.u32 $0x7C, v8  }
0x4e0: {  	v10 =	vadd.s32 v0, v8;
	_ =	sdelay $0x2  }
0x4e1: {  	v9 =	vadd.f32 v9, v4;
	_ =	sdelay $0x1  }
0x4e2: {  	[tilespmem:v10+s28+$0x0] =	vst.idx.msk $0xffff, v9  }
0x4e3: {  	v9 =	vld [tilespmem:s10+$0xFFFFFF20];
	_ =	sdelay $0x1  }
0x4e4: {  	v10 =	vadd.s32 v1, v8;
	_ =	sdelay $0x2  }
0x4e5: {  	v9 =	vadd.f32 v9, v5;
	_ =	sdelay $0x1  }
0x4e6: {  	[tilespmem:v10+s28+$0x0] =	vst.idx.msk $0xffff, v9  }
0x4e7: {  	v9 =	vld [tilespmem:s10+$0xFFFFFF30];
	_ =	sdelay $0x1  }
0x4e8: {  	v10 =	vadd.s32 v2, v8;
	_ =	sdelay $0x2  }
0x4e9: {  	v9 =	vadd.f32 v9, v6;
	_ =	sdelay $0x1  }
0x4ea: {  	[tilespmem:v10+s28+$0x0] =	vst.idx.msk $0xffff, v9  }
0x4eb: {  	v9 =	vld [tilespmem:s10+$0xFFFFFF40];
	_ =	sdelay $0x1  }
0x4ec: {  	v8 =	vadd.s32 v3, v8;
	_ =	sdelay $0x2  }
0x4ed: {  	v9 =	vadd.f32 v9, v7;
	_ =	sdelay $0x1  }
0x4ee: {  	s15 =	simm.s32 $0x61;
	[tilespmem:v8+s28+$0x0] =	vst.idx.msk $0xffff, v9  }
0x4ef: {  	v8 =	vmov s15;
	v9 =	vld [tilespmem:s10+$0xFFFFFF50]  }
0x4f0: {  	v8 =	vand.u32 $0x7D, v8  }
0x4f1: {  	v10 =	vadd.s32 v0, v8;
	_ =	sdelay $0x2  }
0x4f2: {  	v9 =	vadd.f32 v9, v4;
	_ =	sdelay $0x1  }
0x4f3: {  	[tilespmem:v10+s28+$0x0] =	vst.idx.msk $0xffff, v9  }
0x4f4: {  	v9 =	vld [tilespmem:s10+$0xFFFFFF60];
	_ =	sdelay $0x1  }
0x4f5: {  	v10 =	vadd.s32 v1, v8;
	_ =	sdelay $0x2  }
0x4f6: {  	v9 =	vadd.f32 v9, v5;
	_ =	sdelay $0x1  }
0x4f7: {  	[tilespmem:v10+s28+$0x0] =	vst.idx.msk $0xffff, v9  }
0x4f8: {  	v9 =	vld [tilespmem:s10+$0xFFFFFF70];
	_ =	sdelay $0x1  }
0x4f9: {  	v10 =	vadd.s32 v2, v8;
	_ =	sdelay $0x2  }
0x4fa: {  	v9 =	vadd.f32 v9, v6;
	_ =	sdelay $0x1  }
0x4fb: {  	[tilespmem:v10+s28+$0x0] =	vst.idx.msk $0xffff, v9  }
0x4fc: {  	v9 =	vld [tilespmem:s10+$0xFFFFFF80];
	_ =	sdelay $0x1  }
0x4fd: {  	v8 =	vadd.s32 v3, v8;
	_ =	sdelay $0x2  }
0x4fe: {  	v9 =	vadd.f32 v9, v7;
	_ =	sdelay $0x1  }
0x4ff: {  	s16 =	simm.s32 $0x62;
	[tilespmem:v8+s28+$0x0] =	vst.idx.msk $0xffff, v9  }
0x500: {  	v8 =	vmov s16;
	v9 =	vld [tilespmem:s10+$0xFFFFFF90]  }
0x501: {  	v8 =	vand.u32 $0x7E, v8  }
0x502: {  	v10 =	vadd.s32 v0, v8;
	_ =	sdelay $0x2  }
0x503: {  	v9 =	vadd.f32 v9, v4;
	_ =	sdelay $0x1  }
0x504: {  	[tilespmem:v10+s28+$0x0] =	vst.idx.msk $0xffff, v9  }
0x505: {  	v9 =	vld [tilespmem:s10+$0xFFFFFFA0];
	_ =	sdelay $0x1  }
0x506: {  	v10 =	vadd.s32 v1, v8;
	_ =	sdelay $0x2  }
0x507: {  	v9 =	vadd.f32 v9, v5;
	_ =	sdelay $0x1  }
0x508: {  	[tilespmem:v10+s28+$0x0] =	vst.idx.msk $0xffff, v9  }
0x509: {  	v9 =	vld [tilespmem:s10+$0xFFFFFFB0];
	_ =	sdelay $0x1  }
0x50a: {  	v10 =	vadd.s32 v2, v8;
	_ =	sdelay $0x2  }
0x50b: {  	v9 =	vadd.f32 v9, v6;
	_ =	sdelay $0x1  }
0x50c: {  	[tilespmem:v10+s28+$0x0] =	vst.idx.msk $0xffff, v9  }
0x50d: {  	v9 =	vld [tilespmem:s10+$0xFFFFFFC0];
	_ =	sdelay $0x1  }
0x50e: {  	v8 =	vadd.s32 v3, v8;
	_ =	sdelay $0x2  }
0x50f: {  	v9 =	vadd.f32 v9, v7;
	_ =	sdelay $0x1  }
0x510: {  	s17 =	simm.s32 $0x63;
	[tilespmem:v8+s28+$0x0] =	vst.idx.msk $0xffff, v9  }
0x511: {  	v8 =	vmov s17;
	v9 =	vld [tilespmem:s10+$0xFFFFFFD0]  }
0x512: {  	v8 =	vand.u32 $0x7F, v8  }
0x513: {  	v10 =	vadd.s32 v0, v8;
	_ =	sdelay $0x2  }
0x514: {  	v9 =	vadd.f32 v9, v4;
	_ =	sdelay $0x1  }
0x515: {  	[tilespmem:v10+s28+$0x0] =	vst.idx.msk $0xffff, v9  }
0x516: {  	v9 =	vld [tilespmem:s10+$0xFFFFFFE0];
	_ =	sdelay $0x1  }
0x517: {  	v10 =	vadd.s32 v1, v8;
	_ =	sdelay $0x2  }
0x518: {  	v9 =	vadd.f32 v9, v5;
	_ =	sdelay $0x1  }
0x519: {  	[tilespmem:v10+s28+$0x0] =	vst.idx.msk $0xffff, v9  }
0x51a: {  	v9 =	vld [tilespmem:s10+$0xFFFFFFF0];
	_ =	sdelay $0x1  }
0x51b: {  	v10 =	vadd.s32 v2, v8;
	_ =	sdelay $0x2  }
0x51c: {  	v9 =	vadd.f32 v9, v6;
	_ =	sdelay $0x1  }
0x51d: {  	[tilespmem:v10+s28+$0x0] =	vst.idx.msk $0xffff, v9  }
0x51e: {  	v9 =	vld [tilespmem:s10+$0x0];
	_ =	sdelay $0x1  }
0x51f: {  	v8 =	vadd.s32 v3, v8;
	_ =	sdelay $0x2  }
0x520: {  	s12 =	simm.s32 $0x64;
	v9 =	vadd.f32 v9, v7  }
.LBB2_21:
0x521: {  	p0 =	sne.s32 s12, $0x7C  }
0x522: {  	s10 =	sadd.s32 $0x100, s10;
	s14 =	smov.u32 s12;
	s12 =	sadd.s32 $0x4, s12;
	[tilespmem:v8+s28+$0x0] =	vst.idx.msk $0xffff, v9  }
0x523: {  	v8 =	vmov s14;
	v9 =	vld [tilespmem:s10+$0xFFFFFF10]  }
0x524: {  	v8 =	vand.u32 $0x7C, v8  }
0x525: {  	v10 =	vadd.s32 v0, v8;
	_ =	sdelay $0x2  }
0x526: {  	v9 =	vadd.f32 v9, v4;
	_ =	sdelay $0x1  }
0x527: {  	[tilespmem:v10+s28+$0x0] =	vst.idx.msk $0xffff, v9  }
0x528: {  	v9 =	vld [tilespmem:s10+$0xFFFFFF20];
	_ =	sdelay $0x1  }
0x529: {  	v10 =	vadd.s32 v1, v8;
	_ =	sdelay $0x2  }
0x52a: {  	v9 =	vadd.f32 v9, v5;
	_ =	sdelay $0x1  }
0x52b: {  	[tilespmem:v10+s28+$0x0] =	vst.idx.msk $0xffff, v9  }
0x52c: {  	v9 =	vld [tilespmem:s10+$0xFFFFFF30];
	_ =	sdelay $0x1  }
0x52d: {  	v10 =	vadd.s32 v2, v8;
	_ =	sdelay $0x2  }
0x52e: {  	v9 =	vadd.f32 v9, v6;
	_ =	sdelay $0x1  }
0x52f: {  	[tilespmem:v10+s28+$0x0] =	vst.idx.msk $0xffff, v9  }
0x530: {  	v9 =	vld [tilespmem:s10+$0xFFFFFF40];
	_ =	sdelay $0x1  }
0x531: {  	v8 =	vadd.s32 v3, v8;
	_ =	sdelay $0x2  }
0x532: {  	v9 =	vadd.f32 v9, v7;
	_ =	sdelay $0x1  }
0x533: {  	s15 =	sadd.s32 $0x1, s14;
	[tilespmem:v8+s28+$0x0] =	vst.idx.msk $0xffff, v9  }
0x534: {  	v8 =	vmov s15;
	v9 =	vld [tilespmem:s10+$0xFFFFFF50]  }
0x535: {  	v8 =	vand.u32 $0x7D, v8  }
0x536: {  	v10 =	vadd.s32 v0, v8;
	_ =	sdelay $0x2  }
0x537: {  	v9 =	vadd.f32 v9, v4;
	_ =	sdelay $0x1  }
0x538: {  	[tilespmem:v10+s28+$0x0] =	vst.idx.msk $0xffff, v9  }
0x539: {  	v9 =	vld [tilespmem:s10+$0xFFFFFF60];
	_ =	sdelay $0x1  }
0x53a: {  	v10 =	vadd.s32 v1, v8;
	_ =	sdelay $0x2  }
0x53b: {  	v9 =	vadd.f32 v9, v5;
	_ =	sdelay $0x1  }
0x53c: {  	[tilespmem:v10+s28+$0x0] =	vst.idx.msk $0xffff, v9  }
0x53d: {  	v9 =	vld [tilespmem:s10+$0xFFFFFF70];
	_ =	sdelay $0x1  }
0x53e: {  	v10 =	vadd.s32 v2, v8;
	_ =	sdelay $0x2  }
0x53f: {  	v9 =	vadd.f32 v9, v6;
	_ =	sdelay $0x1  }
0x540: {  	[tilespmem:v10+s28+$0x0] =	vst.idx.msk $0xffff, v9  }
0x541: {  	v9 =	vld [tilespmem:s10+$0xFFFFFF80];
	_ =	sdelay $0x1  }
0x542: {  	v8 =	vadd.s32 v3, v8;
	_ =	sdelay $0x2  }
0x543: {  	v9 =	vadd.f32 v9, v7;
	_ =	sdelay $0x1  }
0x544: {  	s15 =	sadd.s32 $0x2, s14;
	[tilespmem:v8+s28+$0x0] =	vst.idx.msk $0xffff, v9  }
0x545: {  	v8 =	vmov s15;
	v9 =	vld [tilespmem:s10+$0xFFFFFF90]  }
0x546: {  	v8 =	vand.u32 $0x7E, v8  }
0x547: {  	v10 =	vadd.s32 v0, v8;
	_ =	sdelay $0x2  }
0x548: {  	v9 =	vadd.f32 v9, v4;
	_ =	sdelay $0x1  }
0x549: {  	[tilespmem:v10+s28+$0x0] =	vst.idx.msk $0xffff, v9  }
0x54a: {  	v9 =	vld [tilespmem:s10+$0xFFFFFFA0];
	_ =	sdelay $0x1  }
0x54b: {  	v10 =	vadd.s32 v1, v8;
	_ =	sdelay $0x2  }
0x54c: {  	v9 =	vadd.f32 v9, v5;
	_ =	sdelay $0x1  }
0x54d: {  	[tilespmem:v10+s28+$0x0] =	vst.idx.msk $0xffff, v9  }
0x54e: {  	v9 =	vld [tilespmem:s10+$0xFFFFFFB0];
	_ =	sdelay $0x1  }
0x54f: {  	v10 =	vadd.s32 v2, v8;
	_ =	sdelay $0x2  }
0x550: {  	v9 =	vadd.f32 v9, v6;
	_ =	sdelay $0x1  }
0x551: {  	[tilespmem:v10+s28+$0x0] =	vst.idx.msk $0xffff, v9  }
0x552: {  	v9 =	vld [tilespmem:s10+$0xFFFFFFC0];
	_ =	sdelay $0x1  }
0x553: {  	v8 =	vadd.s32 v3, v8;
	_ =	sdelay $0x2  }
0x554: {  	v9 =	vadd.f32 v9, v7;
	_ =	sdelay $0x1  }
0x555: {  	s14 =	sadd.s32 $0x3, s14;
	[tilespmem:v8+s28+$0x0] =	vst.idx.msk $0xffff, v9  }
0x556: {  	v8 =	vmov s14;
	v9 =	vld [tilespmem:s10+$0xFFFFFFD0]  }
0x557: {  	v8 =	vand.u32 $0x7F, v8  }
0x558: {  	v10 =	vadd.s32 v0, v8;
	_ =	sdelay $0x2  }
0x559: {  	v9 =	vadd.f32 v9, v4;
	_ =	sdelay $0x1  }
0x55a: {  	[tilespmem:v10+s28+$0x0] =	vst.idx.msk $0xffff, v9  }
0x55b: {  	v9 =	vld [tilespmem:s10+$0xFFFFFFE0];
	_ =	sdelay $0x1  }
0x55c: {  	v10 =	vadd.s32 v1, v8;
	_ =	sdelay $0x2  }
0x55d: {  	v9 =	vadd.f32 v9, v5;
	_ =	sdelay $0x1  }
0x55e: {  	[tilespmem:v10+s28+$0x0] =	vst.idx.msk $0xffff, v9  }
0x55f: {  	v9 =	vld [tilespmem:s10+$0xFFFFFFF0];
	_ =	sdelay $0x1  }
0x560: {  	v10 =	vadd.s32 v2, v8;
	_ =	sdelay $0x2  }
0x561: {  	v9 =	vadd.f32 v9, v6;
	_ =	sdelay $0x1  }
0x562: {  	[tilespmem:v10+s28+$0x0] =	vst.idx.msk $0xffff, v9  }
0x563: {  	v9 =	vld [tilespmem:s10+$0x0]  }
.Ltmp9:
0x564: {  	(pc) =	sbr.rel @p0 .LBB2_21-.Ltmp9, $2  }
0x565: {  	v8 =	vadd.s32 v3, v8;
	_ =	sdelay $0x2  }
0x566: {  	v9 =	vadd.f32 v9, v7  }
0x567: {  	_ = 	snop  }
0x568: {  	s9 =	sshll.u32 s9, $0x12  }
0x569: {  	s9 =	sor.u32 s5, s9  }
0x56a: {  	s9 =	sshrl.u32 s9, $0x3  }
0x56b: {  	s14 =	simm.s32 $0xC600;
	[tilespmem:v8+s28+$0x0] =	vst.idx.msk $0xffff, v9;
	s10 =	sadd.s32 s1, s9  }
0x56c: {  	[hbm4b:s10+s3] =	stream.linear.scatter [tilespmem:s14], [sflag:$0x4], $0x80, $0x38;
	[tilespmem:$0x11A00] =	vst v63  }
0x56d: {  	s15 =	simm.s32 $0xC688;
	s12 =	sadd.s32 $0x10, s10  }
0x56e: {  	[hbm4b:s12+s3] =	stream.linear.scatter [tilespmem:s15], [sflag:$0x4], $0x80, $0x38;
	[tilespmem:$0x11A00] =	vst v63  }
0x56f: {  	s16 =	simm.s32 $0xC710;
	s9 =	simm.s32 $0x440;
	s17 =	sadd.s32 $0x20, s10  }
0x570: {  	[hbm4b:s17+s3] =	stream.linear.scatter [tilespmem:s16], [sflag:$0x4], $0x80, $0x38;
	[tilespmem:$0x11A00] =	vst v63  }
0x571: {  	s14 =	simm.s32 $0xC798;
	s15 =	sadd.s32 $0x30, s10;
	s12 =	simm.s32 $0x2200  }
0x572: {  	[hbm4b:s15+s3] =	stream.linear.scatter [tilespmem:s14], [sflag:$0x4], $0x80, $0x38;
	[tilespmem:$0x11A00] =	vst v63  }
0x573: {  	s16 =	simm.s32 $0xC820;
	s17 =	sadd.s32 $0x40, s10;
	s14 =	simm.s32 $0xC8A8  }
0x574: {  	[hbm4b:s17+s3] =	stream.linear.scatter [tilespmem:s16], [sflag:$0x4], $0x80, $0x38;
	[tilespmem:$0x11A00] =	vst v63  }
0x575: {  	s15 =	sadd.s32 $0x50, s10;
	s16 =	simm.s32 $0xC930;
	s17 =	sadd.s32 $0x60, s10  }
0x576: {  	[hbm4b:s15+s3] =	stream.linear.scatter [tilespmem:s14], [sflag:$0x4], $0x80, $0x38;
	[tilespmem:$0x11A00] =	vst v63  }
0x577: {  	s14 =	simm.s32 $0xC9B8;
	s15 =	sadd.s32 $0x70, s10;
	s10 =	sadd.s32 $0x1000, s10  }
0x578: {  	[hbm4b:s17+s3] =	stream.linear.scatter [tilespmem:s16], [sflag:$0x4], $0x80, $0x38;
	[tilespmem:$0x11A00] =	vst v63  }
.LBB2_23:
0x579: {  	[hbm4b:s15+s3] =	stream.linear.scatter [tilespmem:s14], [sflag:$0x4], $0x80, $0x38;
	[tilespmem:$0x11A00] =	vst v63  }
0x57a: {  	s14 =	smov.u32 s9;
	s9 =	smov.u32 s12  }
0x57b: {  	s16 =	sadd.s32 $0x1100, s12;
	s9 =	sshra.s32 s9, $0x2;
	s15 =	sadd.s32 $0xC600, s14  }
0x57c: {  	[hbm4b:s10+s3] =	stream.linear.scatter [tilespmem:s15], [sflag:$0x4], $0x80, $0x38;
	[tilespmem:$0x11A00] =	vst v63  }
0x57d: {  	p0 =	sne.s32 s12, $0x7700;
	s12 =	sadd.s32 $0xC688, s14;
	s15 =	sadd.s32 $0x10, s10  }
0x57e: {  	[hbm4b:s15+s3] =	stream.linear.scatter [tilespmem:s12], [sflag:$0x4], $0x80, $0x38;
	[tilespmem:$0x11A00] =	vst v63  }
0x57f: {  	s12 =	sadd.s32 $0xC710, s14;
	s15 =	sadd.s32 $0x20, s10  }
0x580: {  	[hbm4b:s15+s3] =	stream.linear.scatter [tilespmem:s12], [sflag:$0x4], $0x80, $0x38;
	[tilespmem:$0x11A00] =	vst v63  }
0x581: {  	s12 =	sadd.s32 $0xC798, s14;
	s15 =	sadd.s32 $0x30, s10  }
0x582: {  	[hbm4b:s15+s3] =	stream.linear.scatter [tilespmem:s12], [sflag:$0x4], $0x80, $0x38;
	[tilespmem:$0x11A00] =	vst v63  }
0x583: {  	s12 =	sadd.s32 $0xC820, s14;
	s15 =	sadd.s32 $0x40, s10  }
0x584: {  	[hbm4b:s15+s3] =	stream.linear.scatter [tilespmem:s12], [sflag:$0x4], $0x80, $0x38;
	[tilespmem:$0x11A00] =	vst v63  }
.Ltmp10:
0x585: {  	s12 =	sadd.s32 $0xC8A8, s14;
	s15 =	sadd.s32 $0x50, s10;
	(pc) =	sbr.rel @p0 .LBB2_23-.Ltmp10, $4  }
0x586: {  	[hbm4b:s15+s3] =	stream.linear.scatter [tilespmem:s12], [sflag:$0x4], $0x80, $0x38;
	[tilespmem:$0x11A00] =	vst v63  }
0x587: {  	s12 =	sadd.s32 $0xC930, s14;
	s15 =	sadd.s32 $0x60, s10;
	s14 =	sadd.s32 $0xC9B8, s14  }
0x588: {  	[hbm4b:s15+s3] =	stream.linear.scatter [tilespmem:s12], [sflag:$0x4], $0x80, $0x38;
	[tilespmem:$0x11A00] =	vst v63  }
0x589: {  	s15 =	sadd.s32 $0x70, s10;
	s10 =	sadd.s32 $0x1000, s10;
	s12 =	smov.u32 s16  }
0x58a: {  	[hbm4b:s15+s3] =	stream.linear.scatter [tilespmem:s14], [sflag:$0x4], $0x80, $0x38;
	[tilespmem:$0x11A00] =	vst v63  }
0x58b: {  	s12 =	sadd.s32 $0xC600, s9  }
0x58c: {  	[hbm4b:s10+s3] =	stream.linear.scatter [tilespmem:s12], [sflag:$0x4], $0x80, $0x38;
	[tilespmem:$0x11A00] =	vst v63  }
0x58d: {  	s16 =	sadd.s32 $0xC688, s9;
	s17 =	sadd.s32 $0x10, s10  }
0x58e: {  	[hbm4b:s17+s3] =	stream.linear.scatter [tilespmem:s16], [sflag:$0x4], $0x80, $0x38;
	[tilespmem:$0x11A00] =	vst v63  }
0x58f: {  	s14 =	sadd.s32 $0xC710, s9;
	s15 =	sadd.s32 $0x20, s10  }
0x590: {  	[hbm4b:s15+s3] =	stream.linear.scatter [tilespmem:s14], [sflag:$0x4], $0x80, $0x38;
	[tilespmem:$0x11A00] =	vst v63  }
0x591: {  	s16 =	sadd.s32 $0xC798, s9;
	s17 =	sadd.s32 $0x30, s10  }
0x592: {  	[hbm4b:s17+s3] =	stream.linear.scatter [tilespmem:s16], [sflag:$0x4], $0x80, $0x38;
	[tilespmem:$0x11A00] =	vst v63  }
0x593: {  	s2 =	sadd.s32 $0x1, s2;
	s14 =	sadd.s32 $0xC820, s9;
	s15 =	sadd.s32 $0x40, s10  }
0x594: {  	[hbm4b:s15+s3] =	stream.linear.scatter [tilespmem:s14], [sflag:$0x4], $0x80, $0x38;
	[tilespmem:$0x11A00] =	vst v63  }
0x595: {  	p0 =	sne.s32 s2, $0x64;
	s16 =	sadd.s32 $0xC8A8, s9;
	s17 =	sadd.s32 $0x50, s10  }
0x596: {  	[hbm4b:s17+s3] =	stream.linear.scatter [tilespmem:s16], [sflag:$0x4], $0x80, $0x38;
	[tilespmem:$0x11A00] =	vst v63  }
.Ltmp11:
0x597: {  	_ = 	snop;
	(pc) =	sbr.rel @p0 .LBB2_4-.Ltmp11, $4  }
0x598: {  	s14 =	sadd.s32 $0xC930, s9;
	s15 =	sadd.s32 $0x60, s10  }
0x599: {  	[hbm4b:s15+s3] =	stream.linear.scatter [tilespmem:s14], [sflag:$0x4], $0x80, $0x38;
	[tilespmem:$0x11A00] =	vst v63  }
0x59a: {  	s16 =	sadd.s32 $0xC9B8, s9;
	s17 =	sadd.s32 $0x70, s10  }
0x59b: {  	[hbm4b:s17+s3] =	stream.linear.scatter [tilespmem:s16], [sflag:$0x4], $0x80, $0x38;
	[tilespmem:$0x11A00] =	vst v63  }
0x59c: {  	s31 =	sadd.s32 $0x1, s31  }
0x59d: {  	_ =	swait.ge [sflag:s29], $0x2000;
	p0 =	sne.s32 s31, s8  }
.Ltmp12:
0x59e: {  	[sflag:s29] =	ssyncset.done $0x0;
	(pc) =	sbr.rel @p0 .LBB2_1-.Ltmp12, $4  }
0x59f: {  	[sflag:s29] =	ssyncadd.s32 $0xFFFFE000  }
0x5a0: {  	_ =	swait.ge [sflag:s30], $0x2000  }
0x5a1: {  	[sflag:s30] =	ssyncset.done $0x0  }
0x5a2: {  	[sflag:s30] =	ssyncadd.s32 $0xFFFFE000  }
0x5a3: {  	_ =	sfence.sel $0x180000  }
0x5a4: {  	[bflag:$0x0] =	sbarrier.arrive $0xFFFF  }
0x5a5: {  	_ =	strace $0x9000004A  }
0x5a6: {  	s0 =	stileid.u32;
	[bflag:$0x2] =	sbarrier.arrive $0xFFFF  }
0x5a7: {  	p0 =	sne.s32 s0, $0x0;
	s0 =	rddreg [dreg:$0x3]  }
0x5a8: {  	s0 =	sadd.s32 @!p0 $0x100000, s0  }
0x5a9: {  	[sflag:s0] =	ssyncadd.tile.s32 @!p0 $0x1;
	_ =	shalt  }
.Lfunc_end2:
_tile_overlayer_lowered:
.L_overlay_start_2:
0x5aa: {  	(tag) =	ssettag $0x2  }
0x5ab: {  	s0 =	rddreg [dreg:$0x0];
	s2 =	stileid.u32  }
0x5ac: {  	s1 =	rddreg [dreg:$0x1];
	p0 =	sne.s32 s2, $0x0  }
0x5ad: {  	s3 =	rddreg [dreg:$0x2];
	[bflag:$0x3] =	sbarrier.arrive $0xFFFF;
	s2 =	simm.s32 @!p0 $0x1C05  }
0x5ae: {  	[timem:s3], [sflag:s2] =	dma.local @!p0 [hbm:s0], s1  }
0x5af: {  	s0 =	simm.s32 @!p0 $0x5  }
0x5b0: {  	_ =	swait.ge @!p0 [sflag:s0], s1  }
0x5b1: {  	s1 =	ssub.s32 @!p0 $0x0, s1;
	[sflag:s0] =	ssyncset.done @!p0 $0x0  }
0x5b2: {  	[sflag:s0] =	ssyncadd.s32 @!p0 s1  }
0x5b3: {  	[bflag:$0x3] =	sbarrier.arrive $0xFFFF  }
0x5b4: {  	_ =	shalt  }

// kernel: sparse-core-data-format-call.cloned.1.call-start
scs
called_computation_lowered:
.L_overlay_start_0:
0x0: {  	s2 =	sld [smem:$0x3FD9]  }
0x1: {  	s3 =	sld [smem:$0x3FFE];
	_ =	sdelay $0x1  }
0x2: {  	s1 =	srdreg.scid  }
0x3: {  	s0 =	sand.u32 $0x1, s1  }
0x4: {  	s18 =	sshll.u32 s0, $0xA;
	s2 =	sadd.s32 s3, s2  }
0x5: {  	s2 =	sadd.s32 s2, s18  }
0x6: {  	[smem:$0x3FC5] =	sst s2  }
0x7: {  	_ = 	snop  }
0x8: {  	s2 =	sld [smem:$0x3FC8];
	(tm) =	ssettm $0x1  }
0x9: {  	s19 =	sld [smem:$0x3FFB];
	_ =	sdelay $0x3  }
0xa: {  	_ =	strace s19  }
0xb: {  	s3 =	sld [smem:$0x3FFC];
	_ =	sdelay $0x3  }
0xc: {  	_ =	strace s3  }
0xd: {  	s3 =	sld [smem:$0x3FFD];
	_ =	sdelay $0x3  }
0xe: {  	_ =	strace s3  }
0xf: {  	_ =	strace $0x8FFFFFFF  }
0x10: {  	s20 =	sld [smem:$0x3FDB];
	_ =	sdelay $0x1  }
0x11: {  	s4 =	simm.s32 $_scs_section_size  }
0x12: {  	s5 =	simm.s32 $_size__tile_overlayer_lowered;
	s6 =	simm.s32 $_tile_overlayer_lowered  }
0x13: {  	s23 =	simm.s32 $0x1BFF;
	s22 =	sshll.u32 s6, $0x1;
	s3 =	sadd.s32 s4, s20  }
0x14: {  	s7 =	simm.s32 $0x0;
	s21 =	sshll.u32 s5, $0x1;
	s5 =	sadd.s32 s22, s3  }
0x15: {  	[timem:s7], [sflag:s23] =	dma.local [hbm:s5], s21  }
0x16: {  	_ =	swait.ge [sflag:s23], s21  }
0x17: {  	s4 =	ssub.s32 $0x0, s21;
	[sflag:s23] =	ssyncset.done $0x0  }
0x18: {  	[sflag:s23] =	ssyncadd.s32 s4;
	_ =	sdelay $0x1  }
0x19: {  	s24 =	simm.s32 $0x1B8B  }
0x1a: {  	_ =	swait.ge [sflag:s24], $0x1  }
0x1b: {  	[sflag:s24] =	ssyncset.done $0x0  }
0x1c: {  	s26 =	simm.s32 $0x1B8E;
	s25 =	sld [smem:$0x3FFE];
	[sflag:s24] =	ssyncadd.s32 $0xFFFFFFFF  }
0x1d: {  	s27 =	simm.s32 $execute0_lowered;
	[smem:$0x3FD2] =	sst s26  }
0x1e: {  	s5 =	sshll.u32 s27, $0x1;
	_ =	strace $0x80000046;
	[dreg:$0x1] =	wrdreg $0xFFFFFFFF  }
0x1f: {  	s28 =	simm.s32 $_size_execute0_lowered;
	s3 =	sadd.s32 s3, s5;
	[dreg:$0x0] =	wrdreg $0x0  }
0x20: {  	s5 =	sshll.u32 s28, $0x1;
	[dreg:$0x2] =	wrdreg s3  }
0x21: {  	[dreg:$0x3] =	wrdreg s5  }
0x22: {  	[dreg:$0x4] =	wrdreg $0xC0  }
0x23: {  	_ =	task [dreg:s7], $0x5FFFF  }
0x24: {  	[dreg:$0x1] =	wrdreg $0xFFFFFFFF  }
0x25: {  	[dreg:$0x0] =	wrdreg $0x60  }
0x26: {  	[dreg:$0x2] =	wrdreg s2  }
0x27: {  	[dreg:$0x3] =	wrdreg s25  }
0x28: {  	[dreg:$0x4] =	wrdreg $0x9  }
0x29: {  	_ =	task.clear_ibuf [dreg:s7], $0x5FFFF;
	_ =	strace $0x90000046  }
0x2a: {  	s29 =	simm.s32 $0x9;
	_ =	strace $0x80000048  }
0x2b: {  	_ =	swait.ge [sflag:s29], $0x1  }
0x2c: {  	[sflag:s29] =	ssyncadd.s32 $0xFFFFFFFF  }
0x2d: {  	_ =	strace $0x90000048  }
0x2e: {  	_ =	sfence  }
0x2f: {  	s30 =	sld [smem:$0x0];
	_ =	sdelay $0x2  }
0x30: {  	s31 =	sshll.u32 s1, $0xD;
	s1 =	sshrl.u32 s1, $0x2  }
0x31: {  	s3 =	sand.u32 $0x4000, s31;
	s1 =	sadd.s32 s1, s30  }
0x32: {  	s0 =	sor.u32 s3, s0;
	s1 =	sshll.u32 s1, $0x11  }
0x33: {  	s0 =	sor.u32 s1, s0  }
0x34: {  	s0 =	sadd.s32 $0x8F2B, s0  }
0x35: {  	[sflag:s0] =	ssyncadd.remote.s32 $0x1  }
0x36: {  	_ =	sfence.sel $0xFFFF  }
0x37: {  	[dreg:$0x0] =	wrdreg $0xFFFFFFFF;
	(pc) =	sbr.abs _section_cstart, $3  }
0x38: {  	[dreg:$0x1] =	wrdreg $0xFFFFFFFF  }
0x39: {  	_ =	task.clear_ibuf [dreg:s7], $0x2FFFF;
	_ =	strace $0x9FFFFFFF  }
0x3a: {  	(tm) =	ssettm $0x7FFFFFFF  }
0x3b: {  	_ =	shalt  }
tec
execute0_lowered:
.L_overlay_start_1:
0x0: {  	(tag) =	ssettag $0x1  }
0x1: {  	s0 =	srdreg.scid;
	s2 =	rddreg [dreg:$0x0]  }
0x2: {  	s5 =	rddreg [dreg:$0x1];
	s1 =	stileid.u32  }
0x3: {  	s4 =	simm.s32 $0x1;
	s6 =	simm.s32 $0x2;
	s15 =	simm.s32 $0x0  }
0x4: {  	p0 =	por $0x0, $0x0;
	s8 =	simm.s32 $0x80;
	s0 =	sshll.u32 s0, $0x4  }
0x5: {  	s14 =	simm.s32 $0x0;
	s9 =	simm.s32 $0x0;
	s3 =	sand.u32 $0x10, s0  }
.Ltmp0:
0x6: {  	s10 =	simm.s32 $0x0;
	s3 =	sor.u32 s1, s3;
	(pc) =	sbr.rel .LBB1_1-.Ltmp0, $4  }
0x7: {  	s0 =	rddreg [dreg:$0x2];
	_ =	strace $0x80000047;
	s3 =	sshll.u32 s3, $0x7  }
0x8: {  	s12 =	simm.s32 $0x0;
	[sflag:s4] =	ssyncpa.u1 $0x0;
	s7 =	ssub.s32 $0xF4200, s3  }
0x9: {  	s13 =	simm.s32 $0x0;
	[sflag:s6] =	ssyncpa.u1 $0x0;
	s6 =	sshrl.u32 s7, $0xC  }
0xa: {  	s5 =	sadd.s32 $0xA00, s5;
	s11 =	smov.u32 s3;
	s7 =	sadd.s32 $0x2, s6  }
.LBB1_5:
0xb: {  	p1 =	slt.u32 s13, $0x2  }
0xc: {  	s17 =	smov.u32 s15;
	p2 =	sgt.s32 @!p1 s15, $0xF41C0;
	s16 =	sshra.s32 @!p1 s15, $0x1F  }
0xd: {  	p3 =	sgt.s32 @!p1 s14, $0x40;
	s18 =	sshra.s32 @!p1 s14, $0x1F;
	p2 =	por !p2, p1  }
0xe: {  	s15 =	sand.u32 @!p1 s16, s15;
	p3 =	por !p3, p1;
	s16 =	smov.u32 s14  }
0xf: {  	s14 =	sand.u32 @!p1 s18, s14;
	s17 =	simm.s32 @p2 $0xF41C0;
	s16 =	simm.s32 @p3 $0x40  }
0x10: {  	s15 =	ssub.s32 @!p1 s17, s15;
	s14 =	ssub.s32 @!p1 s16, s14  }
0x11: {  	s18 =	smov.u32 s12;
	s16 =	sadd.s32 @!p1 $0xFFF0BE40, s15;
	s17 =	sadd.s32 @!p1 $0xFFFFFFC0, s14  }
0x12: {  	s15 =	ssub.s32 @!p1 $0xF4240, s15;
	p2 =	sgt.s32 @!p1 s16, $0x7F;
	p3 =	sgt.s32 @!p1 s17, $0x3F  }
0x13: {  	s14 =	ssub.s32 @!p1 $0x80, s14;
	p2 =	por !p2, p1;
	p3 =	por !p3, p1  }
0x14: {  	s16 =	sadd.s32 $0x1000, s11;
	s15 =	simm.s32 @!p2 $0x0;
	s14 =	simm.s32 @!p3 $0x0  }
0x15: {  	p2 =	sgt.s32 s16, $0xF423F;
	s14 =	smul.u32 @!p1 s14, s15;
	s15 =	sadd.s32 $0x40, s12  }
0x16: {  	s18 =	smov.u32 @p2 s15  }
0x17: {  	s16 =	smov.u32 @p2 s3;
	p2 =	sgt.s32 s18, $0x3F  }
0x18: {  	s18 =	simm.s32 @p2 $0x0;
	p2 =	sne.s32 s13, s7  }
.Ltmp1:
0x19: {  	p0 =	por !p0, !p0;
	s17 =	simm.s32 @!p1 $0x2;
	(pc) =	sbr.rel @!p2 .LBB1_6-.Ltmp1, $4  }
0x1a: {  	s15 =	smov.u32 s9;
	s9 =	smov.u32 s11;
	s14 =	sand.u32 @!p1 $0x3FFFFFFF, s14  }
0x1b: {  	s11 =	smov.u32 s16;
	_ =	swait.ge @!p1 [sflag:s17], s14;
	s19 =	ssub.s32 @!p1 $0x0, s14  }
0x1c: {  	s14 =	smov.u32 s10;
	s13 =	sadd.s32 $0x1, s13;
	[sflag:s17] =	ssyncset.done @!p1 $0x0  }
0x1d: {  	s10 =	smov.u32 s12;
	s12 =	smov.u32 s18;
	[sflag:s17] =	ssyncadd.s32 @!p1 s19  }
.LBB1_1:
0x1e: {  	p1 =	sgt.u32 s13, s6  }
0x1f: {  	s16 =	sshrl.u32 @!p1 s12, $0x3  }
0x20: {  	s17 =	sshll.u32 @!p1 s11, $0x3;
	s16 =	smul.u32 @!p1 $0x7A1400, s16  }
0x21: {  	s18 =	sshll.u32 @!p1 s12, $0x7;
	s17 =	sand.u32 @!p1 $0xFFFFFC00, s17  }
0x22: {  	s16 =	sadd.s32 @!p1 s16, s17;
	s17 =	sand.u32 @!p1 $0x380, s18  }
0x23: {  	s18 =	sand.u32 @!p1 $0x7F, s11;
	s16 =	sor.u32 @!p1 s17, s16  }
0x24: {  	s17 =	sor.u32 @!p1 s18, s16  }
0x25: {  	s18 =	smulhi.u32 @!p1 $0x218D6287, s17;
	_ =	sdelay $0x1  }
0x26: {  	s16 =	smulhi.u32 @!p1 $0x218D6287, s16;
	s18 =	sshrl.u32 @!p1 s18, $0x11  }
0x27: {  	s18 =	smul.u32 @!p1 $0xF4280, s18  }
0x28: {  	s19 =	sxor.u32 @!p1 $0xFFFFFFFF, s13;
	s16 =	sshrl.u32 @!p1 s16, $0x11  }
0x29: {  	s19 =	sshll.u32 @!p1 s19, $0xD;
	s16 =	sand.u32 @!p1 $0x3F, s16;
	s17 =	ssub.s32 @!p1 s17, s18  }
0x2a: {  	s16 =	smul.u32 @!p1 $0x1E850, s16;
	s18 =	sshrl.u32 @!p1 s17, $0x3;
	s17 =	sand.u32 @!p1 $0x7, s17  }
0x2b: {  	s19 =	sand.u32 @!p1 $0x2000, s19;
	s18 =	sadd.s32 @!p1 s2, s18;
	s17 =	sshll.u32 @!p1 s17, $0x12  }
0x2c: {  	s16 =	sadd.s32 @!p1 s16, s18;
	s17 =	sor.u32 @!p1 $0x400, s17;
	s18 =	simm.s32 @!p1 $0x7A1400  }
0x2d: {  	[tilespmem:s19], [sflag:$0x1] =	stream.strided.gather @!p1 [hbm4b:s16+s17], $0x2000, s18, s17, $0x38;
	[tilespmem:$0x8100] =	vst v63  }
0x2e: {  	p1 =	seq.s32 s13, $0x0  }
0x2f: {  	p2 =	sge.u32 @!p1 s13, s7  }
0x30: {  	p1 =	por p1, p2  }
.Ltmp2:
0x31: {  	_ = 	snop;
	(pc) =	sbr.rel @p1 .LBB1_5-.Ltmp2, $1  }
0x32: {  	_ =	sdelay $0x3  }
0x33: {  	s16 =	simm.s32 $0x1  }
0x34: {  	_ =	swait.ge [sflag:s4], $0x2000;
	s16 =	simm.s32 @!p0 $0x0  }
0x35: {  	[sflag:s4] =	ssyncset.done $0x0;
	s17 =	sshll.u32 s16, $0xD  }
0x36: {  	[sflag:s4] =	ssyncadd.s32 $0xFFFFE000;
	s17 =	sor.u32 $0x40, s17  }
0x37: {  	s16 =	smul.u32 $0x8200, s16;
	v0 =	vld [tilespmem:s17+$0x30]  }
0x38: {  	v1 =	vld [tilespmem:s17+$0xFFFFFFD0]  }
0x39: {  	s16 =	sshrl.u32 s16, $0x2;
	v5 =	vld [tilespmem:s17+$0xFFFFFFE0]  }
0x3a: {  	v6 =	vld [tilespmem:s17+$0xFFFFFFF0];
	s19 =	sor.u32 $0x4000, s16  }
0x3b: {  	s31 =	sand.u32 $0x1, s13;
	v4 =	vld [tilespmem:s17+$0x0];
	s18 =	sadd.s32 $0x0, s19  }
0x3c: {  	v3 =	vld [tilespmem:s17+$0x10];
	s16 =	smul.u32 $0x8200, s31;
	[tilespmem:s18+$0x1C70 ss:$0x41] =	vst.msk $0xffff, v0  }
0x3d: {  	v2 =	vld [tilespmem:s17+$0x20];
	[tilespmem:s18+$0x410 ss:$0x41] =	vst.msk $0xffff, v1  }
0x3e: {  	s16 =	sshrl.u32 s16, $0x2;
	v1 =	vld [tilespmem:s17+$0xFFFFFFC0];
	[tilespmem:s18+$0x820 ss:$0x41] =	vst.msk $0xffff, v5;
	s17 =	sadd.s32 $0x80, s17  }
0x3f: {  	s20 =	simm.s32 $0x4;
	s21 =	simm.s32 $0x8;
	s16 =	sor.u32 $0x4000, s16;
	[tilespmem:s18+$0xC30 ss:$0x41] =	vst.msk $0xffff, v6;
	v0 =	vld [tilespmem:s17+$0x30]  }
.LBB1_3:
0x40: {  	p1 =	sne.s32 s21, $0xFC;
	v5 =	vld [tilespmem:s17+$0xFFFFFFD0];
	[tilespmem:s18+$0x1040 ss:$0x41] =	vst.msk $0xffff, v4  }
0x41: {  	v6 =	vld [tilespmem:s17+$0xFFFFFFE0];
	[tilespmem:s18+$0x1450 ss:$0x41] =	vst.msk $0xffff, v3  }
0x42: {  	s22 =	sshra.s32 s20, $0x2;
	s20 =	smov.u32 s21;
	v7 =	vld [tilespmem:s17+$0xFFFFFFF0];
	[tilespmem:s18+$0x1860 ss:$0x41] =	vst.msk $0xffff, v2  }
.Ltmp3:
0x43: {  	v4 =	vld [tilespmem:s17+$0x0];
	[tilespmem:s18+$0x0 ss:$0x41] =	vst.msk $0xffff, v1;
	s18 =	sadd.s32 s22, s19;
	(pc) =	sbr.rel @p1 .LBB1_3-.Ltmp3, $4  }
0x44: {  	v3 =	vld [tilespmem:s17+$0x10];
	[tilespmem:s18+$0x1C70 ss:$0x41] =	vst.msk $0xffff, v0  }
0x45: {  	[tilespmem:s18+$0x410 ss:$0x41] =	vst.msk $0xffff, v5;
	v2 =	vld [tilespmem:s17+$0x20]  }
0x46: {  	v1 =	vld [tilespmem:s17+$0xFFFFFFC0];
	[tilespmem:s18+$0x820 ss:$0x41] =	vst.msk $0xffff, v6;
	s17 =	sadd.s32 $0x80, s17  }
0x47: {  	s21 =	sadd.s32 $0x4, s21;
	v0 =	vld [tilespmem:s17+$0x30];
	[tilespmem:s18+$0xC30 ss:$0x41] =	vst.msk $0xffff, v7  }
0x48: {  	s21 =	sshll.u32 s9, $0x7;
	s22 =	sshll.u32 s10, $0x3;
	s20 =	sshra.s32 s20, $0x2  }
0x49: {  	p1 =	sgt.s32 s9, $0xF41C0;
	s30 =	sshra.s32 s9, $0x1F;
	s25 =	sshra.s32 s10, $0x1F  }
0x4a: {  	v5 =	vld [tilespmem:s17+$0xFFFFFFD0];
	s28 =	sshrl.u32 s10, $0x3;
	s23 =	sand.u32 $0xFFFFFC00, s21;
	s22 =	sand.u32 $0xFFFFFC00, s22  }
0x4b: {  	[tilespmem:s18+$0x1040 ss:$0x41] =	vst.msk $0xffff, v4;
	v58 =	vld [tilespmem:s17+$0xFFFFFFE0];
	s21 =	sand.u32 $0x380, s21;
	s19 =	sadd.s32 s20, s19;
	s22 =	sadd.s32 s22, s23  }
0x4c: {  	v59 =	vld [tilespmem:s17+$0xFFFFFFF0];
	[tilespmem:s18+$0x1450 ss:$0x41] =	vst.msk $0xffff, v3;
	s29 =	sor.u32 s21, s22;
	s21 =	smov.u32 s9;
	s22 =	sand.u32 s30, s9  }
0x4d: {  	v60 =	vld [tilespmem:s17+$0x0];
	[tilespmem:s18+$0x1860 ss:$0x41] =	vst.msk $0xffff, v2;
	s30 =	sand.u32 $0x7, s10;
	s20 =	sshrl.u32 s29, $0x7;
	s21 =	simm.s32 @!p1 $0xF41C0  }
0x4e: {  	v61 =	vld [tilespmem:s17+$0x10];
	[tilespmem:s18+$0x0 ss:$0x41] =	vst.msk $0xffff, v1;
	p1 =	sgt.s32 s10, $0x40;
	s24 =	ssub.s32 s21, s22;
	s21 =	smov.u32 s10  }
0x4f: {  	v62 =	vld [tilespmem:s17+$0x20];
	[tilespmem:s19+$0x1C70 ss:$0x41] =	vst.msk $0xffff, v0;
	s31 =	smulhi.u32 $0x218DEF5, s20;
	s22 =	sand.u32 s25, s10;
	s21 =	simm.s32 @!p1 $0x40  }
0x50: {  	v63 =	vld [tilespmem:s17+$0xFFFFFFC0];
	[tilespmem:s19+$0x410 ss:$0x41] =	vst.msk $0xffff, v5;
	s26 =	sadd.s32 $0xFFF0BE40, s24;
	s17 =	ssub.s32 $0xF4240, s24;
	s21 =	ssub.s32 s21, s22  }
0x51: {  	[tilespmem:s19+$0x820 ss:$0x41] =	vst.msk $0xffff, v58;
	s23 =	sshrl.u32 s31, $0xD;
	p1 =	sgt.s32 s26, $0x7F;
	s27 =	sadd.s32 $0xFFFFFFC0, s21  }
0x52: {  	[tilespmem:s19+$0xC30 ss:$0x41] =	vst.msk $0xffff, v59;
	s23 =	smul.u32 $0xF4240, s23;
	s18 =	ssub.s32 $0x80, s21;
	p2 =	sgt.s32 s27, $0x3F  }
.Ltmp4:
0x53: {  	[tilespmem:s19+$0x1040 ss:$0x41] =	vst.msk $0xffff, v60;
	s17 =	simm.s32 @p1 $0x0;
	s18 =	simm.s32 @p2 $0x0;
	(pc) =	sbr.rel .LBB1_5-.Ltmp4, $4  }
0x54: {  	s29 =	sand.u32 $0xF, s28;
	[tilespmem:s19+$0x1450 ss:$0x41] =	vst.msk $0xffff, v61;
	s20 =	ssub.s32 s20, s23;
	s17 =	smul.u32 s18, s17  }
0x55: {  	[tilespmem:s19+$0x1860 ss:$0x41] =	vst.msk $0xffff, v62;
	s21 =	sshll.u32 s30, $0x12;
	s20 =	sshll.u32 s20, $0x4;
	s18 =	sadd.s32 s5, s29  }
0x56: {  	[tilespmem:s19+$0x0 ss:$0x41] =	vst.msk $0xffff, v63;
	s31 =	sor.u32 $0x40, s21;
	s18 =	sadd.s32 s20, s18;
	s17 =	sand.u32 $0x3FFFFFFF, s17  }
0x57: {  	[hbm4b:s18+s31] =	stream.strided.scatter [tilespmem:s16], [sflag:$0x2], s17, s8, s31, $0x18;
	[tilespmem:$0x8100] =	vst v63  }
.LBB1_6:
0x58: {  	_ =	sfence.sel $0x180000  }
0x59: {  	s2 =	simm.s32 $0x1;
	[bflag:$0x0] =	sbarrier.arrive $0xFFFF  }
0x5a: {  	s31 =	simm.s32 $0x2;
	[sflag:s2] =	ssyncpa.u1 $0x1  }
0x5b: {  	[sflag:s31] =	ssyncpa.u1 $0x1  }
0x5c: {  	p0 =	sne.s32 s1, $0x0;
	_ =	strace $0x90000047  }
0x5d: {  	s0 =	sadd.s32 @!p0 $0x100000, s0;
	[bflag:$0x2] =	sbarrier.arrive $0xFFFF  }
0x5e: {  	[sflag:s0] =	ssyncadd.tile.s32 @!p0 $0x1;
	_ =	shalt  }
.Lfunc_end1:
_tile_overlayer_lowered:
.L_overlay_start_2:
0x5f: {  	(tag) =	ssettag $0x2  }
0x60: {  	s0 =	rddreg [dreg:$0x0];
	s2 =	stileid.u32  }
0x61: {  	s1 =	rddreg [dreg:$0x1];
	p0 =	sne.s32 s2, $0x0  }
0x62: {  	s3 =	rddreg [dreg:$0x2];
	[bflag:$0x3] =	sbarrier.arrive $0xFFFF;
	s2 =	simm.s32 @!p0 $0x1C01  }
0x63: {  	[timem:s3], [sflag:s2] =	dma.local @!p0 [hbm:s0], s1  }
0x64: {  	s0 =	simm.s32 @!p0 $0x1  }
0x65: {  	_ =	swait.ge @!p0 [sflag:s0], s1  }
0x66: {  	s1 =	ssub.s32 @!p0 $0x0, s1;
	[sflag:s0] =	ssyncset.done @!p0 $0x0  }
0x67: {  	[sflag:s0] =	ssyncadd.s32 @!p0 s1  }
0x68: {  	[bflag:$0x3] =	sbarrier.arrive $0xFFFF  }
0x69: {  	_ =	shalt  }

</sc_bundles>
